<compile_context>
chip_gen: v7x
topology: tpu7x:2x2x1
jax: 0.10.2.dev20260603
libtpu: 0.0.44.dev20260713+nightly
codegen_flags: <defaults>
</compile_context>

<pallas_src>
import functools

import jax
import jax.numpy as jnp
from jax import lax
from jax.experimental import pallas as pl
from jax.experimental.pallas import tpu as pltpu
from jax.experimental.pallas import tpu_sc as plsc

MAXREL = 32
BAND = 2 * MAXREL + 1
H = 16
S = 2048

NUM_CORES = 2
NUM_SUBCORES = 16
NUM_WORKERS = NUM_CORES * NUM_SUBCORES
ROWS_PER_WORKER = S // NUM_WORKERS

RUN = S - MAXREL - 1
STRIP_ROWS = 2 * S
STRIP_WORDS = STRIP_ROWS * H
ROW_WORDS = S * H


def _build_sc_call():
    mesh = plsc.VectorSubcoreMesh(core_axis_name="c", subcore_axis_name="s")

    @functools.partial(
        pl.kernel,
        mesh=mesh,
        out_type=jax.ShapeDtypeStruct((S, ROW_WORDS), jnp.float32),
        scratch_types=[
            pltpu.VMEM((STRIP_WORDS,), jnp.float32),
            pltpu.VMEM((BAND * H,), jnp.float32),
            pltpu.SemaphoreType.DMA,
        ],
        compiler_params=pltpu.CompilerParams(use_tc_tiling_on_sc=False),
    )
    def bias_kernel(tbl_hbm, out_hbm, strip_v, tbl_v, sem):
        pltpu.sync_copy(tbl_hbm, tbl_v)

        for t in range(BAND):
            strip_v[pl.ds((RUN + t) * H, H)] = tbl_v[pl.ds((BAND - 1 - t) * H, H)]

        v_hi = tbl_v[pl.ds((BAND - 1) * H, H)]
        v_lo = tbl_v[pl.ds(0, H)]

        def fill(n, carry):
            strip_v[pl.ds(n * H, H)] = v_hi
            strip_v[pl.ds((RUN + BAND + n) * H, H)] = v_lo
            return carry

        lax.fori_loop(0, RUN, fill, 0)

        wid = lax.axis_index("s") * NUM_CORES + lax.axis_index("c")
        base = wid * ROWS_PER_WORKER
        chunk = 8
        for c in range(ROWS_PER_WORKER // chunk):
            handles = []
            for r in range(chunk):
                i = base + c * chunk + r
                src = strip_v.at[pl.ds((S - 1 - i) * H, ROW_WORDS)]
                handles.append(pltpu.async_copy(src, out_hbm.at[i], sem))
            for hd in handles:
                hd.wait()

    return bias_kernel


_BIAS_CALL = _build_sc_call()


def kernel(query, key, rel_bias_table):
    del query, key
    flat = _BIAS_CALL(rel_bias_table.reshape(-1))
    return flat.reshape(1, 1, S, S, H)

# --- scband reference (transcript-rebuilt; emitter-appended) ---
"""Pipeline reference for scband-relative-positional-encoding-51049981281226 (READ-ONLY COPY).

The authoritative reference and input builder live on the scoring server;
editing this copy changes nothing except your own understanding.
"""

import jax, jax.numpy as jnp
import numpy as np

MAX_REL = 32
N_HEADS = 16

def setup_inputs(seed: int = 0) -> dict:
    key = jax.random.key(seed)
    k1, k2, k3 = jax.random.split(key, 3)
    query = jax.random.normal(k1, (2, N_HEADS, 2048, 64), dtype=jnp.float32)
    key_t = jax.random.normal(k2, (2, N_HEADS, 2048, 64), dtype=jnp.float32)
    # learned relative attention bias table: [2*max_rel+1, n_heads]
    rel_bias_table = jax.random.normal(k3, (2 * MAX_REL + 1, N_HEADS), dtype=jnp.float32) * 0.02
    return {"query": query, "key": key_t, "rel_bias_table": rel_bias_table}

def reference(query, key, rel_bias_table):
    batch_size, n_heads, seq_len, d_k = query.shape
    positions = jnp.arange(seq_len)
    relative_positions = positions[:, None] - positions[None, :]
    relative_positions = jnp.clip(relative_positions, -MAX_REL, MAX_REL)
    relative_positions = relative_positions + MAX_REL
    # embedding lookup: gather rows of the bias table -> [S, S, n_heads]
    relative_attention_bias = jnp.take(rel_bias_table, relative_positions, axis=0)
    relative_attention_bias = relative_attention_bias[None, None, :, :, :]
    return relative_attention_bias

if __name__ == "__main__":
    import jax
    _d = setup_inputs()
    print(jax.jit(kernel)(*tuple(_d.values())))

</pallas_src>

<mosaic_0001>
#map = affine_map<(d0, d1) -> (0)>
#map1 = affine_map<(d0, d1) -> (0, 0)>
module attributes {stable_mosaic.version = 14 : i64} {
  func.func @bias_kernel(%arg0: i32, %arg1: i32, %arg2: memref<1040xf32, #tpu.memory_space<hbm>>, %arg3: memref<2048x32768xf32, #tpu.memory_space<hbm>>, %arg4: memref<65536xf32, #tpu.memory_space<vmem>>, %arg5: memref<1040xf32, #tpu.memory_space<vmem>>, %arg6: memref<!tpu.dma_semaphore, #tpu.memory_space<semaphore_mem>>) attributes {dimension_semantics = [#tpu.dimension_semantics<core_parallel>, #tpu.dimension_semantics<subcore_parallel>], iteration_bounds = array<i64: 2, 16>, scalar_prefetch = 0 : i64, scratch_operands = 3 : i64, tpu.core_type = #tpu.core_type<sc_vector_subcore>, window_params = [{transform_indices = #map}, {transform_indices = #map1}]} {
    "tpu.region"() ({
      %run_scoped3A = tpu.sem_alloc : memref<!tpu.dma_semaphore, #tpu.memory_space<semaphore_mem>>
      tpu.enqueue_dma source(%arg2 : memref<1040xf32, #tpu.memory_space<hbm>>) target(%arg5 : memref<1040xf32, #tpu.memory_space<vmem>>) target_semaphore(%run_scoped3A : memref<!tpu.dma_semaphore, #tpu.memory_space<semaphore_mem>>)
      tpu.wait_dma2 semaphore(%run_scoped3A : memref<!tpu.dma_semaphore, #tpu.memory_space<semaphore_mem>>) src(%arg2 : memref<1040xf32, #tpu.memory_space<hbm>>) dst(%arg5 : memref<1040xf32, #tpu.memory_space<vmem>>)
      tpu.yield
    }) : () -> ()
    %get3A = arith.constant 1024 : index
    %get3A_0 = tpu.vector_load %arg5[%get3A] {strides = array<i32>} : memref<1040xf32, #tpu.memory_space<vmem>>, vector<16xf32>,
    %get3A_1 = vector.shape_cast %get3A_0 : vector<16xf32> to vector<16xf32>
    %swap3A = arith.constant 32240 : index
    %swap3A_2 = tpu.vector_load %arg4[%swap3A] {strides = array<i32>} : memref<65536xf32, #tpu.memory_space<vmem>>, vector<16xf32>,
    %swap3A_3 = vector.shape_cast %swap3A_2 : vector<16xf32> to vector<16xf32>
    %swap3A_4 = vector.shape_cast %get3A_1 : vector<16xf32> to vector<16xf32>
    tpu.vector_store %arg4[%swap3A], %swap3A_4 {strides = array<i32>} : memref<65536xf32, #tpu.memory_space<vmem>>, vector<16xf32>,
    %get3A_5 = arith.constant 1008 : index
    %get3A_6 = tpu.vector_load %arg5[%get3A_5] {strides = array<i32>} : memref<1040xf32, #tpu.memory_space<vmem>>, vector<16xf32>,
    %get3A_7 = vector.shape_cast %get3A_6 : vector<16xf32> to vector<16xf32>
    %swap3A_8 = arith.constant 32256 : index
    %swap3A_9 = tpu.vector_load %arg4[%swap3A_8] {strides = array<i32>} : memref<65536xf32, #tpu.memory_space<vmem>>, vector<16xf32>,
    %swap3A_10 = vector.shape_cast %swap3A_9 : vector<16xf32> to vector<16xf32>
    %swap3A_11 = vector.shape_cast %get3A_7 : vector<16xf32> to vector<16xf32>
    tpu.vector_store %arg4[%swap3A_8], %swap3A_11 {strides = array<i32>} : memref<65536xf32, #tpu.memory_space<vmem>>, vector<16xf32>,
    %get3A_12 = arith.constant 992 : index
    %get3A_13 = tpu.vector_load %arg5[%get3A_12] {strides = array<i32>} : memref<1040xf32, #tpu.memory_space<vmem>>, vector<16xf32>,
    %get3A_14 = vector.shape_cast %get3A_13 : vector<16xf32> to vector<16xf32>
    %swap3A_15 = arith.constant 32272 : index
    %swap3A_16 = tpu.vector_load %arg4[%swap3A_15] {strides = array<i32>} : memref<65536xf32, #tpu.memory_space<vmem>>, vector<16xf32>,
    %swap3A_17 = vector.shape_cast %swap3A_16 : vector<16xf32> to vector<16xf32>
    %swap3A_18 = vector.shape_cast %get3A_14 : vector<16xf32> to vector<16xf32>
    tpu.vector_store %arg4[%swap3A_15], %swap3A_18 {strides = array<i32>} : memref<65536xf32, #tpu.memory_space<vmem>>, vector<16xf32>,
    %get3A_19 = arith.constant 976 : index
    %get3A_20 = tpu.vector_load %arg5[%get3A_19] {strides = array<i32>} : memref<1040xf32, #tpu.memory_space<vmem>>, vector<16xf32>,
    %get3A_21 = vector.shape_cast %get3A_20 : vector<16xf32> to vector<16xf32>
    %swap3A_22 = arith.constant 32288 : index
    %swap3A_23 = tpu.vector_load %arg4[%swap3A_22] {strides = array<i32>} : memref<65536xf32, #tpu.memory_space<vmem>>, vector<16xf32>,
    %swap3A_24 = vector.shape_cast %swap3A_23 : vector<16xf32> to vector<16xf32>
    %swap3A_25 = vector.shape_cast %get3A_21 : vector<16xf32> to vector<16xf32>
    tpu.vector_store %arg4[%swap3A_22], %swap3A_25 {strides = array<i32>} : memref<65536xf32, #tpu.memory_space<vmem>>, vector<16xf32>,
    %get3A_26 = arith.constant 960 : index
    %get3A_27 = tpu.vector_load %arg5[%get3A_26] {strides = array<i32>} : memref<1040xf32, #tpu.memory_space<vmem>>, vector<16xf32>,
    %get3A_28 = vector.shape_cast %get3A_27 : vector<16xf32> to vector<16xf32>
    %swap3A_29 = arith.constant 32304 : index
    %swap3A_30 = tpu.vector_load %arg4[%swap3A_29] {strides = array<i32>} : memref<65536xf32, #tpu.memory_space<vmem>>, vector<16xf32>,
    %swap3A_31 = vector.shape_cast %swap3A_30 : vector<16xf32> to vector<16xf32>
    %swap3A_32 = vector.shape_cast %get3A_28 : vector<16xf32> to vector<16xf32>
    tpu.vector_store %arg4[%swap3A_29], %swap3A_32 {strides = array<i32>} : memref<65536xf32, #tpu.memory_space<vmem>>, vector<16xf32>,
    %get3A_33 = arith.constant 944 : index
    %get3A_34 = tpu.vector_load %arg5[%get3A_33] {strides = array<i32>} : memref<1040xf32, #tpu.memory_space<vmem>>, vector<16xf32>,
    %get3A_35 = vector.shape_cast %get3A_34 : vector<16xf32> to vector<16xf32>
    %swap3A_36 = arith.constant 32320 : index
    %swap3A_37 = tpu.vector_load %arg4[%swap3A_36] {strides = array<i32>} : memref<65536xf32, #tpu.memory_space<vmem>>, vector<16xf32>,
    %swap3A_38 = vector.shape_cast %swap3A_37 : vector<16xf32> to vector<16xf32>
    %swap3A_39 = vector.shape_cast %get3A_35 : vector<16xf32> to vector<16xf32>
    tpu.vector_store %arg4[%swap3A_36], %swap3A_39 {strides = array<i32>} : memref<65536xf32, #tpu.memory_space<vmem>>, vector<16xf32>,
    %get3A_40 = arith.constant 928 : index
    %get3A_41 = tpu.vector_load %arg5[%get3A_40] {strides = array<i32>} : memref<1040xf32, #tpu.memory_space<vmem>>, vector<16xf32>,
    %get3A_42 = vector.shape_cast %get3A_41 : vector<16xf32> to vector<16xf32>
    %swap3A_43 = arith.constant 32336 : index
    %swap3A_44 = tpu.vector_load %arg4[%swap3A_43] {strides = array<i32>} : memref<65536xf32, #tpu.memory_space<vmem>>, vector<16xf32>,
    %swap3A_45 = vector.shape_cast %swap3A_44 : vector<16xf32> to vector<16xf32>
    %swap3A_46 = vector.shape_cast %get3A_42 : vector<16xf32> to vector<16xf32>
    tpu.vector_store %arg4[%swap3A_43], %swap3A_46 {strides = array<i32>} : memref<65536xf32, #tpu.memory_space<vmem>>, vector<16xf32>,
    %get3A_47 = arith.constant 912 : index
    %get3A_48 = tpu.vector_load %arg5[%get3A_47] {strides = array<i32>} : memref<1040xf32, #tpu.memory_space<vmem>>, vector<16xf32>,
    %get3A_49 = vector.shape_cast %get3A_48 : vector<16xf32> to vector<16xf32>
    %swap3A_50 = arith.constant 32352 : index
    %swap3A_51 = tpu.vector_load %arg4[%swap3A_50] {strides = array<i32>} : memref<65536xf32, #tpu.memory_space<vmem>>, vector<16xf32>,
    %swap3A_52 = vector.shape_cast %swap3A_51 : vector<16xf32> to vector<16xf32>
    %swap3A_53 = vector.shape_cast %get3A_49 : vector<16xf32> to vector<16xf32>
    tpu.vector_store %arg4[%swap3A_50], %swap3A_53 {strides = array<i32>} : memref<65536xf32, #tpu.memory_space<vmem>>, vector<16xf32>,
    %get3A_54 = arith.constant 896 : index
    %get3A_55 = tpu.vector_load %arg5[%get3A_54] {strides = array<i32>} : memref<1040xf32, #tpu.memory_space<vmem>>, vector<16xf32>,
    %get3A_56 = vector.shape_cast %get3A_55 : vector<16xf32> to vector<16xf32>
    %swap3A_57 = arith.constant 32368 : index
    %swap3A_58 = tpu.vector_load %arg4[%swap3A_57] {strides = array<i32>} : memref<65536xf32, #tpu.memory_space<vmem>>, vector<16xf32>,
    %swap3A_59 = vector.shape_cast %swap3A_58 : vector<16xf32> to vector<16xf32>
    %swap3A_60 = vector.shape_cast %get3A_56 : vector<16xf32> to vector<16xf32>
    tpu.vector_store %arg4[%swap3A_57], %swap3A_60 {strides = array<i32>} : memref<65536xf32, #tpu.memory_space<vmem>>, vector<16xf32>,
    %get3A_61 = arith.constant 880 : index
    %get3A_62 = tpu.vector_load %arg5[%get3A_61] {strides = array<i32>} : memref<1040xf32, #tpu.memory_space<vmem>>, vector<16xf32>,
    %get3A_63 = vector.shape_cast %get3A_62 : vector<16xf32> to vector<16xf32>
    %swap3A_64 = arith.constant 32384 : index
    %swap3A_65 = tpu.vector_load %arg4[%swap3A_64] {strides = array<i32>} : memref<65536xf32, #tpu.memory_space<vmem>>, vector<16xf32>,
    %swap3A_66 = vector.shape_cast %swap3A_65 : vector<16xf32> to vector<16xf32>
    %swap3A_67 = vector.shape_cast %get3A_63 : vector<16xf32> to vector<16xf32>
    tpu.vector_store %arg4[%swap3A_64], %swap3A_67 {strides = array<i32>} : memref<65536xf32, #tpu.memory_space<vmem>>, vector<16xf32>,
    %get3A_68 = arith.constant 864 : index
    %get3A_69 = tpu.vector_load %arg5[%get3A_68] {strides = array<i32>} : memref<1040xf32, #tpu.memory_space<vmem>>, vector<16xf32>,
    %get3A_70 = vector.shape_cast %get3A_69 : vector<16xf32> to vector<16xf32>
    %swap3A_71 = arith.constant 32400 : index
    %swap3A_72 = tpu.vector_load %arg4[%swap3A_71] {strides = array<i32>} : memref<65536xf32, #tpu.memory_space<vmem>>, vector<16xf32>,
    %swap3A_73 = vector.shape_cast %swap3A_72 : vector<16xf32> to vector<16xf32>
    %swap3A_74 = vector.shape_cast %get3A_70 : vector<16xf32> to vector<16xf32>
    tpu.vector_store %arg4[%swap3A_71], %swap3A_74 {strides = array<i32>} : memref<65536xf32, #tpu.memory_space<vmem>>, vector<16xf32>,
    %get3A_75 = arith.constant 848 : index
    %get3A_76 = tpu.vector_load %arg5[%get3A_75] {strides = array<i32>} : memref<1040xf32, #tpu.memory_space<vmem>>, vector<16xf32>,
    %get3A_77 = vector.shape_cast %get3A_76 : vector<16xf32> to vector<16xf32>
    %swap3A_78 = arith.constant 32416 : index
    %swap3A_79 = tpu.vector_load %arg4[%swap3A_78] {strides = array<i32>} : memref<65536xf32, #tpu.memory_space<vmem>>, vector<16xf32>,
    %swap3A_80 = vector.shape_cast %swap3A_79 : vector<16xf32> to vector<16xf32>
    %swap3A_81 = vector.shape_cast %get3A_77 : vector<16xf32> to vector<16xf32>
    tpu.vector_store %arg4[%swap3A_78], %swap3A_81 {strides = array<i32>} : memref<65536xf32, #tpu.memory_space<vmem>>, vector<16xf32>,
    %get3A_82 = arith.constant 832 : index
    %get3A_83 = tpu.vector_load %arg5[%get3A_82] {strides = array<i32>} : memref<1040xf32, #tpu.memory_space<vmem>>, vector<16xf32>,
    %get3A_84 = vector.shape_cast %get3A_83 : vector<16xf32> to vector<16xf32>
    %swap3A_85 = arith.constant 32432 : index
    %swap3A_86 = tpu.vector_load %arg4[%swap3A_85] {strides = array<i32>} : memref<65536xf32, #tpu.memory_space<vmem>>, vector<16xf32>,
    %swap3A_87 = vector.shape_cast %swap3A_86 : vector<16xf32> to vector<16xf32>
    %swap3A_88 = vector.shape_cast %get3A_84 : vector<16xf32> to vector<16xf32>
    tpu.vector_store %arg4[%swap3A_85], %swap3A_88 {strides = array<i32>} : memref<65536xf32, #tpu.memory_space<vmem>>, vector<16xf32>,
    %get3A_89 = arith.constant 816 : index
    %get3A_90 = tpu.vector_load %arg5[%get3A_89] {strides = array<i32>} : memref<1040xf32, #tpu.memory_space<vmem>>, vector<16xf32>,
    %get3A_91 = vector.shape_cast %get3A_90 : vector<16xf32> to vector<16xf32>
    %swap3A_92 = arith.constant 32448 : index
    %swap3A_93 = tpu.vector_load %arg4[%swap3A_92] {strides = array<i32>} : memref<65536xf32, #tpu.memory_space<vmem>>, vector<16xf32>,
    %swap3A_94 = vector.shape_cast %swap3A_93 : vector<16xf32> to vector<16xf32>
    %swap3A_95 = vector.shape_cast %get3A_91 : vector<16xf32> to vector<16xf32>
    tpu.vector_store %arg4[%swap3A_92], %swap3A_95 {strides = array<i32>} : memref<65536xf32, #tpu.memory_space<vmem>>, vector<16xf32>,
    %get3A_96 = arith.constant 800 : index
    %get3A_97 = tpu.vector_load %arg5[%get3A_96] {strides = array<i32>} : memref<1040xf32, #tpu.memory_space<vmem>>, vector<16xf32>,
    %get3A_98 = vector.shape_cast %get3A_97 : vector<16xf32> to vector<16xf32>
    %swap3A_99 = arith.constant 32464 : index
    %swap3A_100 = tpu.vector_load %arg4[%swap3A_99] {strides = array<i32>} : memref<65536xf32, #tpu.memory_space<vmem>>, vector<16xf32>,
    %swap3A_101 = vector.shape_cast %swap3A_100 : vector<16xf32> to vector<16xf32>
    %swap3A_102 = vector.shape_cast %get3A_98 : vector<16xf32> to vector<16xf32>
    tpu.vector_store %arg4[%swap3A_99], %swap3A_102 {strides = array<i32>} : memref<65536xf32, #tpu.memory_space<vmem>>, vector<16xf32>,
    %get3A_103 = arith.constant 784 : index
    %get3A_104 = tpu.vector_load %arg5[%get3A_103] {strides = array<i32>} : memref<1040xf32, #tpu.memory_space<vmem>>, vector<16xf32>,
    %get3A_105 = vector.shape_cast %get3A_104 : vector<16xf32> to vector<16xf32>
    %swap3A_106 = arith.constant 32480 : index
    %swap3A_107 = tpu.vector_load %arg4[%swap3A_106] {strides = array<i32>} : memref<65536xf32, #tpu.memory_space<vmem>>, vector<16xf32>,
    %swap3A_108 = vector.shape_cast %swap3A_107 : vector<16xf32> to vector<16xf32>
    %swap3A_109 = vector.shape_cast %get3A_105 : vector<16xf32> to vector<16xf32>
    tpu.vector_store %arg4[%swap3A_106], %swap3A_109 {strides = array<i32>} : memref<65536xf32, #tpu.memory_space<vmem>>, vector<16xf32>,
    %get3A_110 = arith.constant 768 : index
    %get3A_111 = tpu.vector_load %arg5[%get3A_110] {strides = array<i32>} : memref<1040xf32, #tpu.memory_space<vmem>>, vector<16xf32>,
    %get3A_112 = vector.shape_cast %get3A_111 : vector<16xf32> to vector<16xf32>
    %swap3A_113 = arith.constant 32496 : index
    %swap3A_114 = tpu.vector_load %arg4[%swap3A_113] {strides = array<i32>} : memref<65536xf32, #tpu.memory_space<vmem>>, vector<16xf32>,
    %swap3A_115 = vector.shape_cast %swap3A_114 : vector<16xf32> to vector<16xf32>
    %swap3A_116 = vector.shape_cast %get3A_112 : vector<16xf32> to vector<16xf32>
    tpu.vector_store %arg4[%swap3A_113], %swap3A_116 {strides = array<i32>} : memref<65536xf32, #tpu.memory_space<vmem>>, vector<16xf32>,
    %get3A_117 = arith.constant 752 : index
    %get3A_118 = tpu.vector_load %arg5[%get3A_117] {strides = array<i32>} : memref<1040xf32, #tpu.memory_space<vmem>>, vector<16xf32>,
    %get3A_119 = vector.shape_cast %get3A_118 : vector<16xf32> to vector<16xf32>
    %swap3A_120 = arith.constant 32512 : index
    %swap3A_121 = tpu.vector_load %arg4[%swap3A_120] {strides = array<i32>} : memref<65536xf32, #tpu.memory_space<vmem>>, vector<16xf32>,
    %swap3A_122 = vector.shape_cast %swap3A_121 : vector<16xf32> to vector<16xf32>
    %swap3A_123 = vector.shape_cast %get3A_119 : vector<16xf32> to vector<16xf32>
    tpu.vector_store %arg4[%swap3A_120], %swap3A_123 {strides = array<i32>} : memref<65536xf32, #tpu.memory_space<vmem>>, vector<16xf32>,
    %get3A_124 = arith.constant 736 : index
    %get3A_125 = tpu.vector_load %arg5[%get3A_124] {strides = array<i32>} : memref<1040xf32, #tpu.memory_space<vmem>>, vector<16xf32>,
    %get3A_126 = vector.shape_cast %get3A_125 : vector<16xf32> to vector<16xf32>
    %swap3A_127 = arith.constant 32528 : index
    %swap3A_128 = tpu.vector_load %arg4[%swap3A_127] {strides = array<i32>} : memref<65536xf32, #tpu.memory_space<vmem>>, vector<16xf32>,
    %swap3A_129 = vector.shape_cast %swap3A_128 : vector<16xf32> to vector<16xf32>
    %swap3A_130 = vector.shape_cast %get3A_126 : vector<16xf32> to vector<16xf32>
    tpu.vector_store %arg4[%swap3A_127], %swap3A_130 {strides = array<i32>} : memref<65536xf32, #tpu.memory_space<vmem>>, vector<16xf32>,
    %get3A_131 = arith.constant 720 : index
    %get3A_132 = tpu.vector_load %arg5[%get3A_131] {strides = array<i32>} : memref<1040xf32, #tpu.memory_space<vmem>>, vector<16xf32>,
    %get3A_133 = vector.shape_cast %get3A_132 : vector<16xf32> to vector<16xf32>
    %swap3A_134 = arith.constant 32544 : index
    %swap3A_135 = tpu.vector_load %arg4[%swap3A_134] {strides = array<i32>} : memref<65536xf32, #tpu.memory_space<vmem>>, vector<16xf32>,
    %swap3A_136 = vector.shape_cast %swap3A_135 : vector<16xf32> to vector<16xf32>
    %swap3A_137 = vector.shape_cast %get3A_133 : vector<16xf32> to vector<16xf32>
    tpu.vector_store %arg4[%swap3A_134], %swap3A_137 {strides = array<i32>} : memref<65536xf32, #tpu.memory_space<vmem>>, vector<16xf32>,
    %get3A_138 = arith.constant 704 : index
    %get3A_139 = tpu.vector_load %arg5[%get3A_138] {strides = array<i32>} : memref<1040xf32, #tpu.memory_space<vmem>>, vector<16xf32>,
    %get3A_140 = vector.shape_cast %get3A_139 : vector<16xf32> to vector<16xf32>
    %swap3A_141 = arith.constant 32560 : index
    %swap3A_142 = tpu.vector_load %arg4[%swap3A_141] {strides = array<i32>} : memref<65536xf32, #tpu.memory_space<vmem>>, vector<16xf32>,
    %swap3A_143 = vector.shape_cast %swap3A_142 : vector<16xf32> to vector<16xf32>
    %swap3A_144 = vector.shape_cast %get3A_140 : vector<16xf32> to vector<16xf32>
    tpu.vector_store %arg4[%swap3A_141], %swap3A_144 {strides = array<i32>} : memref<65536xf32, #tpu.memory_space<vmem>>, vector<16xf32>,
    %get3A_145 = arith.constant 688 : index
    %get3A_146 = tpu.vector_load %arg5[%get3A_145] {strides = array<i32>} : memref<1040xf32, #tpu.memory_space<vmem>>, vector<16xf32>,
    %get3A_147 = vector.shape_cast %get3A_146 : vector<16xf32> to vector<16xf32>
    %swap3A_148 = arith.constant 32576 : index
    %swap3A_149 = tpu.vector_load %arg4[%swap3A_148] {strides = array<i32>} : memref<65536xf32, #tpu.memory_space<vmem>>, vector<16xf32>,
    %swap3A_150 = vector.shape_cast %swap3A_149 : vector<16xf32> to vector<16xf32>
    %swap3A_151 = vector.shape_cast %get3A_147 : vector<16xf32> to vector<16xf32>
    tpu.vector_store %arg4[%swap3A_148], %swap3A_151 {strides = array<i32>} : memref<65536xf32, #tpu.memory_space<vmem>>, vector<16xf32>,
    %get3A_152 = arith.constant 672 : index
    %get3A_153 = tpu.vector_load %arg5[%get3A_152] {strides = array<i32>} : memref<1040xf32, #tpu.memory_space<vmem>>, vector<16xf32>,
    %get3A_154 = vector.shape_cast %get3A_153 : vector<16xf32> to vector<16xf32>
    %swap3A_155 = arith.constant 32592 : index
    %swap3A_156 = tpu.vector_load %arg4[%swap3A_155] {strides = array<i32>} : memref<65536xf32, #tpu.memory_space<vmem>>, vector<16xf32>,
    %swap3A_157 = vector.shape_cast %swap3A_156 : vector<16xf32> to vector<16xf32>
    %swap3A_158 = vector.shape_cast %get3A_154 : vector<16xf32> to vector<16xf32>
    tpu.vector_store %arg4[%swap3A_155], %swap3A_158 {strides = array<i32>} : memref<65536xf32, #tpu.memory_space<vmem>>, vector<16xf32>,
    %get3A_159 = arith.constant 656 : index
    %get3A_160 = tpu.vector_load %arg5[%get3A_159] {strides = array<i32>} : memref<1040xf32, #tpu.memory_space<vmem>>, vector<16xf32>,
    %get3A_161 = vector.shape_cast %get3A_160 : vector<16xf32> to vector<16xf32>
    %swap3A_162 = arith.constant 32608 : index
    %swap3A_163 = tpu.vector_load %arg4[%swap3A_162] {strides = array<i32>} : memref<65536xf32, #tpu.memory_space<vmem>>, vector<16xf32>,
    %swap3A_164 = vector.shape_cast %swap3A_163 : vector<16xf32> to vector<16xf32>
    %swap3A_165 = vector.shape_cast %get3A_161 : vector<16xf32> to vector<16xf32>
    tpu.vector_store %arg4[%swap3A_162], %swap3A_165 {strides = array<i32>} : memref<65536xf32, #tpu.memory_space<vmem>>, vector<16xf32>,
    %get3A_166 = arith.constant 640 : index
    %get3A_167 = tpu.vector_load %arg5[%get3A_166] {strides = array<i32>} : memref<1040xf32, #tpu.memory_space<vmem>>, vector<16xf32>,
    %get3A_168 = vector.shape_cast %get3A_167 : vector<16xf32> to vector<16xf32>
    %swap3A_169 = arith.constant 32624 : index
    %swap3A_170 = tpu.vector_load %arg4[%swap3A_169] {strides = array<i32>} : memref<65536xf32, #tpu.memory_space<vmem>>, vector<16xf32>,
    %swap3A_171 = vector.shape_cast %swap3A_170 : vector<16xf32> to vector<16xf32>
    %swap3A_172 = vector.shape_cast %get3A_168 : vector<16xf32> to vector<16xf32>
    tpu.vector_store %arg4[%swap3A_169], %swap3A_172 {strides = array<i32>} : memref<65536xf32, #tpu.memory_space<vmem>>, vector<16xf32>,
    %get3A_173 = arith.constant 624 : index
    %get3A_174 = tpu.vector_load %arg5[%get3A_173] {strides = array<i32>} : memref<1040xf32, #tpu.memory_space<vmem>>, vector<16xf32>,
    %get3A_175 = vector.shape_cast %get3A_174 : vector<16xf32> to vector<16xf32>
    %swap3A_176 = arith.constant 32640 : index
    %swap3A_177 = tpu.vector_load %arg4[%swap3A_176] {strides = array<i32>} : memref<65536xf32, #tpu.memory_space<vmem>>, vector<16xf32>,
    %swap3A_178 = vector.shape_cast %swap3A_177 : vector<16xf32> to vector<16xf32>
    %swap3A_179 = vector.shape_cast %get3A_175 : vector<16xf32> to vector<16xf32>
    tpu.vector_store %arg4[%swap3A_176], %swap3A_179 {strides = array<i32>} : memref<65536xf32, #tpu.memory_space<vmem>>, vector<16xf32>,
    %get3A_180 = arith.constant 608 : index
    %get3A_181 = tpu.vector_load %arg5[%get3A_180] {strides = array<i32>} : memref<1040xf32, #tpu.memory_space<vmem>>, vector<16xf32>,
    %get3A_182 = vector.shape_cast %get3A_181 : vector<16xf32> to vector<16xf32>
    %swap3A_183 = arith.constant 32656 : index
    %swap3A_184 = tpu.vector_load %arg4[%swap3A_183] {strides = array<i32>} : memref<65536xf32, #tpu.memory_space<vmem>>, vector<16xf32>,
    %swap3A_185 = vector.shape_cast %swap3A_184 : vector<16xf32> to vector<16xf32>
    %swap3A_186 = vector.shape_cast %get3A_182 : vector<16xf32> to vector<16xf32>
    tpu.vector_store %arg4[%swap3A_183], %swap3A_186 {strides = array<i32>} : memref<65536xf32, #tpu.memory_space<vmem>>, vector<16xf32>,
    %get3A_187 = arith.constant 592 : index
    %get3A_188 = tpu.vector_load %arg5[%get3A_187] {strides = array<i32>} : memref<1040xf32, #tpu.memory_space<vmem>>, vector<16xf32>,
    %get3A_189 = vector.shape_cast %get3A_188 : vector<16xf32> to vector<16xf32>
    %swap3A_190 = arith.constant 32672 : index
    %swap3A_191 = tpu.vector_load %arg4[%swap3A_190] {strides = array<i32>} : memref<65536xf32, #tpu.memory_space<vmem>>, vector<16xf32>,
    %swap3A_192 = vector.shape_cast %swap3A_191 : vector<16xf32> to vector<16xf32>
    %swap3A_193 = vector.shape_cast %get3A_189 : vector<16xf32> to vector<16xf32>
    tpu.vector_store %arg4[%swap3A_190], %swap3A_193 {strides = array<i32>} : memref<65536xf32, #tpu.memory_space<vmem>>, vector<16xf32>,
    %get3A_194 = arith.constant 576 : index
    %get3A_195 = tpu.vector_load %arg5[%get3A_194] {strides = array<i32>} : memref<1040xf32, #tpu.memory_space<vmem>>, vector<16xf32>,
    %get3A_196 = vector.shape_cast %get3A_195 : vector<16xf32> to vector<16xf32>
    %swap3A_197 = arith.constant 32688 : index
    %swap3A_198 = tpu.vector_load %arg4[%swap3A_197] {strides = array<i32>} : memref<65536xf32, #tpu.memory_space<vmem>>, vector<16xf32>,
    %swap3A_199 = vector.shape_cast %swap3A_198 : vector<16xf32> to vector<16xf32>
    %swap3A_200 = vector.shape_cast %get3A_196 : vector<16xf32> to vector<16xf32>
    tpu.vector_store %arg4[%swap3A_197], %swap3A_200 {strides = array<i32>} : memref<65536xf32, #tpu.memory_space<vmem>>, vector<16xf32>,
    %get3A_201 = arith.constant 560 : index
    %get3A_202 = tpu.vector_load %arg5[%get3A_201] {strides = array<i32>} : memref<1040xf32, #tpu.memory_space<vmem>>, vector<16xf32>,
    %get3A_203 = vector.shape_cast %get3A_202 : vector<16xf32> to vector<16xf32>
    %swap3A_204 = arith.constant 32704 : index
    %swap3A_205 = tpu.vector_load %arg4[%swap3A_204] {strides = array<i32>} : memref<65536xf32, #tpu.memory_space<vmem>>, vector<16xf32>,
    %swap3A_206 = vector.shape_cast %swap3A_205 : vector<16xf32> to vector<16xf32>
    %swap3A_207 = vector.shape_cast %get3A_203 : vector<16xf32> to vector<16xf32>
    tpu.vector_store %arg4[%swap3A_204], %swap3A_207 {strides = array<i32>} : memref<65536xf32, #tpu.memory_space<vmem>>, vector<16xf32>,
    %get3A_208 = arith.constant 544 : index
    %get3A_209 = tpu.vector_load %arg5[%get3A_208] {strides = array<i32>} : memref<1040xf32, #tpu.memory_space<vmem>>, vector<16xf32>,
    %get3A_210 = vector.shape_cast %get3A_209 : vector<16xf32> to vector<16xf32>
    %swap3A_211 = arith.constant 32720 : index
    %swap3A_212 = tpu.vector_load %arg4[%swap3A_211] {strides = array<i32>} : memref<65536xf32, #tpu.memory_space<vmem>>, vector<16xf32>,
    %swap3A_213 = vector.shape_cast %swap3A_212 : vector<16xf32> to vector<16xf32>
    %swap3A_214 = vector.shape_cast %get3A_210 : vector<16xf32> to vector<16xf32>
    tpu.vector_store %arg4[%swap3A_211], %swap3A_214 {strides = array<i32>} : memref<65536xf32, #tpu.memory_space<vmem>>, vector<16xf32>,
    %get3A_215 = arith.constant 528 : index
    %get3A_216 = tpu.vector_load %arg5[%get3A_215] {strides = array<i32>} : memref<1040xf32, #tpu.memory_space<vmem>>, vector<16xf32>,
    %get3A_217 = vector.shape_cast %get3A_216 : vector<16xf32> to vector<16xf32>
    %swap3A_218 = arith.constant 32736 : index
    %swap3A_219 = tpu.vector_load %arg4[%swap3A_218] {strides = array<i32>} : memref<65536xf32, #tpu.memory_space<vmem>>, vector<16xf32>,
    %swap3A_220 = vector.shape_cast %swap3A_219 : vector<16xf32> to vector<16xf32>
    %swap3A_221 = vector.shape_cast %get3A_217 : vector<16xf32> to vector<16xf32>
    tpu.vector_store %arg4[%swap3A_218], %swap3A_221 {strides = array<i32>} : memref<65536xf32, #tpu.memory_space<vmem>>, vector<16xf32>,
    %get3A_222 = arith.constant 512 : index
    %get3A_223 = tpu.vector_load %arg5[%get3A_222] {strides = array<i32>} : memref<1040xf32, #tpu.memory_space<vmem>>, vector<16xf32>,
    %get3A_224 = vector.shape_cast %get3A_223 : vector<16xf32> to vector<16xf32>
    %swap3A_225 = arith.constant 32752 : index
    %swap3A_226 = tpu.vector_load %arg4[%swap3A_225] {strides = array<i32>} : memref<65536xf32, #tpu.memory_space<vmem>>, vector<16xf32>,
    %swap3A_227 = vector.shape_cast %swap3A_226 : vector<16xf32> to vector<16xf32>
    %swap3A_228 = vector.shape_cast %get3A_224 : vector<16xf32> to vector<16xf32>
    tpu.vector_store %arg4[%swap3A_225], %swap3A_228 {strides = array<i32>} : memref<65536xf32, #tpu.memory_space<vmem>>, vector<16xf32>,
    %get3A_229 = arith.constant 496 : index
    %get3A_230 = tpu.vector_load %arg5[%get3A_229] {strides = array<i32>} : memref<1040xf32, #tpu.memory_space<vmem>>, vector<16xf32>,
    %get3A_231 = vector.shape_cast %get3A_230 : vector<16xf32> to vector<16xf32>
    %swap3A_232 = arith.constant 32768 : index
    %swap3A_233 = tpu.vector_load %arg4[%swap3A_232] {strides = array<i32>} : memref<65536xf32, #tpu.memory_space<vmem>>, vector<16xf32>,
    %swap3A_234 = vector.shape_cast %swap3A_233 : vector<16xf32> to vector<16xf32>
    %swap3A_235 = vector.shape_cast %get3A_231 : vector<16xf32> to vector<16xf32>
    tpu.vector_store %arg4[%swap3A_232], %swap3A_235 {strides = array<i32>} : memref<65536xf32, #tpu.memory_space<vmem>>, vector<16xf32>,
    %get3A_236 = arith.constant 480 : index
    %get3A_237 = tpu.vector_load %arg5[%get3A_236] {strides = array<i32>} : memref<1040xf32, #tpu.memory_space<vmem>>, vector<16xf32>,
    %get3A_238 = vector.shape_cast %get3A_237 : vector<16xf32> to vector<16xf32>
    %swap3A_239 = arith.constant 32784 : index
    %swap3A_240 = tpu.vector_load %arg4[%swap3A_239] {strides = array<i32>} : memref<65536xf32, #tpu.memory_space<vmem>>, vector<16xf32>,
    %swap3A_241 = vector.shape_cast %swap3A_240 : vector<16xf32> to vector<16xf32>
    %swap3A_242 = vector.shape_cast %get3A_238 : vector<16xf32> to vector<16xf32>
    tpu.vector_store %arg4[%swap3A_239], %swap3A_242 {strides = array<i32>} : memref<65536xf32, #tpu.memory_space<vmem>>, vector<16xf32>,
    %get3A_243 = arith.constant 464 : index
    %get3A_244 = tpu.vector_load %arg5[%get3A_243] {strides = array<i32>} : memref<1040xf32, #tpu.memory_space<vmem>>, vector<16xf32>,
    %get3A_245 = vector.shape_cast %get3A_244 : vector<16xf32> to vector<16xf32>
    %swap3A_246 = arith.constant 32800 : index
    %swap3A_247 = tpu.vector_load %arg4[%swap3A_246] {strides = array<i32>} : memref<65536xf32, #tpu.memory_space<vmem>>, vector<16xf32>,
    %swap3A_248 = vector.shape_cast %swap3A_247 : vector<16xf32> to vector<16xf32>
    %swap3A_249 = vector.shape_cast %get3A_245 : vector<16xf32> to vector<16xf32>
    tpu.vector_store %arg4[%swap3A_246], %swap3A_249 {strides = array<i32>} : memref<65536xf32, #tpu.memory_space<vmem>>, vector<16xf32>,
    %get3A_250 = arith.constant 448 : index
    %get3A_251 = tpu.vector_load %arg5[%get3A_250] {strides = array<i32>} : memref<1040xf32, #tpu.memory_space<vmem>>, vector<16xf32>,
    %get3A_252 = vector.shape_cast %get3A_251 : vector<16xf32> to vector<16xf32>
    %swap3A_253 = arith.constant 32816 : index
    %swap3A_254 = tpu.vector_load %arg4[%swap3A_253] {strides = array<i32>} : memref<65536xf32, #tpu.memory_space<vmem>>, vector<16xf32>,
    %swap3A_255 = vector.shape_cast %swap3A_254 : vector<16xf32> to vector<16xf32>
    %swap3A_256 = vector.shape_cast %get3A_252 : vector<16xf32> to vector<16xf32>
    tpu.vector_store %arg4[%swap3A_253], %swap3A_256 {strides = array<i32>} : memref<65536xf32, #tpu.memory_space<vmem>>, vector<16xf32>,
    %get3A_257 = arith.constant 432 : index
    %get3A_258 = tpu.vector_load %arg5[%get3A_257] {strides = array<i32>} : memref<1040xf32, #tpu.memory_space<vmem>>, vector<16xf32>,
    %get3A_259 = vector.shape_cast %get3A_258 : vector<16xf32> to vector<16xf32>
    %swap3A_260 = arith.constant 32832 : index
    %swap3A_261 = tpu.vector_load %arg4[%swap3A_260] {strides = array<i32>} : memref<65536xf32, #tpu.memory_space<vmem>>, vector<16xf32>,
    %swap3A_262 = vector.shape_cast %swap3A_261 : vector<16xf32> to vector<16xf32>
    %swap3A_263 = vector.shape_cast %get3A_259 : vector<16xf32> to vector<16xf32>
    tpu.vector_store %arg4[%swap3A_260], %swap3A_263 {strides = array<i32>} : memref<65536xf32, #tpu.memory_space<vmem>>, vector<16xf32>,
    %get3A_264 = arith.constant 416 : index
    %get3A_265 = tpu.vector_load %arg5[%get3A_264] {strides = array<i32>} : memref<1040xf32, #tpu.memory_space<vmem>>, vector<16xf32>,
    %get3A_266 = vector.shape_cast %get3A_265 : vector<16xf32> to vector<16xf32>
    %swap3A_267 = arith.constant 32848 : index
    %swap3A_268 = tpu.vector_load %arg4[%swap3A_267] {strides = array<i32>} : memref<65536xf32, #tpu.memory_space<vmem>>, vector<16xf32>,
    %swap3A_269 = vector.shape_cast %swap3A_268 : vector<16xf32> to vector<16xf32>
    %swap3A_270 = vector.shape_cast %get3A_266 : vector<16xf32> to vector<16xf32>
    tpu.vector_store %arg4[%swap3A_267], %swap3A_270 {strides = array<i32>} : memref<65536xf32, #tpu.memory_space<vmem>>, vector<16xf32>,
    %get3A_271 = arith.constant 400 : index
    %get3A_272 = tpu.vector_load %arg5[%get3A_271] {strides = array<i32>} : memref<1040xf32, #tpu.memory_space<vmem>>, vector<16xf32>,
    %get3A_273 = vector.shape_cast %get3A_272 : vector<16xf32> to vector<16xf32>
    %swap3A_274 = arith.constant 32864 : index
    %swap3A_275 = tpu.vector_load %arg4[%swap3A_274] {strides = array<i32>} : memref<65536xf32, #tpu.memory_space<vmem>>, vector<16xf32>,
    %swap3A_276 = vector.shape_cast %swap3A_275 : vector<16xf32> to vector<16xf32>
    %swap3A_277 = vector.shape_cast %get3A_273 : vector<16xf32> to vector<16xf32>
    tpu.vector_store %arg4[%swap3A_274], %swap3A_277 {strides = array<i32>} : memref<65536xf32, #tpu.memory_space<vmem>>, vector<16xf32>,
    %get3A_278 = arith.constant 384 : index
    %get3A_279 = tpu.vector_load %arg5[%get3A_278] {strides = array<i32>} : memref<1040xf32, #tpu.memory_space<vmem>>, vector<16xf32>,
    %get3A_280 = vector.shape_cast %get3A_279 : vector<16xf32> to vector<16xf32>
    %swap3A_281 = arith.constant 32880 : index
    %swap3A_282 = tpu.vector_load %arg4[%swap3A_281] {strides = array<i32>} : memref<65536xf32, #tpu.memory_space<vmem>>, vector<16xf32>,
    %swap3A_283 = vector.shape_cast %swap3A_282 : vector<16xf32> to vector<16xf32>
    %swap3A_284 = vector.shape_cast %get3A_280 : vector<16xf32> to vector<16xf32>
    tpu.vector_store %arg4[%swap3A_281], %swap3A_284 {strides = array<i32>} : memref<65536xf32, #tpu.memory_space<vmem>>, vector<16xf32>,
    %get3A_285 = arith.constant 368 : index
    %get3A_286 = tpu.vector_load %arg5[%get3A_285] {strides = array<i32>} : memref<1040xf32, #tpu.memory_space<vmem>>, vector<16xf32>,
    %get3A_287 = vector.shape_cast %get3A_286 : vector<16xf32> to vector<16xf32>
    %swap3A_288 = arith.constant 32896 : index
    %swap3A_289 = tpu.vector_load %arg4[%swap3A_288] {strides = array<i32>} : memref<65536xf32, #tpu.memory_space<vmem>>, vector<16xf32>,
    %swap3A_290 = vector.shape_cast %swap3A_289 : vector<16xf32> to vector<16xf32>
    %swap3A_291 = vector.shape_cast %get3A_287 : vector<16xf32> to vector<16xf32>
    tpu.vector_store %arg4[%swap3A_288], %swap3A_291 {strides = array<i32>} : memref<65536xf32, #tpu.memory_space<vmem>>, vector<16xf32>,
    %get3A_292 = arith.constant 352 : index
    %get3A_293 = tpu.vector_load %arg5[%get3A_292] {strides = array<i32>} : memref<1040xf32, #tpu.memory_space<vmem>>, vector<16xf32>,
    %get3A_294 = vector.shape_cast %get3A_293 : vector<16xf32> to vector<16xf32>
    %swap3A_295 = arith.constant 32912 : index
    %swap3A_296 = tpu.vector_load %arg4[%swap3A_295] {strides = array<i32>} : memref<65536xf32, #tpu.memory_space<vmem>>, vector<16xf32>,
    %swap3A_297 = vector.shape_cast %swap3A_296 : vector<16xf32> to vector<16xf32>
    %swap3A_298 = vector.shape_cast %get3A_294 : vector<16xf32> to vector<16xf32>
    tpu.vector_store %arg4[%swap3A_295], %swap3A_298 {strides = array<i32>} : memref<65536xf32, #tpu.memory_space<vmem>>, vector<16xf32>,
    %get3A_299 = arith.constant 336 : index
    %get3A_300 = tpu.vector_load %arg5[%get3A_299] {strides = array<i32>} : memref<1040xf32, #tpu.memory_space<vmem>>, vector<16xf32>,
    %get3A_301 = vector.shape_cast %get3A_300 : vector<16xf32> to vector<16xf32>
    %swap3A_302 = arith.constant 32928 : index
    %swap3A_303 = tpu.vector_load %arg4[%swap3A_302] {strides = array<i32>} : memref<65536xf32, #tpu.memory_space<vmem>>, vector<16xf32>,
    %swap3A_304 = vector.shape_cast %swap3A_303 : vector<16xf32> to vector<16xf32>
    %swap3A_305 = vector.shape_cast %get3A_301 : vector<16xf32> to vector<16xf32>
    tpu.vector_store %arg4[%swap3A_302], %swap3A_305 {strides = array<i32>} : memref<65536xf32, #tpu.memory_space<vmem>>, vector<16xf32>,
    %get3A_306 = arith.constant 320 : index
    %get3A_307 = tpu.vector_load %arg5[%get3A_306] {strides = array<i32>} : memref<1040xf32, #tpu.memory_space<vmem>>, vector<16xf32>,
    %get3A_308 = vector.shape_cast %get3A_307 : vector<16xf32> to vector<16xf32>
    %swap3A_309 = arith.constant 32944 : index
    %swap3A_310 = tpu.vector_load %arg4[%swap3A_309] {strides = array<i32>} : memref<65536xf32, #tpu.memory_space<vmem>>, vector<16xf32>,
    %swap3A_311 = vector.shape_cast %swap3A_310 : vector<16xf32> to vector<16xf32>
    %swap3A_312 = vector.shape_cast %get3A_308 : vector<16xf32> to vector<16xf32>
    tpu.vector_store %arg4[%swap3A_309], %swap3A_312 {strides = array<i32>} : memref<65536xf32, #tpu.memory_space<vmem>>, vector<16xf32>,
    %get3A_313 = arith.constant 304 : index
    %get3A_314 = tpu.vector_load %arg5[%get3A_313] {strides = array<i32>} : memref<1040xf32, #tpu.memory_space<vmem>>, vector<16xf32>,
    %get3A_315 = vector.shape_cast %get3A_314 : vector<16xf32> to vector<16xf32>
    %swap3A_316 = arith.constant 32960 : index
    %swap3A_317 = tpu.vector_load %arg4[%swap3A_316] {strides = array<i32>} : memref<65536xf32, #tpu.memory_space<vmem>>, vector<16xf32>,
    %swap3A_318 = vector.shape_cast %swap3A_317 : vector<16xf32> to vector<16xf32>
    %swap3A_319 = vector.shape_cast %get3A_315 : vector<16xf32> to vector<16xf32>
    tpu.vector_store %arg4[%swap3A_316], %swap3A_319 {strides = array<i32>} : memref<65536xf32, #tpu.memory_space<vmem>>, vector<16xf32>,
    %get3A_320 = arith.constant 288 : index
    %get3A_321 = tpu.vector_load %arg5[%get3A_320] {strides = array<i32>} : memref<1040xf32, #tpu.memory_space<vmem>>, vector<16xf32>,
    %get3A_322 = vector.shape_cast %get3A_321 : vector<16xf32> to vector<16xf32>
    %swap3A_323 = arith.constant 32976 : index
    %swap3A_324 = tpu.vector_load %arg4[%swap3A_323] {strides = array<i32>} : memref<65536xf32, #tpu.memory_space<vmem>>, vector<16xf32>,
    %swap3A_325 = vector.shape_cast %swap3A_324 : vector<16xf32> to vector<16xf32>
    %swap3A_326 = vector.shape_cast %get3A_322 : vector<16xf32> to vector<16xf32>
    tpu.vector_store %arg4[%swap3A_323], %swap3A_326 {strides = array<i32>} : memref<65536xf32, #tpu.memory_space<vmem>>, vector<16xf32>,
    %get3A_327 = arith.constant 272 : index
    %get3A_328 = tpu.vector_load %arg5[%get3A_327] {strides = array<i32>} : memref<1040xf32, #tpu.memory_space<vmem>>, vector<16xf32>,
    %get3A_329 = vector.shape_cast %get3A_328 : vector<16xf32> to vector<16xf32>
    %swap3A_330 = arith.constant 32992 : index
    %swap3A_331 = tpu.vector_load %arg4[%swap3A_330] {strides = array<i32>} : memref<65536xf32, #tpu.memory_space<vmem>>, vector<16xf32>,
    %swap3A_332 = vector.shape_cast %swap3A_331 : vector<16xf32> to vector<16xf32>
    %swap3A_333 = vector.shape_cast %get3A_329 : vector<16xf32> to vector<16xf32>
    tpu.vector_store %arg4[%swap3A_330], %swap3A_333 {strides = array<i32>} : memref<65536xf32, #tpu.memory_space<vmem>>, vector<16xf32>,
    %get3A_334 = arith.constant 256 : index
    %get3A_335 = tpu.vector_load %arg5[%get3A_334] {strides = array<i32>} : memref<1040xf32, #tpu.memory_space<vmem>>, vector<16xf32>,
    %get3A_336 = vector.shape_cast %get3A_335 : vector<16xf32> to vector<16xf32>
    %swap3A_337 = arith.constant 33008 : index
    %swap3A_338 = tpu.vector_load %arg4[%swap3A_337] {strides = array<i32>} : memref<65536xf32, #tpu.memory_space<vmem>>, vector<16xf32>,
    %swap3A_339 = vector.shape_cast %swap3A_338 : vector<16xf32> to vector<16xf32>
    %swap3A_340 = vector.shape_cast %get3A_336 : vector<16xf32> to vector<16xf32>
    tpu.vector_store %arg4[%swap3A_337], %swap3A_340 {strides = array<i32>} : memref<65536xf32, #tpu.memory_space<vmem>>, vector<16xf32>,
    %get3A_341 = arith.constant 240 : index
    %get3A_342 = tpu.vector_load %arg5[%get3A_341] {strides = array<i32>} : memref<1040xf32, #tpu.memory_space<vmem>>, vector<16xf32>,
    %get3A_343 = vector.shape_cast %get3A_342 : vector<16xf32> to vector<16xf32>
    %swap3A_344 = arith.constant 33024 : index
    %swap3A_345 = tpu.vector_load %arg4[%swap3A_344] {strides = array<i32>} : memref<65536xf32, #tpu.memory_space<vmem>>, vector<16xf32>,
    %swap3A_346 = vector.shape_cast %swap3A_345 : vector<16xf32> to vector<16xf32>
    %swap3A_347 = vector.shape_cast %get3A_343 : vector<16xf32> to vector<16xf32>
    tpu.vector_store %arg4[%swap3A_344], %swap3A_347 {strides = array<i32>} : memref<65536xf32, #tpu.memory_space<vmem>>, vector<16xf32>,
    %get3A_348 = arith.constant 224 : index
    %get3A_349 = tpu.vector_load %arg5[%get3A_348] {strides = array<i32>} : memref<1040xf32, #tpu.memory_space<vmem>>, vector<16xf32>,
    %get3A_350 = vector.shape_cast %get3A_349 : vector<16xf32> to vector<16xf32>
    %swap3A_351 = arith.constant 33040 : index
    %swap3A_352 = tpu.vector_load %arg4[%swap3A_351] {strides = array<i32>} : memref<65536xf32, #tpu.memory_space<vmem>>, vector<16xf32>,
    %swap3A_353 = vector.shape_cast %swap3A_352 : vector<16xf32> to vector<16xf32>
    %swap3A_354 = vector.shape_cast %get3A_350 : vector<16xf32> to vector<16xf32>
    tpu.vector_store %arg4[%swap3A_351], %swap3A_354 {strides = array<i32>} : memref<65536xf32, #tpu.memory_space<vmem>>, vector<16xf32>,
    %get3A_355 = arith.constant 208 : index
    %get3A_356 = tpu.vector_load %arg5[%get3A_355] {strides = array<i32>} : memref<1040xf32, #tpu.memory_space<vmem>>, vector<16xf32>,
    %get3A_357 = vector.shape_cast %get3A_356 : vector<16xf32> to vector<16xf32>
    %swap3A_358 = arith.constant 33056 : index
    %swap3A_359 = tpu.vector_load %arg4[%swap3A_358] {strides = array<i32>} : memref<65536xf32, #tpu.memory_space<vmem>>, vector<16xf32>,
    %swap3A_360 = vector.shape_cast %swap3A_359 : vector<16xf32> to vector<16xf32>
    %swap3A_361 = vector.shape_cast %get3A_357 : vector<16xf32> to vector<16xf32>
    tpu.vector_store %arg4[%swap3A_358], %swap3A_361 {strides = array<i32>} : memref<65536xf32, #tpu.memory_space<vmem>>, vector<16xf32>,
    %get3A_362 = arith.constant 192 : index
    %get3A_363 = tpu.vector_load %arg5[%get3A_362] {strides = array<i32>} : memref<1040xf32, #tpu.memory_space<vmem>>, vector<16xf32>,
    %get3A_364 = vector.shape_cast %get3A_363 : vector<16xf32> to vector<16xf32>
    %swap3A_365 = arith.constant 33072 : index
    %swap3A_366 = tpu.vector_load %arg4[%swap3A_365] {strides = array<i32>} : memref<65536xf32, #tpu.memory_space<vmem>>, vector<16xf32>,
    %swap3A_367 = vector.shape_cast %swap3A_366 : vector<16xf32> to vector<16xf32>
    %swap3A_368 = vector.shape_cast %get3A_364 : vector<16xf32> to vector<16xf32>
    tpu.vector_store %arg4[%swap3A_365], %swap3A_368 {strides = array<i32>} : memref<65536xf32, #tpu.memory_space<vmem>>, vector<16xf32>,
    %get3A_369 = arith.constant 176 : index
    %get3A_370 = tpu.vector_load %arg5[%get3A_369] {strides = array<i32>} : memref<1040xf32, #tpu.memory_space<vmem>>, vector<16xf32>,
    %get3A_371 = vector.shape_cast %get3A_370 : vector<16xf32> to vector<16xf32>
    %swap3A_372 = arith.constant 33088 : index
    %swap3A_373 = tpu.vector_load %arg4[%swap3A_372] {strides = array<i32>} : memref<65536xf32, #tpu.memory_space<vmem>>, vector<16xf32>,
    %swap3A_374 = vector.shape_cast %swap3A_373 : vector<16xf32> to vector<16xf32>
    %swap3A_375 = vector.shape_cast %get3A_371 : vector<16xf32> to vector<16xf32>
    tpu.vector_store %arg4[%swap3A_372], %swap3A_375 {strides = array<i32>} : memref<65536xf32, #tpu.memory_space<vmem>>, vector<16xf32>,
    %get3A_376 = arith.constant 160 : index
    %get3A_377 = tpu.vector_load %arg5[%get3A_376] {strides = array<i32>} : memref<1040xf32, #tpu.memory_space<vmem>>, vector<16xf32>,
    %get3A_378 = vector.shape_cast %get3A_377 : vector<16xf32> to vector<16xf32>
    %swap3A_379 = arith.constant 33104 : index
    %swap3A_380 = tpu.vector_load %arg4[%swap3A_379] {strides = array<i32>} : memref<65536xf32, #tpu.memory_space<vmem>>, vector<16xf32>,
    %swap3A_381 = vector.shape_cast %swap3A_380 : vector<16xf32> to vector<16xf32>
    %swap3A_382 = vector.shape_cast %get3A_378 : vector<16xf32> to vector<16xf32>
    tpu.vector_store %arg4[%swap3A_379], %swap3A_382 {strides = array<i32>} : memref<65536xf32, #tpu.memory_space<vmem>>, vector<16xf32>,
    %get3A_383 = arith.constant 144 : index
    %get3A_384 = tpu.vector_load %arg5[%get3A_383] {strides = array<i32>} : memref<1040xf32, #tpu.memory_space<vmem>>, vector<16xf32>,
    %get3A_385 = vector.shape_cast %get3A_384 : vector<16xf32> to vector<16xf32>
    %swap3A_386 = arith.constant 33120 : index
    %swap3A_387 = tpu.vector_load %arg4[%swap3A_386] {strides = array<i32>} : memref<65536xf32, #tpu.memory_space<vmem>>, vector<16xf32>,
    %swap3A_388 = vector.shape_cast %swap3A_387 : vector<16xf32> to vector<16xf32>
    %swap3A_389 = vector.shape_cast %get3A_385 : vector<16xf32> to vector<16xf32>
    tpu.vector_store %arg4[%swap3A_386], %swap3A_389 {strides = array<i32>} : memref<65536xf32, #tpu.memory_space<vmem>>, vector<16xf32>,
    %get3A_390 = arith.constant 128 : index
    %get3A_391 = tpu.vector_load %arg5[%get3A_390] {strides = array<i32>} : memref<1040xf32, #tpu.memory_space<vmem>>, vector<16xf32>,
    %get3A_392 = vector.shape_cast %get3A_391 : vector<16xf32> to vector<16xf32>
    %swap3A_393 = arith.constant 33136 : index
    %swap3A_394 = tpu.vector_load %arg4[%swap3A_393] {strides = array<i32>} : memref<65536xf32, #tpu.memory_space<vmem>>, vector<16xf32>,
    %swap3A_395 = vector.shape_cast %swap3A_394 : vector<16xf32> to vector<16xf32>
    %swap3A_396 = vector.shape_cast %get3A_392 : vector<16xf32> to vector<16xf32>
    tpu.vector_store %arg4[%swap3A_393], %swap3A_396 {strides = array<i32>} : memref<65536xf32, #tpu.memory_space<vmem>>, vector<16xf32>,
    %get3A_397 = arith.constant 112 : index
    %get3A_398 = tpu.vector_load %arg5[%get3A_397] {strides = array<i32>} : memref<1040xf32, #tpu.memory_space<vmem>>, vector<16xf32>,
    %get3A_399 = vector.shape_cast %get3A_398 : vector<16xf32> to vector<16xf32>
    %swap3A_400 = arith.constant 33152 : index
    %swap3A_401 = tpu.vector_load %arg4[%swap3A_400] {strides = array<i32>} : memref<65536xf32, #tpu.memory_space<vmem>>, vector<16xf32>,
    %swap3A_402 = vector.shape_cast %swap3A_401 : vector<16xf32> to vector<16xf32>
    %swap3A_403 = vector.shape_cast %get3A_399 : vector<16xf32> to vector<16xf32>
    tpu.vector_store %arg4[%swap3A_400], %swap3A_403 {strides = array<i32>} : memref<65536xf32, #tpu.memory_space<vmem>>, vector<16xf32>,
    %get3A_404 = arith.constant 96 : index
    %get3A_405 = tpu.vector_load %arg5[%get3A_404] {strides = array<i32>} : memref<1040xf32, #tpu.memory_space<vmem>>, vector<16xf32>,
    %get3A_406 = vector.shape_cast %get3A_405 : vector<16xf32> to vector<16xf32>
    %swap3A_407 = arith.constant 33168 : index
    %swap3A_408 = tpu.vector_load %arg4[%swap3A_407] {strides = array<i32>} : memref<65536xf32, #tpu.memory_space<vmem>>, vector<16xf32>,
    %swap3A_409 = vector.shape_cast %swap3A_408 : vector<16xf32> to vector<16xf32>
    %swap3A_410 = vector.shape_cast %get3A_406 : vector<16xf32> to vector<16xf32>
    tpu.vector_store %arg4[%swap3A_407], %swap3A_410 {strides = array<i32>} : memref<65536xf32, #tpu.memory_space<vmem>>, vector<16xf32>,
    %get3A_411 = arith.constant 80 : index
    %get3A_412 = tpu.vector_load %arg5[%get3A_411] {strides = array<i32>} : memref<1040xf32, #tpu.memory_space<vmem>>, vector<16xf32>,
    %get3A_413 = vector.shape_cast %get3A_412 : vector<16xf32> to vector<16xf32>
    %swap3A_414 = arith.constant 33184 : index
    %swap3A_415 = tpu.vector_load %arg4[%swap3A_414] {strides = array<i32>} : memref<65536xf32, #tpu.memory_space<vmem>>, vector<16xf32>,
    %swap3A_416 = vector.shape_cast %swap3A_415 : vector<16xf32> to vector<16xf32>
    %swap3A_417 = vector.shape_cast %get3A_413 : vector<16xf32> to vector<16xf32>
    tpu.vector_store %arg4[%swap3A_414], %swap3A_417 {strides = array<i32>} : memref<65536xf32, #tpu.memory_space<vmem>>, vector<16xf32>,
    %get3A_418 = arith.constant 64 : index
    %get3A_419 = tpu.vector_load %arg5[%get3A_418] {strides = array<i32>} : memref<1040xf32, #tpu.memory_space<vmem>>, vector<16xf32>,
    %get3A_420 = vector.shape_cast %get3A_419 : vector<16xf32> to vector<16xf32>
    %swap3A_421 = arith.constant 33200 : index
    %swap3A_422 = tpu.vector_load %arg4[%swap3A_421] {strides = array<i32>} : memref<65536xf32, #tpu.memory_space<vmem>>, vector<16xf32>,
    %swap3A_423 = vector.shape_cast %swap3A_422 : vector<16xf32> to vector<16xf32>
    %swap3A_424 = vector.shape_cast %get3A_420 : vector<16xf32> to vector<16xf32>
    tpu.vector_store %arg4[%swap3A_421], %swap3A_424 {strides = array<i32>} : memref<65536xf32, #tpu.memory_space<vmem>>, vector<16xf32>,
    %get3A_425 = arith.constant 48 : index
    %get3A_426 = tpu.vector_load %arg5[%get3A_425] {strides = array<i32>} : memref<1040xf32, #tpu.memory_space<vmem>>, vector<16xf32>,
    %get3A_427 = vector.shape_cast %get3A_426 : vector<16xf32> to vector<16xf32>
    %swap3A_428 = arith.constant 33216 : index
    %swap3A_429 = tpu.vector_load %arg4[%swap3A_428] {strides = array<i32>} : memref<65536xf32, #tpu.memory_space<vmem>>, vector<16xf32>,
    %swap3A_430 = vector.shape_cast %swap3A_429 : vector<16xf32> to vector<16xf32>
    %swap3A_431 = vector.shape_cast %get3A_427 : vector<16xf32> to vector<16xf32>
    tpu.vector_store %arg4[%swap3A_428], %swap3A_431 {strides = array<i32>} : memref<65536xf32, #tpu.memory_space<vmem>>, vector<16xf32>,
    %get3A_432 = arith.constant 32 : index
    %get3A_433 = tpu.vector_load %arg5[%get3A_432] {strides = array<i32>} : memref<1040xf32, #tpu.memory_space<vmem>>, vector<16xf32>,
    %get3A_434 = vector.shape_cast %get3A_433 : vector<16xf32> to vector<16xf32>
    %swap3A_435 = arith.constant 33232 : index
    %swap3A_436 = tpu.vector_load %arg4[%swap3A_435] {strides = array<i32>} : memref<65536xf32, #tpu.memory_space<vmem>>, vector<16xf32>,
    %swap3A_437 = vector.shape_cast %swap3A_436 : vector<16xf32> to vector<16xf32>
    %swap3A_438 = vector.shape_cast %get3A_434 : vector<16xf32> to vector<16xf32>
    tpu.vector_store %arg4[%swap3A_435], %swap3A_438 {strides = array<i32>} : memref<65536xf32, #tpu.memory_space<vmem>>, vector<16xf32>,
    %get3A_439 = arith.constant 16 : index
    %get3A_440 = tpu.vector_load %arg5[%get3A_439] {strides = array<i32>} : memref<1040xf32, #tpu.memory_space<vmem>>, vector<16xf32>,
    %get3A_441 = vector.shape_cast %get3A_440 : vector<16xf32> to vector<16xf32>
    %swap3A_442 = arith.constant 33248 : index
    %swap3A_443 = tpu.vector_load %arg4[%swap3A_442] {strides = array<i32>} : memref<65536xf32, #tpu.memory_space<vmem>>, vector<16xf32>,
    %swap3A_444 = vector.shape_cast %swap3A_443 : vector<16xf32> to vector<16xf32>
    %swap3A_445 = vector.shape_cast %get3A_441 : vector<16xf32> to vector<16xf32>
    tpu.vector_store %arg4[%swap3A_442], %swap3A_445 {strides = array<i32>} : memref<65536xf32, #tpu.memory_space<vmem>>, vector<16xf32>,
    %get3A_446 = arith.constant 0 : index
    %get3A_447 = tpu.vector_load %arg5[%get3A_446] {strides = array<i32>} : memref<1040xf32, #tpu.memory_space<vmem>>, vector<16xf32>,
    %get3A_448 = vector.shape_cast %get3A_447 : vector<16xf32> to vector<16xf32>
    %swap3A_449 = arith.constant 33264 : index
    %swap3A_450 = tpu.vector_load %arg4[%swap3A_449] {strides = array<i32>} : memref<65536xf32, #tpu.memory_space<vmem>>, vector<16xf32>,
    %swap3A_451 = vector.shape_cast %swap3A_450 : vector<16xf32> to vector<16xf32>
    %swap3A_452 = vector.shape_cast %get3A_448 : vector<16xf32> to vector<16xf32>
    tpu.vector_store %arg4[%swap3A_449], %swap3A_452 {strides = array<i32>} : memref<65536xf32, #tpu.memory_space<vmem>>, vector<16xf32>,
    %get3A_453 = arith.constant 1024 : index
    %get3A_454 = tpu.vector_load %arg5[%get3A_453] {strides = array<i32>} : memref<1040xf32, #tpu.memory_space<vmem>>, vector<16xf32>,
    %get3A_455 = vector.shape_cast %get3A_454 : vector<16xf32> to vector<16xf32>
    %get3A_456 = arith.constant 0 : index
    %get3A_457 = tpu.vector_load %arg5[%get3A_456] {strides = array<i32>} : memref<1040xf32, #tpu.memory_space<vmem>>, vector<16xf32>,
    %get3A_458 = vector.shape_cast %get3A_457 : vector<16xf32> to vector<16xf32>
    %scan3A = arith.constant 0 : i32
    %scan3A_459 = arith.constant 0 : i32
    %scan3A_460 = arith.constant 2015 : i32
    %scan3A_461 = arith.addi %scan3A_459, %scan3A_460 : i32
    %scan3A_462 = arith.constant 1 : i32
    scf.for %scan3A_2000 = %scan3A_459 to %scan3A_461 step %scan3A_462  : i32 {
      %mul3A_2001 = arith.constant 16 : i32
      %mul3A_2002 = arith.muli %scan3A_2000, %mul3A_2001 : i32
      %swap3A_2003 = arith.index_cast %mul3A_2002 : i32 to index
      %swap3A_2004 = tpu.vector_load %arg4[%swap3A_2003] {strides = array<i32>} : memref<65536xf32, #tpu.memory_space<vmem>>, vector<16xf32>,
      %swap3A_2005 = vector.shape_cast %swap3A_2004 : vector<16xf32> to vector<16xf32>
      %swap3A_2006 = vector.shape_cast %get3A_455 : vector<16xf32> to vector<16xf32>
      tpu.vector_store %arg4[%swap3A_2003], %swap3A_2006 {strides = array<i32>} : memref<65536xf32, #tpu.memory_space<vmem>>, vector<16xf32>,
      %add3A_2007 = arith.constant 2080 : i32
      %add3A_2008 = arith.addi %add3A_2007, %scan3A_2000 : i32
      %mul3A_2009 = arith.constant 16 : i32
      %mul3A_2010 = arith.muli %add3A_2008, %mul3A_2009 : i32
      %swap3A_2011 = arith.index_cast %mul3A_2010 : i32 to index
      %swap3A_2012 = tpu.vector_load %arg4[%swap3A_2011] {strides = array<i32>} : memref<65536xf32, #tpu.memory_space<vmem>>, vector<16xf32>,
      %swap3A_2013 = vector.shape_cast %swap3A_2012 : vector<16xf32> to vector<16xf32>
      %swap3A_2014 = vector.shape_cast %get3A_458 : vector<16xf32> to vector<16xf32>
      tpu.vector_store %arg4[%swap3A_2011], %swap3A_2014 {strides = array<i32>} : memref<65536xf32, #tpu.memory_space<vmem>>, vector<16xf32>,
    }
    %scan3A_463 = arith.constant 2015 : i32
    %mul3A = arith.constant 2 : i32
    %mul3A_464 = arith.muli %arg1, %mul3A : i32
    %add3A = arith.addi %mul3A_464, %arg0 : i32
    %mul3A_465 = arith.constant 64 : i32
    %mul3A_466 = arith.muli %add3A, %mul3A_465 : i32
    %add3A_467 = arith.constant 0 : i32
    %add3A_468 = arith.addi %mul3A_466, %add3A_467 : i32
    %add3A_469 = arith.constant 0 : i32
    %add3A_470 = arith.addi %add3A_468, %add3A_469 : i32
    %sub3A = arith.constant 2047 : i32
    %sub3A_471 = arith.subi %sub3A, %add3A_470 : i32
    %mul3A_472 = arith.constant 16 : i32
    %mul3A_473 = arith.muli %sub3A_471, %mul3A_472 : i32
    %dma_start3A = tpu.memref_slice %arg4[%mul3A_473] : memref<65536xf32, #tpu.memory_space<vmem>> -> memref<32768xf32, #tpu.memory_space<vmem>>
    %dma_start3A_474 = arith.constant 0 : i32
    %dma_start3A_475 = tpu.memref_slice %arg3[%add3A_470, %dma_start3A_474] : memref<2048x32768xf32, #tpu.memory_space<hbm>> -> memref<1x32768xf32, #tpu.memory_space<hbm>>
    %dma_start3A_476 = tpu.memref_squeeze %dma_start3A_475 : memref<1x32768xf32, #tpu.memory_space<hbm>> -> memref<32768xf32, #tpu.memory_space<hbm>>
    %dma_start3A_477 = arith.constant 0 : i32
    %dma_start3A_478 = tpu.memref_slice %arg3[%add3A_470, %dma_start3A_477] : memref<2048x32768xf32, #tpu.memory_space<hbm>> -> memref<1x32768xf32, #tpu.memory_space<hbm>>
    %dma_start3A_479 = tpu.memref_squeeze %dma_start3A_478 : memref<1x32768xf32, #tpu.memory_space<hbm>> -> memref<32768xf32, #tpu.memory_space<hbm>>
    %dma_start3A_480 = tpu.memref_slice %arg4[%mul3A_473] : memref<65536xf32, #tpu.memory_space<vmem>> -> memref<32768xf32, #tpu.memory_space<vmem>>
    tpu.enqueue_dma source(%dma_start3A_480 : memref<32768xf32, #tpu.memory_space<vmem>>) target(%dma_start3A_479 : memref<32768xf32, #tpu.memory_space<hbm>>) target_semaphore(%arg6 : memref<!tpu.dma_semaphore, #tpu.memory_space<semaphore_mem>>)
    %add3A_481 = arith.constant 0 : i32
    %add3A_482 = arith.addi %mul3A_466, %add3A_481 : i32
    %add3A_483 = arith.constant 1 : i32
    %add3A_484 = arith.addi %add3A_482, %add3A_483 : i32
    %sub3A_485 = arith.constant 2047 : i32
    %sub3A_486 = arith.subi %sub3A_485, %add3A_484 : i32
    %mul3A_487 = arith.constant 16 : i32
    %mul3A_488 = arith.muli %sub3A_486, %mul3A_487 : i32
    %dma_start3A_489 = tpu.memref_slice %arg4[%mul3A_488] : memref<65536xf32, #tpu.memory_space<vmem>> -> memref<32768xf32, #tpu.memory_space<vmem>>
    %dma_start3A_490 = arith.constant 0 : i32
    %dma_start3A_491 = tpu.memref_slice %arg3[%add3A_484, %dma_start3A_490] : memref<2048x32768xf32, #tpu.memory_space<hbm>> -> memref<1x32768xf32, #tpu.memory_space<hbm>>
    %dma_start3A_492 = tpu.memref_squeeze %dma_start3A_491 : memref<1x32768xf32, #tpu.memory_space<hbm>> -> memref<32768xf32, #tpu.memory_space<hbm>>
    %dma_start3A_493 = arith.constant 0 : i32
    %dma_start3A_494 = tpu.memref_slice %arg3[%add3A_484, %dma_start3A_493] : memref<2048x32768xf32, #tpu.memory_space<hbm>> -> memref<1x32768xf32, #tpu.memory_space<hbm>>
    %dma_start3A_495 = tpu.memref_squeeze %dma_start3A_494 : memref<1x32768xf32, #tpu.memory_space<hbm>> -> memref<32768xf32, #tpu.memory_space<hbm>>
    %dma_start3A_496 = tpu.memref_slice %arg4[%mul3A_488] : memref<65536xf32, #tpu.memory_space<vmem>> -> memref<32768xf32, #tpu.memory_space<vmem>>
    tpu.enqueue_dma source(%dma_start3A_496 : memref<32768xf32, #tpu.memory_space<vmem>>) target(%dma_start3A_495 : memref<32768xf32, #tpu.memory_space<hbm>>) target_semaphore(%arg6 : memref<!tpu.dma_semaphore, #tpu.memory_space<semaphore_mem>>)
    %add3A_497 = arith.constant 0 : i32
    %add3A_498 = arith.addi %mul3A_466, %add3A_497 : i32
    %add3A_499 = arith.constant 2 : i32
    %add3A_500 = arith.addi %add3A_498, %add3A_499 : i32
    %sub3A_501 = arith.constant 2047 : i32
    %sub3A_502 = arith.subi %sub3A_501, %add3A_500 : i32
    %mul3A_503 = arith.constant 16 : i32
    %mul3A_504 = arith.muli %sub3A_502, %mul3A_503 : i32
    %dma_start3A_505 = tpu.memref_slice %arg4[%mul3A_504] : memref<65536xf32, #tpu.memory_space<vmem>> -> memref<32768xf32, #tpu.memory_space<vmem>>
    %dma_start3A_506 = arith.constant 0 : i32
    %dma_start3A_507 = tpu.memref_slice %arg3[%add3A_500, %dma_start3A_506] : memref<2048x32768xf32, #tpu.memory_space<hbm>> -> memref<1x32768xf32, #tpu.memory_space<hbm>>
    %dma_start3A_508 = tpu.memref_squeeze %dma_start3A_507 : memref<1x32768xf32, #tpu.memory_space<hbm>> -> memref<32768xf32, #tpu.memory_space<hbm>>
    %dma_start3A_509 = arith.constant 0 : i32
    %dma_start3A_510 = tpu.memref_slice %arg3[%add3A_500, %dma_start3A_509] : memref<2048x32768xf32, #tpu.memory_space<hbm>> -> memref<1x32768xf32, #tpu.memory_space<hbm>>
    %dma_start3A_511 = tpu.memref_squeeze %dma_start3A_510 : memref<1x32768xf32, #tpu.memory_space<hbm>> -> memref<32768xf32, #tpu.memory_space<hbm>>
    %dma_start3A_512 = tpu.memref_slice %arg4[%mul3A_504] : memref<65536xf32, #tpu.memory_space<vmem>> -> memref<32768xf32, #tpu.memory_space<vmem>>
    tpu.enqueue_dma source(%dma_start3A_512 : memref<32768xf32, #tpu.memory_space<vmem>>) target(%dma_start3A_511 : memref<32768xf32, #tpu.memory_space<hbm>>) target_semaphore(%arg6 : memref<!tpu.dma_semaphore, #tpu.memory_space<semaphore_mem>>)
    %add3A_513 = arith.constant 0 : i32
    %add3A_514 = arith.addi %mul3A_466, %add3A_513 : i32
    %add3A_515 = arith.constant 3 : i32
    %add3A_516 = arith.addi %add3A_514, %add3A_515 : i32
    %sub3A_517 = arith.constant 2047 : i32
    %sub3A_518 = arith.subi %sub3A_517, %add3A_516 : i32
    %mul3A_519 = arith.constant 16 : i32
    %mul3A_520 = arith.muli %sub3A_518, %mul3A_519 : i32
    %dma_start3A_521 = tpu.memref_slice %arg4[%mul3A_520] : memref<65536xf32, #tpu.memory_space<vmem>> -> memref<32768xf32, #tpu.memory_space<vmem>>
    %dma_start3A_522 = arith.constant 0 : i32
    %dma_start3A_523 = tpu.memref_slice %arg3[%add3A_516, %dma_start3A_522] : memref<2048x32768xf32, #tpu.memory_space<hbm>> -> memref<1x32768xf32, #tpu.memory_space<hbm>>
    %dma_start3A_524 = tpu.memref_squeeze %dma_start3A_523 : memref<1x32768xf32, #tpu.memory_space<hbm>> -> memref<32768xf32, #tpu.memory_space<hbm>>
    %dma_start3A_525 = arith.constant 0 : i32
    %dma_start3A_526 = tpu.memref_slice %arg3[%add3A_516, %dma_start3A_525] : memref<2048x32768xf32, #tpu.memory_space<hbm>> -> memref<1x32768xf32, #tpu.memory_space<hbm>>
    %dma_start3A_527 = tpu.memref_squeeze %dma_start3A_526 : memref<1x32768xf32, #tpu.memory_space<hbm>> -> memref<32768xf32, #tpu.memory_space<hbm>>
    %dma_start3A_528 = tpu.memref_slice %arg4[%mul3A_520] : memref<65536xf32, #tpu.memory_space<vmem>> -> memref<32768xf32, #tpu.memory_space<vmem>>
    tpu.enqueue_dma source(%dma_start3A_528 : memref<32768xf32, #tpu.memory_space<vmem>>) target(%dma_start3A_527 : memref<32768xf32, #tpu.memory_space<hbm>>) target_semaphore(%arg6 : memref<!tpu.dma_semaphore, #tpu.memory_space<semaphore_mem>>)
    %add3A_529 = arith.constant 0 : i32
    %add3A_530 = arith.addi %mul3A_466, %add3A_529 : i32
    %add3A_531 = arith.constant 4 : i32
    %add3A_532 = arith.addi %add3A_530, %add3A_531 : i32
    %sub3A_533 = arith.constant 2047 : i32
    %sub3A_534 = arith.subi %sub3A_533, %add3A_532 : i32
    %mul3A_535 = arith.constant 16 : i32
    %mul3A_536 = arith.muli %sub3A_534, %mul3A_535 : i32
    %dma_start3A_537 = tpu.memref_slice %arg4[%mul3A_536] : memref<65536xf32, #tpu.memory_space<vmem>> -> memref<32768xf32, #tpu.memory_space<vmem>>
    %dma_start3A_538 = arith.constant 0 : i32
    %dma_start3A_539 = tpu.memref_slice %arg3[%add3A_532, %dma_start3A_538] : memref<2048x32768xf32, #tpu.memory_space<hbm>> -> memref<1x32768xf32, #tpu.memory_space<hbm>>
    %dma_start3A_540 = tpu.memref_squeeze %dma_start3A_539 : memref<1x32768xf32, #tpu.memory_space<hbm>> -> memref<32768xf32, #tpu.memory_space<hbm>>
    %dma_start3A_541 = arith.constant 0 : i32
    %dma_start3A_542 = tpu.memref_slice %arg3[%add3A_532, %dma_start3A_541] : memref<2048x32768xf32, #tpu.memory_space<hbm>> -> memref<1x32768xf32, #tpu.memory_space<hbm>>
    %dma_start3A_543 = tpu.memref_squeeze %dma_start3A_542 : memref<1x32768xf32, #tpu.memory_space<hbm>> -> memref<32768xf32, #tpu.memory_space<hbm>>
    %dma_start3A_544 = tpu.memref_slice %arg4[%mul3A_536] : memref<65536xf32, #tpu.memory_space<vmem>> -> memref<32768xf32, #tpu.memory_space<vmem>>
    tpu.enqueue_dma source(%dma_start3A_544 : memref<32768xf32, #tpu.memory_space<vmem>>) target(%dma_start3A_543 : memref<32768xf32, #tpu.memory_space<hbm>>) target_semaphore(%arg6 : memref<!tpu.dma_semaphore, #tpu.memory_space<semaphore_mem>>)
    %add3A_545 = arith.constant 0 : i32
    %add3A_546 = arith.addi %mul3A_466, %add3A_545 : i32
    %add3A_547 = arith.constant 5 : i32
    %add3A_548 = arith.addi %add3A_546, %add3A_547 : i32
    %sub3A_549 = arith.constant 2047 : i32
    %sub3A_550 = arith.subi %sub3A_549, %add3A_548 : i32
    %mul3A_551 = arith.constant 16 : i32
    %mul3A_552 = arith.muli %sub3A_550, %mul3A_551 : i32
    %dma_start3A_553 = tpu.memref_slice %arg4[%mul3A_552] : memref<65536xf32, #tpu.memory_space<vmem>> -> memref<32768xf32, #tpu.memory_space<vmem>>
    %dma_start3A_554 = arith.constant 0 : i32
    %dma_start3A_555 = tpu.memref_slice %arg3[%add3A_548, %dma_start3A_554] : memref<2048x32768xf32, #tpu.memory_space<hbm>> -> memref<1x32768xf32, #tpu.memory_space<hbm>>
    %dma_start3A_556 = tpu.memref_squeeze %dma_start3A_555 : memref<1x32768xf32, #tpu.memory_space<hbm>> -> memref<32768xf32, #tpu.memory_space<hbm>>
    %dma_start3A_557 = arith.constant 0 : i32
    %dma_start3A_558 = tpu.memref_slice %arg3[%add3A_548, %dma_start3A_557] : memref<2048x32768xf32, #tpu.memory_space<hbm>> -> memref<1x32768xf32, #tpu.memory_space<hbm>>
    %dma_start3A_559 = tpu.memref_squeeze %dma_start3A_558 : memref<1x32768xf32, #tpu.memory_space<hbm>> -> memref<32768xf32, #tpu.memory_space<hbm>>
    %dma_start3A_560 = tpu.memref_slice %arg4[%mul3A_552] : memref<65536xf32, #tpu.memory_space<vmem>> -> memref<32768xf32, #tpu.memory_space<vmem>>
    tpu.enqueue_dma source(%dma_start3A_560 : memref<32768xf32, #tpu.memory_space<vmem>>) target(%dma_start3A_559 : memref<32768xf32, #tpu.memory_space<hbm>>) target_semaphore(%arg6 : memref<!tpu.dma_semaphore, #tpu.memory_space<semaphore_mem>>)
    %add3A_561 = arith.constant 0 : i32
    %add3A_562 = arith.addi %mul3A_466, %add3A_561 : i32
    %add3A_563 = arith.constant 6 : i32
    %add3A_564 = arith.addi %add3A_562, %add3A_563 : i32
    %sub3A_565 = arith.constant 2047 : i32
    %sub3A_566 = arith.subi %sub3A_565, %add3A_564 : i32
    %mul3A_567 = arith.constant 16 : i32
    %mul3A_568 = arith.muli %sub3A_566, %mul3A_567 : i32
    %dma_start3A_569 = tpu.memref_slice %arg4[%mul3A_568] : memref<65536xf32, #tpu.memory_space<vmem>> -> memref<32768xf32, #tpu.memory_space<vmem>>
    %dma_start3A_570 = arith.constant 0 : i32
    %dma_start3A_571 = tpu.memref_slice %arg3[%add3A_564, %dma_start3A_570] : memref<2048x32768xf32, #tpu.memory_space<hbm>> -> memref<1x32768xf32, #tpu.memory_space<hbm>>
    %dma_start3A_572 = tpu.memref_squeeze %dma_start3A_571 : memref<1x32768xf32, #tpu.memory_space<hbm>> -> memref<32768xf32, #tpu.memory_space<hbm>>
    %dma_start3A_573 = arith.constant 0 : i32
    %dma_start3A_574 = tpu.memref_slice %arg3[%add3A_564, %dma_start3A_573] : memref<2048x32768xf32, #tpu.memory_space<hbm>> -> memref<1x32768xf32, #tpu.memory_space<hbm>>
    %dma_start3A_575 = tpu.memref_squeeze %dma_start3A_574 : memref<1x32768xf32, #tpu.memory_space<hbm>> -> memref<32768xf32, #tpu.memory_space<hbm>>
    %dma_start3A_576 = tpu.memref_slice %arg4[%mul3A_568] : memref<65536xf32, #tpu.memory_space<vmem>> -> memref<32768xf32, #tpu.memory_space<vmem>>
    tpu.enqueue_dma source(%dma_start3A_576 : memref<32768xf32, #tpu.memory_space<vmem>>) target(%dma_start3A_575 : memref<32768xf32, #tpu.memory_space<hbm>>) target_semaphore(%arg6 : memref<!tpu.dma_semaphore, #tpu.memory_space<semaphore_mem>>)
    %add3A_577 = arith.constant 0 : i32
    %add3A_578 = arith.addi %mul3A_466, %add3A_577 : i32
    %add3A_579 = arith.constant 7 : i32
    %add3A_580 = arith.addi %add3A_578, %add3A_579 : i32
    %sub3A_581 = arith.constant 2047 : i32
    %sub3A_582 = arith.subi %sub3A_581, %add3A_580 : i32
    %mul3A_583 = arith.constant 16 : i32
    %mul3A_584 = arith.muli %sub3A_582, %mul3A_583 : i32
    %dma_start3A_585 = tpu.memref_slice %arg4[%mul3A_584] : memref<65536xf32, #tpu.memory_space<vmem>> -> memref<32768xf32, #tpu.memory_space<vmem>>
    %dma_start3A_586 = arith.constant 0 : i32
    %dma_start3A_587 = tpu.memref_slice %arg3[%add3A_580, %dma_start3A_586] : memref<2048x32768xf32, #tpu.memory_space<hbm>> -> memref<1x32768xf32, #tpu.memory_space<hbm>>
    %dma_start3A_588 = tpu.memref_squeeze %dma_start3A_587 : memref<1x32768xf32, #tpu.memory_space<hbm>> -> memref<32768xf32, #tpu.memory_space<hbm>>
    %dma_start3A_589 = arith.constant 0 : i32
    %dma_start3A_590 = tpu.memref_slice %arg3[%add3A_580, %dma_start3A_589] : memref<2048x32768xf32, #tpu.memory_space<hbm>> -> memref<1x32768xf32, #tpu.memory_space<hbm>>
    %dma_start3A_591 = tpu.memref_squeeze %dma_start3A_590 : memref<1x32768xf32, #tpu.memory_space<hbm>> -> memref<32768xf32, #tpu.memory_space<hbm>>
    %dma_start3A_592 = tpu.memref_slice %arg4[%mul3A_584] : memref<65536xf32, #tpu.memory_space<vmem>> -> memref<32768xf32, #tpu.memory_space<vmem>>
    tpu.enqueue_dma source(%dma_start3A_592 : memref<32768xf32, #tpu.memory_space<vmem>>) target(%dma_start3A_591 : memref<32768xf32, #tpu.memory_space<hbm>>) target_semaphore(%arg6 : memref<!tpu.dma_semaphore, #tpu.memory_space<semaphore_mem>>)
    %dma_wait3A = tpu.memref_slice %arg4[%mul3A_473] : memref<65536xf32, #tpu.memory_space<vmem>> -> memref<32768xf32, #tpu.memory_space<vmem>>
    %dma_wait3A_593 = arith.constant 0 : i32
    %dma_wait3A_594 = tpu.memref_slice %arg3[%add3A_470, %dma_wait3A_593] : memref<2048x32768xf32, #tpu.memory_space<hbm>> -> memref<1x32768xf32, #tpu.memory_space<hbm>>
    %dma_wait3A_595 = tpu.memref_squeeze %dma_wait3A_594 : memref<1x32768xf32, #tpu.memory_space<hbm>> -> memref<32768xf32, #tpu.memory_space<hbm>>
    %dma_wait3A_596 = arith.constant 0 : i32
    %dma_wait3A_597 = tpu.memref_slice %arg3[%add3A_470, %dma_wait3A_596] : memref<2048x32768xf32, #tpu.memory_space<hbm>> -> memref<1x32768xf32, #tpu.memory_space<hbm>>
    %dma_wait3A_598 = tpu.memref_squeeze %dma_wait3A_597 : memref<1x32768xf32, #tpu.memory_space<hbm>> -> memref<32768xf32, #tpu.memory_space<hbm>>
    %dma_wait3A_599 = tpu.memref_slice %arg4[%mul3A_473] : memref<65536xf32, #tpu.memory_space<vmem>> -> memref<32768xf32, #tpu.memory_space<vmem>>
    tpu.wait_dma2 semaphore(%arg6 : memref<!tpu.dma_semaphore, #tpu.memory_space<semaphore_mem>>) src(%dma_wait3A_599 : memref<32768xf32, #tpu.memory_space<vmem>>) dst(%dma_wait3A_598 : memref<32768xf32, #tpu.memory_space<hbm>>)
    %dma_wait3A_600 = tpu.memref_slice %arg4[%mul3A_488] : memref<65536xf32, #tpu.memory_space<vmem>> -> memref<32768xf32, #tpu.memory_space<vmem>>
    %dma_wait3A_601 = arith.constant 0 : i32
    %dma_wait3A_602 = tpu.memref_slice %arg3[%add3A_484, %dma_wait3A_601] : memref<2048x32768xf32, #tpu.memory_space<hbm>> -> memref<1x32768xf32, #tpu.memory_space<hbm>>
    %dma_wait3A_603 = tpu.memref_squeeze %dma_wait3A_602 : memref<1x32768xf32, #tpu.memory_space<hbm>> -> memref<32768xf32, #tpu.memory_space<hbm>>
    %dma_wait3A_604 = arith.constant 0 : i32
    %dma_wait3A_605 = tpu.memref_slice %arg3[%add3A_484, %dma_wait3A_604] : memref<2048x32768xf32, #tpu.memory_space<hbm>> -> memref<1x32768xf32, #tpu.memory_space<hbm>>
    %dma_wait3A_606 = tpu.memref_squeeze %dma_wait3A_605 : memref<1x32768xf32, #tpu.memory_space<hbm>> -> memref<32768xf32, #tpu.memory_space<hbm>>
    %dma_wait3A_607 = tpu.memref_slice %arg4[%mul3A_488] : memref<65536xf32, #tpu.memory_space<vmem>> -> memref<32768xf32, #tpu.memory_space<vmem>>
    tpu.wait_dma2 semaphore(%arg6 : memref<!tpu.dma_semaphore, #tpu.memory_space<semaphore_mem>>) src(%dma_wait3A_607 : memref<32768xf32, #tpu.memory_space<vmem>>) dst(%dma_wait3A_606 : memref<32768xf32, #tpu.memory_space<hbm>>)
    %dma_wait3A_608 = tpu.memref_slice %arg4[%mul3A_504] : memref<65536xf32, #tpu.memory_space<vmem>> -> memref<32768xf32, #tpu.memory_space<vmem>>
    %dma_wait3A_609 = arith.constant 0 : i32
    %dma_wait3A_610 = tpu.memref_slice %arg3[%add3A_500, %dma_wait3A_609] : memref<2048x32768xf32, #tpu.memory_space<hbm>> -> memref<1x32768xf32, #tpu.memory_space<hbm>>
    %dma_wait3A_611 = tpu.memref_squeeze %dma_wait3A_610 : memref<1x32768xf32, #tpu.memory_space<hbm>> -> memref<32768xf32, #tpu.memory_space<hbm>>
    %dma_wait3A_612 = arith.constant 0 : i32
    %dma_wait3A_613 = tpu.memref_slice %arg3[%add3A_500, %dma_wait3A_612] : memref<2048x32768xf32, #tpu.memory_space<hbm>> -> memref<1x32768xf32, #tpu.memory_space<hbm>>
    %dma_wait3A_614 = tpu.memref_squeeze %dma_wait3A_613 : memref<1x32768xf32, #tpu.memory_space<hbm>> -> memref<32768xf32, #tpu.memory_space<hbm>>
    %dma_wait3A_615 = tpu.memref_slice %arg4[%mul3A_504] : memref<65536xf32, #tpu.memory_space<vmem>> -> memref<32768xf32, #tpu.memory_space<vmem>>
    tpu.wait_dma2 semaphore(%arg6 : memref<!tpu.dma_semaphore, #tpu.memory_space<semaphore_mem>>) src(%dma_wait3A_615 : memref<32768xf32, #tpu.memory_space<vmem>>) dst(%dma_wait3A_614 : memref<32768xf32, #tpu.memory_space<hbm>>)
    %dma_wait3A_616 = tpu.memref_slice %arg4[%mul3A_520] : memref<65536xf32, #tpu.memory_space<vmem>> -> memref<32768xf32, #tpu.memory_space<vmem>>
    %dma_wait3A_617 = arith.constant 0 : i32
    %dma_wait3A_618 = tpu.memref_slice %arg3[%add3A_516, %dma_wait3A_617] : memref<2048x32768xf32, #tpu.memory_space<hbm>> -> memref<1x32768xf32, #tpu.memory_space<hbm>>
    %dma_wait3A_619 = tpu.memref_squeeze %dma_wait3A_618 : memref<1x32768xf32, #tpu.memory_space<hbm>> -> memref<32768xf32, #tpu.memory_space<hbm>>
    %dma_wait3A_620 = arith.constant 0 : i32
    %dma_wait3A_621 = tpu.memref_slice %arg3[%add3A_516, %dma_wait3A_620] : memref<2048x32768xf32, #tpu.memory_space<hbm>> -> memref<1x32768xf32, #tpu.memory_space<hbm>>
    %dma_wait3A_622 = tpu.memref_squeeze %dma_wait3A_621 : memref<1x32768xf32, #tpu.memory_space<hbm>> -> memref<32768xf32, #tpu.memory_space<hbm>>
    %dma_wait3A_623 = tpu.memref_slice %arg4[%mul3A_520] : memref<65536xf32, #tpu.memory_space<vmem>> -> memref<32768xf32, #tpu.memory_space<vmem>>
    tpu.wait_dma2 semaphore(%arg6 : memref<!tpu.dma_semaphore, #tpu.memory_space<semaphore_mem>>) src(%dma_wait3A_623 : memref<32768xf32, #tpu.memory_space<vmem>>) dst(%dma_wait3A_622 : memref<32768xf32, #tpu.memory_space<hbm>>)
    %dma_wait3A_624 = tpu.memref_slice %arg4[%mul3A_536] : memref<65536xf32, #tpu.memory_space<vmem>> -> memref<32768xf32, #tpu.memory_space<vmem>>
    %dma_wait3A_625 = arith.constant 0 : i32
    %dma_wait3A_626 = tpu.memref_slice %arg3[%add3A_532, %dma_wait3A_625] : memref<2048x32768xf32, #tpu.memory_space<hbm>> -> memref<1x32768xf32, #tpu.memory_space<hbm>>
    %dma_wait3A_627 = tpu.memref_squeeze %dma_wait3A_626 : memref<1x32768xf32, #tpu.memory_space<hbm>> -> memref<32768xf32, #tpu.memory_space<hbm>>
    %dma_wait3A_628 = arith.constant 0 : i32
    %dma_wait3A_629 = tpu.memref_slice %arg3[%add3A_532, %dma_wait3A_628] : memref<2048x32768xf32, #tpu.memory_space<hbm>> -> memref<1x32768xf32, #tpu.memory_space<hbm>>
    %dma_wait3A_630 = tpu.memref_squeeze %dma_wait3A_629 : memref<1x32768xf32, #tpu.memory_space<hbm>> -> memref<32768xf32, #tpu.memory_space<hbm>>
    %dma_wait3A_631 = tpu.memref_slice %arg4[%mul3A_536] : memref<65536xf32, #tpu.memory_space<vmem>> -> memref<32768xf32, #tpu.memory_space<vmem>>
    tpu.wait_dma2 semaphore(%arg6 : memref<!tpu.dma_semaphore, #tpu.memory_space<semaphore_mem>>) src(%dma_wait3A_631 : memref<32768xf32, #tpu.memory_space<vmem>>) dst(%dma_wait3A_630 : memref<32768xf32, #tpu.memory_space<hbm>>)
    %dma_wait3A_632 = tpu.memref_slice %arg4[%mul3A_552] : memref<65536xf32, #tpu.memory_space<vmem>> -> memref<32768xf32, #tpu.memory_space<vmem>>
    %dma_wait3A_633 = arith.constant 0 : i32
    %dma_wait3A_634 = tpu.memref_slice %arg3[%add3A_548, %dma_wait3A_633] : memref<2048x32768xf32, #tpu.memory_space<hbm>> -> memref<1x32768xf32, #tpu.memory_space<hbm>>
    %dma_wait3A_635 = tpu.memref_squeeze %dma_wait3A_634 : memref<1x32768xf32, #tpu.memory_space<hbm>> -> memref<32768xf32, #tpu.memory_space<hbm>>
    %dma_wait3A_636 = arith.constant 0 : i32
    %dma_wait3A_637 = tpu.memref_slice %arg3[%add3A_548, %dma_wait3A_636] : memref<2048x32768xf32, #tpu.memory_space<hbm>> -> memref<1x32768xf32, #tpu.memory_space<hbm>>
    %dma_wait3A_638 = tpu.memref_squeeze %dma_wait3A_637 : memref<1x32768xf32, #tpu.memory_space<hbm>> -> memref<32768xf32, #tpu.memory_space<hbm>>
    %dma_wait3A_639 = tpu.memref_slice %arg4[%mul3A_552] : memref<65536xf32, #tpu.memory_space<vmem>> -> memref<32768xf32, #tpu.memory_space<vmem>>
    tpu.wait_dma2 semaphore(%arg6 : memref<!tpu.dma_semaphore, #tpu.memory_space<semaphore_mem>>) src(%dma_wait3A_639 : memref<32768xf32, #tpu.memory_space<vmem>>) dst(%dma_wait3A_638 : memref<32768xf32, #tpu.memory_space<hbm>>)
    %dma_wait3A_640 = tpu.memref_slice %arg4[%mul3A_568] : memref<65536xf32, #tpu.memory_space<vmem>> -> memref<32768xf32, #tpu.memory_space<vmem>>
    %dma_wait3A_641 = arith.constant 0 : i32
    %dma_wait3A_642 = tpu.memref_slice %arg3[%add3A_564, %dma_wait3A_641] : memref<2048x32768xf32, #tpu.memory_space<hbm>> -> memref<1x32768xf32, #tpu.memory_space<hbm>>
    %dma_wait3A_643 = tpu.memref_squeeze %dma_wait3A_642 : memref<1x32768xf32, #tpu.memory_space<hbm>> -> memref<32768xf32, #tpu.memory_space<hbm>>
    %dma_wait3A_644 = arith.constant 0 : i32
    %dma_wait3A_645 = tpu.memref_slice %arg3[%add3A_564, %dma_wait3A_644] : memref<2048x32768xf32, #tpu.memory_space<hbm>> -> memref<1x32768xf32, #tpu.memory_space<hbm>>
    %dma_wait3A_646 = tpu.memref_squeeze %dma_wait3A_645 : memref<1x32768xf32, #tpu.memory_space<hbm>> -> memref<32768xf32, #tpu.memory_space<hbm>>
    %dma_wait3A_647 = tpu.memref_slice %arg4[%mul3A_568] : memref<65536xf32, #tpu.memory_space<vmem>> -> memref<32768xf32, #tpu.memory_space<vmem>>
    tpu.wait_dma2 semaphore(%arg6 : memref<!tpu.dma_semaphore, #tpu.memory_space<semaphore_mem>>) src(%dma_wait3A_647 : memref<32768xf32, #tpu.memory_space<vmem>>) dst(%dma_wait3A_646 : memref<32768xf32, #tpu.memory_space<hbm>>)
    %dma_wait3A_648 = tpu.memref_slice %arg4[%mul3A_584] : memref<65536xf32, #tpu.memory_space<vmem>> -> memref<32768xf32, #tpu.memory_space<vmem>>
    %dma_wait3A_649 = arith.constant 0 : i32
    %dma_wait3A_650 = tpu.memref_slice %arg3[%add3A_580, %dma_wait3A_649] : memref<2048x32768xf32, #tpu.memory_space<hbm>> -> memref<1x32768xf32, #tpu.memory_space<hbm>>
    %dma_wait3A_651 = tpu.memref_squeeze %dma_wait3A_650 : memref<1x32768xf32, #tpu.memory_space<hbm>> -> memref<32768xf32, #tpu.memory_space<hbm>>
    %dma_wait3A_652 = arith.constant 0 : i32
    %dma_wait3A_653 = tpu.memref_slice %arg3[%add3A_580, %dma_wait3A_652] : memref<2048x32768xf32, #tpu.memory_space<hbm>> -> memref<1x32768xf32, #tpu.memory_space<hbm>>
    %dma_wait3A_654 = tpu.memref_squeeze %dma_wait3A_653 : memref<1x32768xf32, #tpu.memory_space<hbm>> -> memref<32768xf32, #tpu.memory_space<hbm>>
    %dma_wait3A_655 = tpu.memref_slice %arg4[%mul3A_584] : memref<65536xf32, #tpu.memory_space<vmem>> -> memref<32768xf32, #tpu.memory_space<vmem>>
    tpu.wait_dma2 semaphore(%arg6 : memref<!tpu.dma_semaphore, #tpu.memory_space<semaphore_mem>>) src(%dma_wait3A_655 : memref<32768xf32, #tpu.memory_space<vmem>>) dst(%dma_wait3A_654 : memref<32768xf32, #tpu.memory_space<hbm>>)
    %add3A_656 = arith.constant 8 : i32
    %add3A_657 = arith.addi %mul3A_466, %add3A_656 : i32
    %add3A_658 = arith.constant 0 : i32
    %add3A_659 = arith.addi %add3A_657, %add3A_658 : i32
    %sub3A_660 = arith.constant 2047 : i32
    %sub3A_661 = arith.subi %sub3A_660, %add3A_659 : i32
    %mul3A_662 = arith.constant 16 : i32
    %mul3A_663 = arith.muli %sub3A_661, %mul3A_662 : i32
    %dma_start3A_664 = tpu.memref_slice %arg4[%mul3A_663] : memref<65536xf32, #tpu.memory_space<vmem>> -> memref<32768xf32, #tpu.memory_space<vmem>>
    %dma_start3A_665 = arith.constant 0 : i32
    %dma_start3A_666 = tpu.memref_slice %arg3[%add3A_659, %dma_start3A_665] : memref<2048x32768xf32, #tpu.memory_space<hbm>> -> memref<1x32768xf32, #tpu.memory_space<hbm>>
    %dma_start3A_667 = tpu.memref_squeeze %dma_start3A_666 : memref<1x32768xf32, #tpu.memory_space<hbm>> -> memref<32768xf32, #tpu.memory_space<hbm>>
    %dma_start3A_668 = arith.constant 0 : i32
    %dma_start3A_669 = tpu.memref_slice %arg3[%add3A_659, %dma_start3A_668] : memref<2048x32768xf32, #tpu.memory_space<hbm>> -> memref<1x32768xf32, #tpu.memory_space<hbm>>
    %dma_start3A_670 = tpu.memref_squeeze %dma_start3A_669 : memref<1x32768xf32, #tpu.memory_space<hbm>> -> memref<32768xf32, #tpu.memory_space<hbm>>
    %dma_start3A_671 = tpu.memref_slice %arg4[%mul3A_663] : memref<65536xf32, #tpu.memory_space<vmem>> -> memref<32768xf32, #tpu.memory_space<vmem>>
    tpu.enqueue_dma source(%dma_start3A_671 : memref<32768xf32, #tpu.memory_space<vmem>>) target(%dma_start3A_670 : memref<32768xf32, #tpu.memory_space<hbm>>) target_semaphore(%arg6 : memref<!tpu.dma_semaphore, #tpu.memory_space<semaphore_mem>>)
    %add3A_672 = arith.constant 8 : i32
    %add3A_673 = arith.addi %mul3A_466, %add3A_672 : i32
    %add3A_674 = arith.constant 1 : i32
    %add3A_675 = arith.addi %add3A_673, %add3A_674 : i32
    %sub3A_676 = arith.constant 2047 : i32
    %sub3A_677 = arith.subi %sub3A_676, %add3A_675 : i32
    %mul3A_678 = arith.constant 16 : i32
    %mul3A_679 = arith.muli %sub3A_677, %mul3A_678 : i32
    %dma_start3A_680 = tpu.memref_slice %arg4[%mul3A_679] : memref<65536xf32, #tpu.memory_space<vmem>> -> memref<32768xf32, #tpu.memory_space<vmem>>
    %dma_start3A_681 = arith.constant 0 : i32
    %dma_start3A_682 = tpu.memref_slice %arg3[%add3A_675, %dma_start3A_681] : memref<2048x32768xf32, #tpu.memory_space<hbm>> -> memref<1x32768xf32, #tpu.memory_space<hbm>>
    %dma_start3A_683 = tpu.memref_squeeze %dma_start3A_682 : memref<1x32768xf32, #tpu.memory_space<hbm>> -> memref<32768xf32, #tpu.memory_space<hbm>>
    %dma_start3A_684 = arith.constant 0 : i32
    %dma_start3A_685 = tpu.memref_slice %arg3[%add3A_675, %dma_start3A_684] : memref<2048x32768xf32, #tpu.memory_space<hbm>> -> memref<1x32768xf32, #tpu.memory_space<hbm>>
    %dma_start3A_686 = tpu.memref_squeeze %dma_start3A_685 : memref<1x32768xf32, #tpu.memory_space<hbm>> -> memref<32768xf32, #tpu.memory_space<hbm>>
    %dma_start3A_687 = tpu.memref_slice %arg4[%mul3A_679] : memref<65536xf32, #tpu.memory_space<vmem>> -> memref<32768xf32, #tpu.memory_space<vmem>>
    tpu.enqueue_dma source(%dma_start3A_687 : memref<32768xf32, #tpu.memory_space<vmem>>) target(%dma_start3A_686 : memref<32768xf32, #tpu.memory_space<hbm>>) target_semaphore(%arg6 : memref<!tpu.dma_semaphore, #tpu.memory_space<semaphore_mem>>)
    %add3A_688 = arith.constant 8 : i32
    %add3A_689 = arith.addi %mul3A_466, %add3A_688 : i32
    %add3A_690 = arith.constant 2 : i32
    %add3A_691 = arith.addi %add3A_689, %add3A_690 : i32
    %sub3A_692 = arith.constant 2047 : i32
    %sub3A_693 = arith.subi %sub3A_692, %add3A_691 : i32
    %mul3A_694 = arith.constant 16 : i32
    %mul3A_695 = arith.muli %sub3A_693, %mul3A_694 : i32
    %dma_start3A_696 = tpu.memref_slice %arg4[%mul3A_695] : memref<65536xf32, #tpu.memory_space<vmem>> -> memref<32768xf32, #tpu.memory_space<vmem>>
    %dma_start3A_697 = arith.constant 0 : i32
    %dma_start3A_698 = tpu.memref_slice %arg3[%add3A_691, %dma_start3A_697] : memref<2048x32768xf32, #tpu.memory_space<hbm>> -> memref<1x32768xf32, #tpu.memory_space<hbm>>
    %dma_start3A_699 = tpu.memref_squeeze %dma_start3A_698 : memref<1x32768xf32, #tpu.memory_space<hbm>> -> memref<32768xf32, #tpu.memory_space<hbm>>
    %dma_start3A_700 = arith.constant 0 : i32
    %dma_start3A_701 = tpu.memref_slice %arg3[%add3A_691, %dma_start3A_700] : memref<2048x32768xf32, #tpu.memory_space<hbm>> -> memref<1x32768xf32, #tpu.memory_space<hbm>>
    %dma_start3A_702 = tpu.memref_squeeze %dma_start3A_701 : memref<1x32768xf32, #tpu.memory_space<hbm>> -> memref<32768xf32, #tpu.memory_space<hbm>>
    %dma_start3A_703 = tpu.memref_slice %arg4[%mul3A_695] : memref<65536xf32, #tpu.memory_space<vmem>> -> memref<32768xf32, #tpu.memory_space<vmem>>
    tpu.enqueue_dma source(%dma_start3A_703 : memref<32768xf32, #tpu.memory_space<vmem>>) target(%dma_start3A_702 : memref<32768xf32, #tpu.memory_space<hbm>>) target_semaphore(%arg6 : memref<!tpu.dma_semaphore, #tpu.memory_space<semaphore_mem>>)
    %add3A_704 = arith.constant 8 : i32
    %add3A_705 = arith.addi %mul3A_466, %add3A_704 : i32
    %add3A_706 = arith.constant 3 : i32
    %add3A_707 = arith.addi %add3A_705, %add3A_706 : i32
    %sub3A_708 = arith.constant 2047 : i32
    %sub3A_709 = arith.subi %sub3A_708, %add3A_707 : i32
    %mul3A_710 = arith.constant 16 : i32
    %mul3A_711 = arith.muli %sub3A_709, %mul3A_710 : i32
    %dma_start3A_712 = tpu.memref_slice %arg4[%mul3A_711] : memref<65536xf32, #tpu.memory_space<vmem>> -> memref<32768xf32, #tpu.memory_space<vmem>>
    %dma_start3A_713 = arith.constant 0 : i32
    %dma_start3A_714 = tpu.memref_slice %arg3[%add3A_707, %dma_start3A_713] : memref<2048x32768xf32, #tpu.memory_space<hbm>> -> memref<1x32768xf32, #tpu.memory_space<hbm>>
    %dma_start3A_715 = tpu.memref_squeeze %dma_start3A_714 : memref<1x32768xf32, #tpu.memory_space<hbm>> -> memref<32768xf32, #tpu.memory_space<hbm>>
    %dma_start3A_716 = arith.constant 0 : i32
    %dma_start3A_717 = tpu.memref_slice %arg3[%add3A_707, %dma_start3A_716] : memref<2048x32768xf32, #tpu.memory_space<hbm>> -> memref<1x32768xf32, #tpu.memory_space<hbm>>
    %dma_start3A_718 = tpu.memref_squeeze %dma_start3A_717 : memref<1x32768xf32, #tpu.memory_space<hbm>> -> memref<32768xf32, #tpu.memory_space<hbm>>
    %dma_start3A_719 = tpu.memref_slice %arg4[%mul3A_711] : memref<65536xf32, #tpu.memory_space<vmem>> -> memref<32768xf32, #tpu.memory_space<vmem>>
    tpu.enqueue_dma source(%dma_start3A_719 : memref<32768xf32, #tpu.memory_space<vmem>>) target(%dma_start3A_718 : memref<32768xf32, #tpu.memory_space<hbm>>) target_semaphore(%arg6 : memref<!tpu.dma_semaphore, #tpu.memory_space<semaphore_mem>>)
    %add3A_720 = arith.constant 8 : i32
    %add3A_721 = arith.addi %mul3A_466, %add3A_720 : i32
    %add3A_722 = arith.constant 4 : i32
    %add3A_723 = arith.addi %add3A_721, %add3A_722 : i32
    %sub3A_724 = arith.constant 2047 : i32
    %sub3A_725 = arith.subi %sub3A_724, %add3A_723 : i32
    %mul3A_726 = arith.constant 16 : i32
    %mul3A_727 = arith.muli %sub3A_725, %mul3A_726 : i32
    %dma_start3A_728 = tpu.memref_slice %arg4[%mul3A_727] : memref<65536xf32, #tpu.memory_space<vmem>> -> memref<32768xf32, #tpu.memory_space<vmem>>
    %dma_start3A_729 = arith.constant 0 : i32
    %dma_start3A_730 = tpu.memref_slice %arg3[%add3A_723, %dma_start3A_729] : memref<2048x32768xf32, #tpu.memory_space<hbm>> -> memref<1x32768xf32, #tpu.memory_space<hbm>>
    %dma_start3A_731 = tpu.memref_squeeze %dma_start3A_730 : memref<1x32768xf32, #tpu.memory_space<hbm>> -> memref<32768xf32, #tpu.memory_space<hbm>>
    %dma_start3A_732 = arith.constant 0 : i32
    %dma_start3A_733 = tpu.memref_slice %arg3[%add3A_723, %dma_start3A_732] : memref<2048x32768xf32, #tpu.memory_space<hbm>> -> memref<1x32768xf32, #tpu.memory_space<hbm>>
    %dma_start3A_734 = tpu.memref_squeeze %dma_start3A_733 : memref<1x32768xf32, #tpu.memory_space<hbm>> -> memref<32768xf32, #tpu.memory_space<hbm>>
    %dma_start3A_735 = tpu.memref_slice %arg4[%mul3A_727] : memref<65536xf32, #tpu.memory_space<vmem>> -> memref<32768xf32, #tpu.memory_space<vmem>>
    tpu.enqueue_dma source(%dma_start3A_735 : memref<32768xf32, #tpu.memory_space<vmem>>) target(%dma_start3A_734 : memref<32768xf32, #tpu.memory_space<hbm>>) target_semaphore(%arg6 : memref<!tpu.dma_semaphore, #tpu.memory_space<semaphore_mem>>)
    %add3A_736 = arith.constant 8 : i32
    %add3A_737 = arith.addi %mul3A_466, %add3A_736 : i32
    %add3A_738 = arith.constant 5 : i32
    %add3A_739 = arith.addi %add3A_737, %add3A_738 : i32
    %sub3A_740 = arith.constant 2047 : i32
    %sub3A_741 = arith.subi %sub3A_740, %add3A_739 : i32
    %mul3A_742 = arith.constant 16 : i32
    %mul3A_743 = arith.muli %sub3A_741, %mul3A_742 : i32
    %dma_start3A_744 = tpu.memref_slice %arg4[%mul3A_743] : memref<65536xf32, #tpu.memory_space<vmem>> -> memref<32768xf32, #tpu.memory_space<vmem>>
    %dma_start3A_745 = arith.constant 0 : i32
    %dma_start3A_746 = tpu.memref_slice %arg3[%add3A_739, %dma_start3A_745] : memref<2048x32768xf32, #tpu.memory_space<hbm>> -> memref<1x32768xf32, #tpu.memory_space<hbm>>
    %dma_start3A_747 = tpu.memref_squeeze %dma_start3A_746 : memref<1x32768xf32, #tpu.memory_space<hbm>> -> memref<32768xf32, #tpu.memory_space<hbm>>
    %dma_start3A_748 = arith.constant 0 : i32
    %dma_start3A_749 = tpu.memref_slice %arg3[%add3A_739, %dma_start3A_748] : memref<2048x32768xf32, #tpu.memory_space<hbm>> -> memref<1x32768xf32, #tpu.memory_space<hbm>>
    %dma_start3A_750 = tpu.memref_squeeze %dma_start3A_749 : memref<1x32768xf32, #tpu.memory_space<hbm>> -> memref<32768xf32, #tpu.memory_space<hbm>>
    %dma_start3A_751 = tpu.memref_slice %arg4[%mul3A_743] : memref<65536xf32, #tpu.memory_space<vmem>> -> memref<32768xf32, #tpu.memory_space<vmem>>
    tpu.enqueue_dma source(%dma_start3A_751 : memref<32768xf32, #tpu.memory_space<vmem>>) target(%dma_start3A_750 : memref<32768xf32, #tpu.memory_space<hbm>>) target_semaphore(%arg6 : memref<!tpu.dma_semaphore, #tpu.memory_space<semaphore_mem>>)
    %add3A_752 = arith.constant 8 : i32
    %add3A_753 = arith.addi %mul3A_466, %add3A_752 : i32
    %add3A_754 = arith.constant 6 : i32
    %add3A_755 = arith.addi %add3A_753, %add3A_754 : i32
    %sub3A_756 = arith.constant 2047 : i32
    %sub3A_757 = arith.subi %sub3A_756, %add3A_755 : i32
    %mul3A_758 = arith.constant 16 : i32
    %mul3A_759 = arith.muli %sub3A_757, %mul3A_758 : i32
    %dma_start3A_760 = tpu.memref_slice %arg4[%mul3A_759] : memref<65536xf32, #tpu.memory_space<vmem>> -> memref<32768xf32, #tpu.memory_space<vmem>>
    %dma_start3A_761 = arith.constant 0 : i32
    %dma_start3A_762 = tpu.memref_slice %arg3[%add3A_755, %dma_start3A_761] : memref<2048x32768xf32, #tpu.memory_space<hbm>> -> memref<1x32768xf32, #tpu.memory_space<hbm>>
    %dma_start3A_763 = tpu.memref_squeeze %dma_start3A_762 : memref<1x32768xf32, #tpu.memory_space<hbm>> -> memref<32768xf32, #tpu.memory_space<hbm>>
    %dma_start3A_764 = arith.constant 0 : i32
    %dma_start3A_765 = tpu.memref_slice %arg3[%add3A_755, %dma_start3A_764] : memref<2048x32768xf32, #tpu.memory_space<hbm>> -> memref<1x32768xf32, #tpu.memory_space<hbm>>
    %dma_start3A_766 = tpu.memref_squeeze %dma_start3A_765 : memref<1x32768xf32, #tpu.memory_space<hbm>> -> memref<32768xf32, #tpu.memory_space<hbm>>
    %dma_start3A_767 = tpu.memref_slice %arg4[%mul3A_759] : memref<65536xf32, #tpu.memory_space<vmem>> -> memref<32768xf32, #tpu.memory_space<vmem>>
    tpu.enqueue_dma source(%dma_start3A_767 : memref<32768xf32, #tpu.memory_space<vmem>>) target(%dma_start3A_766 : memref<32768xf32, #tpu.memory_space<hbm>>) target_semaphore(%arg6 : memref<!tpu.dma_semaphore, #tpu.memory_space<semaphore_mem>>)
    %add3A_768 = arith.constant 8 : i32
    %add3A_769 = arith.addi %mul3A_466, %add3A_768 : i32
    %add3A_770 = arith.constant 7 : i32
    %add3A_771 = arith.addi %add3A_769, %add3A_770 : i32
    %sub3A_772 = arith.constant 2047 : i32
    %sub3A_773 = arith.subi %sub3A_772, %add3A_771 : i32
    %mul3A_774 = arith.constant 16 : i32
    %mul3A_775 = arith.muli %sub3A_773, %mul3A_774 : i32
    %dma_start3A_776 = tpu.memref_slice %arg4[%mul3A_775] : memref<65536xf32, #tpu.memory_space<vmem>> -> memref<32768xf32, #tpu.memory_space<vmem>>
    %dma_start3A_777 = arith.constant 0 : i32
    %dma_start3A_778 = tpu.memref_slice %arg3[%add3A_771, %dma_start3A_777] : memref<2048x32768xf32, #tpu.memory_space<hbm>> -> memref<1x32768xf32, #tpu.memory_space<hbm>>
    %dma_start3A_779 = tpu.memref_squeeze %dma_start3A_778 : memref<1x32768xf32, #tpu.memory_space<hbm>> -> memref<32768xf32, #tpu.memory_space<hbm>>
    %dma_start3A_780 = arith.constant 0 : i32
    %dma_start3A_781 = tpu.memref_slice %arg3[%add3A_771, %dma_start3A_780] : memref<2048x32768xf32, #tpu.memory_space<hbm>> -> memref<1x32768xf32, #tpu.memory_space<hbm>>
    %dma_start3A_782 = tpu.memref_squeeze %dma_start3A_781 : memref<1x32768xf32, #tpu.memory_space<hbm>> -> memref<32768xf32, #tpu.memory_space<hbm>>
    %dma_start3A_783 = tpu.memref_slice %arg4[%mul3A_775] : memref<65536xf32, #tpu.memory_space<vmem>> -> memref<32768xf32, #tpu.memory_space<vmem>>
    tpu.enqueue_dma source(%dma_start3A_783 : memref<32768xf32, #tpu.memory_space<vmem>>) target(%dma_start3A_782 : memref<32768xf32, #tpu.memory_space<hbm>>) target_semaphore(%arg6 : memref<!tpu.dma_semaphore, #tpu.memory_space<semaphore_mem>>)
    %dma_wait3A_784 = tpu.memref_slice %arg4[%mul3A_663] : memref<65536xf32, #tpu.memory_space<vmem>> -> memref<32768xf32, #tpu.memory_space<vmem>>
    %dma_wait3A_785 = arith.constant 0 : i32
    %dma_wait3A_786 = tpu.memref_slice %arg3[%add3A_659, %dma_wait3A_785] : memref<2048x32768xf32, #tpu.memory_space<hbm>> -> memref<1x32768xf32, #tpu.memory_space<hbm>>
    %dma_wait3A_787 = tpu.memref_squeeze %dma_wait3A_786 : memref<1x32768xf32, #tpu.memory_space<hbm>> -> memref<32768xf32, #tpu.memory_space<hbm>>
    %dma_wait3A_788 = arith.constant 0 : i32
    %dma_wait3A_789 = tpu.memref_slice %arg3[%add3A_659, %dma_wait3A_788] : memref<2048x32768xf32, #tpu.memory_space<hbm>> -> memref<1x32768xf32, #tpu.memory_space<hbm>>
    %dma_wait3A_790 = tpu.memref_squeeze %dma_wait3A_789 : memref<1x32768xf32, #tpu.memory_space<hbm>> -> memref<32768xf32, #tpu.memory_space<hbm>>
    %dma_wait3A_791 = tpu.memref_slice %arg4[%mul3A_663] : memref<65536xf32, #tpu.memory_space<vmem>> -> memref<32768xf32, #tpu.memory_space<vmem>>
    tpu.wait_dma2 semaphore(%arg6 : memref<!tpu.dma_semaphore, #tpu.memory_space<semaphore_mem>>) src(%dma_wait3A_791 : memref<32768xf32, #tpu.memory_space<vmem>>) dst(%dma_wait3A_790 : memref<32768xf32, #tpu.memory_space<hbm>>)
    %dma_wait3A_792 = tpu.memref_slice %arg4[%mul3A_679] : memref<65536xf32, #tpu.memory_space<vmem>> -> memref<32768xf32, #tpu.memory_space<vmem>>
    %dma_wait3A_793 = arith.constant 0 : i32
    %dma_wait3A_794 = tpu.memref_slice %arg3[%add3A_675, %dma_wait3A_793] : memref<2048x32768xf32, #tpu.memory_space<hbm>> -> memref<1x32768xf32, #tpu.memory_space<hbm>>
    %dma_wait3A_795 = tpu.memref_squeeze %dma_wait3A_794 : memref<1x32768xf32, #tpu.memory_space<hbm>> -> memref<32768xf32, #tpu.memory_space<hbm>>
    %dma_wait3A_796 = arith.constant 0 : i32
    %dma_wait3A_797 = tpu.memref_slice %arg3[%add3A_675, %dma_wait3A_796] : memref<2048x32768xf32, #tpu.memory_space<hbm>> -> memref<1x32768xf32, #tpu.memory_space<hbm>>
    %dma_wait3A_798 = tpu.memref_squeeze %dma_wait3A_797 : memref<1x32768xf32, #tpu.memory_space<hbm>> -> memref<32768xf32, #tpu.memory_space<hbm>>
    %dma_wait3A_799 = tpu.memref_slice %arg4[%mul3A_679] : memref<65536xf32, #tpu.memory_space<vmem>> -> memref<32768xf32, #tpu.memory_space<vmem>>
    tpu.wait_dma2 semaphore(%arg6 : memref<!tpu.dma_semaphore, #tpu.memory_space<semaphore_mem>>) src(%dma_wait3A_799 : memref<32768xf32, #tpu.memory_space<vmem>>) dst(%dma_wait3A_798 : memref<32768xf32, #tpu.memory_space<hbm>>)
    %dma_wait3A_800 = tpu.memref_slice %arg4[%mul3A_695] : memref<65536xf32, #tpu.memory_space<vmem>> -> memref<32768xf32, #tpu.memory_space<vmem>>
    %dma_wait3A_801 = arith.constant 0 : i32
    %dma_wait3A_802 = tpu.memref_slice %arg3[%add3A_691, %dma_wait3A_801] : memref<2048x32768xf32, #tpu.memory_space<hbm>> -> memref<1x32768xf32, #tpu.memory_space<hbm>>
    %dma_wait3A_803 = tpu.memref_squeeze %dma_wait3A_802 : memref<1x32768xf32, #tpu.memory_space<hbm>> -> memref<32768xf32, #tpu.memory_space<hbm>>
    %dma_wait3A_804 = arith.constant 0 : i32
    %dma_wait3A_805 = tpu.memref_slice %arg3[%add3A_691, %dma_wait3A_804] : memref<2048x32768xf32, #tpu.memory_space<hbm>> -> memref<1x32768xf32, #tpu.memory_space<hbm>>
    %dma_wait3A_806 = tpu.memref_squeeze %dma_wait3A_805 : memref<1x32768xf32, #tpu.memory_space<hbm>> -> memref<32768xf32, #tpu.memory_space<hbm>>
    %dma_wait3A_807 = tpu.memref_slice %arg4[%mul3A_695] : memref<65536xf32, #tpu.memory_space<vmem>> -> memref<32768xf32, #tpu.memory_space<vmem>>
    tpu.wait_dma2 semaphore(%arg6 : memref<!tpu.dma_semaphore, #tpu.memory_space<semaphore_mem>>) src(%dma_wait3A_807 : memref<32768xf32, #tpu.memory_space<vmem>>) dst(%dma_wait3A_806 : memref<32768xf32, #tpu.memory_space<hbm>>)
    %dma_wait3A_808 = tpu.memref_slice %arg4[%mul3A_711] : memref<65536xf32, #tpu.memory_space<vmem>> -> memref<32768xf32, #tpu.memory_space<vmem>>
    %dma_wait3A_809 = arith.constant 0 : i32
    %dma_wait3A_810 = tpu.memref_slice %arg3[%add3A_707, %dma_wait3A_809] : memref<2048x32768xf32, #tpu.memory_space<hbm>> -> memref<1x32768xf32, #tpu.memory_space<hbm>>
    %dma_wait3A_811 = tpu.memref_squeeze %dma_wait3A_810 : memref<1x32768xf32, #tpu.memory_space<hbm>> -> memref<32768xf32, #tpu.memory_space<hbm>>
    %dma_wait3A_812 = arith.constant 0 : i32
    %dma_wait3A_813 = tpu.memref_slice %arg3[%add3A_707, %dma_wait3A_812] : memref<2048x32768xf32, #tpu.memory_space<hbm>> -> memref<1x32768xf32, #tpu.memory_space<hbm>>
    %dma_wait3A_814 = tpu.memref_squeeze %dma_wait3A_813 : memref<1x32768xf32, #tpu.memory_space<hbm>> -> memref<32768xf32, #tpu.memory_space<hbm>>
    %dma_wait3A_815 = tpu.memref_slice %arg4[%mul3A_711] : memref<65536xf32, #tpu.memory_space<vmem>> -> memref<32768xf32, #tpu.memory_space<vmem>>
    tpu.wait_dma2 semaphore(%arg6 : memref<!tpu.dma_semaphore, #tpu.memory_space<semaphore_mem>>) src(%dma_wait3A_815 : memref<32768xf32, #tpu.memory_space<vmem>>) dst(%dma_wait3A_814 : memref<32768xf32, #tpu.memory_space<hbm>>)
    %dma_wait3A_816 = tpu.memref_slice %arg4[%mul3A_727] : memref<65536xf32, #tpu.memory_space<vmem>> -> memref<32768xf32, #tpu.memory_space<vmem>>
    %dma_wait3A_817 = arith.constant 0 : i32
    %dma_wait3A_818 = tpu.memref_slice %arg3[%add3A_723, %dma_wait3A_817] : memref<2048x32768xf32, #tpu.memory_space<hbm>> -> memref<1x32768xf32, #tpu.memory_space<hbm>>
    %dma_wait3A_819 = tpu.memref_squeeze %dma_wait3A_818 : memref<1x32768xf32, #tpu.memory_space<hbm>> -> memref<32768xf32, #tpu.memory_space<hbm>>
    %dma_wait3A_820 = arith.constant 0 : i32
    %dma_wait3A_821 = tpu.memref_slice %arg3[%add3A_723, %dma_wait3A_820] : memref<2048x32768xf32, #tpu.memory_space<hbm>> -> memref<1x32768xf32, #tpu.memory_space<hbm>>
    %dma_wait3A_822 = tpu.memref_squeeze %dma_wait3A_821 : memref<1x32768xf32, #tpu.memory_space<hbm>> -> memref<32768xf32, #tpu.memory_space<hbm>>
    %dma_wait3A_823 = tpu.memref_slice %arg4[%mul3A_727] : memref<65536xf32, #tpu.memory_space<vmem>> -> memref<32768xf32, #tpu.memory_space<vmem>>
    tpu.wait_dma2 semaphore(%arg6 : memref<!tpu.dma_semaphore, #tpu.memory_space<semaphore_mem>>) src(%dma_wait3A_823 : memref<32768xf32, #tpu.memory_space<vmem>>) dst(%dma_wait3A_822 : memref<32768xf32, #tpu.memory_space<hbm>>)
    %dma_wait3A_824 = tpu.memref_slice %arg4[%mul3A_743] : memref<65536xf32, #tpu.memory_space<vmem>> -> memref<32768xf32, #tpu.memory_space<vmem>>
    %dma_wait3A_825 = arith.constant 0 : i32
    %dma_wait3A_826 = tpu.memref_slice %arg3[%add3A_739, %dma_wait3A_825] : memref<2048x32768xf32, #tpu.memory_space<hbm>> -> memref<1x32768xf32, #tpu.memory_space<hbm>>
    %dma_wait3A_827 = tpu.memref_squeeze %dma_wait3A_826 : memref<1x32768xf32, #tpu.memory_space<hbm>> -> memref<32768xf32, #tpu.memory_space<hbm>>
    %dma_wait3A_828 = arith.constant 0 : i32
    %dma_wait3A_829 = tpu.memref_slice %arg3[%add3A_739, %dma_wait3A_828] : memref<2048x32768xf32, #tpu.memory_space<hbm>> -> memref<1x32768xf32, #tpu.memory_space<hbm>>
    %dma_wait3A_830 = tpu.memref_squeeze %dma_wait3A_829 : memref<1x32768xf32, #tpu.memory_space<hbm>> -> memref<32768xf32, #tpu.memory_space<hbm>>
    %dma_wait3A_831 = tpu.memref_slice %arg4[%mul3A_743] : memref<65536xf32, #tpu.memory_space<vmem>> -> memref<32768xf32, #tpu.memory_space<vmem>>
    tpu.wait_dma2 semaphore(%arg6 : memref<!tpu.dma_semaphore, #tpu.memory_space<semaphore_mem>>) src(%dma_wait3A_831 : memref<32768xf32, #tpu.memory_space<vmem>>) dst(%dma_wait3A_830 : memref<32768xf32, #tpu.memory_space<hbm>>)
    %dma_wait3A_832 = tpu.memref_slice %arg4[%mul3A_759] : memref<65536xf32, #tpu.memory_space<vmem>> -> memref<32768xf32, #tpu.memory_space<vmem>>
    %dma_wait3A_833 = arith.constant 0 : i32
    %dma_wait3A_834 = tpu.memref_slice %arg3[%add3A_755, %dma_wait3A_833] : memref<2048x32768xf32, #tpu.memory_space<hbm>> -> memref<1x32768xf32, #tpu.memory_space<hbm>>
    %dma_wait3A_835 = tpu.memref_squeeze %dma_wait3A_834 : memref<1x32768xf32, #tpu.memory_space<hbm>> -> memref<32768xf32, #tpu.memory_space<hbm>>
    %dma_wait3A_836 = arith.constant 0 : i32
    %dma_wait3A_837 = tpu.memref_slice %arg3[%add3A_755, %dma_wait3A_836] : memref<2048x32768xf32, #tpu.memory_space<hbm>> -> memref<1x32768xf32, #tpu.memory_space<hbm>>
    %dma_wait3A_838 = tpu.memref_squeeze %dma_wait3A_837 : memref<1x32768xf32, #tpu.memory_space<hbm>> -> memref<32768xf32, #tpu.memory_space<hbm>>
    %dma_wait3A_839 = tpu.memref_slice %arg4[%mul3A_759] : memref<65536xf32, #tpu.memory_space<vmem>> -> memref<32768xf32, #tpu.memory_space<vmem>>
    tpu.wait_dma2 semaphore(%arg6 : memref<!tpu.dma_semaphore, #tpu.memory_space<semaphore_mem>>) src(%dma_wait3A_839 : memref<32768xf32, #tpu.memory_space<vmem>>) dst(%dma_wait3A_838 : memref<32768xf32, #tpu.memory_space<hbm>>)
    %dma_wait3A_840 = tpu.memref_slice %arg4[%mul3A_775] : memref<65536xf32, #tpu.memory_space<vmem>> -> memref<32768xf32, #tpu.memory_space<vmem>>
    %dma_wait3A_841 = arith.constant 0 : i32
    %dma_wait3A_842 = tpu.memref_slice %arg3[%add3A_771, %dma_wait3A_841] : memref<2048x32768xf32, #tpu.memory_space<hbm>> -> memref<1x32768xf32, #tpu.memory_space<hbm>>
    %dma_wait3A_843 = tpu.memref_squeeze %dma_wait3A_842 : memref<1x32768xf32, #tpu.memory_space<hbm>> -> memref<32768xf32, #tpu.memory_space<hbm>>
    %dma_wait3A_844 = arith.constant 0 : i32
    %dma_wait3A_845 = tpu.memref_slice %arg3[%add3A_771, %dma_wait3A_844] : memref<2048x32768xf32, #tpu.memory_space<hbm>> -> memref<1x32768xf32, #tpu.memory_space<hbm>>
    %dma_wait3A_846 = tpu.memref_squeeze %dma_wait3A_845 : memref<1x32768xf32, #tpu.memory_space<hbm>> -> memref<32768xf32, #tpu.memory_space<hbm>>
    %dma_wait3A_847 = tpu.memref_slice %arg4[%mul3A_775] : memref<65536xf32, #tpu.memory_space<vmem>> -> memref<32768xf32, #tpu.memory_space<vmem>>
    tpu.wait_dma2 semaphore(%arg6 : memref<!tpu.dma_semaphore, #tpu.memory_space<semaphore_mem>>) src(%dma_wait3A_847 : memref<32768xf32, #tpu.memory_space<vmem>>) dst(%dma_wait3A_846 : memref<32768xf32, #tpu.memory_space<hbm>>)
    %add3A_848 = arith.constant 16 : i32
    %add3A_849 = arith.addi %mul3A_466, %add3A_848 : i32
    %add3A_850 = arith.constant 0 : i32
    %add3A_851 = arith.addi %add3A_849, %add3A_850 : i32
    %sub3A_852 = arith.constant 2047 : i32
    %sub3A_853 = arith.subi %sub3A_852, %add3A_851 : i32
    %mul3A_854 = arith.constant 16 : i32
    %mul3A_855 = arith.muli %sub3A_853, %mul3A_854 : i32
    %dma_start3A_856 = tpu.memref_slice %arg4[%mul3A_855] : memref<65536xf32, #tpu.memory_space<vmem>> -> memref<32768xf32, #tpu.memory_space<vmem>>
    %dma_start3A_857 = arith.constant 0 : i32
    %dma_start3A_858 = tpu.memref_slice %arg3[%add3A_851, %dma_start3A_857] : memref<2048x32768xf32, #tpu.memory_space<hbm>> -> memref<1x32768xf32, #tpu.memory_space<hbm>>
    %dma_start3A_859 = tpu.memref_squeeze %dma_start3A_858 : memref<1x32768xf32, #tpu.memory_space<hbm>> -> memref<32768xf32, #tpu.memory_space<hbm>>
    %dma_start3A_860 = arith.constant 0 : i32
    %dma_start3A_861 = tpu.memref_slice %arg3[%add3A_851, %dma_start3A_860] : memref<2048x32768xf32, #tpu.memory_space<hbm>> -> memref<1x32768xf32, #tpu.memory_space<hbm>>
    %dma_start3A_862 = tpu.memref_squeeze %dma_start3A_861 : memref<1x32768xf32, #tpu.memory_space<hbm>> -> memref<32768xf32, #tpu.memory_space<hbm>>
    %dma_start3A_863 = tpu.memref_slice %arg4[%mul3A_855] : memref<65536xf32, #tpu.memory_space<vmem>> -> memref<32768xf32, #tpu.memory_space<vmem>>
    tpu.enqueue_dma source(%dma_start3A_863 : memref<32768xf32, #tpu.memory_space<vmem>>) target(%dma_start3A_862 : memref<32768xf32, #tpu.memory_space<hbm>>) target_semaphore(%arg6 : memref<!tpu.dma_semaphore, #tpu.memory_space<semaphore_mem>>)
    %add3A_864 = arith.constant 16 : i32
    %add3A_865 = arith.addi %mul3A_466, %add3A_864 : i32
    %add3A_866 = arith.constant 1 : i32
    %add3A_867 = arith.addi %add3A_865, %add3A_866 : i32
    %sub3A_868 = arith.constant 2047 : i32
    %sub3A_869 = arith.subi %sub3A_868, %add3A_867 : i32
    %mul3A_870 = arith.constant 16 : i32
    %mul3A_871 = arith.muli %sub3A_869, %mul3A_870 : i32
    %dma_start3A_872 = tpu.memref_slice %arg4[%mul3A_871] : memref<65536xf32, #tpu.memory_space<vmem>> -> memref<32768xf32, #tpu.memory_space<vmem>>
    %dma_start3A_873 = arith.constant 0 : i32
    %dma_start3A_874 = tpu.memref_slice %arg3[%add3A_867, %dma_start3A_873] : memref<2048x32768xf32, #tpu.memory_space<hbm>> -> memref<1x32768xf32, #tpu.memory_space<hbm>>
    %dma_start3A_875 = tpu.memref_squeeze %dma_start3A_874 : memref<1x32768xf32, #tpu.memory_space<hbm>> -> memref<32768xf32, #tpu.memory_space<hbm>>
    %dma_start3A_876 = arith.constant 0 : i32
    %dma_start3A_877 = tpu.memref_slice %arg3[%add3A_867, %dma_start3A_876] : memref<2048x32768xf32, #tpu.memory_space<hbm>> -> memref<1x32768xf32, #tpu.memory_space<hbm>>
    %dma_start3A_878 = tpu.memref_squeeze %dma_start3A_877 : memref<1x32768xf32, #tpu.memory_space<hbm>> -> memref<32768xf32, #tpu.memory_space<hbm>>
    %dma_start3A_879 = tpu.memref_slice %arg4[%mul3A_871] : memref<65536xf32, #tpu.memory_space<vmem>> -> memref<32768xf32, #tpu.memory_space<vmem>>
    tpu.enqueue_dma source(%dma_start3A_879 : memref<32768xf32, #tpu.memory_space<vmem>>) target(%dma_start3A_878 : memref<32768xf32, #tpu.memory_space<hbm>>) target_semaphore(%arg6 : memref<!tpu.dma_semaphore, #tpu.memory_space<semaphore_mem>>)
    %add3A_880 = arith.constant 16 : i32
    %add3A_881 = arith.addi %mul3A_466, %add3A_880 : i32
    %add3A_882 = arith.constant 2 : i32
    %add3A_883 = arith.addi %add3A_881, %add3A_882 : i32
    %sub3A_884 = arith.constant 2047 : i32
    %sub3A_885 = arith.subi %sub3A_884, %add3A_883 : i32
    %mul3A_886 = arith.constant 16 : i32
    %mul3A_887 = arith.muli %sub3A_885, %mul3A_886 : i32
    %dma_start3A_888 = tpu.memref_slice %arg4[%mul3A_887] : memref<65536xf32, #tpu.memory_space<vmem>> -> memref<32768xf32, #tpu.memory_space<vmem>>
    %dma_start3A_889 = arith.constant 0 : i32
    %dma_start3A_890 = tpu.memref_slice %arg3[%add3A_883, %dma_start3A_889] : memref<2048x32768xf32, #tpu.memory_space<hbm>> -> memref<1x32768xf32, #tpu.memory_space<hbm>>
    %dma_start3A_891 = tpu.memref_squeeze %dma_start3A_890 : memref<1x32768xf32, #tpu.memory_space<hbm>> -> memref<32768xf32, #tpu.memory_space<hbm>>
    %dma_start3A_892 = arith.constant 0 : i32
    %dma_start3A_893 = tpu.memref_slice %arg3[%add3A_883, %dma_start3A_892] : memref<2048x32768xf32, #tpu.memory_space<hbm>> -> memref<1x32768xf32, #tpu.memory_space<hbm>>
    %dma_start3A_894 = tpu.memref_squeeze %dma_start3A_893 : memref<1x32768xf32, #tpu.memory_space<hbm>> -> memref<32768xf32, #tpu.memory_space<hbm>>
    %dma_start3A_895 = tpu.memref_slice %arg4[%mul3A_887] : memref<65536xf32, #tpu.memory_space<vmem>> -> memref<32768xf32, #tpu.memory_space<vmem>>
    tpu.enqueue_dma source(%dma_start3A_895 : memref<32768xf32, #tpu.memory_space<vmem>>) target(%dma_start3A_894 : memref<32768xf32, #tpu.memory_space<hbm>>) target_semaphore(%arg6 : memref<!tpu.dma_semaphore, #tpu.memory_space<semaphore_mem>>)
    %add3A_896 = arith.constant 16 : i32
    %add3A_897 = arith.addi %mul3A_466, %add3A_896 : i32
    %add3A_898 = arith.constant 3 : i32
    %add3A_899 = arith.addi %add3A_897, %add3A_898 : i32
    %sub3A_900 = arith.constant 2047 : i32
    %sub3A_901 = arith.subi %sub3A_900, %add3A_899 : i32
    %mul3A_902 = arith.constant 16 : i32
    %mul3A_903 = arith.muli %sub3A_901, %mul3A_902 : i32
    %dma_start3A_904 = tpu.memref_slice %arg4[%mul3A_903] : memref<65536xf32, #tpu.memory_space<vmem>> -> memref<32768xf32, #tpu.memory_space<vmem>>
    %dma_start3A_905 = arith.constant 0 : i32
    %dma_start3A_906 = tpu.memref_slice %arg3[%add3A_899, %dma_start3A_905] : memref<2048x32768xf32, #tpu.memory_space<hbm>> -> memref<1x32768xf32, #tpu.memory_space<hbm>>
    %dma_start3A_907 = tpu.memref_squeeze %dma_start3A_906 : memref<1x32768xf32, #tpu.memory_space<hbm>> -> memref<32768xf32, #tpu.memory_space<hbm>>
    %dma_start3A_908 = arith.constant 0 : i32
    %dma_start3A_909 = tpu.memref_slice %arg3[%add3A_899, %dma_start3A_908] : memref<2048x32768xf32, #tpu.memory_space<hbm>> -> memref<1x32768xf32, #tpu.memory_space<hbm>>
    %dma_start3A_910 = tpu.memref_squeeze %dma_start3A_909 : memref<1x32768xf32, #tpu.memory_space<hbm>> -> memref<32768xf32, #tpu.memory_space<hbm>>
    %dma_start3A_911 = tpu.memref_slice %arg4[%mul3A_903] : memref<65536xf32, #tpu.memory_space<vmem>> -> memref<32768xf32, #tpu.memory_space<vmem>>
    tpu.enqueue_dma source(%dma_start3A_911 : memref<32768xf32, #tpu.memory_space<vmem>>) target(%dma_start3A_910 : memref<32768xf32, #tpu.memory_space<hbm>>) target_semaphore(%arg6 : memref<!tpu.dma_semaphore, #tpu.memory_space<semaphore_mem>>)
    %add3A_912 = arith.constant 16 : i32
    %add3A_913 = arith.addi %mul3A_466, %add3A_912 : i32
    %add3A_914 = arith.constant 4 : i32
    %add3A_915 = arith.addi %add3A_913, %add3A_914 : i32
    %sub3A_916 = arith.constant 2047 : i32
    %sub3A_917 = arith.subi %sub3A_916, %add3A_915 : i32
    %mul3A_918 = arith.constant 16 : i32
    %mul3A_919 = arith.muli %sub3A_917, %mul3A_918 : i32
    %dma_start3A_920 = tpu.memref_slice %arg4[%mul3A_919] : memref<65536xf32, #tpu.memory_space<vmem>> -> memref<32768xf32, #tpu.memory_space<vmem>>
    %dma_start3A_921 = arith.constant 0 : i32
    %dma_start3A_922 = tpu.memref_slice %arg3[%add3A_915, %dma_start3A_921] : memref<2048x32768xf32, #tpu.memory_space<hbm>> -> memref<1x32768xf32, #tpu.memory_space<hbm>>
    %dma_start3A_923 = tpu.memref_squeeze %dma_start3A_922 : memref<1x32768xf32, #tpu.memory_space<hbm>> -> memref<32768xf32, #tpu.memory_space<hbm>>
    %dma_start3A_924 = arith.constant 0 : i32
    %dma_start3A_925 = tpu.memref_slice %arg3[%add3A_915, %dma_start3A_924] : memref<2048x32768xf32, #tpu.memory_space<hbm>> -> memref<1x32768xf32, #tpu.memory_space<hbm>>
    %dma_start3A_926 = tpu.memref_squeeze %dma_start3A_925 : memref<1x32768xf32, #tpu.memory_space<hbm>> -> memref<32768xf32, #tpu.memory_space<hbm>>
    %dma_start3A_927 = tpu.memref_slice %arg4[%mul3A_919] : memref<65536xf32, #tpu.memory_space<vmem>> -> memref<32768xf32, #tpu.memory_space<vmem>>
    tpu.enqueue_dma source(%dma_start3A_927 : memref<32768xf32, #tpu.memory_space<vmem>>) target(%dma_start3A_926 : memref<32768xf32, #tpu.memory_space<hbm>>) target_semaphore(%arg6 : memref<!tpu.dma_semaphore, #tpu.memory_space<semaphore_mem>>)
    %add3A_928 = arith.constant 16 : i32
    %add3A_929 = arith.addi %mul3A_466, %add3A_928 : i32
    %add3A_930 = arith.constant 5 : i32
    %add3A_931 = arith.addi %add3A_929, %add3A_930 : i32
    %sub3A_932 = arith.constant 2047 : i32
    %sub3A_933 = arith.subi %sub3A_932, %add3A_931 : i32
    %mul3A_934 = arith.constant 16 : i32
    %mul3A_935 = arith.muli %sub3A_933, %mul3A_934 : i32
    %dma_start3A_936 = tpu.memref_slice %arg4[%mul3A_935] : memref<65536xf32, #tpu.memory_space<vmem>> -> memref<32768xf32, #tpu.memory_space<vmem>>
    %dma_start3A_937 = arith.constant 0 : i32
    %dma_start3A_938 = tpu.memref_slice %arg3[%add3A_931, %dma_start3A_937] : memref<2048x32768xf32, #tpu.memory_space<hbm>> -> memref<1x32768xf32, #tpu.memory_space<hbm>>
    %dma_start3A_939 = tpu.memref_squeeze %dma_start3A_938 : memref<1x32768xf32, #tpu.memory_space<hbm>> -> memref<32768xf32, #tpu.memory_space<hbm>>
    %dma_start3A_940 = arith.constant 0 : i32
    %dma_start3A_941 = tpu.memref_slice %arg3[%add3A_931, %dma_start3A_940] : memref<2048x32768xf32, #tpu.memory_space<hbm>> -> memref<1x32768xf32, #tpu.memory_space<hbm>>
    %dma_start3A_942 = tpu.memref_squeeze %dma_start3A_941 : memref<1x32768xf32, #tpu.memory_space<hbm>> -> memref<32768xf32, #tpu.memory_space<hbm>>
    %dma_start3A_943 = tpu.memref_slice %arg4[%mul3A_935] : memref<65536xf32, #tpu.memory_space<vmem>> -> memref<32768xf32, #tpu.memory_space<vmem>>
    tpu.enqueue_dma source(%dma_start3A_943 : memref<32768xf32, #tpu.memory_space<vmem>>) target(%dma_start3A_942 : memref<32768xf32, #tpu.memory_space<hbm>>) target_semaphore(%arg6 : memref<!tpu.dma_semaphore, #tpu.memory_space<semaphore_mem>>)
    %add3A_944 = arith.constant 16 : i32
    %add3A_945 = arith.addi %mul3A_466, %add3A_944 : i32
    %add3A_946 = arith.constant 6 : i32
    %add3A_947 = arith.addi %add3A_945, %add3A_946 : i32
    %sub3A_948 = arith.constant 2047 : i32
    %sub3A_949 = arith.subi %sub3A_948, %add3A_947 : i32
    %mul3A_950 = arith.constant 16 : i32
    %mul3A_951 = arith.muli %sub3A_949, %mul3A_950 : i32
    %dma_start3A_952 = tpu.memref_slice %arg4[%mul3A_951] : memref<65536xf32, #tpu.memory_space<vmem>> -> memref<32768xf32, #tpu.memory_space<vmem>>
    %dma_start3A_953 = arith.constant 0 : i32
    %dma_start3A_954 = tpu.memref_slice %arg3[%add3A_947, %dma_start3A_953] : memref<2048x32768xf32, #tpu.memory_space<hbm>> -> memref<1x32768xf32, #tpu.memory_space<hbm>>
    %dma_start3A_955 = tpu.memref_squeeze %dma_start3A_954 : memref<1x32768xf32, #tpu.memory_space<hbm>> -> memref<32768xf32, #tpu.memory_space<hbm>>
    %dma_start3A_956 = arith.constant 0 : i32
    %dma_start3A_957 = tpu.memref_slice %arg3[%add3A_947, %dma_start3A_956] : memref<2048x32768xf32, #tpu.memory_space<hbm>> -> memref<1x32768xf32, #tpu.memory_space<hbm>>
    %dma_start3A_958 = tpu.memref_squeeze %dma_start3A_957 : memref<1x32768xf32, #tpu.memory_space<hbm>> -> memref<32768xf32, #tpu.memory_space<hbm>>
    %dma_start3A_959 = tpu.memref_slice %arg4[%mul3A_951] : memref<65536xf32, #tpu.memory_space<vmem>> -> memref<32768xf32, #tpu.memory_space<vmem>>
    tpu.enqueue_dma source(%dma_start3A_959 : memref<32768xf32, #tpu.memory_space<vmem>>) target(%dma_start3A_958 : memref<32768xf32, #tpu.memory_space<hbm>>) target_semaphore(%arg6 : memref<!tpu.dma_semaphore, #tpu.memory_space<semaphore_mem>>)
    %add3A_960 = arith.constant 16 : i32
    %add3A_961 = arith.addi %mul3A_466, %add3A_960 : i32
    %add3A_962 = arith.constant 7 : i32
    %add3A_963 = arith.addi %add3A_961, %add3A_962 : i32
    %sub3A_964 = arith.constant 2047 : i32
    %sub3A_965 = arith.subi %sub3A_964, %add3A_963 : i32
    %mul3A_966 = arith.constant 16 : i32
    %mul3A_967 = arith.muli %sub3A_965, %mul3A_966 : i32
    %dma_start3A_968 = tpu.memref_slice %arg4[%mul3A_967] : memref<65536xf32, #tpu.memory_space<vmem>> -> memref<32768xf32, #tpu.memory_space<vmem>>
    %dma_start3A_969 = arith.constant 0 : i32
    %dma_start3A_970 = tpu.memref_slice %arg3[%add3A_963, %dma_start3A_969] : memref<2048x32768xf32, #tpu.memory_space<hbm>> -> memref<1x32768xf32, #tpu.memory_space<hbm>>
    %dma_start3A_971 = tpu.memref_squeeze %dma_start3A_970 : memref<1x32768xf32, #tpu.memory_space<hbm>> -> memref<32768xf32, #tpu.memory_space<hbm>>
    %dma_start3A_972 = arith.constant 0 : i32
    %dma_start3A_973 = tpu.memref_slice %arg3[%add3A_963, %dma_start3A_972] : memref<2048x32768xf32, #tpu.memory_space<hbm>> -> memref<1x32768xf32, #tpu.memory_space<hbm>>
    %dma_start3A_974 = tpu.memref_squeeze %dma_start3A_973 : memref<1x32768xf32, #tpu.memory_space<hbm>> -> memref<32768xf32, #tpu.memory_space<hbm>>
    %dma_start3A_975 = tpu.memref_slice %arg4[%mul3A_967] : memref<65536xf32, #tpu.memory_space<vmem>> -> memref<32768xf32, #tpu.memory_space<vmem>>
    tpu.enqueue_dma source(%dma_start3A_975 : memref<32768xf32, #tpu.memory_space<vmem>>) target(%dma_start3A_974 : memref<32768xf32, #tpu.memory_space<hbm>>) target_semaphore(%arg6 : memref<!tpu.dma_semaphore, #tpu.memory_space<semaphore_mem>>)
    %dma_wait3A_976 = tpu.memref_slice %arg4[%mul3A_855] : memref<65536xf32, #tpu.memory_space<vmem>> -> memref<32768xf32, #tpu.memory_space<vmem>>
    %dma_wait3A_977 = arith.constant 0 : i32
    %dma_wait3A_978 = tpu.memref_slice %arg3[%add3A_851, %dma_wait3A_977] : memref<2048x32768xf32, #tpu.memory_space<hbm>> -> memref<1x32768xf32, #tpu.memory_space<hbm>>
    %dma_wait3A_979 = tpu.memref_squeeze %dma_wait3A_978 : memref<1x32768xf32, #tpu.memory_space<hbm>> -> memref<32768xf32, #tpu.memory_space<hbm>>
    %dma_wait3A_980 = arith.constant 0 : i32
    %dma_wait3A_981 = tpu.memref_slice %arg3[%add3A_851, %dma_wait3A_980] : memref<2048x32768xf32, #tpu.memory_space<hbm>> -> memref<1x32768xf32, #tpu.memory_space<hbm>>
    %dma_wait3A_982 = tpu.memref_squeeze %dma_wait3A_981 : memref<1x32768xf32, #tpu.memory_space<hbm>> -> memref<32768xf32, #tpu.memory_space<hbm>>
    %dma_wait3A_983 = tpu.memref_slice %arg4[%mul3A_855] : memref<65536xf32, #tpu.memory_space<vmem>> -> memref<32768xf32, #tpu.memory_space<vmem>>
    tpu.wait_dma2 semaphore(%arg6 : memref<!tpu.dma_semaphore, #tpu.memory_space<semaphore_mem>>) src(%dma_wait3A_983 : memref<32768xf32, #tpu.memory_space<vmem>>) dst(%dma_wait3A_982 : memref<32768xf32, #tpu.memory_space<hbm>>)
    %dma_wait3A_984 = tpu.memref_slice %arg4[%mul3A_871] : memref<65536xf32, #tpu.memory_space<vmem>> -> memref<32768xf32, #tpu.memory_space<vmem>>
    %dma_wait3A_985 = arith.constant 0 : i32
    %dma_wait3A_986 = tpu.memref_slice %arg3[%add3A_867, %dma_wait3A_985] : memref<2048x32768xf32, #tpu.memory_space<hbm>> -> memref<1x32768xf32, #tpu.memory_space<hbm>>
    %dma_wait3A_987 = tpu.memref_squeeze %dma_wait3A_986 : memref<1x32768xf32, #tpu.memory_space<hbm>> -> memref<32768xf32, #tpu.memory_space<hbm>>
    %dma_wait3A_988 = arith.constant 0 : i32
    %dma_wait3A_989 = tpu.memref_slice %arg3[%add3A_867, %dma_wait3A_988] : memref<2048x32768xf32, #tpu.memory_space<hbm>> -> memref<1x32768xf32, #tpu.memory_space<hbm>>
    %dma_wait3A_990 = tpu.memref_squeeze %dma_wait3A_989 : memref<1x32768xf32, #tpu.memory_space<hbm>> -> memref<32768xf32, #tpu.memory_space<hbm>>
    %dma_wait3A_991 = tpu.memref_slice %arg4[%mul3A_871] : memref<65536xf32, #tpu.memory_space<vmem>> -> memref<32768xf32, #tpu.memory_space<vmem>>
    tpu.wait_dma2 semaphore(%arg6 : memref<!tpu.dma_semaphore, #tpu.memory_space<semaphore_mem>>) src(%dma_wait3A_991 : memref<32768xf32, #tpu.memory_space<vmem>>) dst(%dma_wait3A_990 : memref<32768xf32, #tpu.memory_space<hbm>>)
    %dma_wait3A_992 = tpu.memref_slice %arg4[%mul3A_887] : memref<65536xf32, #tpu.memory_space<vmem>> -> memref<32768xf32, #tpu.memory_space<vmem>>
    %dma_wait3A_993 = arith.constant 0 : i32
    %dma_wait3A_994 = tpu.memref_slice %arg3[%add3A_883, %dma_wait3A_993] : memref<2048x32768xf32, #tpu.memory_space<hbm>> -> memref<1x32768xf32, #tpu.memory_space<hbm>>
    %dma_wait3A_995 = tpu.memref_squeeze %dma_wait3A_994 : memref<1x32768xf32, #tpu.memory_space<hbm>> -> memref<32768xf32, #tpu.memory_space<hbm>>
    %dma_wait3A_996 = arith.constant 0 : i32
    %dma_wait3A_997 = tpu.memref_slice %arg3[%add3A_883, %dma_wait3A_996] : memref<2048x32768xf32, #tpu.memory_space<hbm>> -> memref<1x32768xf32, #tpu.memory_space<hbm>>
    %dma_wait3A_998 = tpu.memref_squeeze %dma_wait3A_997 : memref<1x32768xf32, #tpu.memory_space<hbm>> -> memref<32768xf32, #tpu.memory_space<hbm>>
    %dma_wait3A_999 = tpu.memref_slice %arg4[%mul3A_887] : memref<65536xf32, #tpu.memory_space<vmem>> -> memref<32768xf32, #tpu.memory_space<vmem>>
    tpu.wait_dma2 semaphore(%arg6 : memref<!tpu.dma_semaphore, #tpu.memory_space<semaphore_mem>>) src(%dma_wait3A_999 : memref<32768xf32, #tpu.memory_space<vmem>>) dst(%dma_wait3A_998 : memref<32768xf32, #tpu.memory_space<hbm>>)
    %dma_wait3A_1000 = tpu.memref_slice %arg4[%mul3A_903] : memref<65536xf32, #tpu.memory_space<vmem>> -> memref<32768xf32, #tpu.memory_space<vmem>>
    %dma_wait3A_1001 = arith.constant 0 : i32
    %dma_wait3A_1002 = tpu.memref_slice %arg3[%add3A_899, %dma_wait3A_1001] : memref<2048x32768xf32, #tpu.memory_space<hbm>> -> memref<1x32768xf32, #tpu.memory_space<hbm>>
    %dma_wait3A_1003 = tpu.memref_squeeze %dma_wait3A_1002 : memref<1x32768xf32, #tpu.memory_space<hbm>> -> memref<32768xf32, #tpu.memory_space<hbm>>
    %dma_wait3A_1004 = arith.constant 0 : i32
    %dma_wait3A_1005 = tpu.memref_slice %arg3[%add3A_899, %dma_wait3A_1004] : memref<2048x32768xf32, #tpu.memory_space<hbm>> -> memref<1x32768xf32, #tpu.memory_space<hbm>>
    %dma_wait3A_1006 = tpu.memref_squeeze %dma_wait3A_1005 : memref<1x32768xf32, #tpu.memory_space<hbm>> -> memref<32768xf32, #tpu.memory_space<hbm>>
    %dma_wait3A_1007 = tpu.memref_slice %arg4[%mul3A_903] : memref<65536xf32, #tpu.memory_space<vmem>> -> memref<32768xf32, #tpu.memory_space<vmem>>
    tpu.wait_dma2 semaphore(%arg6 : memref<!tpu.dma_semaphore, #tpu.memory_space<semaphore_mem>>) src(%dma_wait3A_1007 : memref<32768xf32, #tpu.memory_space<vmem>>) dst(%dma_wait3A_1006 : memref<32768xf32, #tpu.memory_space<hbm>>)
    %dma_wait3A_1008 = tpu.memref_slice %arg4[%mul3A_919] : memref<65536xf32, #tpu.memory_space<vmem>> -> memref<32768xf32, #tpu.memory_space<vmem>>
    %dma_wait3A_1009 = arith.constant 0 : i32
    %dma_wait3A_1010 = tpu.memref_slice %arg3[%add3A_915, %dma_wait3A_1009] : memref<2048x32768xf32, #tpu.memory_space<hbm>> -> memref<1x32768xf32, #tpu.memory_space<hbm>>
    %dma_wait3A_1011 = tpu.memref_squeeze %dma_wait3A_1010 : memref<1x32768xf32, #tpu.memory_space<hbm>> -> memref<32768xf32, #tpu.memory_space<hbm>>
    %dma_wait3A_1012 = arith.constant 0 : i32
    %dma_wait3A_1013 = tpu.memref_slice %arg3[%add3A_915, %dma_wait3A_1012] : memref<2048x32768xf32, #tpu.memory_space<hbm>> -> memref<1x32768xf32, #tpu.memory_space<hbm>>
    %dma_wait3A_1014 = tpu.memref_squeeze %dma_wait3A_1013 : memref<1x32768xf32, #tpu.memory_space<hbm>> -> memref<32768xf32, #tpu.memory_space<hbm>>
    %dma_wait3A_1015 = tpu.memref_slice %arg4[%mul3A_919] : memref<65536xf32, #tpu.memory_space<vmem>> -> memref<32768xf32, #tpu.memory_space<vmem>>
    tpu.wait_dma2 semaphore(%arg6 : memref<!tpu.dma_semaphore, #tpu.memory_space<semaphore_mem>>) src(%dma_wait3A_1015 : memref<32768xf32, #tpu.memory_space<vmem>>) dst(%dma_wait3A_1014 : memref<32768xf32, #tpu.memory_space<hbm>>)
    %dma_wait3A_1016 = tpu.memref_slice %arg4[%mul3A_935] : memref<65536xf32, #tpu.memory_space<vmem>> -> memref<32768xf32, #tpu.memory_space<vmem>>
    %dma_wait3A_1017 = arith.constant 0 : i32
    %dma_wait3A_1018 = tpu.memref_slice %arg3[%add3A_931, %dma_wait3A_1017] : memref<2048x32768xf32, #tpu.memory_space<hbm>> -> memref<1x32768xf32, #tpu.memory_space<hbm>>
    %dma_wait3A_1019 = tpu.memref_squeeze %dma_wait3A_1018 : memref<1x32768xf32, #tpu.memory_space<hbm>> -> memref<32768xf32, #tpu.memory_space<hbm>>
    %dma_wait3A_1020 = arith.constant 0 : i32
    %dma_wait3A_1021 = tpu.memref_slice %arg3[%add3A_931, %dma_wait3A_1020] : memref<2048x32768xf32, #tpu.memory_space<hbm>> -> memref<1x32768xf32, #tpu.memory_space<hbm>>
    %dma_wait3A_1022 = tpu.memref_squeeze %dma_wait3A_1021 : memref<1x32768xf32, #tpu.memory_space<hbm>> -> memref<32768xf32, #tpu.memory_space<hbm>>
    %dma_wait3A_1023 = tpu.memref_slice %arg4[%mul3A_935] : memref<65536xf32, #tpu.memory_space<vmem>> -> memref<32768xf32, #tpu.memory_space<vmem>>
    tpu.wait_dma2 semaphore(%arg6 : memref<!tpu.dma_semaphore, #tpu.memory_space<semaphore_mem>>) src(%dma_wait3A_1023 : memref<32768xf32, #tpu.memory_space<vmem>>) dst(%dma_wait3A_1022 : memref<32768xf32, #tpu.memory_space<hbm>>)
    %dma_wait3A_1024 = tpu.memref_slice %arg4[%mul3A_951] : memref<65536xf32, #tpu.memory_space<vmem>> -> memref<32768xf32, #tpu.memory_space<vmem>>
    %dma_wait3A_1025 = arith.constant 0 : i32
    %dma_wait3A_1026 = tpu.memref_slice %arg3[%add3A_947, %dma_wait3A_1025] : memref<2048x32768xf32, #tpu.memory_space<hbm>> -> memref<1x32768xf32, #tpu.memory_space<hbm>>
    %dma_wait3A_1027 = tpu.memref_squeeze %dma_wait3A_1026 : memref<1x32768xf32, #tpu.memory_space<hbm>> -> memref<32768xf32, #tpu.memory_space<hbm>>
    %dma_wait3A_1028 = arith.constant 0 : i32
    %dma_wait3A_1029 = tpu.memref_slice %arg3[%add3A_947, %dma_wait3A_1028] : memref<2048x32768xf32, #tpu.memory_space<hbm>> -> memref<1x32768xf32, #tpu.memory_space<hbm>>
    %dma_wait3A_1030 = tpu.memref_squeeze %dma_wait3A_1029 : memref<1x32768xf32, #tpu.memory_space<hbm>> -> memref<32768xf32, #tpu.memory_space<hbm>>
    %dma_wait3A_1031 = tpu.memref_slice %arg4[%mul3A_951] : memref<65536xf32, #tpu.memory_space<vmem>> -> memref<32768xf32, #tpu.memory_space<vmem>>
    tpu.wait_dma2 semaphore(%arg6 : memref<!tpu.dma_semaphore, #tpu.memory_space<semaphore_mem>>) src(%dma_wait3A_1031 : memref<32768xf32, #tpu.memory_space<vmem>>) dst(%dma_wait3A_1030 : memref<32768xf32, #tpu.memory_space<hbm>>)
    %dma_wait3A_1032 = tpu.memref_slice %arg4[%mul3A_967] : memref<65536xf32, #tpu.memory_space<vmem>> -> memref<32768xf32, #tpu.memory_space<vmem>>
    %dma_wait3A_1033 = arith.constant 0 : i32
    %dma_wait3A_1034 = tpu.memref_slice %arg3[%add3A_963, %dma_wait3A_1033] : memref<2048x32768xf32, #tpu.memory_space<hbm>> -> memref<1x32768xf32, #tpu.memory_space<hbm>>
    %dma_wait3A_1035 = tpu.memref_squeeze %dma_wait3A_1034 : memref<1x32768xf32, #tpu.memory_space<hbm>> -> memref<32768xf32, #tpu.memory_space<hbm>>
    %dma_wait3A_1036 = arith.constant 0 : i32
    %dma_wait3A_1037 = tpu.memref_slice %arg3[%add3A_963, %dma_wait3A_1036] : memref<2048x32768xf32, #tpu.memory_space<hbm>> -> memref<1x32768xf32, #tpu.memory_space<hbm>>
    %dma_wait3A_1038 = tpu.memref_squeeze %dma_wait3A_1037 : memref<1x32768xf32, #tpu.memory_space<hbm>> -> memref<32768xf32, #tpu.memory_space<hbm>>
    %dma_wait3A_1039 = tpu.memref_slice %arg4[%mul3A_967] : memref<65536xf32, #tpu.memory_space<vmem>> -> memref<32768xf32, #tpu.memory_space<vmem>>
    tpu.wait_dma2 semaphore(%arg6 : memref<!tpu.dma_semaphore, #tpu.memory_space<semaphore_mem>>) src(%dma_wait3A_1039 : memref<32768xf32, #tpu.memory_space<vmem>>) dst(%dma_wait3A_1038 : memref<32768xf32, #tpu.memory_space<hbm>>)
    %add3A_1040 = arith.constant 24 : i32
    %add3A_1041 = arith.addi %mul3A_466, %add3A_1040 : i32
    %add3A_1042 = arith.constant 0 : i32
    %add3A_1043 = arith.addi %add3A_1041, %add3A_1042 : i32
    %sub3A_1044 = arith.constant 2047 : i32
    %sub3A_1045 = arith.subi %sub3A_1044, %add3A_1043 : i32
    %mul3A_1046 = arith.constant 16 : i32
    %mul3A_1047 = arith.muli %sub3A_1045, %mul3A_1046 : i32
    %dma_start3A_1048 = tpu.memref_slice %arg4[%mul3A_1047] : memref<65536xf32, #tpu.memory_space<vmem>> -> memref<32768xf32, #tpu.memory_space<vmem>>
    %dma_start3A_1049 = arith.constant 0 : i32
    %dma_start3A_1050 = tpu.memref_slice %arg3[%add3A_1043, %dma_start3A_1049] : memref<2048x32768xf32, #tpu.memory_space<hbm>> -> memref<1x32768xf32, #tpu.memory_space<hbm>>
    %dma_start3A_1051 = tpu.memref_squeeze %dma_start3A_1050 : memref<1x32768xf32, #tpu.memory_space<hbm>> -> memref<32768xf32, #tpu.memory_space<hbm>>
    %dma_start3A_1052 = arith.constant 0 : i32
    %dma_start3A_1053 = tpu.memref_slice %arg3[%add3A_1043, %dma_start3A_1052] : memref<2048x32768xf32, #tpu.memory_space<hbm>> -> memref<1x32768xf32, #tpu.memory_space<hbm>>
    %dma_start3A_1054 = tpu.memref_squeeze %dma_start3A_1053 : memref<1x32768xf32, #tpu.memory_space<hbm>> -> memref<32768xf32, #tpu.memory_space<hbm>>
    %dma_start3A_1055 = tpu.memref_slice %arg4[%mul3A_1047] : memref<65536xf32, #tpu.memory_space<vmem>> -> memref<32768xf32, #tpu.memory_space<vmem>>
    tpu.enqueue_dma source(%dma_start3A_1055 : memref<32768xf32, #tpu.memory_space<vmem>>) target(%dma_start3A_1054 : memref<32768xf32, #tpu.memory_space<hbm>>) target_semaphore(%arg6 : memref<!tpu.dma_semaphore, #tpu.memory_space<semaphore_mem>>)
    %add3A_1056 = arith.constant 24 : i32
    %add3A_1057 = arith.addi %mul3A_466, %add3A_1056 : i32
    %add3A_1058 = arith.constant 1 : i32
    %add3A_1059 = arith.addi %add3A_1057, %add3A_1058 : i32
    %sub3A_1060 = arith.constant 2047 : i32
    %sub3A_1061 = arith.subi %sub3A_1060, %add3A_1059 : i32
    %mul3A_1062 = arith.constant 16 : i32
    %mul3A_1063 = arith.muli %sub3A_1061, %mul3A_1062 : i32
    %dma_start3A_1064 = tpu.memref_slice %arg4[%mul3A_1063] : memref<65536xf32, #tpu.memory_space<vmem>> -> memref<32768xf32, #tpu.memory_space<vmem>>
    %dma_start3A_1065 = arith.constant 0 : i32
    %dma_start3A_1066 = tpu.memref_slice %arg3[%add3A_1059, %dma_start3A_1065] : memref<2048x32768xf32, #tpu.memory_space<hbm>> -> memref<1x32768xf32, #tpu.memory_space<hbm>>
    %dma_start3A_1067 = tpu.memref_squeeze %dma_start3A_1066 : memref<1x32768xf32, #tpu.memory_space<hbm>> -> memref<32768xf32, #tpu.memory_space<hbm>>
    %dma_start3A_1068 = arith.constant 0 : i32
    %dma_start3A_1069 = tpu.memref_slice %arg3[%add3A_1059, %dma_start3A_1068] : memref<2048x32768xf32, #tpu.memory_space<hbm>> -> memref<1x32768xf32, #tpu.memory_space<hbm>>
    %dma_start3A_1070 = tpu.memref_squeeze %dma_start3A_1069 : memref<1x32768xf32, #tpu.memory_space<hbm>> -> memref<32768xf32, #tpu.memory_space<hbm>>
    %dma_start3A_1071 = tpu.memref_slice %arg4[%mul3A_1063] : memref<65536xf32, #tpu.memory_space<vmem>> -> memref<32768xf32, #tpu.memory_space<vmem>>
    tpu.enqueue_dma source(%dma_start3A_1071 : memref<32768xf32, #tpu.memory_space<vmem>>) target(%dma_start3A_1070 : memref<32768xf32, #tpu.memory_space<hbm>>) target_semaphore(%arg6 : memref<!tpu.dma_semaphore, #tpu.memory_space<semaphore_mem>>)
    %add3A_1072 = arith.constant 24 : i32
    %add3A_1073 = arith.addi %mul3A_466, %add3A_1072 : i32
    %add3A_1074 = arith.constant 2 : i32
    %add3A_1075 = arith.addi %add3A_1073, %add3A_1074 : i32
    %sub3A_1076 = arith.constant 2047 : i32
    %sub3A_1077 = arith.subi %sub3A_1076, %add3A_1075 : i32
    %mul3A_1078 = arith.constant 16 : i32
    %mul3A_1079 = arith.muli %sub3A_1077, %mul3A_1078 : i32
    %dma_start3A_1080 = tpu.memref_slice %arg4[%mul3A_1079] : memref<65536xf32, #tpu.memory_space<vmem>> -> memref<32768xf32, #tpu.memory_space<vmem>>
    %dma_start3A_1081 = arith.constant 0 : i32
    %dma_start3A_1082 = tpu.memref_slice %arg3[%add3A_1075, %dma_start3A_1081] : memref<2048x32768xf32, #tpu.memory_space<hbm>> -> memref<1x32768xf32, #tpu.memory_space<hbm>>
    %dma_start3A_1083 = tpu.memref_squeeze %dma_start3A_1082 : memref<1x32768xf32, #tpu.memory_space<hbm>> -> memref<32768xf32, #tpu.memory_space<hbm>>
    %dma_start3A_1084 = arith.constant 0 : i32
    %dma_start3A_1085 = tpu.memref_slice %arg3[%add3A_1075, %dma_start3A_1084] : memref<2048x32768xf32, #tpu.memory_space<hbm>> -> memref<1x32768xf32, #tpu.memory_space<hbm>>
    %dma_start3A_1086 = tpu.memref_squeeze %dma_start3A_1085 : memref<1x32768xf32, #tpu.memory_space<hbm>> -> memref<32768xf32, #tpu.memory_space<hbm>>
    %dma_start3A_1087 = tpu.memref_slice %arg4[%mul3A_1079] : memref<65536xf32, #tpu.memory_space<vmem>> -> memref<32768xf32, #tpu.memory_space<vmem>>
    tpu.enqueue_dma source(%dma_start3A_1087 : memref<32768xf32, #tpu.memory_space<vmem>>) target(%dma_start3A_1086 : memref<32768xf32, #tpu.memory_space<hbm>>) target_semaphore(%arg6 : memref<!tpu.dma_semaphore, #tpu.memory_space<semaphore_mem>>)
    %add3A_1088 = arith.constant 24 : i32
    %add3A_1089 = arith.addi %mul3A_466, %add3A_1088 : i32
    %add3A_1090 = arith.constant 3 : i32
    %add3A_1091 = arith.addi %add3A_1089, %add3A_1090 : i32
    %sub3A_1092 = arith.constant 2047 : i32
    %sub3A_1093 = arith.subi %sub3A_1092, %add3A_1091 : i32
    %mul3A_1094 = arith.constant 16 : i32
    %mul3A_1095 = arith.muli %sub3A_1093, %mul3A_1094 : i32
    %dma_start3A_1096 = tpu.memref_slice %arg4[%mul3A_1095] : memref<65536xf32, #tpu.memory_space<vmem>> -> memref<32768xf32, #tpu.memory_space<vmem>>
    %dma_start3A_1097 = arith.constant 0 : i32
    %dma_start3A_1098 = tpu.memref_slice %arg3[%add3A_1091, %dma_start3A_1097] : memref<2048x32768xf32, #tpu.memory_space<hbm>> -> memref<1x32768xf32, #tpu.memory_space<hbm>>
    %dma_start3A_1099 = tpu.memref_squeeze %dma_start3A_1098 : memref<1x32768xf32, #tpu.memory_space<hbm>> -> memref<32768xf32, #tpu.memory_space<hbm>>
    %dma_start3A_1100 = arith.constant 0 : i32
    %dma_start3A_1101 = tpu.memref_slice %arg3[%add3A_1091, %dma_start3A_1100] : memref<2048x32768xf32, #tpu.memory_space<hbm>> -> memref<1x32768xf32, #tpu.memory_space<hbm>>
    %dma_start3A_1102 = tpu.memref_squeeze %dma_start3A_1101 : memref<1x32768xf32, #tpu.memory_space<hbm>> -> memref<32768xf32, #tpu.memory_space<hbm>>
    %dma_start3A_1103 = tpu.memref_slice %arg4[%mul3A_1095] : memref<65536xf32, #tpu.memory_space<vmem>> -> memref<32768xf32, #tpu.memory_space<vmem>>
    tpu.enqueue_dma source(%dma_start3A_1103 : memref<32768xf32, #tpu.memory_space<vmem>>) target(%dma_start3A_1102 : memref<32768xf32, #tpu.memory_space<hbm>>) target_semaphore(%arg6 : memref<!tpu.dma_semaphore, #tpu.memory_space<semaphore_mem>>)
    %add3A_1104 = arith.constant 24 : i32
    %add3A_1105 = arith.addi %mul3A_466, %add3A_1104 : i32
    %add3A_1106 = arith.constant 4 : i32
    %add3A_1107 = arith.addi %add3A_1105, %add3A_1106 : i32
    %sub3A_1108 = arith.constant 2047 : i32
    %sub3A_1109 = arith.subi %sub3A_1108, %add3A_1107 : i32
    %mul3A_1110 = arith.constant 16 : i32
    %mul3A_1111 = arith.muli %sub3A_1109, %mul3A_1110 : i32
    %dma_start3A_1112 = tpu.memref_slice %arg4[%mul3A_1111] : memref<65536xf32, #tpu.memory_space<vmem>> -> memref<32768xf32, #tpu.memory_space<vmem>>
    %dma_start3A_1113 = arith.constant 0 : i32
    %dma_start3A_1114 = tpu.memref_slice %arg3[%add3A_1107, %dma_start3A_1113] : memref<2048x32768xf32, #tpu.memory_space<hbm>> -> memref<1x32768xf32, #tpu.memory_space<hbm>>
    %dma_start3A_1115 = tpu.memref_squeeze %dma_start3A_1114 : memref<1x32768xf32, #tpu.memory_space<hbm>> -> memref<32768xf32, #tpu.memory_space<hbm>>
    %dma_start3A_1116 = arith.constant 0 : i32
    %dma_start3A_1117 = tpu.memref_slice %arg3[%add3A_1107, %dma_start3A_1116] : memref<2048x32768xf32, #tpu.memory_space<hbm>> -> memref<1x32768xf32, #tpu.memory_space<hbm>>
    %dma_start3A_1118 = tpu.memref_squeeze %dma_start3A_1117 : memref<1x32768xf32, #tpu.memory_space<hbm>> -> memref<32768xf32, #tpu.memory_space<hbm>>
    %dma_start3A_1119 = tpu.memref_slice %arg4[%mul3A_1111] : memref<65536xf32, #tpu.memory_space<vmem>> -> memref<32768xf32, #tpu.memory_space<vmem>>
    tpu.enqueue_dma source(%dma_start3A_1119 : memref<32768xf32, #tpu.memory_space<vmem>>) target(%dma_start3A_1118 : memref<32768xf32, #tpu.memory_space<hbm>>) target_semaphore(%arg6 : memref<!tpu.dma_semaphore, #tpu.memory_space<semaphore_mem>>)
    %add3A_1120 = arith.constant 24 : i32
    %add3A_1121 = arith.addi %mul3A_466, %add3A_1120 : i32
    %add3A_1122 = arith.constant 5 : i32
    %add3A_1123 = arith.addi %add3A_1121, %add3A_1122 : i32
    %sub3A_1124 = arith.constant 2047 : i32
    %sub3A_1125 = arith.subi %sub3A_1124, %add3A_1123 : i32
    %mul3A_1126 = arith.constant 16 : i32
    %mul3A_1127 = arith.muli %sub3A_1125, %mul3A_1126 : i32
    %dma_start3A_1128 = tpu.memref_slice %arg4[%mul3A_1127] : memref<65536xf32, #tpu.memory_space<vmem>> -> memref<32768xf32, #tpu.memory_space<vmem>>
    %dma_start3A_1129 = arith.constant 0 : i32
    %dma_start3A_1130 = tpu.memref_slice %arg3[%add3A_1123, %dma_start3A_1129] : memref<2048x32768xf32, #tpu.memory_space<hbm>> -> memref<1x32768xf32, #tpu.memory_space<hbm>>
    %dma_start3A_1131 = tpu.memref_squeeze %dma_start3A_1130 : memref<1x32768xf32, #tpu.memory_space<hbm>> -> memref<32768xf32, #tpu.memory_space<hbm>>
    %dma_start3A_1132 = arith.constant 0 : i32
    %dma_start3A_1133 = tpu.memref_slice %arg3[%add3A_1123, %dma_start3A_1132] : memref<2048x32768xf32, #tpu.memory_space<hbm>> -> memref<1x32768xf32, #tpu.memory_space<hbm>>
    %dma_start3A_1134 = tpu.memref_squeeze %dma_start3A_1133 : memref<1x32768xf32, #tpu.memory_space<hbm>> -> memref<32768xf32, #tpu.memory_space<hbm>>
    %dma_start3A_1135 = tpu.memref_slice %arg4[%mul3A_1127] : memref<65536xf32, #tpu.memory_space<vmem>> -> memref<32768xf32, #tpu.memory_space<vmem>>
    tpu.enqueue_dma source(%dma_start3A_1135 : memref<32768xf32, #tpu.memory_space<vmem>>) target(%dma_start3A_1134 : memref<32768xf32, #tpu.memory_space<hbm>>) target_semaphore(%arg6 : memref<!tpu.dma_semaphore, #tpu.memory_space<semaphore_mem>>)
    %add3A_1136 = arith.constant 24 : i32
    %add3A_1137 = arith.addi %mul3A_466, %add3A_1136 : i32
    %add3A_1138 = arith.constant 6 : i32
    %add3A_1139 = arith.addi %add3A_1137, %add3A_1138 : i32
    %sub3A_1140 = arith.constant 2047 : i32
    %sub3A_1141 = arith.subi %sub3A_1140, %add3A_1139 : i32
    %mul3A_1142 = arith.constant 16 : i32
    %mul3A_1143 = arith.muli %sub3A_1141, %mul3A_1142 : i32
    %dma_start3A_1144 = tpu.memref_slice %arg4[%mul3A_1143] : memref<65536xf32, #tpu.memory_space<vmem>> -> memref<32768xf32, #tpu.memory_space<vmem>>
    %dma_start3A_1145 = arith.constant 0 : i32
    %dma_start3A_1146 = tpu.memref_slice %arg3[%add3A_1139, %dma_start3A_1145] : memref<2048x32768xf32, #tpu.memory_space<hbm>> -> memref<1x32768xf32, #tpu.memory_space<hbm>>
    %dma_start3A_1147 = tpu.memref_squeeze %dma_start3A_1146 : memref<1x32768xf32, #tpu.memory_space<hbm>> -> memref<32768xf32, #tpu.memory_space<hbm>>
    %dma_start3A_1148 = arith.constant 0 : i32
    %dma_start3A_1149 = tpu.memref_slice %arg3[%add3A_1139, %dma_start3A_1148] : memref<2048x32768xf32, #tpu.memory_space<hbm>> -> memref<1x32768xf32, #tpu.memory_space<hbm>>
    %dma_start3A_1150 = tpu.memref_squeeze %dma_start3A_1149 : memref<1x32768xf32, #tpu.memory_space<hbm>> -> memref<32768xf32, #tpu.memory_space<hbm>>
    %dma_start3A_1151 = tpu.memref_slice %arg4[%mul3A_1143] : memref<65536xf32, #tpu.memory_space<vmem>> -> memref<32768xf32, #tpu.memory_space<vmem>>
    tpu.enqueue_dma source(%dma_start3A_1151 : memref<32768xf32, #tpu.memory_space<vmem>>) target(%dma_start3A_1150 : memref<32768xf32, #tpu.memory_space<hbm>>) target_semaphore(%arg6 : memref<!tpu.dma_semaphore, #tpu.memory_space<semaphore_mem>>)
    %add3A_1152 = arith.constant 24 : i32
    %add3A_1153 = arith.addi %mul3A_466, %add3A_1152 : i32
    %add3A_1154 = arith.constant 7 : i32
    %add3A_1155 = arith.addi %add3A_1153, %add3A_1154 : i32
    %sub3A_1156 = arith.constant 2047 : i32
    %sub3A_1157 = arith.subi %sub3A_1156, %add3A_1155 : i32
    %mul3A_1158 = arith.constant 16 : i32
    %mul3A_1159 = arith.muli %sub3A_1157, %mul3A_1158 : i32
    %dma_start3A_1160 = tpu.memref_slice %arg4[%mul3A_1159] : memref<65536xf32, #tpu.memory_space<vmem>> -> memref<32768xf32, #tpu.memory_space<vmem>>
    %dma_start3A_1161 = arith.constant 0 : i32
    %dma_start3A_1162 = tpu.memref_slice %arg3[%add3A_1155, %dma_start3A_1161] : memref<2048x32768xf32, #tpu.memory_space<hbm>> -> memref<1x32768xf32, #tpu.memory_space<hbm>>
    %dma_start3A_1163 = tpu.memref_squeeze %dma_start3A_1162 : memref<1x32768xf32, #tpu.memory_space<hbm>> -> memref<32768xf32, #tpu.memory_space<hbm>>
    %dma_start3A_1164 = arith.constant 0 : i32
    %dma_start3A_1165 = tpu.memref_slice %arg3[%add3A_1155, %dma_start3A_1164] : memref<2048x32768xf32, #tpu.memory_space<hbm>> -> memref<1x32768xf32, #tpu.memory_space<hbm>>
    %dma_start3A_1166 = tpu.memref_squeeze %dma_start3A_1165 : memref<1x32768xf32, #tpu.memory_space<hbm>> -> memref<32768xf32, #tpu.memory_space<hbm>>
    %dma_start3A_1167 = tpu.memref_slice %arg4[%mul3A_1159] : memref<65536xf32, #tpu.memory_space<vmem>> -> memref<32768xf32, #tpu.memory_space<vmem>>
    tpu.enqueue_dma source(%dma_start3A_1167 : memref<32768xf32, #tpu.memory_space<vmem>>) target(%dma_start3A_1166 : memref<32768xf32, #tpu.memory_space<hbm>>) target_semaphore(%arg6 : memref<!tpu.dma_semaphore, #tpu.memory_space<semaphore_mem>>)
    %dma_wait3A_1168 = tpu.memref_slice %arg4[%mul3A_1047] : memref<65536xf32, #tpu.memory_space<vmem>> -> memref<32768xf32, #tpu.memory_space<vmem>>
    %dma_wait3A_1169 = arith.constant 0 : i32
    %dma_wait3A_1170 = tpu.memref_slice %arg3[%add3A_1043, %dma_wait3A_1169] : memref<2048x32768xf32, #tpu.memory_space<hbm>> -> memref<1x32768xf32, #tpu.memory_space<hbm>>
    %dma_wait3A_1171 = tpu.memref_squeeze %dma_wait3A_1170 : memref<1x32768xf32, #tpu.memory_space<hbm>> -> memref<32768xf32, #tpu.memory_space<hbm>>
    %dma_wait3A_1172 = arith.constant 0 : i32
    %dma_wait3A_1173 = tpu.memref_slice %arg3[%add3A_1043, %dma_wait3A_1172] : memref<2048x32768xf32, #tpu.memory_space<hbm>> -> memref<1x32768xf32, #tpu.memory_space<hbm>>
    %dma_wait3A_1174 = tpu.memref_squeeze %dma_wait3A_1173 : memref<1x32768xf32, #tpu.memory_space<hbm>> -> memref<32768xf32, #tpu.memory_space<hbm>>
    %dma_wait3A_1175 = tpu.memref_slice %arg4[%mul3A_1047] : memref<65536xf32, #tpu.memory_space<vmem>> -> memref<32768xf32, #tpu.memory_space<vmem>>
    tpu.wait_dma2 semaphore(%arg6 : memref<!tpu.dma_semaphore, #tpu.memory_space<semaphore_mem>>) src(%dma_wait3A_1175 : memref<32768xf32, #tpu.memory_space<vmem>>) dst(%dma_wait3A_1174 : memref<32768xf32, #tpu.memory_space<hbm>>)
    %dma_wait3A_1176 = tpu.memref_slice %arg4[%mul3A_1063] : memref<65536xf32, #tpu.memory_space<vmem>> -> memref<32768xf32, #tpu.memory_space<vmem>>
    %dma_wait3A_1177 = arith.constant 0 : i32
    %dma_wait3A_1178 = tpu.memref_slice %arg3[%add3A_1059, %dma_wait3A_1177] : memref<2048x32768xf32, #tpu.memory_space<hbm>> -> memref<1x32768xf32, #tpu.memory_space<hbm>>
    %dma_wait3A_1179 = tpu.memref_squeeze %dma_wait3A_1178 : memref<1x32768xf32, #tpu.memory_space<hbm>> -> memref<32768xf32, #tpu.memory_space<hbm>>
    %dma_wait3A_1180 = arith.constant 0 : i32
    %dma_wait3A_1181 = tpu.memref_slice %arg3[%add3A_1059, %dma_wait3A_1180] : memref<2048x32768xf32, #tpu.memory_space<hbm>> -> memref<1x32768xf32, #tpu.memory_space<hbm>>
    %dma_wait3A_1182 = tpu.memref_squeeze %dma_wait3A_1181 : memref<1x32768xf32, #tpu.memory_space<hbm>> -> memref<32768xf32, #tpu.memory_space<hbm>>
    %dma_wait3A_1183 = tpu.memref_slice %arg4[%mul3A_1063] : memref<65536xf32, #tpu.memory_space<vmem>> -> memref<32768xf32, #tpu.memory_space<vmem>>
    tpu.wait_dma2 semaphore(%arg6 : memref<!tpu.dma_semaphore, #tpu.memory_space<semaphore_mem>>) src(%dma_wait3A_1183 : memref<32768xf32, #tpu.memory_space<vmem>>) dst(%dma_wait3A_1182 : memref<32768xf32, #tpu.memory_space<hbm>>)
    %dma_wait3A_1184 = tpu.memref_slice %arg4[%mul3A_1079] : memref<65536xf32, #tpu.memory_space<vmem>> -> memref<32768xf32, #tpu.memory_space<vmem>>
    %dma_wait3A_1185 = arith.constant 0 : i32
    %dma_wait3A_1186 = tpu.memref_slice %arg3[%add3A_1075, %dma_wait3A_1185] : memref<2048x32768xf32, #tpu.memory_space<hbm>> -> memref<1x32768xf32, #tpu.memory_space<hbm>>
    %dma_wait3A_1187 = tpu.memref_squeeze %dma_wait3A_1186 : memref<1x32768xf32, #tpu.memory_space<hbm>> -> memref<32768xf32, #tpu.memory_space<hbm>>
    %dma_wait3A_1188 = arith.constant 0 : i32
    %dma_wait3A_1189 = tpu.memref_slice %arg3[%add3A_1075, %dma_wait3A_1188] : memref<2048x32768xf32, #tpu.memory_space<hbm>> -> memref<1x32768xf32, #tpu.memory_space<hbm>>
    %dma_wait3A_1190 = tpu.memref_squeeze %dma_wait3A_1189 : memref<1x32768xf32, #tpu.memory_space<hbm>> -> memref<32768xf32, #tpu.memory_space<hbm>>
    %dma_wait3A_1191 = tpu.memref_slice %arg4[%mul3A_1079] : memref<65536xf32, #tpu.memory_space<vmem>> -> memref<32768xf32, #tpu.memory_space<vmem>>
    tpu.wait_dma2 semaphore(%arg6 : memref<!tpu.dma_semaphore, #tpu.memory_space<semaphore_mem>>) src(%dma_wait3A_1191 : memref<32768xf32, #tpu.memory_space<vmem>>) dst(%dma_wait3A_1190 : memref<32768xf32, #tpu.memory_space<hbm>>)
    %dma_wait3A_1192 = tpu.memref_slice %arg4[%mul3A_1095] : memref<65536xf32, #tpu.memory_space<vmem>> -> memref<32768xf32, #tpu.memory_space<vmem>>
    %dma_wait3A_1193 = arith.constant 0 : i32
    %dma_wait3A_1194 = tpu.memref_slice %arg3[%add3A_1091, %dma_wait3A_1193] : memref<2048x32768xf32, #tpu.memory_space<hbm>> -> memref<1x32768xf32, #tpu.memory_space<hbm>>
    %dma_wait3A_1195 = tpu.memref_squeeze %dma_wait3A_1194 : memref<1x32768xf32, #tpu.memory_space<hbm>> -> memref<32768xf32, #tpu.memory_space<hbm>>
    %dma_wait3A_1196 = arith.constant 0 : i32
    %dma_wait3A_1197 = tpu.memref_slice %arg3[%add3A_1091, %dma_wait3A_1196] : memref<2048x32768xf32, #tpu.memory_space<hbm>> -> memref<1x32768xf32, #tpu.memory_space<hbm>>
    %dma_wait3A_1198 = tpu.memref_squeeze %dma_wait3A_1197 : memref<1x32768xf32, #tpu.memory_space<hbm>> -> memref<32768xf32, #tpu.memory_space<hbm>>
    %dma_wait3A_1199 = tpu.memref_slice %arg4[%mul3A_1095] : memref<65536xf32, #tpu.memory_space<vmem>> -> memref<32768xf32, #tpu.memory_space<vmem>>
    tpu.wait_dma2 semaphore(%arg6 : memref<!tpu.dma_semaphore, #tpu.memory_space<semaphore_mem>>) src(%dma_wait3A_1199 : memref<32768xf32, #tpu.memory_space<vmem>>) dst(%dma_wait3A_1198 : memref<32768xf32, #tpu.memory_space<hbm>>)
    %dma_wait3A_1200 = tpu.memref_slice %arg4[%mul3A_1111] : memref<65536xf32, #tpu.memory_space<vmem>> -> memref<32768xf32, #tpu.memory_space<vmem>>
    %dma_wait3A_1201 = arith.constant 0 : i32
    %dma_wait3A_1202 = tpu.memref_slice %arg3[%add3A_1107, %dma_wait3A_1201] : memref<2048x32768xf32, #tpu.memory_space<hbm>> -> memref<1x32768xf32, #tpu.memory_space<hbm>>
    %dma_wait3A_1203 = tpu.memref_squeeze %dma_wait3A_1202 : memref<1x32768xf32, #tpu.memory_space<hbm>> -> memref<32768xf32, #tpu.memory_space<hbm>>
    %dma_wait3A_1204 = arith.constant 0 : i32
    %dma_wait3A_1205 = tpu.memref_slice %arg3[%add3A_1107, %dma_wait3A_1204] : memref<2048x32768xf32, #tpu.memory_space<hbm>> -> memref<1x32768xf32, #tpu.memory_space<hbm>>
    %dma_wait3A_1206 = tpu.memref_squeeze %dma_wait3A_1205 : memref<1x32768xf32, #tpu.memory_space<hbm>> -> memref<32768xf32, #tpu.memory_space<hbm>>
    %dma_wait3A_1207 = tpu.memref_slice %arg4[%mul3A_1111] : memref<65536xf32, #tpu.memory_space<vmem>> -> memref<32768xf32, #tpu.memory_space<vmem>>
    tpu.wait_dma2 semaphore(%arg6 : memref<!tpu.dma_semaphore, #tpu.memory_space<semaphore_mem>>) src(%dma_wait3A_1207 : memref<32768xf32, #tpu.memory_space<vmem>>) dst(%dma_wait3A_1206 : memref<32768xf32, #tpu.memory_space<hbm>>)
    %dma_wait3A_1208 = tpu.memref_slice %arg4[%mul3A_1127] : memref<65536xf32, #tpu.memory_space<vmem>> -> memref<32768xf32, #tpu.memory_space<vmem>>
    %dma_wait3A_1209 = arith.constant 0 : i32
    %dma_wait3A_1210 = tpu.memref_slice %arg3[%add3A_1123, %dma_wait3A_1209] : memref<2048x32768xf32, #tpu.memory_space<hbm>> -> memref<1x32768xf32, #tpu.memory_space<hbm>>
    %dma_wait3A_1211 = tpu.memref_squeeze %dma_wait3A_1210 : memref<1x32768xf32, #tpu.memory_space<hbm>> -> memref<32768xf32, #tpu.memory_space<hbm>>
    %dma_wait3A_1212 = arith.constant 0 : i32
    %dma_wait3A_1213 = tpu.memref_slice %arg3[%add3A_1123, %dma_wait3A_1212] : memref<2048x32768xf32, #tpu.memory_space<hbm>> -> memref<1x32768xf32, #tpu.memory_space<hbm>>
    %dma_wait3A_1214 = tpu.memref_squeeze %dma_wait3A_1213 : memref<1x32768xf32, #tpu.memory_space<hbm>> -> memref<32768xf32, #tpu.memory_space<hbm>>
    %dma_wait3A_1215 = tpu.memref_slice %arg4[%mul3A_1127] : memref<65536xf32, #tpu.memory_space<vmem>> -> memref<32768xf32, #tpu.memory_space<vmem>>
    tpu.wait_dma2 semaphore(%arg6 : memref<!tpu.dma_semaphore, #tpu.memory_space<semaphore_mem>>) src(%dma_wait3A_1215 : memref<32768xf32, #tpu.memory_space<vmem>>) dst(%dma_wait3A_1214 : memref<32768xf32, #tpu.memory_space<hbm>>)
    %dma_wait3A_1216 = tpu.memref_slice %arg4[%mul3A_1143] : memref<65536xf32, #tpu.memory_space<vmem>> -> memref<32768xf32, #tpu.memory_space<vmem>>
    %dma_wait3A_1217 = arith.constant 0 : i32
    %dma_wait3A_1218 = tpu.memref_slice %arg3[%add3A_1139, %dma_wait3A_1217] : memref<2048x32768xf32, #tpu.memory_space<hbm>> -> memref<1x32768xf32, #tpu.memory_space<hbm>>
    %dma_wait3A_1219 = tpu.memref_squeeze %dma_wait3A_1218 : memref<1x32768xf32, #tpu.memory_space<hbm>> -> memref<32768xf32, #tpu.memory_space<hbm>>
    %dma_wait3A_1220 = arith.constant 0 : i32
    %dma_wait3A_1221 = tpu.memref_slice %arg3[%add3A_1139, %dma_wait3A_1220] : memref<2048x32768xf32, #tpu.memory_space<hbm>> -> memref<1x32768xf32, #tpu.memory_space<hbm>>
    %dma_wait3A_1222 = tpu.memref_squeeze %dma_wait3A_1221 : memref<1x32768xf32, #tpu.memory_space<hbm>> -> memref<32768xf32, #tpu.memory_space<hbm>>
    %dma_wait3A_1223 = tpu.memref_slice %arg4[%mul3A_1143] : memref<65536xf32, #tpu.memory_space<vmem>> -> memref<32768xf32, #tpu.memory_space<vmem>>
    tpu.wait_dma2 semaphore(%arg6 : memref<!tpu.dma_semaphore, #tpu.memory_space<semaphore_mem>>) src(%dma_wait3A_1223 : memref<32768xf32, #tpu.memory_space<vmem>>) dst(%dma_wait3A_1222 : memref<32768xf32, #tpu.memory_space<hbm>>)
    %dma_wait3A_1224 = tpu.memref_slice %arg4[%mul3A_1159] : memref<65536xf32, #tpu.memory_space<vmem>> -> memref<32768xf32, #tpu.memory_space<vmem>>
    %dma_wait3A_1225 = arith.constant 0 : i32
    %dma_wait3A_1226 = tpu.memref_slice %arg3[%add3A_1155, %dma_wait3A_1225] : memref<2048x32768xf32, #tpu.memory_space<hbm>> -> memref<1x32768xf32, #tpu.memory_space<hbm>>
    %dma_wait3A_1227 = tpu.memref_squeeze %dma_wait3A_1226 : memref<1x32768xf32, #tpu.memory_space<hbm>> -> memref<32768xf32, #tpu.memory_space<hbm>>
    %dma_wait3A_1228 = arith.constant 0 : i32
    %dma_wait3A_1229 = tpu.memref_slice %arg3[%add3A_1155, %dma_wait3A_1228] : memref<2048x32768xf32, #tpu.memory_space<hbm>> -> memref<1x32768xf32, #tpu.memory_space<hbm>>
    %dma_wait3A_1230 = tpu.memref_squeeze %dma_wait3A_1229 : memref<1x32768xf32, #tpu.memory_space<hbm>> -> memref<32768xf32, #tpu.memory_space<hbm>>
    %dma_wait3A_1231 = tpu.memref_slice %arg4[%mul3A_1159] : memref<65536xf32, #tpu.memory_space<vmem>> -> memref<32768xf32, #tpu.memory_space<vmem>>
    tpu.wait_dma2 semaphore(%arg6 : memref<!tpu.dma_semaphore, #tpu.memory_space<semaphore_mem>>) src(%dma_wait3A_1231 : memref<32768xf32, #tpu.memory_space<vmem>>) dst(%dma_wait3A_1230 : memref<32768xf32, #tpu.memory_space<hbm>>)
    %add3A_1232 = arith.constant 32 : i32
    %add3A_1233 = arith.addi %mul3A_466, %add3A_1232 : i32
    %add3A_1234 = arith.constant 0 : i32
    %add3A_1235 = arith.addi %add3A_1233, %add3A_1234 : i32
    %sub3A_1236 = arith.constant 2047 : i32
    %sub3A_1237 = arith.subi %sub3A_1236, %add3A_1235 : i32
    %mul3A_1238 = arith.constant 16 : i32
    %mul3A_1239 = arith.muli %sub3A_1237, %mul3A_1238 : i32
    %dma_start3A_1240 = tpu.memref_slice %arg4[%mul3A_1239] : memref<65536xf32, #tpu.memory_space<vmem>> -> memref<32768xf32, #tpu.memory_space<vmem>>
    %dma_start3A_1241 = arith.constant 0 : i32
    %dma_start3A_1242 = tpu.memref_slice %arg3[%add3A_1235, %dma_start3A_1241] : memref<2048x32768xf32, #tpu.memory_space<hbm>> -> memref<1x32768xf32, #tpu.memory_space<hbm>>
    %dma_start3A_1243 = tpu.memref_squeeze %dma_start3A_1242 : memref<1x32768xf32, #tpu.memory_space<hbm>> -> memref<32768xf32, #tpu.memory_space<hbm>>
    %dma_start3A_1244 = arith.constant 0 : i32
    %dma_start3A_1245 = tpu.memref_slice %arg3[%add3A_1235, %dma_start3A_1244] : memref<2048x32768xf32, #tpu.memory_space<hbm>> -> memref<1x32768xf32, #tpu.memory_space<hbm>>
    %dma_start3A_1246 = tpu.memref_squeeze %dma_start3A_1245 : memref<1x32768xf32, #tpu.memory_space<hbm>> -> memref<32768xf32, #tpu.memory_space<hbm>>
    %dma_start3A_1247 = tpu.memref_slice %arg4[%mul3A_1239] : memref<65536xf32, #tpu.memory_space<vmem>> -> memref<32768xf32, #tpu.memory_space<vmem>>
    tpu.enqueue_dma source(%dma_start3A_1247 : memref<32768xf32, #tpu.memory_space<vmem>>) target(%dma_start3A_1246 : memref<32768xf32, #tpu.memory_space<hbm>>) target_semaphore(%arg6 : memref<!tpu.dma_semaphore, #tpu.memory_space<semaphore_mem>>)
    %add3A_1248 = arith.constant 32 : i32
    %add3A_1249 = arith.addi %mul3A_466, %add3A_1248 : i32
    %add3A_1250 = arith.constant 1 : i32
    %add3A_1251 = arith.addi %add3A_1249, %add3A_1250 : i32
    %sub3A_1252 = arith.constant 2047 : i32
    %sub3A_1253 = arith.subi %sub3A_1252, %add3A_1251 : i32
    %mul3A_1254 = arith.constant 16 : i32
    %mul3A_1255 = arith.muli %sub3A_1253, %mul3A_1254 : i32
    %dma_start3A_1256 = tpu.memref_slice %arg4[%mul3A_1255] : memref<65536xf32, #tpu.memory_space<vmem>> -> memref<32768xf32, #tpu.memory_space<vmem>>
    %dma_start3A_1257 = arith.constant 0 : i32
    %dma_start3A_1258 = tpu.memref_slice %arg3[%add3A_1251, %dma_start3A_1257] : memref<2048x32768xf32, #tpu.memory_space<hbm>> -> memref<1x32768xf32, #tpu.memory_space<hbm>>
    %dma_start3A_1259 = tpu.memref_squeeze %dma_start3A_1258 : memref<1x32768xf32, #tpu.memory_space<hbm>> -> memref<32768xf32, #tpu.memory_space<hbm>>
    %dma_start3A_1260 = arith.constant 0 : i32
    %dma_start3A_1261 = tpu.memref_slice %arg3[%add3A_1251, %dma_start3A_1260] : memref<2048x32768xf32, #tpu.memory_space<hbm>> -> memref<1x32768xf32, #tpu.memory_space<hbm>>
    %dma_start3A_1262 = tpu.memref_squeeze %dma_start3A_1261 : memref<1x32768xf32, #tpu.memory_space<hbm>> -> memref<32768xf32, #tpu.memory_space<hbm>>
    %dma_start3A_1263 = tpu.memref_slice %arg4[%mul3A_1255] : memref<65536xf32, #tpu.memory_space<vmem>> -> memref<32768xf32, #tpu.memory_space<vmem>>
    tpu.enqueue_dma source(%dma_start3A_1263 : memref<32768xf32, #tpu.memory_space<vmem>>) target(%dma_start3A_1262 : memref<32768xf32, #tpu.memory_space<hbm>>) target_semaphore(%arg6 : memref<!tpu.dma_semaphore, #tpu.memory_space<semaphore_mem>>)
    %add3A_1264 = arith.constant 32 : i32
    %add3A_1265 = arith.addi %mul3A_466, %add3A_1264 : i32
    %add3A_1266 = arith.constant 2 : i32
    %add3A_1267 = arith.addi %add3A_1265, %add3A_1266 : i32
    %sub3A_1268 = arith.constant 2047 : i32
    %sub3A_1269 = arith.subi %sub3A_1268, %add3A_1267 : i32
    %mul3A_1270 = arith.constant 16 : i32
    %mul3A_1271 = arith.muli %sub3A_1269, %mul3A_1270 : i32
    %dma_start3A_1272 = tpu.memref_slice %arg4[%mul3A_1271] : memref<65536xf32, #tpu.memory_space<vmem>> -> memref<32768xf32, #tpu.memory_space<vmem>>
    %dma_start3A_1273 = arith.constant 0 : i32
    %dma_start3A_1274 = tpu.memref_slice %arg3[%add3A_1267, %dma_start3A_1273] : memref<2048x32768xf32, #tpu.memory_space<hbm>> -> memref<1x32768xf32, #tpu.memory_space<hbm>>
    %dma_start3A_1275 = tpu.memref_squeeze %dma_start3A_1274 : memref<1x32768xf32, #tpu.memory_space<hbm>> -> memref<32768xf32, #tpu.memory_space<hbm>>
    %dma_start3A_1276 = arith.constant 0 : i32
    %dma_start3A_1277 = tpu.memref_slice %arg3[%add3A_1267, %dma_start3A_1276] : memref<2048x32768xf32, #tpu.memory_space<hbm>> -> memref<1x32768xf32, #tpu.memory_space<hbm>>
    %dma_start3A_1278 = tpu.memref_squeeze %dma_start3A_1277 : memref<1x32768xf32, #tpu.memory_space<hbm>> -> memref<32768xf32, #tpu.memory_space<hbm>>
    %dma_start3A_1279 = tpu.memref_slice %arg4[%mul3A_1271] : memref<65536xf32, #tpu.memory_space<vmem>> -> memref<32768xf32, #tpu.memory_space<vmem>>
    tpu.enqueue_dma source(%dma_start3A_1279 : memref<32768xf32, #tpu.memory_space<vmem>>) target(%dma_start3A_1278 : memref<32768xf32, #tpu.memory_space<hbm>>) target_semaphore(%arg6 : memref<!tpu.dma_semaphore, #tpu.memory_space<semaphore_mem>>)
    %add3A_1280 = arith.constant 32 : i32
    %add3A_1281 = arith.addi %mul3A_466, %add3A_1280 : i32
    %add3A_1282 = arith.constant 3 : i32
    %add3A_1283 = arith.addi %add3A_1281, %add3A_1282 : i32
    %sub3A_1284 = arith.constant 2047 : i32
    %sub3A_1285 = arith.subi %sub3A_1284, %add3A_1283 : i32
    %mul3A_1286 = arith.constant 16 : i32
    %mul3A_1287 = arith.muli %sub3A_1285, %mul3A_1286 : i32
    %dma_start3A_1288 = tpu.memref_slice %arg4[%mul3A_1287] : memref<65536xf32, #tpu.memory_space<vmem>> -> memref<32768xf32, #tpu.memory_space<vmem>>
    %dma_start3A_1289 = arith.constant 0 : i32
    %dma_start3A_1290 = tpu.memref_slice %arg3[%add3A_1283, %dma_start3A_1289] : memref<2048x32768xf32, #tpu.memory_space<hbm>> -> memref<1x32768xf32, #tpu.memory_space<hbm>>
    %dma_start3A_1291 = tpu.memref_squeeze %dma_start3A_1290 : memref<1x32768xf32, #tpu.memory_space<hbm>> -> memref<32768xf32, #tpu.memory_space<hbm>>
    %dma_start3A_1292 = arith.constant 0 : i32
    %dma_start3A_1293 = tpu.memref_slice %arg3[%add3A_1283, %dma_start3A_1292] : memref<2048x32768xf32, #tpu.memory_space<hbm>> -> memref<1x32768xf32, #tpu.memory_space<hbm>>
    %dma_start3A_1294 = tpu.memref_squeeze %dma_start3A_1293 : memref<1x32768xf32, #tpu.memory_space<hbm>> -> memref<32768xf32, #tpu.memory_space<hbm>>
    %dma_start3A_1295 = tpu.memref_slice %arg4[%mul3A_1287] : memref<65536xf32, #tpu.memory_space<vmem>> -> memref<32768xf32, #tpu.memory_space<vmem>>
    tpu.enqueue_dma source(%dma_start3A_1295 : memref<32768xf32, #tpu.memory_space<vmem>>) target(%dma_start3A_1294 : memref<32768xf32, #tpu.memory_space<hbm>>) target_semaphore(%arg6 : memref<!tpu.dma_semaphore, #tpu.memory_space<semaphore_mem>>)
    %add3A_1296 = arith.constant 32 : i32
    %add3A_1297 = arith.addi %mul3A_466, %add3A_1296 : i32
    %add3A_1298 = arith.constant 4 : i32
    %add3A_1299 = arith.addi %add3A_1297, %add3A_1298 : i32
    %sub3A_1300 = arith.constant 2047 : i32
    %sub3A_1301 = arith.subi %sub3A_1300, %add3A_1299 : i32
    %mul3A_1302 = arith.constant 16 : i32
    %mul3A_1303 = arith.muli %sub3A_1301, %mul3A_1302 : i32
    %dma_start3A_1304 = tpu.memref_slice %arg4[%mul3A_1303] : memref<65536xf32, #tpu.memory_space<vmem>> -> memref<32768xf32, #tpu.memory_space<vmem>>
    %dma_start3A_1305 = arith.constant 0 : i32
    %dma_start3A_1306 = tpu.memref_slice %arg3[%add3A_1299, %dma_start3A_1305] : memref<2048x32768xf32, #tpu.memory_space<hbm>> -> memref<1x32768xf32, #tpu.memory_space<hbm>>
    %dma_start3A_1307 = tpu.memref_squeeze %dma_start3A_1306 : memref<1x32768xf32, #tpu.memory_space<hbm>> -> memref<32768xf32, #tpu.memory_space<hbm>>
    %dma_start3A_1308 = arith.constant 0 : i32
    %dma_start3A_1309 = tpu.memref_slice %arg3[%add3A_1299, %dma_start3A_1308] : memref<2048x32768xf32, #tpu.memory_space<hbm>> -> memref<1x32768xf32, #tpu.memory_space<hbm>>
    %dma_start3A_1310 = tpu.memref_squeeze %dma_start3A_1309 : memref<1x32768xf32, #tpu.memory_space<hbm>> -> memref<32768xf32, #tpu.memory_space<hbm>>
    %dma_start3A_1311 = tpu.memref_slice %arg4[%mul3A_1303] : memref<65536xf32, #tpu.memory_space<vmem>> -> memref<32768xf32, #tpu.memory_space<vmem>>
    tpu.enqueue_dma source(%dma_start3A_1311 : memref<32768xf32, #tpu.memory_space<vmem>>) target(%dma_start3A_1310 : memref<32768xf32, #tpu.memory_space<hbm>>) target_semaphore(%arg6 : memref<!tpu.dma_semaphore, #tpu.memory_space<semaphore_mem>>)
    %add3A_1312 = arith.constant 32 : i32
    %add3A_1313 = arith.addi %mul3A_466, %add3A_1312 : i32
    %add3A_1314 = arith.constant 5 : i32
    %add3A_1315 = arith.addi %add3A_1313, %add3A_1314 : i32
    %sub3A_1316 = arith.constant 2047 : i32
    %sub3A_1317 = arith.subi %sub3A_1316, %add3A_1315 : i32
    %mul3A_1318 = arith.constant 16 : i32
    %mul3A_1319 = arith.muli %sub3A_1317, %mul3A_1318 : i32
    %dma_start3A_1320 = tpu.memref_slice %arg4[%mul3A_1319] : memref<65536xf32, #tpu.memory_space<vmem>> -> memref<32768xf32, #tpu.memory_space<vmem>>
    %dma_start3A_1321 = arith.constant 0 : i32
    %dma_start3A_1322 = tpu.memref_slice %arg3[%add3A_1315, %dma_start3A_1321] : memref<2048x32768xf32, #tpu.memory_space<hbm>> -> memref<1x32768xf32, #tpu.memory_space<hbm>>
    %dma_start3A_1323 = tpu.memref_squeeze %dma_start3A_1322 : memref<1x32768xf32, #tpu.memory_space<hbm>> -> memref<32768xf32, #tpu.memory_space<hbm>>
    %dma_start3A_1324 = arith.constant 0 : i32
    %dma_start3A_1325 = tpu.memref_slice %arg3[%add3A_1315, %dma_start3A_1324] : memref<2048x32768xf32, #tpu.memory_space<hbm>> -> memref<1x32768xf32, #tpu.memory_space<hbm>>
    %dma_start3A_1326 = tpu.memref_squeeze %dma_start3A_1325 : memref<1x32768xf32, #tpu.memory_space<hbm>> -> memref<32768xf32, #tpu.memory_space<hbm>>
    %dma_start3A_1327 = tpu.memref_slice %arg4[%mul3A_1319] : memref<65536xf32, #tpu.memory_space<vmem>> -> memref<32768xf32, #tpu.memory_space<vmem>>
    tpu.enqueue_dma source(%dma_start3A_1327 : memref<32768xf32, #tpu.memory_space<vmem>>) target(%dma_start3A_1326 : memref<32768xf32, #tpu.memory_space<hbm>>) target_semaphore(%arg6 : memref<!tpu.dma_semaphore, #tpu.memory_space<semaphore_mem>>)
    %add3A_1328 = arith.constant 32 : i32
    %add3A_1329 = arith.addi %mul3A_466, %add3A_1328 : i32
    %add3A_1330 = arith.constant 6 : i32
    %add3A_1331 = arith.addi %add3A_1329, %add3A_1330 : i32
    %sub3A_1332 = arith.constant 2047 : i32
    %sub3A_1333 = arith.subi %sub3A_1332, %add3A_1331 : i32
    %mul3A_1334 = arith.constant 16 : i32
    %mul3A_1335 = arith.muli %sub3A_1333, %mul3A_1334 : i32
    %dma_start3A_1336 = tpu.memref_slice %arg4[%mul3A_1335] : memref<65536xf32, #tpu.memory_space<vmem>> -> memref<32768xf32, #tpu.memory_space<vmem>>
    %dma_start3A_1337 = arith.constant 0 : i32
    %dma_start3A_1338 = tpu.memref_slice %arg3[%add3A_1331, %dma_start3A_1337] : memref<2048x32768xf32, #tpu.memory_space<hbm>> -> memref<1x32768xf32, #tpu.memory_space<hbm>>
    %dma_start3A_1339 = tpu.memref_squeeze %dma_start3A_1338 : memref<1x32768xf32, #tpu.memory_space<hbm>> -> memref<32768xf32, #tpu.memory_space<hbm>>
    %dma_start3A_1340 = arith.constant 0 : i32
    %dma_start3A_1341 = tpu.memref_slice %arg3[%add3A_1331, %dma_start3A_1340] : memref<2048x32768xf32, #tpu.memory_space<hbm>> -> memref<1x32768xf32, #tpu.memory_space<hbm>>
    %dma_start3A_1342 = tpu.memref_squeeze %dma_start3A_1341 : memref<1x32768xf32, #tpu.memory_space<hbm>> -> memref<32768xf32, #tpu.memory_space<hbm>>
    %dma_start3A_1343 = tpu.memref_slice %arg4[%mul3A_1335] : memref<65536xf32, #tpu.memory_space<vmem>> -> memref<32768xf32, #tpu.memory_space<vmem>>
    tpu.enqueue_dma source(%dma_start3A_1343 : memref<32768xf32, #tpu.memory_space<vmem>>) target(%dma_start3A_1342 : memref<32768xf32, #tpu.memory_space<hbm>>) target_semaphore(%arg6 : memref<!tpu.dma_semaphore, #tpu.memory_space<semaphore_mem>>)
    %add3A_1344 = arith.constant 32 : i32
    %add3A_1345 = arith.addi %mul3A_466, %add3A_1344 : i32
    %add3A_1346 = arith.constant 7 : i32
    %add3A_1347 = arith.addi %add3A_1345, %add3A_1346 : i32
    %sub3A_1348 = arith.constant 2047 : i32
    %sub3A_1349 = arith.subi %sub3A_1348, %add3A_1347 : i32
    %mul3A_1350 = arith.constant 16 : i32
    %mul3A_1351 = arith.muli %sub3A_1349, %mul3A_1350 : i32
    %dma_start3A_1352 = tpu.memref_slice %arg4[%mul3A_1351] : memref<65536xf32, #tpu.memory_space<vmem>> -> memref<32768xf32, #tpu.memory_space<vmem>>
    %dma_start3A_1353 = arith.constant 0 : i32
    %dma_start3A_1354 = tpu.memref_slice %arg3[%add3A_1347, %dma_start3A_1353] : memref<2048x32768xf32, #tpu.memory_space<hbm>> -> memref<1x32768xf32, #tpu.memory_space<hbm>>
    %dma_start3A_1355 = tpu.memref_squeeze %dma_start3A_1354 : memref<1x32768xf32, #tpu.memory_space<hbm>> -> memref<32768xf32, #tpu.memory_space<hbm>>
    %dma_start3A_1356 = arith.constant 0 : i32
    %dma_start3A_1357 = tpu.memref_slice %arg3[%add3A_1347, %dma_start3A_1356] : memref<2048x32768xf32, #tpu.memory_space<hbm>> -> memref<1x32768xf32, #tpu.memory_space<hbm>>
    %dma_start3A_1358 = tpu.memref_squeeze %dma_start3A_1357 : memref<1x32768xf32, #tpu.memory_space<hbm>> -> memref<32768xf32, #tpu.memory_space<hbm>>
    %dma_start3A_1359 = tpu.memref_slice %arg4[%mul3A_1351] : memref<65536xf32, #tpu.memory_space<vmem>> -> memref<32768xf32, #tpu.memory_space<vmem>>
    tpu.enqueue_dma source(%dma_start3A_1359 : memref<32768xf32, #tpu.memory_space<vmem>>) target(%dma_start3A_1358 : memref<32768xf32, #tpu.memory_space<hbm>>) target_semaphore(%arg6 : memref<!tpu.dma_semaphore, #tpu.memory_space<semaphore_mem>>)
    %dma_wait3A_1360 = tpu.memref_slice %arg4[%mul3A_1239] : memref<65536xf32, #tpu.memory_space<vmem>> -> memref<32768xf32, #tpu.memory_space<vmem>>
    %dma_wait3A_1361 = arith.constant 0 : i32
    %dma_wait3A_1362 = tpu.memref_slice %arg3[%add3A_1235, %dma_wait3A_1361] : memref<2048x32768xf32, #tpu.memory_space<hbm>> -> memref<1x32768xf32, #tpu.memory_space<hbm>>
    %dma_wait3A_1363 = tpu.memref_squeeze %dma_wait3A_1362 : memref<1x32768xf32, #tpu.memory_space<hbm>> -> memref<32768xf32, #tpu.memory_space<hbm>>
    %dma_wait3A_1364 = arith.constant 0 : i32
    %dma_wait3A_1365 = tpu.memref_slice %arg3[%add3A_1235, %dma_wait3A_1364] : memref<2048x32768xf32, #tpu.memory_space<hbm>> -> memref<1x32768xf32, #tpu.memory_space<hbm>>
    %dma_wait3A_1366 = tpu.memref_squeeze %dma_wait3A_1365 : memref<1x32768xf32, #tpu.memory_space<hbm>> -> memref<32768xf32, #tpu.memory_space<hbm>>
    %dma_wait3A_1367 = tpu.memref_slice %arg4[%mul3A_1239] : memref<65536xf32, #tpu.memory_space<vmem>> -> memref<32768xf32, #tpu.memory_space<vmem>>
    tpu.wait_dma2 semaphore(%arg6 : memref<!tpu.dma_semaphore, #tpu.memory_space<semaphore_mem>>) src(%dma_wait3A_1367 : memref<32768xf32, #tpu.memory_space<vmem>>) dst(%dma_wait3A_1366 : memref<32768xf32, #tpu.memory_space<hbm>>)
    %dma_wait3A_1368 = tpu.memref_slice %arg4[%mul3A_1255] : memref<65536xf32, #tpu.memory_space<vmem>> -> memref<32768xf32, #tpu.memory_space<vmem>>
    %dma_wait3A_1369 = arith.constant 0 : i32
    %dma_wait3A_1370 = tpu.memref_slice %arg3[%add3A_1251, %dma_wait3A_1369] : memref<2048x32768xf32, #tpu.memory_space<hbm>> -> memref<1x32768xf32, #tpu.memory_space<hbm>>
    %dma_wait3A_1371 = tpu.memref_squeeze %dma_wait3A_1370 : memref<1x32768xf32, #tpu.memory_space<hbm>> -> memref<32768xf32, #tpu.memory_space<hbm>>
    %dma_wait3A_1372 = arith.constant 0 : i32
    %dma_wait3A_1373 = tpu.memref_slice %arg3[%add3A_1251, %dma_wait3A_1372] : memref<2048x32768xf32, #tpu.memory_space<hbm>> -> memref<1x32768xf32, #tpu.memory_space<hbm>>
    %dma_wait3A_1374 = tpu.memref_squeeze %dma_wait3A_1373 : memref<1x32768xf32, #tpu.memory_space<hbm>> -> memref<32768xf32, #tpu.memory_space<hbm>>
    %dma_wait3A_1375 = tpu.memref_slice %arg4[%mul3A_1255] : memref<65536xf32, #tpu.memory_space<vmem>> -> memref<32768xf32, #tpu.memory_space<vmem>>
    tpu.wait_dma2 semaphore(%arg6 : memref<!tpu.dma_semaphore, #tpu.memory_space<semaphore_mem>>) src(%dma_wait3A_1375 : memref<32768xf32, #tpu.memory_space<vmem>>) dst(%dma_wait3A_1374 : memref<32768xf32, #tpu.memory_space<hbm>>)
    %dma_wait3A_1376 = tpu.memref_slice %arg4[%mul3A_1271] : memref<65536xf32, #tpu.memory_space<vmem>> -> memref<32768xf32, #tpu.memory_space<vmem>>
    %dma_wait3A_1377 = arith.constant 0 : i32
    %dma_wait3A_1378 = tpu.memref_slice %arg3[%add3A_1267, %dma_wait3A_1377] : memref<2048x32768xf32, #tpu.memory_space<hbm>> -> memref<1x32768xf32, #tpu.memory_space<hbm>>
    %dma_wait3A_1379 = tpu.memref_squeeze %dma_wait3A_1378 : memref<1x32768xf32, #tpu.memory_space<hbm>> -> memref<32768xf32, #tpu.memory_space<hbm>>
    %dma_wait3A_1380 = arith.constant 0 : i32
    %dma_wait3A_1381 = tpu.memref_slice %arg3[%add3A_1267, %dma_wait3A_1380] : memref<2048x32768xf32, #tpu.memory_space<hbm>> -> memref<1x32768xf32, #tpu.memory_space<hbm>>
    %dma_wait3A_1382 = tpu.memref_squeeze %dma_wait3A_1381 : memref<1x32768xf32, #tpu.memory_space<hbm>> -> memref<32768xf32, #tpu.memory_space<hbm>>
    %dma_wait3A_1383 = tpu.memref_slice %arg4[%mul3A_1271] : memref<65536xf32, #tpu.memory_space<vmem>> -> memref<32768xf32, #tpu.memory_space<vmem>>
    tpu.wait_dma2 semaphore(%arg6 : memref<!tpu.dma_semaphore, #tpu.memory_space<semaphore_mem>>) src(%dma_wait3A_1383 : memref<32768xf32, #tpu.memory_space<vmem>>) dst(%dma_wait3A_1382 : memref<32768xf32, #tpu.memory_space<hbm>>)
    %dma_wait3A_1384 = tpu.memref_slice %arg4[%mul3A_1287] : memref<65536xf32, #tpu.memory_space<vmem>> -> memref<32768xf32, #tpu.memory_space<vmem>>
    %dma_wait3A_1385 = arith.constant 0 : i32
    %dma_wait3A_1386 = tpu.memref_slice %arg3[%add3A_1283, %dma_wait3A_1385] : memref<2048x32768xf32, #tpu.memory_space<hbm>> -> memref<1x32768xf32, #tpu.memory_space<hbm>>
    %dma_wait3A_1387 = tpu.memref_squeeze %dma_wait3A_1386 : memref<1x32768xf32, #tpu.memory_space<hbm>> -> memref<32768xf32, #tpu.memory_space<hbm>>
    %dma_wait3A_1388 = arith.constant 0 : i32
    %dma_wait3A_1389 = tpu.memref_slice %arg3[%add3A_1283, %dma_wait3A_1388] : memref<2048x32768xf32, #tpu.memory_space<hbm>> -> memref<1x32768xf32, #tpu.memory_space<hbm>>
    %dma_wait3A_1390 = tpu.memref_squeeze %dma_wait3A_1389 : memref<1x32768xf32, #tpu.memory_space<hbm>> -> memref<32768xf32, #tpu.memory_space<hbm>>
    %dma_wait3A_1391 = tpu.memref_slice %arg4[%mul3A_1287] : memref<65536xf32, #tpu.memory_space<vmem>> -> memref<32768xf32, #tpu.memory_space<vmem>>
    tpu.wait_dma2 semaphore(%arg6 : memref<!tpu.dma_semaphore, #tpu.memory_space<semaphore_mem>>) src(%dma_wait3A_1391 : memref<32768xf32, #tpu.memory_space<vmem>>) dst(%dma_wait3A_1390 : memref<32768xf32, #tpu.memory_space<hbm>>)
    %dma_wait3A_1392 = tpu.memref_slice %arg4[%mul3A_1303] : memref<65536xf32, #tpu.memory_space<vmem>> -> memref<32768xf32, #tpu.memory_space<vmem>>
    %dma_wait3A_1393 = arith.constant 0 : i32
    %dma_wait3A_1394 = tpu.memref_slice %arg3[%add3A_1299, %dma_wait3A_1393] : memref<2048x32768xf32, #tpu.memory_space<hbm>> -> memref<1x32768xf32, #tpu.memory_space<hbm>>
    %dma_wait3A_1395 = tpu.memref_squeeze %dma_wait3A_1394 : memref<1x32768xf32, #tpu.memory_space<hbm>> -> memref<32768xf32, #tpu.memory_space<hbm>>
    %dma_wait3A_1396 = arith.constant 0 : i32
    %dma_wait3A_1397 = tpu.memref_slice %arg3[%add3A_1299, %dma_wait3A_1396] : memref<2048x32768xf32, #tpu.memory_space<hbm>> -> memref<1x32768xf32, #tpu.memory_space<hbm>>
    %dma_wait3A_1398 = tpu.memref_squeeze %dma_wait3A_1397 : memref<1x32768xf32, #tpu.memory_space<hbm>> -> memref<32768xf32, #tpu.memory_space<hbm>>
    %dma_wait3A_1399 = tpu.memref_slice %arg4[%mul3A_1303] : memref<65536xf32, #tpu.memory_space<vmem>> -> memref<32768xf32, #tpu.memory_space<vmem>>
    tpu.wait_dma2 semaphore(%arg6 : memref<!tpu.dma_semaphore, #tpu.memory_space<semaphore_mem>>) src(%dma_wait3A_1399 : memref<32768xf32, #tpu.memory_space<vmem>>) dst(%dma_wait3A_1398 : memref<32768xf32, #tpu.memory_space<hbm>>)
    %dma_wait3A_1400 = tpu.memref_slice %arg4[%mul3A_1319] : memref<65536xf32, #tpu.memory_space<vmem>> -> memref<32768xf32, #tpu.memory_space<vmem>>
    %dma_wait3A_1401 = arith.constant 0 : i32
    %dma_wait3A_1402 = tpu.memref_slice %arg3[%add3A_1315, %dma_wait3A_1401] : memref<2048x32768xf32, #tpu.memory_space<hbm>> -> memref<1x32768xf32, #tpu.memory_space<hbm>>
    %dma_wait3A_1403 = tpu.memref_squeeze %dma_wait3A_1402 : memref<1x32768xf32, #tpu.memory_space<hbm>> -> memref<32768xf32, #tpu.memory_space<hbm>>
    %dma_wait3A_1404 = arith.constant 0 : i32
    %dma_wait3A_1405 = tpu.memref_slice %arg3[%add3A_1315, %dma_wait3A_1404] : memref<2048x32768xf32, #tpu.memory_space<hbm>> -> memref<1x32768xf32, #tpu.memory_space<hbm>>
    %dma_wait3A_1406 = tpu.memref_squeeze %dma_wait3A_1405 : memref<1x32768xf32, #tpu.memory_space<hbm>> -> memref<32768xf32, #tpu.memory_space<hbm>>
    %dma_wait3A_1407 = tpu.memref_slice %arg4[%mul3A_1319] : memref<65536xf32, #tpu.memory_space<vmem>> -> memref<32768xf32, #tpu.memory_space<vmem>>
    tpu.wait_dma2 semaphore(%arg6 : memref<!tpu.dma_semaphore, #tpu.memory_space<semaphore_mem>>) src(%dma_wait3A_1407 : memref<32768xf32, #tpu.memory_space<vmem>>) dst(%dma_wait3A_1406 : memref<32768xf32, #tpu.memory_space<hbm>>)
    %dma_wait3A_1408 = tpu.memref_slice %arg4[%mul3A_1335] : memref<65536xf32, #tpu.memory_space<vmem>> -> memref<32768xf32, #tpu.memory_space<vmem>>
    %dma_wait3A_1409 = arith.constant 0 : i32
    %dma_wait3A_1410 = tpu.memref_slice %arg3[%add3A_1331, %dma_wait3A_1409] : memref<2048x32768xf32, #tpu.memory_space<hbm>> -> memref<1x32768xf32, #tpu.memory_space<hbm>>
    %dma_wait3A_1411 = tpu.memref_squeeze %dma_wait3A_1410 : memref<1x32768xf32, #tpu.memory_space<hbm>> -> memref<32768xf32, #tpu.memory_space<hbm>>
    %dma_wait3A_1412 = arith.constant 0 : i32
    %dma_wait3A_1413 = tpu.memref_slice %arg3[%add3A_1331, %dma_wait3A_1412] : memref<2048x32768xf32, #tpu.memory_space<hbm>> -> memref<1x32768xf32, #tpu.memory_space<hbm>>
    %dma_wait3A_1414 = tpu.memref_squeeze %dma_wait3A_1413 : memref<1x32768xf32, #tpu.memory_space<hbm>> -> memref<32768xf32, #tpu.memory_space<hbm>>
    %dma_wait3A_1415 = tpu.memref_slice %arg4[%mul3A_1335] : memref<65536xf32, #tpu.memory_space<vmem>> -> memref<32768xf32, #tpu.memory_space<vmem>>
    tpu.wait_dma2 semaphore(%arg6 : memref<!tpu.dma_semaphore, #tpu.memory_space<semaphore_mem>>) src(%dma_wait3A_1415 : memref<32768xf32, #tpu.memory_space<vmem>>) dst(%dma_wait3A_1414 : memref<32768xf32, #tpu.memory_space<hbm>>)
    %dma_wait3A_1416 = tpu.memref_slice %arg4[%mul3A_1351] : memref<65536xf32, #tpu.memory_space<vmem>> -> memref<32768xf32, #tpu.memory_space<vmem>>
    %dma_wait3A_1417 = arith.constant 0 : i32
    %dma_wait3A_1418 = tpu.memref_slice %arg3[%add3A_1347, %dma_wait3A_1417] : memref<2048x32768xf32, #tpu.memory_space<hbm>> -> memref<1x32768xf32, #tpu.memory_space<hbm>>
    %dma_wait3A_1419 = tpu.memref_squeeze %dma_wait3A_1418 : memref<1x32768xf32, #tpu.memory_space<hbm>> -> memref<32768xf32, #tpu.memory_space<hbm>>
    %dma_wait3A_1420 = arith.constant 0 : i32
    %dma_wait3A_1421 = tpu.memref_slice %arg3[%add3A_1347, %dma_wait3A_1420] : memref<2048x32768xf32, #tpu.memory_space<hbm>> -> memref<1x32768xf32, #tpu.memory_space<hbm>>
    %dma_wait3A_1422 = tpu.memref_squeeze %dma_wait3A_1421 : memref<1x32768xf32, #tpu.memory_space<hbm>> -> memref<32768xf32, #tpu.memory_space<hbm>>
    %dma_wait3A_1423 = tpu.memref_slice %arg4[%mul3A_1351] : memref<65536xf32, #tpu.memory_space<vmem>> -> memref<32768xf32, #tpu.memory_space<vmem>>
    tpu.wait_dma2 semaphore(%arg6 : memref<!tpu.dma_semaphore, #tpu.memory_space<semaphore_mem>>) src(%dma_wait3A_1423 : memref<32768xf32, #tpu.memory_space<vmem>>) dst(%dma_wait3A_1422 : memref<32768xf32, #tpu.memory_space<hbm>>)
    %add3A_1424 = arith.constant 40 : i32
    %add3A_1425 = arith.addi %mul3A_466, %add3A_1424 : i32
    %add3A_1426 = arith.constant 0 : i32
    %add3A_1427 = arith.addi %add3A_1425, %add3A_1426 : i32
    %sub3A_1428 = arith.constant 2047 : i32
    %sub3A_1429 = arith.subi %sub3A_1428, %add3A_1427 : i32
    %mul3A_1430 = arith.constant 16 : i32
    %mul3A_1431 = arith.muli %sub3A_1429, %mul3A_1430 : i32
    %dma_start3A_1432 = tpu.memref_slice %arg4[%mul3A_1431] : memref<65536xf32, #tpu.memory_space<vmem>> -> memref<32768xf32, #tpu.memory_space<vmem>>
    %dma_start3A_1433 = arith.constant 0 : i32
    %dma_start3A_1434 = tpu.memref_slice %arg3[%add3A_1427, %dma_start3A_1433] : memref<2048x32768xf32, #tpu.memory_space<hbm>> -> memref<1x32768xf32, #tpu.memory_space<hbm>>
    %dma_start3A_1435 = tpu.memref_squeeze %dma_start3A_1434 : memref<1x32768xf32, #tpu.memory_space<hbm>> -> memref<32768xf32, #tpu.memory_space<hbm>>
    %dma_start3A_1436 = arith.constant 0 : i32
    %dma_start3A_1437 = tpu.memref_slice %arg3[%add3A_1427, %dma_start3A_1436] : memref<2048x32768xf32, #tpu.memory_space<hbm>> -> memref<1x32768xf32, #tpu.memory_space<hbm>>
    %dma_start3A_1438 = tpu.memref_squeeze %dma_start3A_1437 : memref<1x32768xf32, #tpu.memory_space<hbm>> -> memref<32768xf32, #tpu.memory_space<hbm>>
    %dma_start3A_1439 = tpu.memref_slice %arg4[%mul3A_1431] : memref<65536xf32, #tpu.memory_space<vmem>> -> memref<32768xf32, #tpu.memory_space<vmem>>
    tpu.enqueue_dma source(%dma_start3A_1439 : memref<32768xf32, #tpu.memory_space<vmem>>) target(%dma_start3A_1438 : memref<32768xf32, #tpu.memory_space<hbm>>) target_semaphore(%arg6 : memref<!tpu.dma_semaphore, #tpu.memory_space<semaphore_mem>>)
    %add3A_1440 = arith.constant 40 : i32
    %add3A_1441 = arith.addi %mul3A_466, %add3A_1440 : i32
    %add3A_1442 = arith.constant 1 : i32
    %add3A_1443 = arith.addi %add3A_1441, %add3A_1442 : i32
    %sub3A_1444 = arith.constant 2047 : i32
    %sub3A_1445 = arith.subi %sub3A_1444, %add3A_1443 : i32
    %mul3A_1446 = arith.constant 16 : i32
    %mul3A_1447 = arith.muli %sub3A_1445, %mul3A_1446 : i32
    %dma_start3A_1448 = tpu.memref_slice %arg4[%mul3A_1447] : memref<65536xf32, #tpu.memory_space<vmem>> -> memref<32768xf32, #tpu.memory_space<vmem>>
    %dma_start3A_1449 = arith.constant 0 : i32
    %dma_start3A_1450 = tpu.memref_slice %arg3[%add3A_1443, %dma_start3A_1449] : memref<2048x32768xf32, #tpu.memory_space<hbm>> -> memref<1x32768xf32, #tpu.memory_space<hbm>>
    %dma_start3A_1451 = tpu.memref_squeeze %dma_start3A_1450 : memref<1x32768xf32, #tpu.memory_space<hbm>> -> memref<32768xf32, #tpu.memory_space<hbm>>
    %dma_start3A_1452 = arith.constant 0 : i32
    %dma_start3A_1453 = tpu.memref_slice %arg3[%add3A_1443, %dma_start3A_1452] : memref<2048x32768xf32, #tpu.memory_space<hbm>> -> memref<1x32768xf32, #tpu.memory_space<hbm>>
    %dma_start3A_1454 = tpu.memref_squeeze %dma_start3A_1453 : memref<1x32768xf32, #tpu.memory_space<hbm>> -> memref<32768xf32, #tpu.memory_space<hbm>>
    %dma_start3A_1455 = tpu.memref_slice %arg4[%mul3A_1447] : memref<65536xf32, #tpu.memory_space<vmem>> -> memref<32768xf32, #tpu.memory_space<vmem>>
    tpu.enqueue_dma source(%dma_start3A_1455 : memref<32768xf32, #tpu.memory_space<vmem>>) target(%dma_start3A_1454 : memref<32768xf32, #tpu.memory_space<hbm>>) target_semaphore(%arg6 : memref<!tpu.dma_semaphore, #tpu.memory_space<semaphore_mem>>)
    %add3A_1456 = arith.constant 40 : i32
    %add3A_1457 = arith.addi %mul3A_466, %add3A_1456 : i32
    %add3A_1458 = arith.constant 2 : i32
    %add3A_1459 = arith.addi %add3A_1457, %add3A_1458 : i32
    %sub3A_1460 = arith.constant 2047 : i32
    %sub3A_1461 = arith.subi %sub3A_1460, %add3A_1459 : i32
    %mul3A_1462 = arith.constant 16 : i32
    %mul3A_1463 = arith.muli %sub3A_1461, %mul3A_1462 : i32
    %dma_start3A_1464 = tpu.memref_slice %arg4[%mul3A_1463] : memref<65536xf32, #tpu.memory_space<vmem>> -> memref<32768xf32, #tpu.memory_space<vmem>>
    %dma_start3A_1465 = arith.constant 0 : i32
    %dma_start3A_1466 = tpu.memref_slice %arg3[%add3A_1459, %dma_start3A_1465] : memref<2048x32768xf32, #tpu.memory_space<hbm>> -> memref<1x32768xf32, #tpu.memory_space<hbm>>
    %dma_start3A_1467 = tpu.memref_squeeze %dma_start3A_1466 : memref<1x32768xf32, #tpu.memory_space<hbm>> -> memref<32768xf32, #tpu.memory_space<hbm>>
    %dma_start3A_1468 = arith.constant 0 : i32
    %dma_start3A_1469 = tpu.memref_slice %arg3[%add3A_1459, %dma_start3A_1468] : memref<2048x32768xf32, #tpu.memory_space<hbm>> -> memref<1x32768xf32, #tpu.memory_space<hbm>>
    %dma_start3A_1470 = tpu.memref_squeeze %dma_start3A_1469 : memref<1x32768xf32, #tpu.memory_space<hbm>> -> memref<32768xf32, #tpu.memory_space<hbm>>
    %dma_start3A_1471 = tpu.memref_slice %arg4[%mul3A_1463] : memref<65536xf32, #tpu.memory_space<vmem>> -> memref<32768xf32, #tpu.memory_space<vmem>>
    tpu.enqueue_dma source(%dma_start3A_1471 : memref<32768xf32, #tpu.memory_space<vmem>>) target(%dma_start3A_1470 : memref<32768xf32, #tpu.memory_space<hbm>>) target_semaphore(%arg6 : memref<!tpu.dma_semaphore, #tpu.memory_space<semaphore_mem>>)
    %add3A_1472 = arith.constant 40 : i32
    %add3A_1473 = arith.addi %mul3A_466, %add3A_1472 : i32
    %add3A_1474 = arith.constant 3 : i32
    %add3A_1475 = arith.addi %add3A_1473, %add3A_1474 : i32
    %sub3A_1476 = arith.constant 2047 : i32
    %sub3A_1477 = arith.subi %sub3A_1476, %add3A_1475 : i32
    %mul3A_1478 = arith.constant 16 : i32
    %mul3A_1479 = arith.muli %sub3A_1477, %mul3A_1478 : i32
    %dma_start3A_1480 = tpu.memref_slice %arg4[%mul3A_1479] : memref<65536xf32, #tpu.memory_space<vmem>> -> memref<32768xf32, #tpu.memory_space<vmem>>
    %dma_start3A_1481 = arith.constant 0 : i32
    %dma_start3A_1482 = tpu.memref_slice %arg3[%add3A_1475, %dma_start3A_1481] : memref<2048x32768xf32, #tpu.memory_space<hbm>> -> memref<1x32768xf32, #tpu.memory_space<hbm>>
    %dma_start3A_1483 = tpu.memref_squeeze %dma_start3A_1482 : memref<1x32768xf32, #tpu.memory_space<hbm>> -> memref<32768xf32, #tpu.memory_space<hbm>>
    %dma_start3A_1484 = arith.constant 0 : i32
    %dma_start3A_1485 = tpu.memref_slice %arg3[%add3A_1475, %dma_start3A_1484] : memref<2048x32768xf32, #tpu.memory_space<hbm>> -> memref<1x32768xf32, #tpu.memory_space<hbm>>
    %dma_start3A_1486 = tpu.memref_squeeze %dma_start3A_1485 : memref<1x32768xf32, #tpu.memory_space<hbm>> -> memref<32768xf32, #tpu.memory_space<hbm>>
    %dma_start3A_1487 = tpu.memref_slice %arg4[%mul3A_1479] : memref<65536xf32, #tpu.memory_space<vmem>> -> memref<32768xf32, #tpu.memory_space<vmem>>
    tpu.enqueue_dma source(%dma_start3A_1487 : memref<32768xf32, #tpu.memory_space<vmem>>) target(%dma_start3A_1486 : memref<32768xf32, #tpu.memory_space<hbm>>) target_semaphore(%arg6 : memref<!tpu.dma_semaphore, #tpu.memory_space<semaphore_mem>>)
    %add3A_1488 = arith.constant 40 : i32
    %add3A_1489 = arith.addi %mul3A_466, %add3A_1488 : i32
    %add3A_1490 = arith.constant 4 : i32
    %add3A_1491 = arith.addi %add3A_1489, %add3A_1490 : i32
    %sub3A_1492 = arith.constant 2047 : i32
    %sub3A_1493 = arith.subi %sub3A_1492, %add3A_1491 : i32
    %mul3A_1494 = arith.constant 16 : i32
    %mul3A_1495 = arith.muli %sub3A_1493, %mul3A_1494 : i32
    %dma_start3A_1496 = tpu.memref_slice %arg4[%mul3A_1495] : memref<65536xf32, #tpu.memory_space<vmem>> -> memref<32768xf32, #tpu.memory_space<vmem>>
    %dma_start3A_1497 = arith.constant 0 : i32
    %dma_start3A_1498 = tpu.memref_slice %arg3[%add3A_1491, %dma_start3A_1497] : memref<2048x32768xf32, #tpu.memory_space<hbm>> -> memref<1x32768xf32, #tpu.memory_space<hbm>>
    %dma_start3A_1499 = tpu.memref_squeeze %dma_start3A_1498 : memref<1x32768xf32, #tpu.memory_space<hbm>> -> memref<32768xf32, #tpu.memory_space<hbm>>
    %dma_start3A_1500 = arith.constant 0 : i32
    %dma_start3A_1501 = tpu.memref_slice %arg3[%add3A_1491, %dma_start3A_1500] : memref<2048x32768xf32, #tpu.memory_space<hbm>> -> memref<1x32768xf32, #tpu.memory_space<hbm>>
    %dma_start3A_1502 = tpu.memref_squeeze %dma_start3A_1501 : memref<1x32768xf32, #tpu.memory_space<hbm>> -> memref<32768xf32, #tpu.memory_space<hbm>>
    %dma_start3A_1503 = tpu.memref_slice %arg4[%mul3A_1495] : memref<65536xf32, #tpu.memory_space<vmem>> -> memref<32768xf32, #tpu.memory_space<vmem>>
    tpu.enqueue_dma source(%dma_start3A_1503 : memref<32768xf32, #tpu.memory_space<vmem>>) target(%dma_start3A_1502 : memref<32768xf32, #tpu.memory_space<hbm>>) target_semaphore(%arg6 : memref<!tpu.dma_semaphore, #tpu.memory_space<semaphore_mem>>)
    %add3A_1504 = arith.constant 40 : i32
    %add3A_1505 = arith.addi %mul3A_466, %add3A_1504 : i32
    %add3A_1506 = arith.constant 5 : i32
    %add3A_1507 = arith.addi %add3A_1505, %add3A_1506 : i32
    %sub3A_1508 = arith.constant 2047 : i32
    %sub3A_1509 = arith.subi %sub3A_1508, %add3A_1507 : i32
    %mul3A_1510 = arith.constant 16 : i32
    %mul3A_1511 = arith.muli %sub3A_1509, %mul3A_1510 : i32
    %dma_start3A_1512 = tpu.memref_slice %arg4[%mul3A_1511] : memref<65536xf32, #tpu.memory_space<vmem>> -> memref<32768xf32, #tpu.memory_space<vmem>>
    %dma_start3A_1513 = arith.constant 0 : i32
    %dma_start3A_1514 = tpu.memref_slice %arg3[%add3A_1507, %dma_start3A_1513] : memref<2048x32768xf32, #tpu.memory_space<hbm>> -> memref<1x32768xf32, #tpu.memory_space<hbm>>
    %dma_start3A_1515 = tpu.memref_squeeze %dma_start3A_1514 : memref<1x32768xf32, #tpu.memory_space<hbm>> -> memref<32768xf32, #tpu.memory_space<hbm>>
    %dma_start3A_1516 = arith.constant 0 : i32
    %dma_start3A_1517 = tpu.memref_slice %arg3[%add3A_1507, %dma_start3A_1516] : memref<2048x32768xf32, #tpu.memory_space<hbm>> -> memref<1x32768xf32, #tpu.memory_space<hbm>>
    %dma_start3A_1518 = tpu.memref_squeeze %dma_start3A_1517 : memref<1x32768xf32, #tpu.memory_space<hbm>> -> memref<32768xf32, #tpu.memory_space<hbm>>
    %dma_start3A_1519 = tpu.memref_slice %arg4[%mul3A_1511] : memref<65536xf32, #tpu.memory_space<vmem>> -> memref<32768xf32, #tpu.memory_space<vmem>>
    tpu.enqueue_dma source(%dma_start3A_1519 : memref<32768xf32, #tpu.memory_space<vmem>>) target(%dma_start3A_1518 : memref<32768xf32, #tpu.memory_space<hbm>>) target_semaphore(%arg6 : memref<!tpu.dma_semaphore, #tpu.memory_space<semaphore_mem>>)
    %add3A_1520 = arith.constant 40 : i32
    %add3A_1521 = arith.addi %mul3A_466, %add3A_1520 : i32
    %add3A_1522 = arith.constant 6 : i32
    %add3A_1523 = arith.addi %add3A_1521, %add3A_1522 : i32
    %sub3A_1524 = arith.constant 2047 : i32
    %sub3A_1525 = arith.subi %sub3A_1524, %add3A_1523 : i32
    %mul3A_1526 = arith.constant 16 : i32
    %mul3A_1527 = arith.muli %sub3A_1525, %mul3A_1526 : i32
    %dma_start3A_1528 = tpu.memref_slice %arg4[%mul3A_1527] : memref<65536xf32, #tpu.memory_space<vmem>> -> memref<32768xf32, #tpu.memory_space<vmem>>
    %dma_start3A_1529 = arith.constant 0 : i32
    %dma_start3A_1530 = tpu.memref_slice %arg3[%add3A_1523, %dma_start3A_1529] : memref<2048x32768xf32, #tpu.memory_space<hbm>> -> memref<1x32768xf32, #tpu.memory_space<hbm>>
    %dma_start3A_1531 = tpu.memref_squeeze %dma_start3A_1530 : memref<1x32768xf32, #tpu.memory_space<hbm>> -> memref<32768xf32, #tpu.memory_space<hbm>>
    %dma_start3A_1532 = arith.constant 0 : i32
    %dma_start3A_1533 = tpu.memref_slice %arg3[%add3A_1523, %dma_start3A_1532] : memref<2048x32768xf32, #tpu.memory_space<hbm>> -> memref<1x32768xf32, #tpu.memory_space<hbm>>
    %dma_start3A_1534 = tpu.memref_squeeze %dma_start3A_1533 : memref<1x32768xf32, #tpu.memory_space<hbm>> -> memref<32768xf32, #tpu.memory_space<hbm>>
    %dma_start3A_1535 = tpu.memref_slice %arg4[%mul3A_1527] : memref<65536xf32, #tpu.memory_space<vmem>> -> memref<32768xf32, #tpu.memory_space<vmem>>
    tpu.enqueue_dma source(%dma_start3A_1535 : memref<32768xf32, #tpu.memory_space<vmem>>) target(%dma_start3A_1534 : memref<32768xf32, #tpu.memory_space<hbm>>) target_semaphore(%arg6 : memref<!tpu.dma_semaphore, #tpu.memory_space<semaphore_mem>>)
    %add3A_1536 = arith.constant 40 : i32
    %add3A_1537 = arith.addi %mul3A_466, %add3A_1536 : i32
    %add3A_1538 = arith.constant 7 : i32
    %add3A_1539 = arith.addi %add3A_1537, %add3A_1538 : i32
    %sub3A_1540 = arith.constant 2047 : i32
    %sub3A_1541 = arith.subi %sub3A_1540, %add3A_1539 : i32
    %mul3A_1542 = arith.constant 16 : i32
    %mul3A_1543 = arith.muli %sub3A_1541, %mul3A_1542 : i32
    %dma_start3A_1544 = tpu.memref_slice %arg4[%mul3A_1543] : memref<65536xf32, #tpu.memory_space<vmem>> -> memref<32768xf32, #tpu.memory_space<vmem>>
    %dma_start3A_1545 = arith.constant 0 : i32
    %dma_start3A_1546 = tpu.memref_slice %arg3[%add3A_1539, %dma_start3A_1545] : memref<2048x32768xf32, #tpu.memory_space<hbm>> -> memref<1x32768xf32, #tpu.memory_space<hbm>>
    %dma_start3A_1547 = tpu.memref_squeeze %dma_start3A_1546 : memref<1x32768xf32, #tpu.memory_space<hbm>> -> memref<32768xf32, #tpu.memory_space<hbm>>
    %dma_start3A_1548 = arith.constant 0 : i32
    %dma_start3A_1549 = tpu.memref_slice %arg3[%add3A_1539, %dma_start3A_1548] : memref<2048x32768xf32, #tpu.memory_space<hbm>> -> memref<1x32768xf32, #tpu.memory_space<hbm>>
    %dma_start3A_1550 = tpu.memref_squeeze %dma_start3A_1549 : memref<1x32768xf32, #tpu.memory_space<hbm>> -> memref<32768xf32, #tpu.memory_space<hbm>>
    %dma_start3A_1551 = tpu.memref_slice %arg4[%mul3A_1543] : memref<65536xf32, #tpu.memory_space<vmem>> -> memref<32768xf32, #tpu.memory_space<vmem>>
    tpu.enqueue_dma source(%dma_start3A_1551 : memref<32768xf32, #tpu.memory_space<vmem>>) target(%dma_start3A_1550 : memref<32768xf32, #tpu.memory_space<hbm>>) target_semaphore(%arg6 : memref<!tpu.dma_semaphore, #tpu.memory_space<semaphore_mem>>)
    %dma_wait3A_1552 = tpu.memref_slice %arg4[%mul3A_1431] : memref<65536xf32, #tpu.memory_space<vmem>> -> memref<32768xf32, #tpu.memory_space<vmem>>
    %dma_wait3A_1553 = arith.constant 0 : i32
    %dma_wait3A_1554 = tpu.memref_slice %arg3[%add3A_1427, %dma_wait3A_1553] : memref<2048x32768xf32, #tpu.memory_space<hbm>> -> memref<1x32768xf32, #tpu.memory_space<hbm>>
    %dma_wait3A_1555 = tpu.memref_squeeze %dma_wait3A_1554 : memref<1x32768xf32, #tpu.memory_space<hbm>> -> memref<32768xf32, #tpu.memory_space<hbm>>
    %dma_wait3A_1556 = arith.constant 0 : i32
    %dma_wait3A_1557 = tpu.memref_slice %arg3[%add3A_1427, %dma_wait3A_1556] : memref<2048x32768xf32, #tpu.memory_space<hbm>> -> memref<1x32768xf32, #tpu.memory_space<hbm>>
    %dma_wait3A_1558 = tpu.memref_squeeze %dma_wait3A_1557 : memref<1x32768xf32, #tpu.memory_space<hbm>> -> memref<32768xf32, #tpu.memory_space<hbm>>
    %dma_wait3A_1559 = tpu.memref_slice %arg4[%mul3A_1431] : memref<65536xf32, #tpu.memory_space<vmem>> -> memref<32768xf32, #tpu.memory_space<vmem>>
    tpu.wait_dma2 semaphore(%arg6 : memref<!tpu.dma_semaphore, #tpu.memory_space<semaphore_mem>>) src(%dma_wait3A_1559 : memref<32768xf32, #tpu.memory_space<vmem>>) dst(%dma_wait3A_1558 : memref<32768xf32, #tpu.memory_space<hbm>>)
    %dma_wait3A_1560 = tpu.memref_slice %arg4[%mul3A_1447] : memref<65536xf32, #tpu.memory_space<vmem>> -> memref<32768xf32, #tpu.memory_space<vmem>>
    %dma_wait3A_1561 = arith.constant 0 : i32
    %dma_wait3A_1562 = tpu.memref_slice %arg3[%add3A_1443, %dma_wait3A_1561] : memref<2048x32768xf32, #tpu.memory_space<hbm>> -> memref<1x32768xf32, #tpu.memory_space<hbm>>
    %dma_wait3A_1563 = tpu.memref_squeeze %dma_wait3A_1562 : memref<1x32768xf32, #tpu.memory_space<hbm>> -> memref<32768xf32, #tpu.memory_space<hbm>>
    %dma_wait3A_1564 = arith.constant 0 : i32
    %dma_wait3A_1565 = tpu.memref_slice %arg3[%add3A_1443, %dma_wait3A_1564] : memref<2048x32768xf32, #tpu.memory_space<hbm>> -> memref<1x32768xf32, #tpu.memory_space<hbm>>
    %dma_wait3A_1566 = tpu.memref_squeeze %dma_wait3A_1565 : memref<1x32768xf32, #tpu.memory_space<hbm>> -> memref<32768xf32, #tpu.memory_space<hbm>>
    %dma_wait3A_1567 = tpu.memref_slice %arg4[%mul3A_1447] : memref<65536xf32, #tpu.memory_space<vmem>> -> memref<32768xf32, #tpu.memory_space<vmem>>
    tpu.wait_dma2 semaphore(%arg6 : memref<!tpu.dma_semaphore, #tpu.memory_space<semaphore_mem>>) src(%dma_wait3A_1567 : memref<32768xf32, #tpu.memory_space<vmem>>) dst(%dma_wait3A_1566 : memref<32768xf32, #tpu.memory_space<hbm>>)
    %dma_wait3A_1568 = tpu.memref_slice %arg4[%mul3A_1463] : memref<65536xf32, #tpu.memory_space<vmem>> -> memref<32768xf32, #tpu.memory_space<vmem>>
    %dma_wait3A_1569 = arith.constant 0 : i32
    %dma_wait3A_1570 = tpu.memref_slice %arg3[%add3A_1459, %dma_wait3A_1569] : memref<2048x32768xf32, #tpu.memory_space<hbm>> -> memref<1x32768xf32, #tpu.memory_space<hbm>>
    %dma_wait3A_1571 = tpu.memref_squeeze %dma_wait3A_1570 : memref<1x32768xf32, #tpu.memory_space<hbm>> -> memref<32768xf32, #tpu.memory_space<hbm>>
    %dma_wait3A_1572 = arith.constant 0 : i32
    %dma_wait3A_1573 = tpu.memref_slice %arg3[%add3A_1459, %dma_wait3A_1572] : memref<2048x32768xf32, #tpu.memory_space<hbm>> -> memref<1x32768xf32, #tpu.memory_space<hbm>>
    %dma_wait3A_1574 = tpu.memref_squeeze %dma_wait3A_1573 : memref<1x32768xf32, #tpu.memory_space<hbm>> -> memref<32768xf32, #tpu.memory_space<hbm>>
    %dma_wait3A_1575 = tpu.memref_slice %arg4[%mul3A_1463] : memref<65536xf32, #tpu.memory_space<vmem>> -> memref<32768xf32, #tpu.memory_space<vmem>>
    tpu.wait_dma2 semaphore(%arg6 : memref<!tpu.dma_semaphore, #tpu.memory_space<semaphore_mem>>) src(%dma_wait3A_1575 : memref<32768xf32, #tpu.memory_space<vmem>>) dst(%dma_wait3A_1574 : memref<32768xf32, #tpu.memory_space<hbm>>)
    %dma_wait3A_1576 = tpu.memref_slice %arg4[%mul3A_1479] : memref<65536xf32, #tpu.memory_space<vmem>> -> memref<32768xf32, #tpu.memory_space<vmem>>
    %dma_wait3A_1577 = arith.constant 0 : i32
    %dma_wait3A_1578 = tpu.memref_slice %arg3[%add3A_1475, %dma_wait3A_1577] : memref<2048x32768xf32, #tpu.memory_space<hbm>> -> memref<1x32768xf32, #tpu.memory_space<hbm>>
    %dma_wait3A_1579 = tpu.memref_squeeze %dma_wait3A_1578 : memref<1x32768xf32, #tpu.memory_space<hbm>> -> memref<32768xf32, #tpu.memory_space<hbm>>
    %dma_wait3A_1580 = arith.constant 0 : i32
    %dma_wait3A_1581 = tpu.memref_slice %arg3[%add3A_1475, %dma_wait3A_1580] : memref<2048x32768xf32, #tpu.memory_space<hbm>> -> memref<1x32768xf32, #tpu.memory_space<hbm>>
    %dma_wait3A_1582 = tpu.memref_squeeze %dma_wait3A_1581 : memref<1x32768xf32, #tpu.memory_space<hbm>> -> memref<32768xf32, #tpu.memory_space<hbm>>
    %dma_wait3A_1583 = tpu.memref_slice %arg4[%mul3A_1479] : memref<65536xf32, #tpu.memory_space<vmem>> -> memref<32768xf32, #tpu.memory_space<vmem>>
    tpu.wait_dma2 semaphore(%arg6 : memref<!tpu.dma_semaphore, #tpu.memory_space<semaphore_mem>>) src(%dma_wait3A_1583 : memref<32768xf32, #tpu.memory_space<vmem>>) dst(%dma_wait3A_1582 : memref<32768xf32, #tpu.memory_space<hbm>>)
    %dma_wait3A_1584 = tpu.memref_slice %arg4[%mul3A_1495] : memref<65536xf32, #tpu.memory_space<vmem>> -> memref<32768xf32, #tpu.memory_space<vmem>>
    %dma_wait3A_1585 = arith.constant 0 : i32
    %dma_wait3A_1586 = tpu.memref_slice %arg3[%add3A_1491, %dma_wait3A_1585] : memref<2048x32768xf32, #tpu.memory_space<hbm>> -> memref<1x32768xf32, #tpu.memory_space<hbm>>
    %dma_wait3A_1587 = tpu.memref_squeeze %dma_wait3A_1586 : memref<1x32768xf32, #tpu.memory_space<hbm>> -> memref<32768xf32, #tpu.memory_space<hbm>>
    %dma_wait3A_1588 = arith.constant 0 : i32
    %dma_wait3A_1589 = tpu.memref_slice %arg3[%add3A_1491, %dma_wait3A_1588] : memref<2048x32768xf32, #tpu.memory_space<hbm>> -> memref<1x32768xf32, #tpu.memory_space<hbm>>
    %dma_wait3A_1590 = tpu.memref_squeeze %dma_wait3A_1589 : memref<1x32768xf32, #tpu.memory_space<hbm>> -> memref<32768xf32, #tpu.memory_space<hbm>>
    %dma_wait3A_1591 = tpu.memref_slice %arg4[%mul3A_1495] : memref<65536xf32, #tpu.memory_space<vmem>> -> memref<32768xf32, #tpu.memory_space<vmem>>
    tpu.wait_dma2 semaphore(%arg6 : memref<!tpu.dma_semaphore, #tpu.memory_space<semaphore_mem>>) src(%dma_wait3A_1591 : memref<32768xf32, #tpu.memory_space<vmem>>) dst(%dma_wait3A_1590 : memref<32768xf32, #tpu.memory_space<hbm>>)
    %dma_wait3A_1592 = tpu.memref_slice %arg4[%mul3A_1511] : memref<65536xf32, #tpu.memory_space<vmem>> -> memref<32768xf32, #tpu.memory_space<vmem>>
    %dma_wait3A_1593 = arith.constant 0 : i32
    %dma_wait3A_1594 = tpu.memref_slice %arg3[%add3A_1507, %dma_wait3A_1593] : memref<2048x32768xf32, #tpu.memory_space<hbm>> -> memref<1x32768xf32, #tpu.memory_space<hbm>>
    %dma_wait3A_1595 = tpu.memref_squeeze %dma_wait3A_1594 : memref<1x32768xf32, #tpu.memory_space<hbm>> -> memref<32768xf32, #tpu.memory_space<hbm>>
    %dma_wait3A_1596 = arith.constant 0 : i32
    %dma_wait3A_1597 = tpu.memref_slice %arg3[%add3A_1507, %dma_wait3A_1596] : memref<2048x32768xf32, #tpu.memory_space<hbm>> -> memref<1x32768xf32, #tpu.memory_space<hbm>>
    %dma_wait3A_1598 = tpu.memref_squeeze %dma_wait3A_1597 : memref<1x32768xf32, #tpu.memory_space<hbm>> -> memref<32768xf32, #tpu.memory_space<hbm>>
    %dma_wait3A_1599 = tpu.memref_slice %arg4[%mul3A_1511] : memref<65536xf32, #tpu.memory_space<vmem>> -> memref<32768xf32, #tpu.memory_space<vmem>>
    tpu.wait_dma2 semaphore(%arg6 : memref<!tpu.dma_semaphore, #tpu.memory_space<semaphore_mem>>) src(%dma_wait3A_1599 : memref<32768xf32, #tpu.memory_space<vmem>>) dst(%dma_wait3A_1598 : memref<32768xf32, #tpu.memory_space<hbm>>)
    %dma_wait3A_1600 = tpu.memref_slice %arg4[%mul3A_1527] : memref<65536xf32, #tpu.memory_space<vmem>> -> memref<32768xf32, #tpu.memory_space<vmem>>
    %dma_wait3A_1601 = arith.constant 0 : i32
    %dma_wait3A_1602 = tpu.memref_slice %arg3[%add3A_1523, %dma_wait3A_1601] : memref<2048x32768xf32, #tpu.memory_space<hbm>> -> memref<1x32768xf32, #tpu.memory_space<hbm>>
    %dma_wait3A_1603 = tpu.memref_squeeze %dma_wait3A_1602 : memref<1x32768xf32, #tpu.memory_space<hbm>> -> memref<32768xf32, #tpu.memory_space<hbm>>
    %dma_wait3A_1604 = arith.constant 0 : i32
    %dma_wait3A_1605 = tpu.memref_slice %arg3[%add3A_1523, %dma_wait3A_1604] : memref<2048x32768xf32, #tpu.memory_space<hbm>> -> memref<1x32768xf32, #tpu.memory_space<hbm>>
    %dma_wait3A_1606 = tpu.memref_squeeze %dma_wait3A_1605 : memref<1x32768xf32, #tpu.memory_space<hbm>> -> memref<32768xf32, #tpu.memory_space<hbm>>
    %dma_wait3A_1607 = tpu.memref_slice %arg4[%mul3A_1527] : memref<65536xf32, #tpu.memory_space<vmem>> -> memref<32768xf32, #tpu.memory_space<vmem>>
    tpu.wait_dma2 semaphore(%arg6 : memref<!tpu.dma_semaphore, #tpu.memory_space<semaphore_mem>>) src(%dma_wait3A_1607 : memref<32768xf32, #tpu.memory_space<vmem>>) dst(%dma_wait3A_1606 : memref<32768xf32, #tpu.memory_space<hbm>>)
    %dma_wait3A_1608 = tpu.memref_slice %arg4[%mul3A_1543] : memref<65536xf32, #tpu.memory_space<vmem>> -> memref<32768xf32, #tpu.memory_space<vmem>>
    %dma_wait3A_1609 = arith.constant 0 : i32
    %dma_wait3A_1610 = tpu.memref_slice %arg3[%add3A_1539, %dma_wait3A_1609] : memref<2048x32768xf32, #tpu.memory_space<hbm>> -> memref<1x32768xf32, #tpu.memory_space<hbm>>
    %dma_wait3A_1611 = tpu.memref_squeeze %dma_wait3A_1610 : memref<1x32768xf32, #tpu.memory_space<hbm>> -> memref<32768xf32, #tpu.memory_space<hbm>>
    %dma_wait3A_1612 = arith.constant 0 : i32
    %dma_wait3A_1613 = tpu.memref_slice %arg3[%add3A_1539, %dma_wait3A_1612] : memref<2048x32768xf32, #tpu.memory_space<hbm>> -> memref<1x32768xf32, #tpu.memory_space<hbm>>
    %dma_wait3A_1614 = tpu.memref_squeeze %dma_wait3A_1613 : memref<1x32768xf32, #tpu.memory_space<hbm>> -> memref<32768xf32, #tpu.memory_space<hbm>>
    %dma_wait3A_1615 = tpu.memref_slice %arg4[%mul3A_1543] : memref<65536xf32, #tpu.memory_space<vmem>> -> memref<32768xf32, #tpu.memory_space<vmem>>
    tpu.wait_dma2 semaphore(%arg6 : memref<!tpu.dma_semaphore, #tpu.memory_space<semaphore_mem>>) src(%dma_wait3A_1615 : memref<32768xf32, #tpu.memory_space<vmem>>) dst(%dma_wait3A_1614 : memref<32768xf32, #tpu.memory_space<hbm>>)
    %add3A_1616 = arith.constant 48 : i32
    %add3A_1617 = arith.addi %mul3A_466, %add3A_1616 : i32
    %add3A_1618 = arith.constant 0 : i32
    %add3A_1619 = arith.addi %add3A_1617, %add3A_1618 : i32
    %sub3A_1620 = arith.constant 2047 : i32
    %sub3A_1621 = arith.subi %sub3A_1620, %add3A_1619 : i32
    %mul3A_1622 = arith.constant 16 : i32
    %mul3A_1623 = arith.muli %sub3A_1621, %mul3A_1622 : i32
    %dma_start3A_1624 = tpu.memref_slice %arg4[%mul3A_1623] : memref<65536xf32, #tpu.memory_space<vmem>> -> memref<32768xf32, #tpu.memory_space<vmem>>
    %dma_start3A_1625 = arith.constant 0 : i32
    %dma_start3A_1626 = tpu.memref_slice %arg3[%add3A_1619, %dma_start3A_1625] : memref<2048x32768xf32, #tpu.memory_space<hbm>> -> memref<1x32768xf32, #tpu.memory_space<hbm>>
    %dma_start3A_1627 = tpu.memref_squeeze %dma_start3A_1626 : memref<1x32768xf32, #tpu.memory_space<hbm>> -> memref<32768xf32, #tpu.memory_space<hbm>>
    %dma_start3A_1628 = arith.constant 0 : i32
    %dma_start3A_1629 = tpu.memref_slice %arg3[%add3A_1619, %dma_start3A_1628] : memref<2048x32768xf32, #tpu.memory_space<hbm>> -> memref<1x32768xf32, #tpu.memory_space<hbm>>
    %dma_start3A_1630 = tpu.memref_squeeze %dma_start3A_1629 : memref<1x32768xf32, #tpu.memory_space<hbm>> -> memref<32768xf32, #tpu.memory_space<hbm>>
    %dma_start3A_1631 = tpu.memref_slice %arg4[%mul3A_1623] : memref<65536xf32, #tpu.memory_space<vmem>> -> memref<32768xf32, #tpu.memory_space<vmem>>
    tpu.enqueue_dma source(%dma_start3A_1631 : memref<32768xf32, #tpu.memory_space<vmem>>) target(%dma_start3A_1630 : memref<32768xf32, #tpu.memory_space<hbm>>) target_semaphore(%arg6 : memref<!tpu.dma_semaphore, #tpu.memory_space<semaphore_mem>>)
    %add3A_1632 = arith.constant 48 : i32
    %add3A_1633 = arith.addi %mul3A_466, %add3A_1632 : i32
    %add3A_1634 = arith.constant 1 : i32
    %add3A_1635 = arith.addi %add3A_1633, %add3A_1634 : i32
    %sub3A_1636 = arith.constant 2047 : i32
    %sub3A_1637 = arith.subi %sub3A_1636, %add3A_1635 : i32
    %mul3A_1638 = arith.constant 16 : i32
    %mul3A_1639 = arith.muli %sub3A_1637, %mul3A_1638 : i32
    %dma_start3A_1640 = tpu.memref_slice %arg4[%mul3A_1639] : memref<65536xf32, #tpu.memory_space<vmem>> -> memref<32768xf32, #tpu.memory_space<vmem>>
    %dma_start3A_1641 = arith.constant 0 : i32
    %dma_start3A_1642 = tpu.memref_slice %arg3[%add3A_1635, %dma_start3A_1641] : memref<2048x32768xf32, #tpu.memory_space<hbm>> -> memref<1x32768xf32, #tpu.memory_space<hbm>>
    %dma_start3A_1643 = tpu.memref_squeeze %dma_start3A_1642 : memref<1x32768xf32, #tpu.memory_space<hbm>> -> memref<32768xf32, #tpu.memory_space<hbm>>
    %dma_start3A_1644 = arith.constant 0 : i32
    %dma_start3A_1645 = tpu.memref_slice %arg3[%add3A_1635, %dma_start3A_1644] : memref<2048x32768xf32, #tpu.memory_space<hbm>> -> memref<1x32768xf32, #tpu.memory_space<hbm>>
    %dma_start3A_1646 = tpu.memref_squeeze %dma_start3A_1645 : memref<1x32768xf32, #tpu.memory_space<hbm>> -> memref<32768xf32, #tpu.memory_space<hbm>>
    %dma_start3A_1647 = tpu.memref_slice %arg4[%mul3A_1639] : memref<65536xf32, #tpu.memory_space<vmem>> -> memref<32768xf32, #tpu.memory_space<vmem>>
    tpu.enqueue_dma source(%dma_start3A_1647 : memref<32768xf32, #tpu.memory_space<vmem>>) target(%dma_start3A_1646 : memref<32768xf32, #tpu.memory_space<hbm>>) target_semaphore(%arg6 : memref<!tpu.dma_semaphore, #tpu.memory_space<semaphore_mem>>)
    %add3A_1648 = arith.constant 48 : i32
    %add3A_1649 = arith.addi %mul3A_466, %add3A_1648 : i32
    %add3A_1650 = arith.constant 2 : i32
    %add3A_1651 = arith.addi %add3A_1649, %add3A_1650 : i32
    %sub3A_1652 = arith.constant 2047 : i32
    %sub3A_1653 = arith.subi %sub3A_1652, %add3A_1651 : i32
    %mul3A_1654 = arith.constant 16 : i32
    %mul3A_1655 = arith.muli %sub3A_1653, %mul3A_1654 : i32
    %dma_start3A_1656 = tpu.memref_slice %arg4[%mul3A_1655] : memref<65536xf32, #tpu.memory_space<vmem>> -> memref<32768xf32, #tpu.memory_space<vmem>>
    %dma_start3A_1657 = arith.constant 0 : i32
    %dma_start3A_1658 = tpu.memref_slice %arg3[%add3A_1651, %dma_start3A_1657] : memref<2048x32768xf32, #tpu.memory_space<hbm>> -> memref<1x32768xf32, #tpu.memory_space<hbm>>
    %dma_start3A_1659 = tpu.memref_squeeze %dma_start3A_1658 : memref<1x32768xf32, #tpu.memory_space<hbm>> -> memref<32768xf32, #tpu.memory_space<hbm>>
    %dma_start3A_1660 = arith.constant 0 : i32
    %dma_start3A_1661 = tpu.memref_slice %arg3[%add3A_1651, %dma_start3A_1660] : memref<2048x32768xf32, #tpu.memory_space<hbm>> -> memref<1x32768xf32, #tpu.memory_space<hbm>>
    %dma_start3A_1662 = tpu.memref_squeeze %dma_start3A_1661 : memref<1x32768xf32, #tpu.memory_space<hbm>> -> memref<32768xf32, #tpu.memory_space<hbm>>
    %dma_start3A_1663 = tpu.memref_slice %arg4[%mul3A_1655] : memref<65536xf32, #tpu.memory_space<vmem>> -> memref<32768xf32, #tpu.memory_space<vmem>>
    tpu.enqueue_dma source(%dma_start3A_1663 : memref<32768xf32, #tpu.memory_space<vmem>>) target(%dma_start3A_1662 : memref<32768xf32, #tpu.memory_space<hbm>>) target_semaphore(%arg6 : memref<!tpu.dma_semaphore, #tpu.memory_space<semaphore_mem>>)
    %add3A_1664 = arith.constant 48 : i32
    %add3A_1665 = arith.addi %mul3A_466, %add3A_1664 : i32
    %add3A_1666 = arith.constant 3 : i32
    %add3A_1667 = arith.addi %add3A_1665, %add3A_1666 : i32
    %sub3A_1668 = arith.constant 2047 : i32
    %sub3A_1669 = arith.subi %sub3A_1668, %add3A_1667 : i32
    %mul3A_1670 = arith.constant 16 : i32
    %mul3A_1671 = arith.muli %sub3A_1669, %mul3A_1670 : i32
    %dma_start3A_1672 = tpu.memref_slice %arg4[%mul3A_1671] : memref<65536xf32, #tpu.memory_space<vmem>> -> memref<32768xf32, #tpu.memory_space<vmem>>
    %dma_start3A_1673 = arith.constant 0 : i32
    %dma_start3A_1674 = tpu.memref_slice %arg3[%add3A_1667, %dma_start3A_1673] : memref<2048x32768xf32, #tpu.memory_space<hbm>> -> memref<1x32768xf32, #tpu.memory_space<hbm>>
    %dma_start3A_1675 = tpu.memref_squeeze %dma_start3A_1674 : memref<1x32768xf32, #tpu.memory_space<hbm>> -> memref<32768xf32, #tpu.memory_space<hbm>>
    %dma_start3A_1676 = arith.constant 0 : i32
    %dma_start3A_1677 = tpu.memref_slice %arg3[%add3A_1667, %dma_start3A_1676] : memref<2048x32768xf32, #tpu.memory_space<hbm>> -> memref<1x32768xf32, #tpu.memory_space<hbm>>
    %dma_start3A_1678 = tpu.memref_squeeze %dma_start3A_1677 : memref<1x32768xf32, #tpu.memory_space<hbm>> -> memref<32768xf32, #tpu.memory_space<hbm>>
    %dma_start3A_1679 = tpu.memref_slice %arg4[%mul3A_1671] : memref<65536xf32, #tpu.memory_space<vmem>> -> memref<32768xf32, #tpu.memory_space<vmem>>
    tpu.enqueue_dma source(%dma_start3A_1679 : memref<32768xf32, #tpu.memory_space<vmem>>) target(%dma_start3A_1678 : memref<32768xf32, #tpu.memory_space<hbm>>) target_semaphore(%arg6 : memref<!tpu.dma_semaphore, #tpu.memory_space<semaphore_mem>>)
    %add3A_1680 = arith.constant 48 : i32
    %add3A_1681 = arith.addi %mul3A_466, %add3A_1680 : i32
    %add3A_1682 = arith.constant 4 : i32
    %add3A_1683 = arith.addi %add3A_1681, %add3A_1682 : i32
    %sub3A_1684 = arith.constant 2047 : i32
    %sub3A_1685 = arith.subi %sub3A_1684, %add3A_1683 : i32
    %mul3A_1686 = arith.constant 16 : i32
    %mul3A_1687 = arith.muli %sub3A_1685, %mul3A_1686 : i32
    %dma_start3A_1688 = tpu.memref_slice %arg4[%mul3A_1687] : memref<65536xf32, #tpu.memory_space<vmem>> -> memref<32768xf32, #tpu.memory_space<vmem>>
    %dma_start3A_1689 = arith.constant 0 : i32
    %dma_start3A_1690 = tpu.memref_slice %arg3[%add3A_1683, %dma_start3A_1689] : memref<2048x32768xf32, #tpu.memory_space<hbm>> -> memref<1x32768xf32, #tpu.memory_space<hbm>>
    %dma_start3A_1691 = tpu.memref_squeeze %dma_start3A_1690 : memref<1x32768xf32, #tpu.memory_space<hbm>> -> memref<32768xf32, #tpu.memory_space<hbm>>
    %dma_start3A_1692 = arith.constant 0 : i32
    %dma_start3A_1693 = tpu.memref_slice %arg3[%add3A_1683, %dma_start3A_1692] : memref<2048x32768xf32, #tpu.memory_space<hbm>> -> memref<1x32768xf32, #tpu.memory_space<hbm>>
    %dma_start3A_1694 = tpu.memref_squeeze %dma_start3A_1693 : memref<1x32768xf32, #tpu.memory_space<hbm>> -> memref<32768xf32, #tpu.memory_space<hbm>>
    %dma_start3A_1695 = tpu.memref_slice %arg4[%mul3A_1687] : memref<65536xf32, #tpu.memory_space<vmem>> -> memref<32768xf32, #tpu.memory_space<vmem>>
    tpu.enqueue_dma source(%dma_start3A_1695 : memref<32768xf32, #tpu.memory_space<vmem>>) target(%dma_start3A_1694 : memref<32768xf32, #tpu.memory_space<hbm>>) target_semaphore(%arg6 : memref<!tpu.dma_semaphore, #tpu.memory_space<semaphore_mem>>)
    %add3A_1696 = arith.constant 48 : i32
    %add3A_1697 = arith.addi %mul3A_466, %add3A_1696 : i32
    %add3A_1698 = arith.constant 5 : i32
    %add3A_1699 = arith.addi %add3A_1697, %add3A_1698 : i32
    %sub3A_1700 = arith.constant 2047 : i32
    %sub3A_1701 = arith.subi %sub3A_1700, %add3A_1699 : i32
    %mul3A_1702 = arith.constant 16 : i32
    %mul3A_1703 = arith.muli %sub3A_1701, %mul3A_1702 : i32
    %dma_start3A_1704 = tpu.memref_slice %arg4[%mul3A_1703] : memref<65536xf32, #tpu.memory_space<vmem>> -> memref<32768xf32, #tpu.memory_space<vmem>>
    %dma_start3A_1705 = arith.constant 0 : i32
    %dma_start3A_1706 = tpu.memref_slice %arg3[%add3A_1699, %dma_start3A_1705] : memref<2048x32768xf32, #tpu.memory_space<hbm>> -> memref<1x32768xf32, #tpu.memory_space<hbm>>
    %dma_start3A_1707 = tpu.memref_squeeze %dma_start3A_1706 : memref<1x32768xf32, #tpu.memory_space<hbm>> -> memref<32768xf32, #tpu.memory_space<hbm>>
    %dma_start3A_1708 = arith.constant 0 : i32
    %dma_start3A_1709 = tpu.memref_slice %arg3[%add3A_1699, %dma_start3A_1708] : memref<2048x32768xf32, #tpu.memory_space<hbm>> -> memref<1x32768xf32, #tpu.memory_space<hbm>>
    %dma_start3A_1710 = tpu.memref_squeeze %dma_start3A_1709 : memref<1x32768xf32, #tpu.memory_space<hbm>> -> memref<32768xf32, #tpu.memory_space<hbm>>
    %dma_start3A_1711 = tpu.memref_slice %arg4[%mul3A_1703] : memref<65536xf32, #tpu.memory_space<vmem>> -> memref<32768xf32, #tpu.memory_space<vmem>>
    tpu.enqueue_dma source(%dma_start3A_1711 : memref<32768xf32, #tpu.memory_space<vmem>>) target(%dma_start3A_1710 : memref<32768xf32, #tpu.memory_space<hbm>>) target_semaphore(%arg6 : memref<!tpu.dma_semaphore, #tpu.memory_space<semaphore_mem>>)
    %add3A_1712 = arith.constant 48 : i32
    %add3A_1713 = arith.addi %mul3A_466, %add3A_1712 : i32
    %add3A_1714 = arith.constant 6 : i32
    %add3A_1715 = arith.addi %add3A_1713, %add3A_1714 : i32
    %sub3A_1716 = arith.constant 2047 : i32
    %sub3A_1717 = arith.subi %sub3A_1716, %add3A_1715 : i32
    %mul3A_1718 = arith.constant 16 : i32
    %mul3A_1719 = arith.muli %sub3A_1717, %mul3A_1718 : i32
    %dma_start3A_1720 = tpu.memref_slice %arg4[%mul3A_1719] : memref<65536xf32, #tpu.memory_space<vmem>> -> memref<32768xf32, #tpu.memory_space<vmem>>
    %dma_start3A_1721 = arith.constant 0 : i32
    %dma_start3A_1722 = tpu.memref_slice %arg3[%add3A_1715, %dma_start3A_1721] : memref<2048x32768xf32, #tpu.memory_space<hbm>> -> memref<1x32768xf32, #tpu.memory_space<hbm>>
    %dma_start3A_1723 = tpu.memref_squeeze %dma_start3A_1722 : memref<1x32768xf32, #tpu.memory_space<hbm>> -> memref<32768xf32, #tpu.memory_space<hbm>>
    %dma_start3A_1724 = arith.constant 0 : i32
    %dma_start3A_1725 = tpu.memref_slice %arg3[%add3A_1715, %dma_start3A_1724] : memref<2048x32768xf32, #tpu.memory_space<hbm>> -> memref<1x32768xf32, #tpu.memory_space<hbm>>
    %dma_start3A_1726 = tpu.memref_squeeze %dma_start3A_1725 : memref<1x32768xf32, #tpu.memory_space<hbm>> -> memref<32768xf32, #tpu.memory_space<hbm>>
    %dma_start3A_1727 = tpu.memref_slice %arg4[%mul3A_1719] : memref<65536xf32, #tpu.memory_space<vmem>> -> memref<32768xf32, #tpu.memory_space<vmem>>
    tpu.enqueue_dma source(%dma_start3A_1727 : memref<32768xf32, #tpu.memory_space<vmem>>) target(%dma_start3A_1726 : memref<32768xf32, #tpu.memory_space<hbm>>) target_semaphore(%arg6 : memref<!tpu.dma_semaphore, #tpu.memory_space<semaphore_mem>>)
    %add3A_1728 = arith.constant 48 : i32
    %add3A_1729 = arith.addi %mul3A_466, %add3A_1728 : i32
    %add3A_1730 = arith.constant 7 : i32
    %add3A_1731 = arith.addi %add3A_1729, %add3A_1730 : i32
    %sub3A_1732 = arith.constant 2047 : i32
    %sub3A_1733 = arith.subi %sub3A_1732, %add3A_1731 : i32
    %mul3A_1734 = arith.constant 16 : i32
    %mul3A_1735 = arith.muli %sub3A_1733, %mul3A_1734 : i32
    %dma_start3A_1736 = tpu.memref_slice %arg4[%mul3A_1735] : memref<65536xf32, #tpu.memory_space<vmem>> -> memref<32768xf32, #tpu.memory_space<vmem>>
    %dma_start3A_1737 = arith.constant 0 : i32
    %dma_start3A_1738 = tpu.memref_slice %arg3[%add3A_1731, %dma_start3A_1737] : memref<2048x32768xf32, #tpu.memory_space<hbm>> -> memref<1x32768xf32, #tpu.memory_space<hbm>>
    %dma_start3A_1739 = tpu.memref_squeeze %dma_start3A_1738 : memref<1x32768xf32, #tpu.memory_space<hbm>> -> memref<32768xf32, #tpu.memory_space<hbm>>
    %dma_start3A_1740 = arith.constant 0 : i32
    %dma_start3A_1741 = tpu.memref_slice %arg3[%add3A_1731, %dma_start3A_1740] : memref<2048x32768xf32, #tpu.memory_space<hbm>> -> memref<1x32768xf32, #tpu.memory_space<hbm>>
    %dma_start3A_1742 = tpu.memref_squeeze %dma_start3A_1741 : memref<1x32768xf32, #tpu.memory_space<hbm>> -> memref<32768xf32, #tpu.memory_space<hbm>>
    %dma_start3A_1743 = tpu.memref_slice %arg4[%mul3A_1735] : memref<65536xf32, #tpu.memory_space<vmem>> -> memref<32768xf32, #tpu.memory_space<vmem>>
    tpu.enqueue_dma source(%dma_start3A_1743 : memref<32768xf32, #tpu.memory_space<vmem>>) target(%dma_start3A_1742 : memref<32768xf32, #tpu.memory_space<hbm>>) target_semaphore(%arg6 : memref<!tpu.dma_semaphore, #tpu.memory_space<semaphore_mem>>)
    %dma_wait3A_1744 = tpu.memref_slice %arg4[%mul3A_1623] : memref<65536xf32, #tpu.memory_space<vmem>> -> memref<32768xf32, #tpu.memory_space<vmem>>
    %dma_wait3A_1745 = arith.constant 0 : i32
    %dma_wait3A_1746 = tpu.memref_slice %arg3[%add3A_1619, %dma_wait3A_1745] : memref<2048x32768xf32, #tpu.memory_space<hbm>> -> memref<1x32768xf32, #tpu.memory_space<hbm>>
    %dma_wait3A_1747 = tpu.memref_squeeze %dma_wait3A_1746 : memref<1x32768xf32, #tpu.memory_space<hbm>> -> memref<32768xf32, #tpu.memory_space<hbm>>
    %dma_wait3A_1748 = arith.constant 0 : i32
    %dma_wait3A_1749 = tpu.memref_slice %arg3[%add3A_1619, %dma_wait3A_1748] : memref<2048x32768xf32, #tpu.memory_space<hbm>> -> memref<1x32768xf32, #tpu.memory_space<hbm>>
    %dma_wait3A_1750 = tpu.memref_squeeze %dma_wait3A_1749 : memref<1x32768xf32, #tpu.memory_space<hbm>> -> memref<32768xf32, #tpu.memory_space<hbm>>
    %dma_wait3A_1751 = tpu.memref_slice %arg4[%mul3A_1623] : memref<65536xf32, #tpu.memory_space<vmem>> -> memref<32768xf32, #tpu.memory_space<vmem>>
    tpu.wait_dma2 semaphore(%arg6 : memref<!tpu.dma_semaphore, #tpu.memory_space<semaphore_mem>>) src(%dma_wait3A_1751 : memref<32768xf32, #tpu.memory_space<vmem>>) dst(%dma_wait3A_1750 : memref<32768xf32, #tpu.memory_space<hbm>>)
    %dma_wait3A_1752 = tpu.memref_slice %arg4[%mul3A_1639] : memref<65536xf32, #tpu.memory_space<vmem>> -> memref<32768xf32, #tpu.memory_space<vmem>>
    %dma_wait3A_1753 = arith.constant 0 : i32
    %dma_wait3A_1754 = tpu.memref_slice %arg3[%add3A_1635, %dma_wait3A_1753] : memref<2048x32768xf32, #tpu.memory_space<hbm>> -> memref<1x32768xf32, #tpu.memory_space<hbm>>
    %dma_wait3A_1755 = tpu.memref_squeeze %dma_wait3A_1754 : memref<1x32768xf32, #tpu.memory_space<hbm>> -> memref<32768xf32, #tpu.memory_space<hbm>>
    %dma_wait3A_1756 = arith.constant 0 : i32
    %dma_wait3A_1757 = tpu.memref_slice %arg3[%add3A_1635, %dma_wait3A_1756] : memref<2048x32768xf32, #tpu.memory_space<hbm>> -> memref<1x32768xf32, #tpu.memory_space<hbm>>
    %dma_wait3A_1758 = tpu.memref_squeeze %dma_wait3A_1757 : memref<1x32768xf32, #tpu.memory_space<hbm>> -> memref<32768xf32, #tpu.memory_space<hbm>>
    %dma_wait3A_1759 = tpu.memref_slice %arg4[%mul3A_1639] : memref<65536xf32, #tpu.memory_space<vmem>> -> memref<32768xf32, #tpu.memory_space<vmem>>
    tpu.wait_dma2 semaphore(%arg6 : memref<!tpu.dma_semaphore, #tpu.memory_space<semaphore_mem>>) src(%dma_wait3A_1759 : memref<32768xf32, #tpu.memory_space<vmem>>) dst(%dma_wait3A_1758 : memref<32768xf32, #tpu.memory_space<hbm>>)
    %dma_wait3A_1760 = tpu.memref_slice %arg4[%mul3A_1655] : memref<65536xf32, #tpu.memory_space<vmem>> -> memref<32768xf32, #tpu.memory_space<vmem>>
    %dma_wait3A_1761 = arith.constant 0 : i32
    %dma_wait3A_1762 = tpu.memref_slice %arg3[%add3A_1651, %dma_wait3A_1761] : memref<2048x32768xf32, #tpu.memory_space<hbm>> -> memref<1x32768xf32, #tpu.memory_space<hbm>>
    %dma_wait3A_1763 = tpu.memref_squeeze %dma_wait3A_1762 : memref<1x32768xf32, #tpu.memory_space<hbm>> -> memref<32768xf32, #tpu.memory_space<hbm>>
    %dma_wait3A_1764 = arith.constant 0 : i32
    %dma_wait3A_1765 = tpu.memref_slice %arg3[%add3A_1651, %dma_wait3A_1764] : memref<2048x32768xf32, #tpu.memory_space<hbm>> -> memref<1x32768xf32, #tpu.memory_space<hbm>>
    %dma_wait3A_1766 = tpu.memref_squeeze %dma_wait3A_1765 : memref<1x32768xf32, #tpu.memory_space<hbm>> -> memref<32768xf32, #tpu.memory_space<hbm>>
    %dma_wait3A_1767 = tpu.memref_slice %arg4[%mul3A_1655] : memref<65536xf32, #tpu.memory_space<vmem>> -> memref<32768xf32, #tpu.memory_space<vmem>>
    tpu.wait_dma2 semaphore(%arg6 : memref<!tpu.dma_semaphore, #tpu.memory_space<semaphore_mem>>) src(%dma_wait3A_1767 : memref<32768xf32, #tpu.memory_space<vmem>>) dst(%dma_wait3A_1766 : memref<32768xf32, #tpu.memory_space<hbm>>)
    %dma_wait3A_1768 = tpu.memref_slice %arg4[%mul3A_1671] : memref<65536xf32, #tpu.memory_space<vmem>> -> memref<32768xf32, #tpu.memory_space<vmem>>
    %dma_wait3A_1769 = arith.constant 0 : i32
    %dma_wait3A_1770 = tpu.memref_slice %arg3[%add3A_1667, %dma_wait3A_1769] : memref<2048x32768xf32, #tpu.memory_space<hbm>> -> memref<1x32768xf32, #tpu.memory_space<hbm>>
    %dma_wait3A_1771 = tpu.memref_squeeze %dma_wait3A_1770 : memref<1x32768xf32, #tpu.memory_space<hbm>> -> memref<32768xf32, #tpu.memory_space<hbm>>
    %dma_wait3A_1772 = arith.constant 0 : i32
    %dma_wait3A_1773 = tpu.memref_slice %arg3[%add3A_1667, %dma_wait3A_1772] : memref<2048x32768xf32, #tpu.memory_space<hbm>> -> memref<1x32768xf32, #tpu.memory_space<hbm>>
    %dma_wait3A_1774 = tpu.memref_squeeze %dma_wait3A_1773 : memref<1x32768xf32, #tpu.memory_space<hbm>> -> memref<32768xf32, #tpu.memory_space<hbm>>
    %dma_wait3A_1775 = tpu.memref_slice %arg4[%mul3A_1671] : memref<65536xf32, #tpu.memory_space<vmem>> -> memref<32768xf32, #tpu.memory_space<vmem>>
    tpu.wait_dma2 semaphore(%arg6 : memref<!tpu.dma_semaphore, #tpu.memory_space<semaphore_mem>>) src(%dma_wait3A_1775 : memref<32768xf32, #tpu.memory_space<vmem>>) dst(%dma_wait3A_1774 : memref<32768xf32, #tpu.memory_space<hbm>>)
    %dma_wait3A_1776 = tpu.memref_slice %arg4[%mul3A_1687] : memref<65536xf32, #tpu.memory_space<vmem>> -> memref<32768xf32, #tpu.memory_space<vmem>>
    %dma_wait3A_1777 = arith.constant 0 : i32
    %dma_wait3A_1778 = tpu.memref_slice %arg3[%add3A_1683, %dma_wait3A_1777] : memref<2048x32768xf32, #tpu.memory_space<hbm>> -> memref<1x32768xf32, #tpu.memory_space<hbm>>
    %dma_wait3A_1779 = tpu.memref_squeeze %dma_wait3A_1778 : memref<1x32768xf32, #tpu.memory_space<hbm>> -> memref<32768xf32, #tpu.memory_space<hbm>>
    %dma_wait3A_1780 = arith.constant 0 : i32
    %dma_wait3A_1781 = tpu.memref_slice %arg3[%add3A_1683, %dma_wait3A_1780] : memref<2048x32768xf32, #tpu.memory_space<hbm>> -> memref<1x32768xf32, #tpu.memory_space<hbm>>
    %dma_wait3A_1782 = tpu.memref_squeeze %dma_wait3A_1781 : memref<1x32768xf32, #tpu.memory_space<hbm>> -> memref<32768xf32, #tpu.memory_space<hbm>>
    %dma_wait3A_1783 = tpu.memref_slice %arg4[%mul3A_1687] : memref<65536xf32, #tpu.memory_space<vmem>> -> memref<32768xf32, #tpu.memory_space<vmem>>
    tpu.wait_dma2 semaphore(%arg6 : memref<!tpu.dma_semaphore, #tpu.memory_space<semaphore_mem>>) src(%dma_wait3A_1783 : memref<32768xf32, #tpu.memory_space<vmem>>) dst(%dma_wait3A_1782 : memref<32768xf32, #tpu.memory_space<hbm>>)
    %dma_wait3A_1784 = tpu.memref_slice %arg4[%mul3A_1703] : memref<65536xf32, #tpu.memory_space<vmem>> -> memref<32768xf32, #tpu.memory_space<vmem>>
    %dma_wait3A_1785 = arith.constant 0 : i32
    %dma_wait3A_1786 = tpu.memref_slice %arg3[%add3A_1699, %dma_wait3A_1785] : memref<2048x32768xf32, #tpu.memory_space<hbm>> -> memref<1x32768xf32, #tpu.memory_space<hbm>>
    %dma_wait3A_1787 = tpu.memref_squeeze %dma_wait3A_1786 : memref<1x32768xf32, #tpu.memory_space<hbm>> -> memref<32768xf32, #tpu.memory_space<hbm>>
    %dma_wait3A_1788 = arith.constant 0 : i32
    %dma_wait3A_1789 = tpu.memref_slice %arg3[%add3A_1699, %dma_wait3A_1788] : memref<2048x32768xf32, #tpu.memory_space<hbm>> -> memref<1x32768xf32, #tpu.memory_space<hbm>>
    %dma_wait3A_1790 = tpu.memref_squeeze %dma_wait3A_1789 : memref<1x32768xf32, #tpu.memory_space<hbm>> -> memref<32768xf32, #tpu.memory_space<hbm>>
    %dma_wait3A_1791 = tpu.memref_slice %arg4[%mul3A_1703] : memref<65536xf32, #tpu.memory_space<vmem>> -> memref<32768xf32, #tpu.memory_space<vmem>>
    tpu.wait_dma2 semaphore(%arg6 : memref<!tpu.dma_semaphore, #tpu.memory_space<semaphore_mem>>) src(%dma_wait3A_1791 : memref<32768xf32, #tpu.memory_space<vmem>>) dst(%dma_wait3A_1790 : memref<32768xf32, #tpu.memory_space<hbm>>)
    %dma_wait3A_1792 = tpu.memref_slice %arg4[%mul3A_1719] : memref<65536xf32, #tpu.memory_space<vmem>> -> memref<32768xf32, #tpu.memory_space<vmem>>
    %dma_wait3A_1793 = arith.constant 0 : i32
    %dma_wait3A_1794 = tpu.memref_slice %arg3[%add3A_1715, %dma_wait3A_1793] : memref<2048x32768xf32, #tpu.memory_space<hbm>> -> memref<1x32768xf32, #tpu.memory_space<hbm>>
    %dma_wait3A_1795 = tpu.memref_squeeze %dma_wait3A_1794 : memref<1x32768xf32, #tpu.memory_space<hbm>> -> memref<32768xf32, #tpu.memory_space<hbm>>
    %dma_wait3A_1796 = arith.constant 0 : i32
    %dma_wait3A_1797 = tpu.memref_slice %arg3[%add3A_1715, %dma_wait3A_1796] : memref<2048x32768xf32, #tpu.memory_space<hbm>> -> memref<1x32768xf32, #tpu.memory_space<hbm>>
    %dma_wait3A_1798 = tpu.memref_squeeze %dma_wait3A_1797 : memref<1x32768xf32, #tpu.memory_space<hbm>> -> memref<32768xf32, #tpu.memory_space<hbm>>
    %dma_wait3A_1799 = tpu.memref_slice %arg4[%mul3A_1719] : memref<65536xf32, #tpu.memory_space<vmem>> -> memref<32768xf32, #tpu.memory_space<vmem>>
    tpu.wait_dma2 semaphore(%arg6 : memref<!tpu.dma_semaphore, #tpu.memory_space<semaphore_mem>>) src(%dma_wait3A_1799 : memref<32768xf32, #tpu.memory_space<vmem>>) dst(%dma_wait3A_1798 : memref<32768xf32, #tpu.memory_space<hbm>>)
    %dma_wait3A_1800 = tpu.memref_slice %arg4[%mul3A_1735] : memref<65536xf32, #tpu.memory_space<vmem>> -> memref<32768xf32, #tpu.memory_space<vmem>>
    %dma_wait3A_1801 = arith.constant 0 : i32
    %dma_wait3A_1802 = tpu.memref_slice %arg3[%add3A_1731, %dma_wait3A_1801] : memref<2048x32768xf32, #tpu.memory_space<hbm>> -> memref<1x32768xf32, #tpu.memory_space<hbm>>
    %dma_wait3A_1803 = tpu.memref_squeeze %dma_wait3A_1802 : memref<1x32768xf32, #tpu.memory_space<hbm>> -> memref<32768xf32, #tpu.memory_space<hbm>>
    %dma_wait3A_1804 = arith.constant 0 : i32
    %dma_wait3A_1805 = tpu.memref_slice %arg3[%add3A_1731, %dma_wait3A_1804] : memref<2048x32768xf32, #tpu.memory_space<hbm>> -> memref<1x32768xf32, #tpu.memory_space<hbm>>
    %dma_wait3A_1806 = tpu.memref_squeeze %dma_wait3A_1805 : memref<1x32768xf32, #tpu.memory_space<hbm>> -> memref<32768xf32, #tpu.memory_space<hbm>>
    %dma_wait3A_1807 = tpu.memref_slice %arg4[%mul3A_1735] : memref<65536xf32, #tpu.memory_space<vmem>> -> memref<32768xf32, #tpu.memory_space<vmem>>
    tpu.wait_dma2 semaphore(%arg6 : memref<!tpu.dma_semaphore, #tpu.memory_space<semaphore_mem>>) src(%dma_wait3A_1807 : memref<32768xf32, #tpu.memory_space<vmem>>) dst(%dma_wait3A_1806 : memref<32768xf32, #tpu.memory_space<hbm>>)
    %add3A_1808 = arith.constant 56 : i32
    %add3A_1809 = arith.addi %mul3A_466, %add3A_1808 : i32
    %add3A_1810 = arith.constant 0 : i32
    %add3A_1811 = arith.addi %add3A_1809, %add3A_1810 : i32
    %sub3A_1812 = arith.constant 2047 : i32
    %sub3A_1813 = arith.subi %sub3A_1812, %add3A_1811 : i32
    %mul3A_1814 = arith.constant 16 : i32
    %mul3A_1815 = arith.muli %sub3A_1813, %mul3A_1814 : i32
    %dma_start3A_1816 = tpu.memref_slice %arg4[%mul3A_1815] : memref<65536xf32, #tpu.memory_space<vmem>> -> memref<32768xf32, #tpu.memory_space<vmem>>
    %dma_start3A_1817 = arith.constant 0 : i32
    %dma_start3A_1818 = tpu.memref_slice %arg3[%add3A_1811, %dma_start3A_1817] : memref<2048x32768xf32, #tpu.memory_space<hbm>> -> memref<1x32768xf32, #tpu.memory_space<hbm>>
    %dma_start3A_1819 = tpu.memref_squeeze %dma_start3A_1818 : memref<1x32768xf32, #tpu.memory_space<hbm>> -> memref<32768xf32, #tpu.memory_space<hbm>>
    %dma_start3A_1820 = arith.constant 0 : i32
    %dma_start3A_1821 = tpu.memref_slice %arg3[%add3A_1811, %dma_start3A_1820] : memref<2048x32768xf32, #tpu.memory_space<hbm>> -> memref<1x32768xf32, #tpu.memory_space<hbm>>
    %dma_start3A_1822 = tpu.memref_squeeze %dma_start3A_1821 : memref<1x32768xf32, #tpu.memory_space<hbm>> -> memref<32768xf32, #tpu.memory_space<hbm>>
    %dma_start3A_1823 = tpu.memref_slice %arg4[%mul3A_1815] : memref<65536xf32, #tpu.memory_space<vmem>> -> memref<32768xf32, #tpu.memory_space<vmem>>
    tpu.enqueue_dma source(%dma_start3A_1823 : memref<32768xf32, #tpu.memory_space<vmem>>) target(%dma_start3A_1822 : memref<32768xf32, #tpu.memory_space<hbm>>) target_semaphore(%arg6 : memref<!tpu.dma_semaphore, #tpu.memory_space<semaphore_mem>>)
    %add3A_1824 = arith.constant 56 : i32
    %add3A_1825 = arith.addi %mul3A_466, %add3A_1824 : i32
    %add3A_1826 = arith.constant 1 : i32
    %add3A_1827 = arith.addi %add3A_1825, %add3A_1826 : i32
    %sub3A_1828 = arith.constant 2047 : i32
    %sub3A_1829 = arith.subi %sub3A_1828, %add3A_1827 : i32
    %mul3A_1830 = arith.constant 16 : i32
    %mul3A_1831 = arith.muli %sub3A_1829, %mul3A_1830 : i32
    %dma_start3A_1832 = tpu.memref_slice %arg4[%mul3A_1831] : memref<65536xf32, #tpu.memory_space<vmem>> -> memref<32768xf32, #tpu.memory_space<vmem>>
    %dma_start3A_1833 = arith.constant 0 : i32
    %dma_start3A_1834 = tpu.memref_slice %arg3[%add3A_1827, %dma_start3A_1833] : memref<2048x32768xf32, #tpu.memory_space<hbm>> -> memref<1x32768xf32, #tpu.memory_space<hbm>>
    %dma_start3A_1835 = tpu.memref_squeeze %dma_start3A_1834 : memref<1x32768xf32, #tpu.memory_space<hbm>> -> memref<32768xf32, #tpu.memory_space<hbm>>
    %dma_start3A_1836 = arith.constant 0 : i32
    %dma_start3A_1837 = tpu.memref_slice %arg3[%add3A_1827, %dma_start3A_1836] : memref<2048x32768xf32, #tpu.memory_space<hbm>> -> memref<1x32768xf32, #tpu.memory_space<hbm>>
    %dma_start3A_1838 = tpu.memref_squeeze %dma_start3A_1837 : memref<1x32768xf32, #tpu.memory_space<hbm>> -> memref<32768xf32, #tpu.memory_space<hbm>>
    %dma_start3A_1839 = tpu.memref_slice %arg4[%mul3A_1831] : memref<65536xf32, #tpu.memory_space<vmem>> -> memref<32768xf32, #tpu.memory_space<vmem>>
    tpu.enqueue_dma source(%dma_start3A_1839 : memref<32768xf32, #tpu.memory_space<vmem>>) target(%dma_start3A_1838 : memref<32768xf32, #tpu.memory_space<hbm>>) target_semaphore(%arg6 : memref<!tpu.dma_semaphore, #tpu.memory_space<semaphore_mem>>)
    %add3A_1840 = arith.constant 56 : i32
    %add3A_1841 = arith.addi %mul3A_466, %add3A_1840 : i32
    %add3A_1842 = arith.constant 2 : i32
    %add3A_1843 = arith.addi %add3A_1841, %add3A_1842 : i32
    %sub3A_1844 = arith.constant 2047 : i32
    %sub3A_1845 = arith.subi %sub3A_1844, %add3A_1843 : i32
    %mul3A_1846 = arith.constant 16 : i32
    %mul3A_1847 = arith.muli %sub3A_1845, %mul3A_1846 : i32
    %dma_start3A_1848 = tpu.memref_slice %arg4[%mul3A_1847] : memref<65536xf32, #tpu.memory_space<vmem>> -> memref<32768xf32, #tpu.memory_space<vmem>>
    %dma_start3A_1849 = arith.constant 0 : i32
    %dma_start3A_1850 = tpu.memref_slice %arg3[%add3A_1843, %dma_start3A_1849] : memref<2048x32768xf32, #tpu.memory_space<hbm>> -> memref<1x32768xf32, #tpu.memory_space<hbm>>
    %dma_start3A_1851 = tpu.memref_squeeze %dma_start3A_1850 : memref<1x32768xf32, #tpu.memory_space<hbm>> -> memref<32768xf32, #tpu.memory_space<hbm>>
    %dma_start3A_1852 = arith.constant 0 : i32
    %dma_start3A_1853 = tpu.memref_slice %arg3[%add3A_1843, %dma_start3A_1852] : memref<2048x32768xf32, #tpu.memory_space<hbm>> -> memref<1x32768xf32, #tpu.memory_space<hbm>>
    %dma_start3A_1854 = tpu.memref_squeeze %dma_start3A_1853 : memref<1x32768xf32, #tpu.memory_space<hbm>> -> memref<32768xf32, #tpu.memory_space<hbm>>
    %dma_start3A_1855 = tpu.memref_slice %arg4[%mul3A_1847] : memref<65536xf32, #tpu.memory_space<vmem>> -> memref<32768xf32, #tpu.memory_space<vmem>>
    tpu.enqueue_dma source(%dma_start3A_1855 : memref<32768xf32, #tpu.memory_space<vmem>>) target(%dma_start3A_1854 : memref<32768xf32, #tpu.memory_space<hbm>>) target_semaphore(%arg6 : memref<!tpu.dma_semaphore, #tpu.memory_space<semaphore_mem>>)
    %add3A_1856 = arith.constant 56 : i32
    %add3A_1857 = arith.addi %mul3A_466, %add3A_1856 : i32
    %add3A_1858 = arith.constant 3 : i32
    %add3A_1859 = arith.addi %add3A_1857, %add3A_1858 : i32
    %sub3A_1860 = arith.constant 2047 : i32
    %sub3A_1861 = arith.subi %sub3A_1860, %add3A_1859 : i32
    %mul3A_1862 = arith.constant 16 : i32
    %mul3A_1863 = arith.muli %sub3A_1861, %mul3A_1862 : i32
    %dma_start3A_1864 = tpu.memref_slice %arg4[%mul3A_1863] : memref<65536xf32, #tpu.memory_space<vmem>> -> memref<32768xf32, #tpu.memory_space<vmem>>
    %dma_start3A_1865 = arith.constant 0 : i32
    %dma_start3A_1866 = tpu.memref_slice %arg3[%add3A_1859, %dma_start3A_1865] : memref<2048x32768xf32, #tpu.memory_space<hbm>> -> memref<1x32768xf32, #tpu.memory_space<hbm>>
    %dma_start3A_1867 = tpu.memref_squeeze %dma_start3A_1866 : memref<1x32768xf32, #tpu.memory_space<hbm>> -> memref<32768xf32, #tpu.memory_space<hbm>>
    %dma_start3A_1868 = arith.constant 0 : i32
    %dma_start3A_1869 = tpu.memref_slice %arg3[%add3A_1859, %dma_start3A_1868] : memref<2048x32768xf32, #tpu.memory_space<hbm>> -> memref<1x32768xf32, #tpu.memory_space<hbm>>
    %dma_start3A_1870 = tpu.memref_squeeze %dma_start3A_1869 : memref<1x32768xf32, #tpu.memory_space<hbm>> -> memref<32768xf32, #tpu.memory_space<hbm>>
    %dma_start3A_1871 = tpu.memref_slice %arg4[%mul3A_1863] : memref<65536xf32, #tpu.memory_space<vmem>> -> memref<32768xf32, #tpu.memory_space<vmem>>
    tpu.enqueue_dma source(%dma_start3A_1871 : memref<32768xf32, #tpu.memory_space<vmem>>) target(%dma_start3A_1870 : memref<32768xf32, #tpu.memory_space<hbm>>) target_semaphore(%arg6 : memref<!tpu.dma_semaphore, #tpu.memory_space<semaphore_mem>>)
    %add3A_1872 = arith.constant 56 : i32
    %add3A_1873 = arith.addi %mul3A_466, %add3A_1872 : i32
    %add3A_1874 = arith.constant 4 : i32
    %add3A_1875 = arith.addi %add3A_1873, %add3A_1874 : i32
    %sub3A_1876 = arith.constant 2047 : i32
    %sub3A_1877 = arith.subi %sub3A_1876, %add3A_1875 : i32
    %mul3A_1878 = arith.constant 16 : i32
    %mul3A_1879 = arith.muli %sub3A_1877, %mul3A_1878 : i32
    %dma_start3A_1880 = tpu.memref_slice %arg4[%mul3A_1879] : memref<65536xf32, #tpu.memory_space<vmem>> -> memref<32768xf32, #tpu.memory_space<vmem>>
    %dma_start3A_1881 = arith.constant 0 : i32
    %dma_start3A_1882 = tpu.memref_slice %arg3[%add3A_1875, %dma_start3A_1881] : memref<2048x32768xf32, #tpu.memory_space<hbm>> -> memref<1x32768xf32, #tpu.memory_space<hbm>>
    %dma_start3A_1883 = tpu.memref_squeeze %dma_start3A_1882 : memref<1x32768xf32, #tpu.memory_space<hbm>> -> memref<32768xf32, #tpu.memory_space<hbm>>
    %dma_start3A_1884 = arith.constant 0 : i32
    %dma_start3A_1885 = tpu.memref_slice %arg3[%add3A_1875, %dma_start3A_1884] : memref<2048x32768xf32, #tpu.memory_space<hbm>> -> memref<1x32768xf32, #tpu.memory_space<hbm>>
    %dma_start3A_1886 = tpu.memref_squeeze %dma_start3A_1885 : memref<1x32768xf32, #tpu.memory_space<hbm>> -> memref<32768xf32, #tpu.memory_space<hbm>>
    %dma_start3A_1887 = tpu.memref_slice %arg4[%mul3A_1879] : memref<65536xf32, #tpu.memory_space<vmem>> -> memref<32768xf32, #tpu.memory_space<vmem>>
    tpu.enqueue_dma source(%dma_start3A_1887 : memref<32768xf32, #tpu.memory_space<vmem>>) target(%dma_start3A_1886 : memref<32768xf32, #tpu.memory_space<hbm>>) target_semaphore(%arg6 : memref<!tpu.dma_semaphore, #tpu.memory_space<semaphore_mem>>)
    %add3A_1888 = arith.constant 56 : i32
    %add3A_1889 = arith.addi %mul3A_466, %add3A_1888 : i32
    %add3A_1890 = arith.constant 5 : i32
    %add3A_1891 = arith.addi %add3A_1889, %add3A_1890 : i32
    %sub3A_1892 = arith.constant 2047 : i32
    %sub3A_1893 = arith.subi %sub3A_1892, %add3A_1891 : i32
    %mul3A_1894 = arith.constant 16 : i32
    %mul3A_1895 = arith.muli %sub3A_1893, %mul3A_1894 : i32
    %dma_start3A_1896 = tpu.memref_slice %arg4[%mul3A_1895] : memref<65536xf32, #tpu.memory_space<vmem>> -> memref<32768xf32, #tpu.memory_space<vmem>>
    %dma_start3A_1897 = arith.constant 0 : i32
    %dma_start3A_1898 = tpu.memref_slice %arg3[%add3A_1891, %dma_start3A_1897] : memref<2048x32768xf32, #tpu.memory_space<hbm>> -> memref<1x32768xf32, #tpu.memory_space<hbm>>
    %dma_start3A_1899 = tpu.memref_squeeze %dma_start3A_1898 : memref<1x32768xf32, #tpu.memory_space<hbm>> -> memref<32768xf32, #tpu.memory_space<hbm>>
    %dma_start3A_1900 = arith.constant 0 : i32
    %dma_start3A_1901 = tpu.memref_slice %arg3[%add3A_1891, %dma_start3A_1900] : memref<2048x32768xf32, #tpu.memory_space<hbm>> -> memref<1x32768xf32, #tpu.memory_space<hbm>>
    %dma_start3A_1902 = tpu.memref_squeeze %dma_start3A_1901 : memref<1x32768xf32, #tpu.memory_space<hbm>> -> memref<32768xf32, #tpu.memory_space<hbm>>
    %dma_start3A_1903 = tpu.memref_slice %arg4[%mul3A_1895] : memref<65536xf32, #tpu.memory_space<vmem>> -> memref<32768xf32, #tpu.memory_space<vmem>>
    tpu.enqueue_dma source(%dma_start3A_1903 : memref<32768xf32, #tpu.memory_space<vmem>>) target(%dma_start3A_1902 : memref<32768xf32, #tpu.memory_space<hbm>>) target_semaphore(%arg6 : memref<!tpu.dma_semaphore, #tpu.memory_space<semaphore_mem>>)
    %add3A_1904 = arith.constant 56 : i32
    %add3A_1905 = arith.addi %mul3A_466, %add3A_1904 : i32
    %add3A_1906 = arith.constant 6 : i32
    %add3A_1907 = arith.addi %add3A_1905, %add3A_1906 : i32
    %sub3A_1908 = arith.constant 2047 : i32
    %sub3A_1909 = arith.subi %sub3A_1908, %add3A_1907 : i32
    %mul3A_1910 = arith.constant 16 : i32
    %mul3A_1911 = arith.muli %sub3A_1909, %mul3A_1910 : i32
    %dma_start3A_1912 = tpu.memref_slice %arg4[%mul3A_1911] : memref<65536xf32, #tpu.memory_space<vmem>> -> memref<32768xf32, #tpu.memory_space<vmem>>
    %dma_start3A_1913 = arith.constant 0 : i32
    %dma_start3A_1914 = tpu.memref_slice %arg3[%add3A_1907, %dma_start3A_1913] : memref<2048x32768xf32, #tpu.memory_space<hbm>> -> memref<1x32768xf32, #tpu.memory_space<hbm>>
    %dma_start3A_1915 = tpu.memref_squeeze %dma_start3A_1914 : memref<1x32768xf32, #tpu.memory_space<hbm>> -> memref<32768xf32, #tpu.memory_space<hbm>>
    %dma_start3A_1916 = arith.constant 0 : i32
    %dma_start3A_1917 = tpu.memref_slice %arg3[%add3A_1907, %dma_start3A_1916] : memref<2048x32768xf32, #tpu.memory_space<hbm>> -> memref<1x32768xf32, #tpu.memory_space<hbm>>
    %dma_start3A_1918 = tpu.memref_squeeze %dma_start3A_1917 : memref<1x32768xf32, #tpu.memory_space<hbm>> -> memref<32768xf32, #tpu.memory_space<hbm>>
    %dma_start3A_1919 = tpu.memref_slice %arg4[%mul3A_1911] : memref<65536xf32, #tpu.memory_space<vmem>> -> memref<32768xf32, #tpu.memory_space<vmem>>
    tpu.enqueue_dma source(%dma_start3A_1919 : memref<32768xf32, #tpu.memory_space<vmem>>) target(%dma_start3A_1918 : memref<32768xf32, #tpu.memory_space<hbm>>) target_semaphore(%arg6 : memref<!tpu.dma_semaphore, #tpu.memory_space<semaphore_mem>>)
    %add3A_1920 = arith.constant 56 : i32
    %add3A_1921 = arith.addi %mul3A_466, %add3A_1920 : i32
    %add3A_1922 = arith.constant 7 : i32
    %add3A_1923 = arith.addi %add3A_1921, %add3A_1922 : i32
    %sub3A_1924 = arith.constant 2047 : i32
    %sub3A_1925 = arith.subi %sub3A_1924, %add3A_1923 : i32
    %mul3A_1926 = arith.constant 16 : i32
    %mul3A_1927 = arith.muli %sub3A_1925, %mul3A_1926 : i32
    %dma_start3A_1928 = tpu.memref_slice %arg4[%mul3A_1927] : memref<65536xf32, #tpu.memory_space<vmem>> -> memref<32768xf32, #tpu.memory_space<vmem>>
    %dma_start3A_1929 = arith.constant 0 : i32
    %dma_start3A_1930 = tpu.memref_slice %arg3[%add3A_1923, %dma_start3A_1929] : memref<2048x32768xf32, #tpu.memory_space<hbm>> -> memref<1x32768xf32, #tpu.memory_space<hbm>>
    %dma_start3A_1931 = tpu.memref_squeeze %dma_start3A_1930 : memref<1x32768xf32, #tpu.memory_space<hbm>> -> memref<32768xf32, #tpu.memory_space<hbm>>
    %dma_start3A_1932 = arith.constant 0 : i32
    %dma_start3A_1933 = tpu.memref_slice %arg3[%add3A_1923, %dma_start3A_1932] : memref<2048x32768xf32, #tpu.memory_space<hbm>> -> memref<1x32768xf32, #tpu.memory_space<hbm>>
    %dma_start3A_1934 = tpu.memref_squeeze %dma_start3A_1933 : memref<1x32768xf32, #tpu.memory_space<hbm>> -> memref<32768xf32, #tpu.memory_space<hbm>>
    %dma_start3A_1935 = tpu.memref_slice %arg4[%mul3A_1927] : memref<65536xf32, #tpu.memory_space<vmem>> -> memref<32768xf32, #tpu.memory_space<vmem>>
    tpu.enqueue_dma source(%dma_start3A_1935 : memref<32768xf32, #tpu.memory_space<vmem>>) target(%dma_start3A_1934 : memref<32768xf32, #tpu.memory_space<hbm>>) target_semaphore(%arg6 : memref<!tpu.dma_semaphore, #tpu.memory_space<semaphore_mem>>)
    %dma_wait3A_1936 = tpu.memref_slice %arg4[%mul3A_1815] : memref<65536xf32, #tpu.memory_space<vmem>> -> memref<32768xf32, #tpu.memory_space<vmem>>
    %dma_wait3A_1937 = arith.constant 0 : i32
    %dma_wait3A_1938 = tpu.memref_slice %arg3[%add3A_1811, %dma_wait3A_1937] : memref<2048x32768xf32, #tpu.memory_space<hbm>> -> memref<1x32768xf32, #tpu.memory_space<hbm>>
    %dma_wait3A_1939 = tpu.memref_squeeze %dma_wait3A_1938 : memref<1x32768xf32, #tpu.memory_space<hbm>> -> memref<32768xf32, #tpu.memory_space<hbm>>
    %dma_wait3A_1940 = arith.constant 0 : i32
    %dma_wait3A_1941 = tpu.memref_slice %arg3[%add3A_1811, %dma_wait3A_1940] : memref<2048x32768xf32, #tpu.memory_space<hbm>> -> memref<1x32768xf32, #tpu.memory_space<hbm>>
    %dma_wait3A_1942 = tpu.memref_squeeze %dma_wait3A_1941 : memref<1x32768xf32, #tpu.memory_space<hbm>> -> memref<32768xf32, #tpu.memory_space<hbm>>
    %dma_wait3A_1943 = tpu.memref_slice %arg4[%mul3A_1815] : memref<65536xf32, #tpu.memory_space<vmem>> -> memref<32768xf32, #tpu.memory_space<vmem>>
    tpu.wait_dma2 semaphore(%arg6 : memref<!tpu.dma_semaphore, #tpu.memory_space<semaphore_mem>>) src(%dma_wait3A_1943 : memref<32768xf32, #tpu.memory_space<vmem>>) dst(%dma_wait3A_1942 : memref<32768xf32, #tpu.memory_space<hbm>>)
    %dma_wait3A_1944 = tpu.memref_slice %arg4[%mul3A_1831] : memref<65536xf32, #tpu.memory_space<vmem>> -> memref<32768xf32, #tpu.memory_space<vmem>>
    %dma_wait3A_1945 = arith.constant 0 : i32
    %dma_wait3A_1946 = tpu.memref_slice %arg3[%add3A_1827, %dma_wait3A_1945] : memref<2048x32768xf32, #tpu.memory_space<hbm>> -> memref<1x32768xf32, #tpu.memory_space<hbm>>
    %dma_wait3A_1947 = tpu.memref_squeeze %dma_wait3A_1946 : memref<1x32768xf32, #tpu.memory_space<hbm>> -> memref<32768xf32, #tpu.memory_space<hbm>>
    %dma_wait3A_1948 = arith.constant 0 : i32
    %dma_wait3A_1949 = tpu.memref_slice %arg3[%add3A_1827, %dma_wait3A_1948] : memref<2048x32768xf32, #tpu.memory_space<hbm>> -> memref<1x32768xf32, #tpu.memory_space<hbm>>
    %dma_wait3A_1950 = tpu.memref_squeeze %dma_wait3A_1949 : memref<1x32768xf32, #tpu.memory_space<hbm>> -> memref<32768xf32, #tpu.memory_space<hbm>>
    %dma_wait3A_1951 = tpu.memref_slice %arg4[%mul3A_1831] : memref<65536xf32, #tpu.memory_space<vmem>> -> memref<32768xf32, #tpu.memory_space<vmem>>
    tpu.wait_dma2 semaphore(%arg6 : memref<!tpu.dma_semaphore, #tpu.memory_space<semaphore_mem>>) src(%dma_wait3A_1951 : memref<32768xf32, #tpu.memory_space<vmem>>) dst(%dma_wait3A_1950 : memref<32768xf32, #tpu.memory_space<hbm>>)
    %dma_wait3A_1952 = tpu.memref_slice %arg4[%mul3A_1847] : memref<65536xf32, #tpu.memory_space<vmem>> -> memref<32768xf32, #tpu.memory_space<vmem>>
    %dma_wait3A_1953 = arith.constant 0 : i32
    %dma_wait3A_1954 = tpu.memref_slice %arg3[%add3A_1843, %dma_wait3A_1953] : memref<2048x32768xf32, #tpu.memory_space<hbm>> -> memref<1x32768xf32, #tpu.memory_space<hbm>>
    %dma_wait3A_1955 = tpu.memref_squeeze %dma_wait3A_1954 : memref<1x32768xf32, #tpu.memory_space<hbm>> -> memref<32768xf32, #tpu.memory_space<hbm>>
    %dma_wait3A_1956 = arith.constant 0 : i32
    %dma_wait3A_1957 = tpu.memref_slice %arg3[%add3A_1843, %dma_wait3A_1956] : memref<2048x32768xf32, #tpu.memory_space<hbm>> -> memref<1x32768xf32, #tpu.memory_space<hbm>>
    %dma_wait3A_1958 = tpu.memref_squeeze %dma_wait3A_1957 : memref<1x32768xf32, #tpu.memory_space<hbm>> -> memref<32768xf32, #tpu.memory_space<hbm>>
    %dma_wait3A_1959 = tpu.memref_slice %arg4[%mul3A_1847] : memref<65536xf32, #tpu.memory_space<vmem>> -> memref<32768xf32, #tpu.memory_space<vmem>>
    tpu.wait_dma2 semaphore(%arg6 : memref<!tpu.dma_semaphore, #tpu.memory_space<semaphore_mem>>) src(%dma_wait3A_1959 : memref<32768xf32, #tpu.memory_space<vmem>>) dst(%dma_wait3A_1958 : memref<32768xf32, #tpu.memory_space<hbm>>)
    %dma_wait3A_1960 = tpu.memref_slice %arg4[%mul3A_1863] : memref<65536xf32, #tpu.memory_space<vmem>> -> memref<32768xf32, #tpu.memory_space<vmem>>
    %dma_wait3A_1961 = arith.constant 0 : i32
    %dma_wait3A_1962 = tpu.memref_slice %arg3[%add3A_1859, %dma_wait3A_1961] : memref<2048x32768xf32, #tpu.memory_space<hbm>> -> memref<1x32768xf32, #tpu.memory_space<hbm>>
    %dma_wait3A_1963 = tpu.memref_squeeze %dma_wait3A_1962 : memref<1x32768xf32, #tpu.memory_space<hbm>> -> memref<32768xf32, #tpu.memory_space<hbm>>
    %dma_wait3A_1964 = arith.constant 0 : i32
    %dma_wait3A_1965 = tpu.memref_slice %arg3[%add3A_1859, %dma_wait3A_1964] : memref<2048x32768xf32, #tpu.memory_space<hbm>> -> memref<1x32768xf32, #tpu.memory_space<hbm>>
    %dma_wait3A_1966 = tpu.memref_squeeze %dma_wait3A_1965 : memref<1x32768xf32, #tpu.memory_space<hbm>> -> memref<32768xf32, #tpu.memory_space<hbm>>
    %dma_wait3A_1967 = tpu.memref_slice %arg4[%mul3A_1863] : memref<65536xf32, #tpu.memory_space<vmem>> -> memref<32768xf32, #tpu.memory_space<vmem>>
    tpu.wait_dma2 semaphore(%arg6 : memref<!tpu.dma_semaphore, #tpu.memory_space<semaphore_mem>>) src(%dma_wait3A_1967 : memref<32768xf32, #tpu.memory_space<vmem>>) dst(%dma_wait3A_1966 : memref<32768xf32, #tpu.memory_space<hbm>>)
    %dma_wait3A_1968 = tpu.memref_slice %arg4[%mul3A_1879] : memref<65536xf32, #tpu.memory_space<vmem>> -> memref<32768xf32, #tpu.memory_space<vmem>>
    %dma_wait3A_1969 = arith.constant 0 : i32
    %dma_wait3A_1970 = tpu.memref_slice %arg3[%add3A_1875, %dma_wait3A_1969] : memref<2048x32768xf32, #tpu.memory_space<hbm>> -> memref<1x32768xf32, #tpu.memory_space<hbm>>
    %dma_wait3A_1971 = tpu.memref_squeeze %dma_wait3A_1970 : memref<1x32768xf32, #tpu.memory_space<hbm>> -> memref<32768xf32, #tpu.memory_space<hbm>>
    %dma_wait3A_1972 = arith.constant 0 : i32
    %dma_wait3A_1973 = tpu.memref_slice %arg3[%add3A_1875, %dma_wait3A_1972] : memref<2048x32768xf32, #tpu.memory_space<hbm>> -> memref<1x32768xf32, #tpu.memory_space<hbm>>
    %dma_wait3A_1974 = tpu.memref_squeeze %dma_wait3A_1973 : memref<1x32768xf32, #tpu.memory_space<hbm>> -> memref<32768xf32, #tpu.memory_space<hbm>>
    %dma_wait3A_1975 = tpu.memref_slice %arg4[%mul3A_1879] : memref<65536xf32, #tpu.memory_space<vmem>> -> memref<32768xf32, #tpu.memory_space<vmem>>
    tpu.wait_dma2 semaphore(%arg6 : memref<!tpu.dma_semaphore, #tpu.memory_space<semaphore_mem>>) src(%dma_wait3A_1975 : memref<32768xf32, #tpu.memory_space<vmem>>) dst(%dma_wait3A_1974 : memref<32768xf32, #tpu.memory_space<hbm>>)
    %dma_wait3A_1976 = tpu.memref_slice %arg4[%mul3A_1895] : memref<65536xf32, #tpu.memory_space<vmem>> -> memref<32768xf32, #tpu.memory_space<vmem>>
    %dma_wait3A_1977 = arith.constant 0 : i32
    %dma_wait3A_1978 = tpu.memref_slice %arg3[%add3A_1891, %dma_wait3A_1977] : memref<2048x32768xf32, #tpu.memory_space<hbm>> -> memref<1x32768xf32, #tpu.memory_space<hbm>>
    %dma_wait3A_1979 = tpu.memref_squeeze %dma_wait3A_1978 : memref<1x32768xf32, #tpu.memory_space<hbm>> -> memref<32768xf32, #tpu.memory_space<hbm>>
    %dma_wait3A_1980 = arith.constant 0 : i32
    %dma_wait3A_1981 = tpu.memref_slice %arg3[%add3A_1891, %dma_wait3A_1980] : memref<2048x32768xf32, #tpu.memory_space<hbm>> -> memref<1x32768xf32, #tpu.memory_space<hbm>>
    %dma_wait3A_1982 = tpu.memref_squeeze %dma_wait3A_1981 : memref<1x32768xf32, #tpu.memory_space<hbm>> -> memref<32768xf32, #tpu.memory_space<hbm>>
    %dma_wait3A_1983 = tpu.memref_slice %arg4[%mul3A_1895] : memref<65536xf32, #tpu.memory_space<vmem>> -> memref<32768xf32, #tpu.memory_space<vmem>>
    tpu.wait_dma2 semaphore(%arg6 : memref<!tpu.dma_semaphore, #tpu.memory_space<semaphore_mem>>) src(%dma_wait3A_1983 : memref<32768xf32, #tpu.memory_space<vmem>>) dst(%dma_wait3A_1982 : memref<32768xf32, #tpu.memory_space<hbm>>)
    %dma_wait3A_1984 = tpu.memref_slice %arg4[%mul3A_1911] : memref<65536xf32, #tpu.memory_space<vmem>> -> memref<32768xf32, #tpu.memory_space<vmem>>
    %dma_wait3A_1985 = arith.constant 0 : i32
    %dma_wait3A_1986 = tpu.memref_slice %arg3[%add3A_1907, %dma_wait3A_1985] : memref<2048x32768xf32, #tpu.memory_space<hbm>> -> memref<1x32768xf32, #tpu.memory_space<hbm>>
    %dma_wait3A_1987 = tpu.memref_squeeze %dma_wait3A_1986 : memref<1x32768xf32, #tpu.memory_space<hbm>> -> memref<32768xf32, #tpu.memory_space<hbm>>
    %dma_wait3A_1988 = arith.constant 0 : i32
    %dma_wait3A_1989 = tpu.memref_slice %arg3[%add3A_1907, %dma_wait3A_1988] : memref<2048x32768xf32, #tpu.memory_space<hbm>> -> memref<1x32768xf32, #tpu.memory_space<hbm>>
    %dma_wait3A_1990 = tpu.memref_squeeze %dma_wait3A_1989 : memref<1x32768xf32, #tpu.memory_space<hbm>> -> memref<32768xf32, #tpu.memory_space<hbm>>
    %dma_wait3A_1991 = tpu.memref_slice %arg4[%mul3A_1911] : memref<65536xf32, #tpu.memory_space<vmem>> -> memref<32768xf32, #tpu.memory_space<vmem>>
    tpu.wait_dma2 semaphore(%arg6 : memref<!tpu.dma_semaphore, #tpu.memory_space<semaphore_mem>>) src(%dma_wait3A_1991 : memref<32768xf32, #tpu.memory_space<vmem>>) dst(%dma_wait3A_1990 : memref<32768xf32, #tpu.memory_space<hbm>>)
    %dma_wait3A_1992 = tpu.memref_slice %arg4[%mul3A_1927] : memref<65536xf32, #tpu.memory_space<vmem>> -> memref<32768xf32, #tpu.memory_space<vmem>>
    %dma_wait3A_1993 = arith.constant 0 : i32
    %dma_wait3A_1994 = tpu.memref_slice %arg3[%add3A_1923, %dma_wait3A_1993] : memref<2048x32768xf32, #tpu.memory_space<hbm>> -> memref<1x32768xf32, #tpu.memory_space<hbm>>
    %dma_wait3A_1995 = tpu.memref_squeeze %dma_wait3A_1994 : memref<1x32768xf32, #tpu.memory_space<hbm>> -> memref<32768xf32, #tpu.memory_space<hbm>>
    %dma_wait3A_1996 = arith.constant 0 : i32
    %dma_wait3A_1997 = tpu.memref_slice %arg3[%add3A_1923, %dma_wait3A_1996] : memref<2048x32768xf32, #tpu.memory_space<hbm>> -> memref<1x32768xf32, #tpu.memory_space<hbm>>
    %dma_wait3A_1998 = tpu.memref_squeeze %dma_wait3A_1997 : memref<1x32768xf32, #tpu.memory_space<hbm>> -> memref<32768xf32, #tpu.memory_space<hbm>>
    %dma_wait3A_1999 = tpu.memref_slice %arg4[%mul3A_1927] : memref<65536xf32, #tpu.memory_space<vmem>> -> memref<32768xf32, #tpu.memory_space<vmem>>
    tpu.wait_dma2 semaphore(%arg6 : memref<!tpu.dma_semaphore, #tpu.memory_space<semaphore_mem>>) src(%dma_wait3A_1999 : memref<32768xf32, #tpu.memory_space<vmem>>) dst(%dma_wait3A_1998 : memref<32768xf32, #tpu.memory_space<hbm>>)
    return
  }
}

</mosaic_0001>

<sc_bundles>
// kernel: kernel.3.cloned.1.call-start
scs
__scs_entry_jumppad:
0x0: {  	(pc) =	sbr.rel $0x88, $3  }
0x1: {  	(tag) =	ssettag $0x0;
	lr =	simm.s32 $0x1  }
0x2: {  	[smem:$0x3FA0] =	sst lr;
	_ =	strace $0xD0000000  }
0x3: {  	_ = 	snop  }
0x4: {  	_ = 	snop  }
0x5: {  	_ = 	snop  }
0x6: {  	_ = 	snop  }
0x7: {  	_ = 	snop  }
__scs_overlays_trampoline_lowered:
0x8: {  	[smem:$0x3FAF] =	sst s0  }
0x9: {  	[smem:$0x3FB0] =	sst s1  }
0xa: {  	[smem:$0x3FB1] =	sst s2  }
0xb: {  	[smem:$0x3FB2] =	sst s3  }
0xc: {  	[smem:$0x3FB3] =	sst s4  }
0xd: {  	[smem:$0x3FB4] =	sst s5  }
0xe: {  	[smem:$0x3FB5] =	sst s6  }
0xf: {  	[smem:$0x3FB6] =	sst s7  }
0x10: {  	[smem:$0x3FB7] =	sst s8  }
0x11: {  	[smem:$0x3FB8] =	sst s9;
	s0 =	simm.s32 @!p0 $0x0  }
0x12: {  	s1 =	sld [smem:$0x3F9E];
	s0 =	simm.s32 @p0 $0x1  }
0x13: {  	[smem:$0x3FB9] =	sst s0;
	s0 =	simm.s32 @!p1 $0x0  }
0x14: {  	s2 =	sld [smem:$0x3F9D];
	s0 =	simm.s32 @p1 $0x1  }
0x15: {  	[smem:$0x3FBA] =	sst s0;
	s0 =	simm.s32 @!p2 $0x0  }
0x16: {  	s3 =	sld [smem:$0x3FDB];
	s0 =	simm.s32 @p2 $0x1  }
0x17: {  	s4 =	simm.s32 $0x1BF5;
	[smem:$0x3FBC] =	sst s0  }
0x18: {  	s0 =	sld [smem:$0x3F9F];
	_ =	swait.ge [sflag:s4], $0x0  }
0x19: {  	s7 =	sld [smem:$0x3FA0]  }
0x1a: {  	s8 =	sadd.s32 $0xFFFFE003, lr  }
0x1b: {  	s9 =	sadd.s32 $0xFFFFFEF7, lr;
	s5 =	simm.s32 $0xFFFFFFFF;
	p2 =	slt.u32 s8, $0xFFFFF086  }
0x1c: {  	p1 =	slt.u32 s9, $0xF7A;
	s5 =	simm.s32 @!p2 $0x0  }
0x1d: {  	s5 =	simm.s32 @p1 $0x1;
	p0 =	seq.s32 s7, s2  }
0x1e: {  	s7 =	smul.u32 @!p0 $0xF7A, s2;
	p2 =	seq.s32 @!p0 s5, $0x0  }
0x1f: {  	s9 =	smul.u32 $0xF7A, s1;
	s8 =	simm.s32 @!p0 $0x1BF5;
	p2 =	por !p2, p0  }
0x20: {  	[sflag:s8] =	ssyncset.s32 @!p0 $0xFFFFF086;
	s6 =	sadd.s32 @!p0 s3, s7;
	s7 =	simm.s32 @!p0 $0x108  }
0x21: {  	s3 =	sadd.s32 s3, s9;
	s6 =	sadd.s32 @!p0 $0x88, s6;
	s7 =	simm.s32 @p2 $0x1082  }
0x22: {  	[simem:s7], [sflag:s8] =	dma.local @!p0 [hbm:s6], $0xF7A  }
0x23: {  	s9 =	sor.u32 $0xD0000000, s2;
	s6 =	simm.s32 $0x108;
	_ =	swait.ge @!p0 [sflag:s8], $0x0  }
0x24: {  	s3 =	sadd.s32 $0x88, s3;
	s6 =	simm.s32 @!p1 $0x1082;
	[sflag:s4] =	ssyncset.s32 $0xFFFFF086  }
0x25: {  	[simem:s6], [sflag:s4] =	dma.local [hbm:s3], $0xF7A  }
0x26: {  	[smem:$0x3FA0] =	sst s1;
	(tag) =	ssettag s2;
	_ =	strace s9  }
0x27: {  	s1 =	sld [smem:$0x3FB0]  }
0x28: {  	s2 =	sld [smem:$0x3FB1]  }
0x29: {  	s4 =	sld [smem:$0x3FB3]  }
0x2a: {  	p0 =	seq.s32 s5, $0x0;
	s5 =	sld [smem:$0x3FB4]  }
0x2b: {  	s6 =	sld [smem:$0x3FB5]  }
0x2c: {  	s7 =	sld [smem:$0x3FB6]  }
0x2d: {  	s3 =	simm.s32 $0x108;
	s8 =	sld [smem:$0x3FB7]  }
0x2e: {  	s3 =	simm.s32 @!p0 $0x1082;
	s9 =	sld [smem:$0x3FB8]  }
0x2f: {  	lr =	sadd.s32 s0, s3;
	s0 =	sld [smem:$0x3FAF]  }
0x30: {  	s3 =	sld [smem:$0x3FB2]  }
0x31: {  	[smem:$0x3FBB] =	sst s10  }
0x32: {  	s10 =	sld [smem:$0x3FB9];
	_ =	sdelay $0x3  }
0x33: {  	p0 =	seq.s32 s10, $0x1;
	s10 =	sld [smem:$0x3FBB];
	_ =	sdelay $0x3  }
0x34: {  	[smem:$0x3FBB] =	sst s10  }
0x35: {  	s10 =	sld [smem:$0x3FBA];
	_ =	sdelay $0x3  }
0x36: {  	p1 =	seq.s32 s10, $0x1;
	s10 =	sld [smem:$0x3FBB];
	_ =	sdelay $0x3  }
0x37: {  	[smem:$0x3FBB] =	sst s10  }
0x38: {  	s10 =	sld [smem:$0x3FBC]  }
0x39: {  	_ = 	snop;
	(pc) =	sbr.ind lr, $3  }
0x3a: {  	_ = 	snop  }
0x3b: {  	_ = 	snop  }
0x3c: {  	p2 =	seq.s32 s10, $0x1;
	s10 =	sld [smem:$0x3FBB]  }
0x3d: {  	_ =	shalt  }
0x3e: {  	_ =	shalt  }
0x3f: {  	_ =	shalt  }
0x40: {  	_ =	shalt  }
0x41: {  	_ =	shalt  }
0x42: {  	_ =	shalt  }
0x43: {  	_ =	shalt  }
0x44: {  	_ =	shalt  }
0x45: {  	_ =	shalt  }
0x46: {  	_ =	shalt  }
0x47: {  	_ =	shalt  }
0x48: {  	_ =	shalt  }
0x49: {  	_ =	shalt  }
0x4a: {  	_ =	shalt  }
0x4b: {  	_ =	shalt  }
0x4c: {  	_ =	shalt  }
0x4d: {  	_ =	shalt  }
0x4e: {  	_ =	shalt  }
0x4f: {  	_ =	shalt  }
0x50: {  	_ =	shalt  }
0x51: {  	_ =	shalt  }
0x52: {  	_ =	shalt  }
0x53: {  	_ =	shalt  }
0x54: {  	_ =	shalt  }
0x55: {  	_ =	shalt  }
0x56: {  	_ =	shalt  }
0x57: {  	_ =	shalt  }
0x58: {  	_ =	shalt  }
0x59: {  	_ =	shalt  }
0x5a: {  	_ =	shalt  }
0x5b: {  	_ =	shalt  }
0x5c: {  	_ =	shalt  }
0x5d: {  	_ =	shalt  }
0x5e: {  	_ =	shalt  }
0x5f: {  	_ =	shalt  }
0x60: {  	_ =	shalt  }
0x61: {  	_ =	shalt  }
0x62: {  	_ =	shalt  }
0x63: {  	_ =	shalt  }
0x64: {  	_ =	shalt  }
0x65: {  	_ =	shalt  }
0x66: {  	_ =	shalt  }
0x67: {  	_ =	shalt  }
0x68: {  	_ =	shalt  }
0x69: {  	_ =	shalt  }
0x6a: {  	_ =	shalt  }
0x6b: {  	_ =	shalt  }
0x6c: {  	_ =	shalt  }
0x6d: {  	_ =	shalt  }
0x6e: {  	_ =	shalt  }
0x6f: {  	_ =	shalt  }
0x70: {  	_ =	shalt  }
0x71: {  	_ =	shalt  }
0x72: {  	_ =	shalt  }
0x73: {  	_ =	shalt  }
0x74: {  	_ =	shalt  }
0x75: {  	_ =	shalt  }
0x76: {  	_ =	shalt  }
0x77: {  	_ =	shalt  }
0x78: {  	_ =	shalt  }
0x79: {  	_ =	shalt  }
0x7a: {  	_ =	shalt  }
0x7b: {  	_ =	shalt  }
0x7c: {  	_ =	shalt  }
0x7d: {  	_ =	shalt  }
0x7e: {  	_ =	shalt  }
0x7f: {  	_ =	shalt  }
0x80: {  	_ =	shalt  }
0x81: {  	_ =	shalt  }
0x82: {  	_ =	shalt  }
0x83: {  	_ =	shalt  }
0x84: {  	_ =	shalt  }
0x85: {  	_ =	shalt  }
0x86: {  	_ =	shalt  }
0x87: {  	_ =	shalt  }
.Lfunc_end0:
.L_simem_size_0:
called_computation.2_lowered:
.L_overlay_start_0:
0x88: {  	s2 =	sld [smem:$0x3FD9]  }
0x89: {  	s3 =	sld [smem:$0x3FFE];
	_ =	sdelay $0x1  }
0x8a: {  	s1 =	srdreg.scid  }
0x8b: {  	s0 =	sand.u32 $0x1, s1  }
0x8c: {  	s17 =	sshll.u32 s0, $0xA;
	s2 =	sadd.s32 s3, s2  }
0x8d: {  	s2 =	sadd.s32 s2, s17  }
0x8e: {  	[smem:$0x3FC7] =	sst s2  }
0x8f: {  	_ = 	snop  }
0x90: {  	s2 =	sld [smem:$0x3FD0];
	(tm) =	ssettm $0x1  }
0x91: {  	s18 =	sld [smem:$0x3FFB];
	_ =	sdelay $0x3  }
0x92: {  	_ =	strace s18  }
0x93: {  	s3 =	sld [smem:$0x3FFC];
	_ =	sdelay $0x3  }
0x94: {  	_ =	strace s3  }
0x95: {  	s3 =	sld [smem:$0x3FFD];
	_ =	sdelay $0x3  }
0x96: {  	_ =	strace s3  }
0x97: {  	_ =	strace $0x8FFFFFFF  }
0x98: {  	s19 =	sld [smem:$0x3FDB];
	_ =	sdelay $0x1  }
0x99: {  	s4 =	simm.s32 $_scs_section_size  }
0x9a: {  	s5 =	simm.s32 $_size__tile_overlayer_lowered;
	s6 =	simm.s32 $_tile_overlayer_lowered  }
0x9b: {  	s22 =	simm.s32 $0x1BFF;
	s21 =	sshll.u32 s6, $0x1;
	s3 =	sadd.s32 s4, s19  }
0x9c: {  	s7 =	simm.s32 $0x0;
	s20 =	sshll.u32 s5, $0x1;
	s5 =	sadd.s32 s21, s3  }
0x9d: {  	[timem:s7], [sflag:s22] =	dma.local [hbm:s5], s20  }
0x9e: {  	_ =	swait.ge [sflag:s22], s20  }
0x9f: {  	s4 =	ssub.s32 $0x0, s20;
	[sflag:s22] =	ssyncset.done $0x0  }
0xa0: {  	[sflag:s22] =	ssyncadd.s32 s4;
	_ =	sdelay $0x1  }
0xa1: {  	s23 =	simm.s32 $0x1B8B  }
0xa2: {  	_ =	swait.ge [sflag:s23], $0x1  }
0xa3: {  	[sflag:s23] =	ssyncset.done $0x0  }
0xa4: {  	s25 =	simm.s32 $0x1B8E;
	s24 =	sld [smem:$0x3FFE];
	[sflag:s23] =	ssyncadd.s32 $0xFFFFFFFF  }
0xa5: {  	s26 =	simm.s32 $execute0_lowered;
	[smem:$0x3FD2] =	sst s25  }
0xa6: {  	s5 =	sshll.u32 s26, $0x1;
	_ =	strace $0x80000046;
	[dreg:$0x1] =	wrdreg $0xFFFFFFFF  }
0xa7: {  	s28 =	simm.s32 $_size_execute0_lowered;
	s3 =	sadd.s32 s3, s5;
	[dreg:$0x0] =	wrdreg $0x0  }
0xa8: {  	s5 =	sshll.u32 s28, $0x1;
	[dreg:$0x2] =	wrdreg s3  }
0xa9: {  	[dreg:$0x3] =	wrdreg s5  }
0xaa: {  	[dreg:$0x4] =	wrdreg $0xC0  }
0xab: {  	_ =	task [dreg:s7], $0x5FFFF  }
0xac: {  	[dreg:$0x1] =	wrdreg $0xFFFFFFFF  }
0xad: {  	[dreg:$0x0] =	wrdreg $0x60  }
0xae: {  	[dreg:$0x2] =	wrdreg s2  }
0xaf: {  	[dreg:$0x3] =	wrdreg s24  }
0xb0: {  	[dreg:$0x4] =	wrdreg $0x9  }
0xb1: {  	_ =	task.clear_ibuf [dreg:s7], $0x5FFFF;
	_ =	strace $0x90000046  }
0xb2: {  	s29 =	simm.s32 $0x9;
	_ =	strace $0x80000048  }
0xb3: {  	_ =	swait.ge [sflag:s29], $0x1  }
0xb4: {  	[sflag:s29] =	ssyncadd.s32 $0xFFFFFFFF  }
0xb5: {  	_ =	strace $0x90000048  }
0xb6: {  	_ =	sfence  }
0xb7: {  	s30 =	sld [smem:$0x0];
	_ =	sdelay $0x2  }
0xb8: {  	s31 =	sshll.u32 s1, $0xD;
	s1 =	sshrl.u32 s1, $0x2  }
0xb9: {  	s3 =	sand.u32 $0x4000, s31;
	s1 =	sadd.s32 s1, s30  }
0xba: {  	s0 =	sor.u32 s3, s0;
	s1 =	sshll.u32 s1, $0x11  }
0xbb: {  	s0 =	sor.u32 s1, s0  }
0xbc: {  	s0 =	sadd.s32 $0x8F2B, s0  }
0xbd: {  	[sflag:s0] =	ssyncadd.remote.s32 $0x1  }
0xbe: {  	_ =	sfence.sel $0xFFFF  }
0xbf: {  	[dreg:$0x0] =	wrdreg $0xFFFFFFFF;
	(pc) =	sbr.abs _section_cstart, $3  }
0xc0: {  	[dreg:$0x1] =	wrdreg $0xFFFFFFFF  }
0xc1: {  	_ =	task.clear_ibuf [dreg:s7], $0x2FFFF;
	_ =	strace $0x9FFFFFFF  }
0xc2: {  	(tm) =	ssettm $0x7FFFFFFF  }
0xc3: {  	_ =	shalt  }
tec
execute0_lowered:
.L_overlay_start_1:
0x0: {  	(tag) =	ssettag $0x1  }
0x1: {  	s0 =	srdreg.scid  }
0x2: {  	s2 =	stileid.u32;
	s0 =	sand.u32 $0x1, s0  }
0x3: {  	s2 =	sshll.u32 s2, $0x7;
	s4 =	sshll.u32 s0, $0x6  }
0x4: {  	s1 =	rddreg [dreg:$0x1];
	s2 =	sor.u32 s4, s2  }
0x5: {  	s3 =	simm.s32 $0x0;
	s9 =	ssub.s32 $0x2, s0;
	s0 =	sshll.u32 s2, $0x4  }
0x6: {  	[smem:$0x7FF] =	sst s3;
	s10 =	sxor.u32 $0x7FF0, s0  }
0x7: {  	_ =	strace $0x80000047;
	s13 =	sxor.u32 $0x7FE0, s0;
	[dreg:$0x3] =	wrdreg s10  }
0x8: {  	s14 =	sxor.u32 $0x7FD0, s0;
	[dreg:$0x4] =	wrdreg s13  }
0x9: {  	s15 =	sxor.u32 $0x7FC0, s0;
	[dreg:$0x5] =	wrdreg s14  }
0xa: {  	s16 =	sxor.u32 $0x7FB0, s0;
	[dreg:$0x6] =	wrdreg s15  }
0xb: {  	s17 =	sxor.u32 $0x7FA0, s0;
	[dreg:$0x7] =	wrdreg s16  }
0xc: {  	s18 =	sxor.u32 $0x7F90, s0;
	[dreg:$0x8] =	wrdreg s17  }
0xd: {  	s19 =	sxor.u32 $0x7F80, s0;
	[dreg:$0x9] =	wrdreg s18  }
0xe: {  	s20 =	sxor.u32 $0x7F70, s0;
	[dreg:$0xa] =	wrdreg s19  }
0xf: {  	s21 =	sxor.u32 $0x7F60, s0;
	[dreg:$0xb] =	wrdreg s20  }
0x10: {  	s22 =	sxor.u32 $0x7F50, s0;
	[dreg:$0xc] =	wrdreg s21  }
0x11: {  	s23 =	sxor.u32 $0x7F40, s0;
	[dreg:$0xd] =	wrdreg s22  }
0x12: {  	s24 =	sxor.u32 $0x7F30, s0;
	[dreg:$0xe] =	wrdreg s23  }
0x13: {  	s25 =	sxor.u32 $0x7F20, s0;
	[dreg:$0xf] =	wrdreg s24  }
0x14: {  	s26 =	sxor.u32 $0x7F10, s0;
	[dreg:$0x10] =	wrdreg s25  }
0x15: {  	s5 =	sshll.u32 s2, $0xC;
	s2 =	sxor.u32 $0x7F00, s0;
	[dreg:$0x11] =	wrdreg s26  }
0x16: {  	s6 =	sshrl.u32 s9, $0x1;
	s4 =	sxor.u32 $0x7EF0, s0;
	[dreg:$0x12] =	wrdreg s2  }
0x17: {  	s11 =	sadd.s32 s5, s1;
	s5 =	sxor.u32 $0x7EE0, s0;
	[dreg:$0x13] =	wrdreg s4  }
0x18: {  	s12 =	ssub.s32 s9, s6;
	s6 =	sxor.u32 $0x7ED0, s0;
	[dreg:$0x14] =	wrdreg s5  }
0x19: {  	s7 =	sxor.u32 $0x7EC0, s0;
	[dreg:$0x15] =	wrdreg s6  }
0x1a: {  	s8 =	sxor.u32 $0x7EB0, s0;
	[dreg:$0x16] =	wrdreg s7  }
0x1b: {  	s9 =	sxor.u32 $0x7EA0, s0;
	[dreg:$0x17] =	wrdreg s8  }
0x1c: {  	[dreg:$0x18] =	wrdreg s9;
	s10 =	sxor.u32 $0x7E90, s0  }
0x1d: {  	s13 =	sxor.u32 $0x7E80, s0;
	[dreg:$0x19] =	wrdreg s10  }
0x1e: {  	s14 =	sxor.u32 $0x7E70, s0;
	[dreg:$0x1a] =	wrdreg s13  }
0x1f: {  	s15 =	sxor.u32 $0x7E60, s0;
	[dreg:$0x1b] =	wrdreg s14  }
0x20: {  	s16 =	sxor.u32 $0x7E50, s0;
	[dreg:$0x1c] =	wrdreg s15  }
0x21: {  	s17 =	sxor.u32 $0x7E40, s0;
	[dreg:$0x1d] =	wrdreg s16  }
0x22: {  	s18 =	sxor.u32 $0x7E30, s0;
	[dreg:$0x1e] =	wrdreg s17  }
0x23: {  	s19 =	sxor.u32 $0x7E20, s0;
	[dreg:$0x1f] =	wrdreg s18  }
0x24: {  	s20 =	sxor.u32 $0x7E10, s0;
	[smem:$0x7B2] =	sst s19  }
0x25: {  	s21 =	sxor.u32 $0x7E00, s0;
	[smem:$0x7B3] =	sst s20  }
0x26: {  	s22 =	sxor.u32 $0x7DF0, s0;
	[smem:$0x7B4] =	sst s21  }
0x27: {  	s23 =	sxor.u32 $0x7DE0, s0;
	[smem:$0x7B5] =	sst s22  }
0x28: {  	s24 =	sxor.u32 $0x7DD0, s0;
	[smem:$0x7B6] =	sst s23  }
0x29: {  	s25 =	sxor.u32 $0x7DC0, s0;
	[smem:$0x7B7] =	sst s24  }
0x2a: {  	s26 =	sxor.u32 $0x7DB0, s0;
	[smem:$0x7B8] =	sst s25  }
0x2b: {  	s2 =	sxor.u32 $0x7DA0, s0;
	[smem:$0x7B9] =	sst s26  }
0x2c: {  	s4 =	sxor.u32 $0x7D90, s0;
	[smem:$0x7BA] =	sst s2  }
0x2d: {  	s5 =	sxor.u32 $0x7D80, s0;
	[smem:$0x7BB] =	sst s4  }
0x2e: {  	s6 =	sxor.u32 $0x7D70, s0;
	[smem:$0x7BC] =	sst s5  }
0x2f: {  	s7 =	sxor.u32 $0x7D60, s0;
	[smem:$0x7BD] =	sst s6  }
0x30: {  	s8 =	sxor.u32 $0x7D50, s0;
	[smem:$0x7BE] =	sst s7  }
0x31: {  	s9 =	sxor.u32 $0x7D40, s0;
	[smem:$0x7BF] =	sst s8  }
0x32: {  	s1 =	sadd.s32 $0x12C00, s11;
	[smem:$0x7C0] =	sst s9  }
0x33: {  	s10 =	sxor.u32 $0x7D30, s0;
	[smem:$0x7E7] =	sst s1  }
0x34: {  	s13 =	sxor.u32 $0x7D20, s0;
	[smem:$0x7C1] =	sst s10  }
0x35: {  	s14 =	sxor.u32 $0x7D10, s0;
	[smem:$0x7C2] =	sst s13  }
0x36: {  	s15 =	sxor.u32 $0x7D00, s0;
	[smem:$0x7C3] =	sst s14  }
0x37: {  	s16 =	sxor.u32 $0x7CF0, s0;
	[smem:$0x7C4] =	sst s15  }
0x38: {  	s17 =	sxor.u32 $0x7CE0, s0;
	[smem:$0x7C5] =	sst s16  }
0x39: {  	s18 =	sxor.u32 $0x7CD0, s0;
	[smem:$0x7C6] =	sst s17  }
0x3a: {  	s19 =	sxor.u32 $0x7CC0, s0;
	[smem:$0x7C7] =	sst s18  }
0x3b: {  	s20 =	sxor.u32 $0x7CB0, s0;
	[smem:$0x7C8] =	sst s19  }
0x3c: {  	s21 =	sxor.u32 $0x7CA0, s0;
	[smem:$0x7C9] =	sst s20  }
0x3d: {  	s22 =	sxor.u32 $0x7C90, s0;
	[smem:$0x7CA] =	sst s21  }
0x3e: {  	s23 =	sxor.u32 $0x7C80, s0;
	[smem:$0x7CB] =	sst s22  }
0x3f: {  	s24 =	sxor.u32 $0x7C70, s0;
	[smem:$0x7CC] =	sst s23  }
0x40: {  	s25 =	sxor.u32 $0x7C60, s0;
	[smem:$0x7CD] =	sst s24  }
0x41: {  	s26 =	sxor.u32 $0x7C50, s0;
	[smem:$0x7CE] =	sst s25  }
0x42: {  	s2 =	sxor.u32 $0x7C40, s0;
	[smem:$0x7CF] =	sst s26  }
0x43: {  	s4 =	sxor.u32 $0x7C30, s0;
	[smem:$0x7D0] =	sst s2  }
0x44: {  	s5 =	sxor.u32 $0x7C20, s0;
	[smem:$0x7D1] =	sst s4  }
0x45: {  	s6 =	sxor.u32 $0x7C10, s0;
	[smem:$0x7D2] =	sst s5  }
0x46: {  	s0 =	sxor.u32 $0x7C00, s0;
	[smem:$0x7D3] =	sst s6  }
0x47: {  	s7 =	sadd.s32 $0xC00, s11;
	[smem:$0x7D4] =	sst s0  }
0x48: {  	s8 =	sadd.s32 $0x1C00, s11;
	[smem:$0x7D5] =	sst s7  }
0x49: {  	s9 =	sadd.s32 $0x2C00, s11;
	[smem:$0x7D6] =	sst s8  }
0x4a: {  	[smem:$0x7D7] =	sst s9;
	s10 =	sadd.s32 $0x3C00, s11  }
0x4b: {  	s13 =	sadd.s32 $0x4C00, s11;
	[smem:$0x7D8] =	sst s10  }
0x4c: {  	s14 =	sadd.s32 $0x5C00, s11;
	[smem:$0x7D9] =	sst s13  }
0x4d: {  	s15 =	sadd.s32 $0x6C00, s11;
	[smem:$0x7DA] =	sst s14  }
0x4e: {  	s16 =	sadd.s32 $0x7C00, s11;
	[smem:$0x7DB] =	sst s15  }
0x4f: {  	s17 =	sadd.s32 $0x8C00, s11;
	[smem:$0x7DC] =	sst s16  }
0x50: {  	s18 =	sadd.s32 $0x9C00, s11;
	[smem:$0x7DD] =	sst s17  }
0x51: {  	s19 =	sadd.s32 $0xAC00, s11;
	[smem:$0x7DE] =	sst s18  }
0x52: {  	s20 =	sadd.s32 $0xBC00, s11;
	[smem:$0x7DF] =	sst s19  }
0x53: {  	s21 =	sadd.s32 $0xCC00, s11;
	[smem:$0x7E0] =	sst s20  }
0x54: {  	s22 =	sadd.s32 $0xDC00, s11;
	[smem:$0x7E1] =	sst s21  }
0x55: {  	s23 =	sadd.s32 $0xEC00, s11;
	[smem:$0x7E2] =	sst s22  }
0x56: {  	s24 =	sadd.s32 $0xFC00, s11;
	[smem:$0x7E3] =	sst s23  }
0x57: {  	s25 =	sadd.s32 $0x10C00, s11;
	[smem:$0x7E4] =	sst s24  }
0x58: {  	s26 =	sadd.s32 $0x11C00, s11;
	[smem:$0x7E5] =	sst s25  }
0x59: {  	s2 =	sadd.s32 $0x13C00, s11;
	[smem:$0x7E6] =	sst s26  }
0x5a: {  	s4 =	sadd.s32 $0x14C00, s11;
	[smem:$0x7E8] =	sst s2  }
0x5b: {  	s5 =	sadd.s32 $0x15C00, s11;
	[smem:$0x7E9] =	sst s4  }
0x5c: {  	s6 =	sadd.s32 $0x16C00, s11;
	[smem:$0x7EA] =	sst s5  }
0x5d: {  	s7 =	sadd.s32 $0x17C00, s11;
	[smem:$0x7EB] =	sst s6  }
0x5e: {  	s8 =	sadd.s32 $0x18C00, s11;
	[smem:$0x7EC] =	sst s7  }
0x5f: {  	s9 =	sadd.s32 $0x19C00, s11;
	[smem:$0x7ED] =	sst s8  }
0x60: {  	[smem:$0x7EE] =	sst s9;
	s10 =	sadd.s32 $0x1AC00, s11  }
0x61: {  	s13 =	sadd.s32 $0x1BC00, s11;
	[smem:$0x7EF] =	sst s10  }
0x62: {  	s12 =	smax.u32 s12, $0x1;
	s14 =	sadd.s32 $0x1CC00, s11;
	[smem:$0x7F0] =	sst s13  }
0x63: {  	s28 =	sadd.s32 $0x31C00, s11;
	s15 =	sadd.s32 $0x1DC00, s11;
	[smem:$0x7F1] =	sst s14  }
0x64: {  	s29 =	sadd.s32 $0x32C00, s11;
	s16 =	sadd.s32 $0x1EC00, s11;
	[smem:$0x7F2] =	sst s15  }
0x65: {  	s30 =	sadd.s32 $0x33C00, s11;
	s17 =	sadd.s32 $0x1FC00, s11;
	[smem:$0x7F3] =	sst s16  }
0x66: {  	s31 =	sadd.s32 $0x34C00, s11;
	s18 =	sadd.s32 $0x20C00, s11;
	[smem:$0x7F4] =	sst s17  }
0x67: {  	s1 =	sadd.s32 $0x37C00, s11;
	s19 =	sadd.s32 $0x21C00, s11;
	[smem:$0x7F5] =	sst s18  }
0x68: {  	s0 =	sadd.s32 $0x35C00, s11;
	s20 =	sadd.s32 $0x22C00, s11;
	[smem:$0x7F6] =	sst s19  }
0x69: {  	s21 =	sadd.s32 $0x23C00, s11;
	s22 =	sadd.s32 $0x24C00, s11;
	[smem:$0x7F7] =	sst s20  }
0x6a: {  	s23 =	sadd.s32 $0x25C00, s11;
	s24 =	sadd.s32 $0x26C00, s11;
	[smem:$0x7F8] =	sst s21  }
0x6b: {  	s25 =	sadd.s32 $0x27C00, s11;
	s26 =	sadd.s32 $0x28C00, s11;
	[smem:$0x7F9] =	sst s22  }
0x6c: {  	s2 =	sadd.s32 $0x36C00, s11;
	s4 =	sadd.s32 $0x38C00, s11;
	[smem:$0x7FA] =	sst s23  }
0x6d: {  	s5 =	sadd.s32 $0x39C00, s11;
	s6 =	sadd.s32 $0x3AC00, s11;
	[smem:$0x7FB] =	sst s24  }
0x6e: {  	s7 =	sadd.s32 $0x3BC00, s11;
	s8 =	sadd.s32 $0x3CC00, s11;
	[smem:$0x7FC] =	sst s25  }
0x6f: {  	s9 =	sadd.s32 $0x3DC00, s11;
	[smem:$0x7FD] =	sst s26;
	s19 =	sadd.s32 $0x29C00, s11  }
0x70: {  	s20 =	sadd.s32 $0x2AC00, s11;
	s21 =	sadd.s32 $0x2BC00, s11;
	s22 =	sadd.s32 $0x2CC00, s11  }
0x71: {  	s23 =	sadd.s32 $0x2DC00, s11;
	s24 =	sadd.s32 $0x2EC00, s11;
	s25 =	sadd.s32 $0x2FC00, s11  }
0x72: {  	s26 =	sadd.s32 $0x30C00, s11;
	s10 =	sadd.s32 $0x3EC00, s11;
	s11 =	sadd.s32 $0x3FC00, s11  }
0x73: {  	s13 =	simm.s32 $0x2;
	s14 =	simm.s32 $0x1;
	s15 =	simm.s32 $0x0  }
.LBB2_1:
0x74: {  	s16 =	rddreg [dreg:$0x0];
	s17 =	simm.s32 $0x10000  }
0x75: {  	[tilespmem:s17], [sflag:$0x2] =	stream.linear.gather [hbm4b:s16+s3], $0x410, $0x38;
	[tilespmem:$0x10410] =	vst v63  }
0x76: {  	_ =	swait.ge [sflag:s13], $0x410  }
0x77: {  	[sflag:s13] =	ssyncset.done $0x0  }
0x78: {  	[sflag:s13] =	ssyncadd.s32 $0xFFFFFBF0  }
0x79: {  	v1 =	vld [tilespmem:$0x103F0]  }
0x7a: {  	v0 =	vld [tilespmem:$0x10400]  }
0x7b: {  	v2 =	vld [tilespmem:$0x103E0]  }
0x7c: {  	v3 =	vld [tilespmem:$0x103D0]  }
0x7d: {  	v4 =	vld [tilespmem:$0x103C0]  }
0x7e: {  	[tilespmem:$0x7E00] =	vst v1;
	v1 =	vld [tilespmem:$0x103A0]  }
0x7f: {  	v53 =	vld [tilespmem:$0x10370];
	[tilespmem:$0x7DF0] =	vst v0  }
0x80: {  	[tilespmem:$0x7E10] =	vst v2;
	v2 =	vld [tilespmem:$0x10390]  }
0x81: {  	[tilespmem:$0x7E20] =	vst v3;
	v3 =	vld [tilespmem:$0x10380]  }
0x82: {  	v0 =	vld [tilespmem:$0x103B0];
	[tilespmem:$0x7E30] =	vst v4  }
0x83: {  	[tilespmem:$0x7E50] =	vst v1;
	v1 =	vld [tilespmem:$0x10350]  }
0x84: {  	v54 =	vld [tilespmem:$0x10320];
	[tilespmem:$0x7E80] =	vst v53  }
0x85: {  	[tilespmem:$0x7E60] =	vst v2;
	v2 =	vld [tilespmem:$0x10340]  }
0x86: {  	[tilespmem:$0x7E70] =	vst v3;
	v3 =	vld [tilespmem:$0x10330]  }
0x87: {  	[tilespmem:$0x7E40] =	vst v0;
	v0 =	vld [tilespmem:$0x10360]  }
0x88: {  	[tilespmem:$0x7EA0] =	vst v1;
	v1 =	vld [tilespmem:$0x10300]  }
0x89: {  	v55 =	vld [tilespmem:$0x102D0];
	[tilespmem:$0x7ED0] =	vst v54  }
0x8a: {  	[tilespmem:$0x7EB0] =	vst v2;
	v2 =	vld [tilespmem:$0x102F0]  }
0x8b: {  	[tilespmem:$0x7EC0] =	vst v3;
	v3 =	vld [tilespmem:$0x102E0]  }
0x8c: {  	[tilespmem:$0x7E90] =	vst v0;
	v0 =	vld [tilespmem:$0x10310]  }
0x8d: {  	[tilespmem:$0x7EF0] =	vst v1;
	v1 =	vld [tilespmem:$0x102B0]  }
0x8e: {  	v56 =	vld [tilespmem:$0x10280];
	[tilespmem:$0x7F20] =	vst v55  }
0x8f: {  	[tilespmem:$0x7F00] =	vst v2;
	v2 =	vld [tilespmem:$0x102A0]  }
0x90: {  	[tilespmem:$0x7F10] =	vst v3;
	v3 =	vld [tilespmem:$0x10290]  }
0x91: {  	[tilespmem:$0x7EE0] =	vst v0;
	v0 =	vld [tilespmem:$0x102C0]  }
0x92: {  	[tilespmem:$0x7F40] =	vst v1;
	v1 =	vld [tilespmem:$0x10260]  }
0x93: {  	v57 =	vld [tilespmem:$0x10230];
	[tilespmem:$0x7F70] =	vst v56  }
0x94: {  	[tilespmem:$0x7F50] =	vst v2;
	v2 =	vld [tilespmem:$0x10250]  }
0x95: {  	[tilespmem:$0x7F60] =	vst v3;
	v3 =	vld [tilespmem:$0x10240]  }
0x96: {  	[tilespmem:$0x7F30] =	vst v0;
	v0 =	vld [tilespmem:$0x10270]  }
0x97: {  	[tilespmem:$0x7F90] =	vst v1;
	v1 =	vld [tilespmem:$0x10210]  }
0x98: {  	v58 =	vld [tilespmem:$0x101E0];
	[tilespmem:$0x7FC0] =	vst v57  }
0x99: {  	[tilespmem:$0x7FA0] =	vst v2;
	v2 =	vld [tilespmem:$0x10200]  }
0x9a: {  	[tilespmem:$0x7FB0] =	vst v3;
	v3 =	vld [tilespmem:$0x101F0]  }
0x9b: {  	[tilespmem:$0x7F80] =	vst v0;
	v0 =	vld [tilespmem:$0x10220]  }
0x9c: {  	[tilespmem:$0x7FE0] =	vst v1;
	v1 =	vld [tilespmem:$0x101C0]  }
0x9d: {  	v59 =	vld [tilespmem:$0x10190];
	[tilespmem:$0x8010] =	vst v58  }
0x9e: {  	[tilespmem:$0x7FF0] =	vst v2;
	v2 =	vld [tilespmem:$0x101B0]  }
0x9f: {  	[tilespmem:$0x8000] =	vst v3;
	v3 =	vld [tilespmem:$0x101A0]  }
0xa0: {  	[tilespmem:$0x7FD0] =	vst v0;
	v0 =	vld [tilespmem:$0x101D0]  }
0xa1: {  	[tilespmem:$0x8030] =	vst v1;
	v1 =	vld [tilespmem:$0x10170]  }
0xa2: {  	v60 =	vld [tilespmem:$0x10140];
	[tilespmem:$0x8060] =	vst v59  }
0xa3: {  	[tilespmem:$0x8040] =	vst v2;
	v2 =	vld [tilespmem:$0x10160]  }
0xa4: {  	[tilespmem:$0x8050] =	vst v3;
	v3 =	vld [tilespmem:$0x10150]  }
0xa5: {  	[tilespmem:$0x8020] =	vst v0;
	v0 =	vld [tilespmem:$0x10180]  }
0xa6: {  	[tilespmem:$0x8080] =	vst v1;
	v1 =	vld [tilespmem:$0x10120]  }
0xa7: {  	v61 =	vld [tilespmem:$0x100F0];
	[tilespmem:$0x80B0] =	vst v60  }
0xa8: {  	[tilespmem:$0x8090] =	vst v2;
	v2 =	vld [tilespmem:$0x10110]  }
0xa9: {  	[tilespmem:$0x80A0] =	vst v3;
	v3 =	vld [tilespmem:$0x10100]  }
0xaa: {  	[tilespmem:$0x8070] =	vst v0;
	v0 =	vld [tilespmem:$0x10130]  }
0xab: {  	[tilespmem:$0x80D0] =	vst v1;
	v1 =	vld [tilespmem:$0x100D0]  }
0xac: {  	v62 =	vld [tilespmem:$0x100A0];
	[tilespmem:$0x8100] =	vst v61  }
0xad: {  	[tilespmem:$0x80E0] =	vst v2;
	v2 =	vld [tilespmem:$0x100C0]  }
0xae: {  	[tilespmem:$0x80F0] =	vst v3;
	v3 =	vld [tilespmem:$0x100B0]  }
0xaf: {  	[tilespmem:$0x80C0] =	vst v0;
	v0 =	vld [tilespmem:$0x100E0]  }
0xb0: {  	[tilespmem:$0x8120] =	vst v1;
	v1 =	vld [tilespmem:$0x10080]  }
0xb1: {  	v63 =	vld [tilespmem:$0x10050];
	[tilespmem:$0x8150] =	vst v62  }
0xb2: {  	[tilespmem:$0x8130] =	vst v2;
	v2 =	vld [tilespmem:$0x10070]  }
0xb3: {  	[tilespmem:$0x8140] =	vst v3;
	v3 =	vld [tilespmem:$0x10060]  }
0xb4: {  	[tilespmem:$0x8110] =	vst v0;
	v0 =	vld [tilespmem:$0x10090]  }
0xb5: {  	[tilespmem:$0x8170] =	vst v1;
	v1 =	vld [tilespmem:$0x10030]  }
0xb6: {  	v5 =	vld [tilespmem:$0x10040];
	[tilespmem:$0x81A0] =	vst v63  }
0xb7: {  	[tilespmem:$0x8180] =	vst v2;
	v2 =	vld [tilespmem:$0x10020]  }
0xb8: {  	[tilespmem:$0x8190] =	vst v3;
	v3 =	vld [tilespmem:$0x10010]  }
0xb9: {  	[tilespmem:$0x8160] =	vst v0;
	v0 =	vld [tilespmem:$0x10000]  }
0xba: {  	[tilespmem:$0x81C0] =	vst v1;
	v1 =	vld [tilespmem:$0x10400]  }
0xbb: {  	[tilespmem:$0x81B0] =	vst v5  }
0xbc: {  	[tilespmem:$0x81D0] =	vst v2  }
0xbd: {  	[tilespmem:$0x81E0] =	vst v3  }
0xbe: {  	s16 =	simm.s32 $0x40;
	s17 =	simm.s32 $0x0;
	[tilespmem:$0x81F0] =	vst v0  }
.LBB2_2:
0xbf: {  	p0 =	sne.s32 s16, $0x1F780;
	[tilespmem:s17+$0x0] =	vst v1;
	s18 =	smov.u32 s16;
	s16 =	sadd.s32 $0x40, s16  }
.Ltmp0:
0xc0: {  	[tilespmem:s17+$0x8200] =	vst v0;
	(pc) =	sbr.rel @p0 .LBB2_2-.Ltmp0, $2  }
0xc1: {  	_ =	sdelay $0x2  }
0xc2: {  	s17 =	sshra.s32 s18, $0x2  }
0xc3: {  	s18 =	sld [smem:$0x7D5]  }
0xc4: {  	[tilespmem:s17+$0x0] =	vst v1  }
0xc5: {  	[tilespmem:s17+$0x8200] =	vst v0;
	s16 =	rddreg [dreg:$0x3]  }
0xc6: {  	[hbm4b:s18+s3] =	stream.linear.scatter [tilespmem:s16], [sflag:$0x1], $0x8000, $0x38;
	[tilespmem:$0x10410] =	vst v63  }
0xc7: {  	s18 =	sld [smem:$0x7D6];
	_ =	sdelay $0x1  }
0xc8: {  	s17 =	rddreg [dreg:$0x4]  }
0xc9: {  	[hbm4b:s18+s3] =	stream.linear.scatter [tilespmem:s17], [sflag:$0x1], $0x8000, $0x38;
	[tilespmem:$0x10410] =	vst v63  }
0xca: {  	s18 =	sld [smem:$0x7D7];
	_ =	sdelay $0x1  }
0xcb: {  	s17 =	rddreg [dreg:$0x5]  }
0xcc: {  	[hbm4b:s18+s3] =	stream.linear.scatter [tilespmem:s17], [sflag:$0x1], $0x8000, $0x38;
	[tilespmem:$0x10410] =	vst v63  }
0xcd: {  	s18 =	sld [smem:$0x7D8];
	_ =	sdelay $0x1  }
0xce: {  	s17 =	rddreg [dreg:$0x6]  }
0xcf: {  	[hbm4b:s18+s3] =	stream.linear.scatter [tilespmem:s17], [sflag:$0x1], $0x8000, $0x38;
	[tilespmem:$0x10410] =	vst v63  }
0xd0: {  	s18 =	sld [smem:$0x7D9];
	_ =	sdelay $0x1  }
0xd1: {  	s17 =	rddreg [dreg:$0x7]  }
0xd2: {  	[hbm4b:s18+s3] =	stream.linear.scatter [tilespmem:s17], [sflag:$0x1], $0x8000, $0x38;
	[tilespmem:$0x10410] =	vst v63  }
0xd3: {  	s18 =	sld [smem:$0x7DA];
	_ =	sdelay $0x1  }
0xd4: {  	s17 =	rddreg [dreg:$0x8]  }
0xd5: {  	[hbm4b:s18+s3] =	stream.linear.scatter [tilespmem:s17], [sflag:$0x1], $0x8000, $0x38;
	[tilespmem:$0x10410] =	vst v63  }
0xd6: {  	s18 =	sld [smem:$0x7DB];
	_ =	sdelay $0x1  }
0xd7: {  	s17 =	rddreg [dreg:$0x9]  }
0xd8: {  	[hbm4b:s18+s3] =	stream.linear.scatter [tilespmem:s17], [sflag:$0x1], $0x8000, $0x38;
	[tilespmem:$0x10410] =	vst v63  }
0xd9: {  	s18 =	sld [smem:$0x7DC];
	_ =	sdelay $0x1  }
0xda: {  	s17 =	rddreg [dreg:$0xa]  }
0xdb: {  	[hbm4b:s18+s3] =	stream.linear.scatter [tilespmem:s17], [sflag:$0x1], $0x8000, $0x38;
	[tilespmem:$0x10410] =	vst v63  }
0xdc: {  	_ =	swait.ge [sflag:s14], $0x8000  }
0xdd: {  	[sflag:s14] =	ssyncset.done $0x0  }
0xde: {  	[sflag:s14] =	ssyncadd.s32 $0xFFFF8000  }
0xdf: {  	_ =	swait.ge [sflag:s14], $0x8000  }
0xe0: {  	[sflag:s14] =	ssyncset.done $0x0  }
0xe1: {  	[sflag:s14] =	ssyncadd.s32 $0xFFFF8000  }
0xe2: {  	_ =	swait.ge [sflag:s14], $0x8000  }
0xe3: {  	[sflag:s14] =	ssyncset.done $0x0  }
0xe4: {  	[sflag:s14] =	ssyncadd.s32 $0xFFFF8000  }
0xe5: {  	_ =	swait.ge [sflag:s14], $0x8000  }
0xe6: {  	[sflag:s14] =	ssyncset.done $0x0  }
0xe7: {  	[sflag:s14] =	ssyncadd.s32 $0xFFFF8000  }
0xe8: {  	_ =	swait.ge [sflag:s14], $0x8000  }
0xe9: {  	[sflag:s14] =	ssyncset.done $0x0  }
0xea: {  	[sflag:s14] =	ssyncadd.s32 $0xFFFF8000  }
0xeb: {  	_ =	swait.ge [sflag:s14], $0x8000  }
0xec: {  	[sflag:s14] =	ssyncset.done $0x0  }
0xed: {  	[sflag:s14] =	ssyncadd.s32 $0xFFFF8000  }
0xee: {  	_ =	swait.ge [sflag:s14], $0x8000  }
0xef: {  	[sflag:s14] =	ssyncset.done $0x0  }
0xf0: {  	[sflag:s14] =	ssyncadd.s32 $0xFFFF8000  }
0xf1: {  	_ =	swait.ge [sflag:s14], $0x8000  }
0xf2: {  	s18 =	sld [smem:$0x7DD]  }
0xf3: {  	[sflag:s14] =	ssyncset.done $0x0  }
0xf4: {  	s17 =	rddreg [dreg:$0xb];
	[sflag:s14] =	ssyncadd.s32 $0xFFFF8000  }
0xf5: {  	[hbm4b:s18+s3] =	stream.linear.scatter [tilespmem:s17], [sflag:$0x1], $0x8000, $0x38;
	[tilespmem:$0x10410] =	vst v63  }
0xf6: {  	s18 =	sld [smem:$0x7DE];
	_ =	sdelay $0x1  }
0xf7: {  	s17 =	rddreg [dreg:$0xc]  }
0xf8: {  	[hbm4b:s18+s3] =	stream.linear.scatter [tilespmem:s17], [sflag:$0x1], $0x8000, $0x38;
	[tilespmem:$0x10410] =	vst v63  }
0xf9: {  	s18 =	sld [smem:$0x7DF];
	_ =	sdelay $0x1  }
0xfa: {  	s17 =	rddreg [dreg:$0xd]  }
0xfb: {  	[hbm4b:s18+s3] =	stream.linear.scatter [tilespmem:s17], [sflag:$0x1], $0x8000, $0x38;
	[tilespmem:$0x10410] =	vst v63  }
0xfc: {  	s18 =	sld [smem:$0x7E0];
	_ =	sdelay $0x1  }
0xfd: {  	s17 =	rddreg [dreg:$0xe]  }
0xfe: {  	[hbm4b:s18+s3] =	stream.linear.scatter [tilespmem:s17], [sflag:$0x1], $0x8000, $0x38;
	[tilespmem:$0x10410] =	vst v63  }
0xff: {  	s18 =	sld [smem:$0x7E1];
	_ =	sdelay $0x1  }
0x100: {  	s17 =	rddreg [dreg:$0xf]  }
0x101: {  	[hbm4b:s18+s3] =	stream.linear.scatter [tilespmem:s17], [sflag:$0x1], $0x8000, $0x38;
	[tilespmem:$0x10410] =	vst v63  }
0x102: {  	s18 =	sld [smem:$0x7E2];
	_ =	sdelay $0x1  }
0x103: {  	s17 =	rddreg [dreg:$0x10]  }
0x104: {  	[hbm4b:s18+s3] =	stream.linear.scatter [tilespmem:s17], [sflag:$0x1], $0x8000, $0x38;
	[tilespmem:$0x10410] =	vst v63  }
0x105: {  	s18 =	sld [smem:$0x7E3];
	_ =	sdelay $0x1  }
0x106: {  	s17 =	rddreg [dreg:$0x11]  }
0x107: {  	[hbm4b:s18+s3] =	stream.linear.scatter [tilespmem:s17], [sflag:$0x1], $0x8000, $0x38;
	[tilespmem:$0x10410] =	vst v63  }
0x108: {  	s18 =	sld [smem:$0x7E4];
	_ =	sdelay $0x1  }
0x109: {  	s17 =	rddreg [dreg:$0x12]  }
0x10a: {  	[hbm4b:s18+s3] =	stream.linear.scatter [tilespmem:s17], [sflag:$0x1], $0x8000, $0x38;
	[tilespmem:$0x10410] =	vst v63  }
0x10b: {  	_ =	swait.ge [sflag:s14], $0x8000  }
0x10c: {  	[sflag:s14] =	ssyncset.done $0x0  }
0x10d: {  	[sflag:s14] =	ssyncadd.s32 $0xFFFF8000  }
0x10e: {  	_ =	swait.ge [sflag:s14], $0x8000  }
0x10f: {  	[sflag:s14] =	ssyncset.done $0x0  }
0x110: {  	[sflag:s14] =	ssyncadd.s32 $0xFFFF8000  }
0x111: {  	_ =	swait.ge [sflag:s14], $0x8000  }
0x112: {  	[sflag:s14] =	ssyncset.done $0x0  }
0x113: {  	[sflag:s14] =	ssyncadd.s32 $0xFFFF8000  }
0x114: {  	_ =	swait.ge [sflag:s14], $0x8000  }
0x115: {  	[sflag:s14] =	ssyncset.done $0x0  }
0x116: {  	[sflag:s14] =	ssyncadd.s32 $0xFFFF8000  }
0x117: {  	_ =	swait.ge [sflag:s14], $0x8000  }
0x118: {  	[sflag:s14] =	ssyncset.done $0x0  }
0x119: {  	[sflag:s14] =	ssyncadd.s32 $0xFFFF8000  }
0x11a: {  	_ =	swait.ge [sflag:s14], $0x8000  }
0x11b: {  	[sflag:s14] =	ssyncset.done $0x0  }
0x11c: {  	[sflag:s14] =	ssyncadd.s32 $0xFFFF8000  }
0x11d: {  	_ =	swait.ge [sflag:s14], $0x8000  }
0x11e: {  	[sflag:s14] =	ssyncset.done $0x0  }
0x11f: {  	[sflag:s14] =	ssyncadd.s32 $0xFFFF8000  }
0x120: {  	_ =	swait.ge [sflag:s14], $0x8000  }
0x121: {  	s18 =	sld [smem:$0x7E5]  }
0x122: {  	[sflag:s14] =	ssyncset.done $0x0  }
0x123: {  	s17 =	rddreg [dreg:$0x13];
	[sflag:s14] =	ssyncadd.s32 $0xFFFF8000  }
0x124: {  	[hbm4b:s18+s3] =	stream.linear.scatter [tilespmem:s17], [sflag:$0x1], $0x8000, $0x38;
	[tilespmem:$0x10410] =	vst v63  }
0x125: {  	s18 =	sld [smem:$0x7E6];
	_ =	sdelay $0x1  }
0x126: {  	s17 =	rddreg [dreg:$0x14]  }
0x127: {  	[hbm4b:s18+s3] =	stream.linear.scatter [tilespmem:s17], [sflag:$0x1], $0x8000, $0x38;
	[tilespmem:$0x10410] =	vst v63  }
0x128: {  	s18 =	sld [smem:$0x7E7];
	_ =	sdelay $0x1  }
0x129: {  	s17 =	rddreg [dreg:$0x15]  }
0x12a: {  	[hbm4b:s18+s3] =	stream.linear.scatter [tilespmem:s17], [sflag:$0x1], $0x8000, $0x38;
	[tilespmem:$0x10410] =	vst v63  }
0x12b: {  	s18 =	sld [smem:$0x7E8];
	_ =	sdelay $0x1  }
0x12c: {  	s17 =	rddreg [dreg:$0x16]  }
0x12d: {  	[hbm4b:s18+s3] =	stream.linear.scatter [tilespmem:s17], [sflag:$0x1], $0x8000, $0x38;
	[tilespmem:$0x10410] =	vst v63  }
0x12e: {  	s18 =	sld [smem:$0x7E9];
	_ =	sdelay $0x1  }
0x12f: {  	s17 =	rddreg [dreg:$0x17]  }
0x130: {  	[hbm4b:s18+s3] =	stream.linear.scatter [tilespmem:s17], [sflag:$0x1], $0x8000, $0x38;
	[tilespmem:$0x10410] =	vst v63  }
0x131: {  	s18 =	sld [smem:$0x7EA];
	_ =	sdelay $0x1  }
0x132: {  	s17 =	rddreg [dreg:$0x18]  }
0x133: {  	[hbm4b:s18+s3] =	stream.linear.scatter [tilespmem:s17], [sflag:$0x1], $0x8000, $0x38;
	[tilespmem:$0x10410] =	vst v63  }
0x134: {  	s18 =	sld [smem:$0x7EB];
	_ =	sdelay $0x1  }
0x135: {  	s17 =	rddreg [dreg:$0x19]  }
0x136: {  	[hbm4b:s18+s3] =	stream.linear.scatter [tilespmem:s17], [sflag:$0x1], $0x8000, $0x38;
	[tilespmem:$0x10410] =	vst v63  }
0x137: {  	s18 =	sld [smem:$0x7EC];
	_ =	sdelay $0x1  }
0x138: {  	s17 =	rddreg [dreg:$0x1a]  }
0x139: {  	[hbm4b:s18+s3] =	stream.linear.scatter [tilespmem:s17], [sflag:$0x1], $0x8000, $0x38;
	[tilespmem:$0x10410] =	vst v63  }
0x13a: {  	_ =	swait.ge [sflag:s14], $0x8000  }
0x13b: {  	[sflag:s14] =	ssyncset.done $0x0  }
0x13c: {  	[sflag:s14] =	ssyncadd.s32 $0xFFFF8000  }
0x13d: {  	_ =	swait.ge [sflag:s14], $0x8000  }
0x13e: {  	[sflag:s14] =	ssyncset.done $0x0  }
0x13f: {  	[sflag:s14] =	ssyncadd.s32 $0xFFFF8000  }
0x140: {  	_ =	swait.ge [sflag:s14], $0x8000  }
0x141: {  	[sflag:s14] =	ssyncset.done $0x0  }
0x142: {  	[sflag:s14] =	ssyncadd.s32 $0xFFFF8000  }
0x143: {  	_ =	swait.ge [sflag:s14], $0x8000  }
0x144: {  	[sflag:s14] =	ssyncset.done $0x0  }
0x145: {  	[sflag:s14] =	ssyncadd.s32 $0xFFFF8000  }
0x146: {  	_ =	swait.ge [sflag:s14], $0x8000  }
0x147: {  	[sflag:s14] =	ssyncset.done $0x0  }
0x148: {  	[sflag:s14] =	ssyncadd.s32 $0xFFFF8000  }
0x149: {  	_ =	swait.ge [sflag:s14], $0x8000  }
0x14a: {  	[sflag:s14] =	ssyncset.done $0x0  }
0x14b: {  	[sflag:s14] =	ssyncadd.s32 $0xFFFF8000  }
0x14c: {  	_ =	swait.ge [sflag:s14], $0x8000  }
0x14d: {  	[sflag:s14] =	ssyncset.done $0x0  }
0x14e: {  	[sflag:s14] =	ssyncadd.s32 $0xFFFF8000  }
0x14f: {  	_ =	swait.ge [sflag:s14], $0x8000  }
0x150: {  	s18 =	sld [smem:$0x7ED]  }
0x151: {  	[sflag:s14] =	ssyncset.done $0x0  }
0x152: {  	s17 =	rddreg [dreg:$0x1b];
	[sflag:s14] =	ssyncadd.s32 $0xFFFF8000  }
0x153: {  	[hbm4b:s18+s3] =	stream.linear.scatter [tilespmem:s17], [sflag:$0x1], $0x8000, $0x38;
	[tilespmem:$0x10410] =	vst v63  }
0x154: {  	s18 =	sld [smem:$0x7EE];
	_ =	sdelay $0x1  }
0x155: {  	s17 =	rddreg [dreg:$0x1c]  }
0x156: {  	[hbm4b:s18+s3] =	stream.linear.scatter [tilespmem:s17], [sflag:$0x1], $0x8000, $0x38;
	[tilespmem:$0x10410] =	vst v63  }
0x157: {  	s18 =	sld [smem:$0x7EF];
	_ =	sdelay $0x1  }
0x158: {  	s17 =	rddreg [dreg:$0x1d]  }
0x159: {  	[hbm4b:s18+s3] =	stream.linear.scatter [tilespmem:s17], [sflag:$0x1], $0x8000, $0x38;
	[tilespmem:$0x10410] =	vst v63  }
0x15a: {  	s18 =	sld [smem:$0x7F0];
	_ =	sdelay $0x1  }
0x15b: {  	s17 =	rddreg [dreg:$0x1e]  }
0x15c: {  	[hbm4b:s18+s3] =	stream.linear.scatter [tilespmem:s17], [sflag:$0x1], $0x8000, $0x38;
	[tilespmem:$0x10410] =	vst v63  }
0x15d: {  	s18 =	sld [smem:$0x7F1];
	_ =	sdelay $0x1  }
0x15e: {  	s17 =	rddreg [dreg:$0x1f]  }
0x15f: {  	[hbm4b:s18+s3] =	stream.linear.scatter [tilespmem:s17], [sflag:$0x1], $0x8000, $0x38;
	[tilespmem:$0x10410] =	vst v63  }
0x160: {  	s17 =	sld [smem:$0x7B2]  }
0x161: {  	s18 =	sld [smem:$0x7F2];
	_ =	sdelay $0x2  }
0x162: {  	[hbm4b:s18+s3] =	stream.linear.scatter [tilespmem:s17], [sflag:$0x1], $0x8000, $0x38;
	[tilespmem:$0x10410] =	vst v63  }
0x163: {  	s17 =	sld [smem:$0x7B3]  }
0x164: {  	s18 =	sld [smem:$0x7F3];
	_ =	sdelay $0x2  }
0x165: {  	[hbm4b:s18+s3] =	stream.linear.scatter [tilespmem:s17], [sflag:$0x1], $0x8000, $0x38;
	[tilespmem:$0x10410] =	vst v63  }
0x166: {  	s17 =	sld [smem:$0x7B4]  }
0x167: {  	s18 =	sld [smem:$0x7F4];
	_ =	sdelay $0x2  }
0x168: {  	[hbm4b:s18+s3] =	stream.linear.scatter [tilespmem:s17], [sflag:$0x1], $0x8000, $0x38;
	[tilespmem:$0x10410] =	vst v63  }
0x169: {  	_ =	swait.ge [sflag:s14], $0x8000  }
0x16a: {  	[sflag:s14] =	ssyncset.done $0x0  }
0x16b: {  	[sflag:s14] =	ssyncadd.s32 $0xFFFF8000  }
0x16c: {  	_ =	swait.ge [sflag:s14], $0x8000  }
0x16d: {  	[sflag:s14] =	ssyncset.done $0x0  }
0x16e: {  	[sflag:s14] =	ssyncadd.s32 $0xFFFF8000  }
0x16f: {  	_ =	swait.ge [sflag:s14], $0x8000  }
0x170: {  	[sflag:s14] =	ssyncset.done $0x0  }
0x171: {  	[sflag:s14] =	ssyncadd.s32 $0xFFFF8000  }
0x172: {  	_ =	swait.ge [sflag:s14], $0x8000  }
0x173: {  	[sflag:s14] =	ssyncset.done $0x0  }
0x174: {  	[sflag:s14] =	ssyncadd.s32 $0xFFFF8000  }
0x175: {  	_ =	swait.ge [sflag:s14], $0x8000  }
0x176: {  	[sflag:s14] =	ssyncset.done $0x0  }
0x177: {  	[sflag:s14] =	ssyncadd.s32 $0xFFFF8000  }
0x178: {  	_ =	swait.ge [sflag:s14], $0x8000  }
0x179: {  	[sflag:s14] =	ssyncset.done $0x0  }
0x17a: {  	[sflag:s14] =	ssyncadd.s32 $0xFFFF8000  }
0x17b: {  	_ =	swait.ge [sflag:s14], $0x8000  }
0x17c: {  	[sflag:s14] =	ssyncset.done $0x0  }
0x17d: {  	[sflag:s14] =	ssyncadd.s32 $0xFFFF8000  }
0x17e: {  	_ =	swait.ge [sflag:s14], $0x8000  }
0x17f: {  	s17 =	sld [smem:$0x7B5]  }
0x180: {  	s18 =	sld [smem:$0x7F5]  }
0x181: {  	[sflag:s14] =	ssyncset.done $0x0  }
0x182: {  	[sflag:s14] =	ssyncadd.s32 $0xFFFF8000  }
0x183: {  	[hbm4b:s18+s3] =	stream.linear.scatter [tilespmem:s17], [sflag:$0x1], $0x8000, $0x38;
	[tilespmem:$0x10410] =	vst v63  }
0x184: {  	s17 =	sld [smem:$0x7B6]  }
0x185: {  	s18 =	sld [smem:$0x7F6];
	_ =	sdelay $0x2  }
0x186: {  	[hbm4b:s18+s3] =	stream.linear.scatter [tilespmem:s17], [sflag:$0x1], $0x8000, $0x38;
	[tilespmem:$0x10410] =	vst v63  }
0x187: {  	s17 =	sld [smem:$0x7B7]  }
0x188: {  	s18 =	sld [smem:$0x7F7];
	_ =	sdelay $0x2  }
0x189: {  	[hbm4b:s18+s3] =	stream.linear.scatter [tilespmem:s17], [sflag:$0x1], $0x8000, $0x38;
	[tilespmem:$0x10410] =	vst v63  }
0x18a: {  	s17 =	sld [smem:$0x7B8]  }
0x18b: {  	s18 =	sld [smem:$0x7F8];
	_ =	sdelay $0x2  }
0x18c: {  	[hbm4b:s18+s3] =	stream.linear.scatter [tilespmem:s17], [sflag:$0x1], $0x8000, $0x38;
	[tilespmem:$0x10410] =	vst v63  }
0x18d: {  	s17 =	sld [smem:$0x7B9]  }
0x18e: {  	s18 =	sld [smem:$0x7F9];
	_ =	sdelay $0x2  }
0x18f: {  	[hbm4b:s18+s3] =	stream.linear.scatter [tilespmem:s17], [sflag:$0x1], $0x8000, $0x38;
	[tilespmem:$0x10410] =	vst v63  }
0x190: {  	s17 =	sld [smem:$0x7BA]  }
0x191: {  	s18 =	sld [smem:$0x7FA];
	_ =	sdelay $0x2  }
0x192: {  	[hbm4b:s18+s3] =	stream.linear.scatter [tilespmem:s17], [sflag:$0x1], $0x8000, $0x38;
	[tilespmem:$0x10410] =	vst v63  }
0x193: {  	s17 =	sld [smem:$0x7BB]  }
0x194: {  	s18 =	sld [smem:$0x7FB];
	_ =	sdelay $0x2  }
0x195: {  	[hbm4b:s18+s3] =	stream.linear.scatter [tilespmem:s17], [sflag:$0x1], $0x8000, $0x38;
	[tilespmem:$0x10410] =	vst v63  }
0x196: {  	s17 =	sld [smem:$0x7BC]  }
0x197: {  	s18 =	sld [smem:$0x7FC];
	_ =	sdelay $0x2  }
0x198: {  	[hbm4b:s18+s3] =	stream.linear.scatter [tilespmem:s17], [sflag:$0x1], $0x8000, $0x38;
	[tilespmem:$0x10410] =	vst v63  }
0x199: {  	_ =	swait.ge [sflag:s14], $0x8000  }
0x19a: {  	[sflag:s14] =	ssyncset.done $0x0  }
0x19b: {  	[sflag:s14] =	ssyncadd.s32 $0xFFFF8000  }
0x19c: {  	_ =	swait.ge [sflag:s14], $0x8000  }
0x19d: {  	[sflag:s14] =	ssyncset.done $0x0  }
0x19e: {  	[sflag:s14] =	ssyncadd.s32 $0xFFFF8000  }
0x19f: {  	_ =	swait.ge [sflag:s14], $0x8000  }
0x1a0: {  	[sflag:s14] =	ssyncset.done $0x0  }
0x1a1: {  	[sflag:s14] =	ssyncadd.s32 $0xFFFF8000  }
0x1a2: {  	_ =	swait.ge [sflag:s14], $0x8000  }
0x1a3: {  	[sflag:s14] =	ssyncset.done $0x0  }
0x1a4: {  	[sflag:s14] =	ssyncadd.s32 $0xFFFF8000  }
0x1a5: {  	_ =	swait.ge [sflag:s14], $0x8000  }
0x1a6: {  	[sflag:s14] =	ssyncset.done $0x0  }
0x1a7: {  	[sflag:s14] =	ssyncadd.s32 $0xFFFF8000  }
0x1a8: {  	_ =	swait.ge [sflag:s14], $0x8000  }
0x1a9: {  	[sflag:s14] =	ssyncset.done $0x0  }
0x1aa: {  	[sflag:s14] =	ssyncadd.s32 $0xFFFF8000  }
0x1ab: {  	_ =	swait.ge [sflag:s14], $0x8000  }
0x1ac: {  	[sflag:s14] =	ssyncset.done $0x0  }
0x1ad: {  	[sflag:s14] =	ssyncadd.s32 $0xFFFF8000  }
0x1ae: {  	_ =	swait.ge [sflag:s14], $0x8000  }
0x1af: {  	s17 =	sld [smem:$0x7BD]  }
0x1b0: {  	s18 =	sld [smem:$0x7FD]  }
0x1b1: {  	[sflag:s14] =	ssyncset.done $0x0  }
0x1b2: {  	[sflag:s14] =	ssyncadd.s32 $0xFFFF8000  }
0x1b3: {  	[hbm4b:s18+s3] =	stream.linear.scatter [tilespmem:s17], [sflag:$0x1], $0x8000, $0x38;
	[tilespmem:$0x10410] =	vst v63  }
0x1b4: {  	s18 =	sld [smem:$0x7BE];
	_ =	sdelay $0x1  }
0x1b5: {  	s17 =	sld [smem:$0x7BF]  }
0x1b6: {  	[hbm4b:s19+s3] =	stream.linear.scatter [tilespmem:s18], [sflag:$0x1], $0x8000, $0x38;
	[tilespmem:$0x10410] =	vst v63  }
0x1b7: {  	s18 =	sld [smem:$0x7C0]  }
0x1b8: {  	[hbm4b:s20+s3] =	stream.linear.scatter [tilespmem:s17], [sflag:$0x1], $0x8000, $0x38;
	[tilespmem:$0x10410] =	vst v63  }
0x1b9: {  	s17 =	sld [smem:$0x7C1]  }
0x1ba: {  	[hbm4b:s21+s3] =	stream.linear.scatter [tilespmem:s18], [sflag:$0x1], $0x8000, $0x38;
	[tilespmem:$0x10410] =	vst v63  }
0x1bb: {  	s18 =	sld [smem:$0x7C2]  }
0x1bc: {  	[hbm4b:s22+s3] =	stream.linear.scatter [tilespmem:s17], [sflag:$0x1], $0x8000, $0x38;
	[tilespmem:$0x10410] =	vst v63  }
0x1bd: {  	s17 =	sld [smem:$0x7C3]  }
0x1be: {  	[hbm4b:s23+s3] =	stream.linear.scatter [tilespmem:s18], [sflag:$0x1], $0x8000, $0x38;
	[tilespmem:$0x10410] =	vst v63  }
0x1bf: {  	s18 =	sld [smem:$0x7C4]  }
0x1c0: {  	[hbm4b:s24+s3] =	stream.linear.scatter [tilespmem:s17], [sflag:$0x1], $0x8000, $0x38;
	[tilespmem:$0x10410] =	vst v63  }
0x1c1: {  	_ = 	snop  }
0x1c2: {  	[hbm4b:s25+s3] =	stream.linear.scatter [tilespmem:s18], [sflag:$0x1], $0x8000, $0x38;
	[tilespmem:$0x10410] =	vst v63  }
0x1c3: {  	_ =	swait.ge [sflag:s14], $0x8000  }
0x1c4: {  	[sflag:s14] =	ssyncset.done $0x0  }
0x1c5: {  	[sflag:s14] =	ssyncadd.s32 $0xFFFF8000  }
0x1c6: {  	_ =	swait.ge [sflag:s14], $0x8000  }
0x1c7: {  	[sflag:s14] =	ssyncset.done $0x0  }
0x1c8: {  	[sflag:s14] =	ssyncadd.s32 $0xFFFF8000  }
0x1c9: {  	_ =	swait.ge [sflag:s14], $0x8000  }
0x1ca: {  	[sflag:s14] =	ssyncset.done $0x0  }
0x1cb: {  	[sflag:s14] =	ssyncadd.s32 $0xFFFF8000  }
0x1cc: {  	_ =	swait.ge [sflag:s14], $0x8000  }
0x1cd: {  	[sflag:s14] =	ssyncset.done $0x0  }
0x1ce: {  	[sflag:s14] =	ssyncadd.s32 $0xFFFF8000  }
0x1cf: {  	_ =	swait.ge [sflag:s14], $0x8000  }
0x1d0: {  	[sflag:s14] =	ssyncset.done $0x0  }
0x1d1: {  	[sflag:s14] =	ssyncadd.s32 $0xFFFF8000  }
0x1d2: {  	_ =	swait.ge [sflag:s14], $0x8000  }
0x1d3: {  	[sflag:s14] =	ssyncset.done $0x0  }
0x1d4: {  	[sflag:s14] =	ssyncadd.s32 $0xFFFF8000  }
0x1d5: {  	_ =	swait.ge [sflag:s14], $0x8000  }
0x1d6: {  	[sflag:s14] =	ssyncset.done $0x0  }
0x1d7: {  	[sflag:s14] =	ssyncadd.s32 $0xFFFF8000  }
0x1d8: {  	_ =	swait.ge [sflag:s14], $0x8000  }
0x1d9: {  	s17 =	sld [smem:$0x7C5]  }
0x1da: {  	[sflag:s14] =	ssyncset.done $0x0  }
0x1db: {  	s18 =	sld [smem:$0x7C6];
	[sflag:s14] =	ssyncadd.s32 $0xFFFF8000  }
0x1dc: {  	[hbm4b:s26+s3] =	stream.linear.scatter [tilespmem:s17], [sflag:$0x1], $0x8000, $0x38;
	[tilespmem:$0x10410] =	vst v63  }
0x1dd: {  	s17 =	sld [smem:$0x7C7]  }
0x1de: {  	[hbm4b:s28+s3] =	stream.linear.scatter [tilespmem:s18], [sflag:$0x1], $0x8000, $0x38;
	[tilespmem:$0x10410] =	vst v63  }
0x1df: {  	s18 =	sld [smem:$0x7C8]  }
0x1e0: {  	[hbm4b:s29+s3] =	stream.linear.scatter [tilespmem:s17], [sflag:$0x1], $0x8000, $0x38;
	[tilespmem:$0x10410] =	vst v63  }
0x1e1: {  	s17 =	sld [smem:$0x7C9]  }
0x1e2: {  	[hbm4b:s30+s3] =	stream.linear.scatter [tilespmem:s18], [sflag:$0x1], $0x8000, $0x38;
	[tilespmem:$0x10410] =	vst v63  }
0x1e3: {  	s18 =	sld [smem:$0x7CA]  }
0x1e4: {  	[hbm4b:s31+s3] =	stream.linear.scatter [tilespmem:s17], [sflag:$0x1], $0x8000, $0x38;
	[tilespmem:$0x10410] =	vst v63  }
0x1e5: {  	s17 =	sld [smem:$0x7CB]  }
0x1e6: {  	[hbm4b:s0+s3] =	stream.linear.scatter [tilespmem:s18], [sflag:$0x1], $0x8000, $0x38;
	[tilespmem:$0x10410] =	vst v63  }
0x1e7: {  	s18 =	sld [smem:$0x7CC]  }
0x1e8: {  	[hbm4b:s2+s3] =	stream.linear.scatter [tilespmem:s17], [sflag:$0x1], $0x8000, $0x38;
	[tilespmem:$0x10410] =	vst v63  }
0x1e9: {  	_ = 	snop  }
0x1ea: {  	[hbm4b:s1+s3] =	stream.linear.scatter [tilespmem:s18], [sflag:$0x1], $0x8000, $0x38;
	[tilespmem:$0x10410] =	vst v63  }
0x1eb: {  	_ =	swait.ge [sflag:s14], $0x8000  }
0x1ec: {  	[sflag:s14] =	ssyncset.done $0x0  }
0x1ed: {  	[sflag:s14] =	ssyncadd.s32 $0xFFFF8000  }
0x1ee: {  	_ =	swait.ge [sflag:s14], $0x8000  }
0x1ef: {  	[sflag:s14] =	ssyncset.done $0x0  }
0x1f0: {  	[sflag:s14] =	ssyncadd.s32 $0xFFFF8000  }
0x1f1: {  	_ =	swait.ge [sflag:s14], $0x8000  }
0x1f2: {  	[sflag:s14] =	ssyncset.done $0x0  }
0x1f3: {  	[sflag:s14] =	ssyncadd.s32 $0xFFFF8000  }
0x1f4: {  	_ =	swait.ge [sflag:s14], $0x8000  }
0x1f5: {  	[sflag:s14] =	ssyncset.done $0x0  }
0x1f6: {  	[sflag:s14] =	ssyncadd.s32 $0xFFFF8000  }
0x1f7: {  	_ =	swait.ge [sflag:s14], $0x8000  }
0x1f8: {  	[sflag:s14] =	ssyncset.done $0x0  }
0x1f9: {  	[sflag:s14] =	ssyncadd.s32 $0xFFFF8000  }
0x1fa: {  	_ =	swait.ge [sflag:s14], $0x8000  }
0x1fb: {  	[sflag:s14] =	ssyncset.done $0x0  }
0x1fc: {  	[sflag:s14] =	ssyncadd.s32 $0xFFFF8000  }
0x1fd: {  	_ =	swait.ge [sflag:s14], $0x8000  }
0x1fe: {  	[sflag:s14] =	ssyncset.done $0x0  }
0x1ff: {  	[sflag:s14] =	ssyncadd.s32 $0xFFFF8000  }
0x200: {  	_ =	swait.ge [sflag:s14], $0x8000  }
0x201: {  	s17 =	sld [smem:$0x7CD]  }
0x202: {  	[sflag:s14] =	ssyncset.done $0x0  }
0x203: {  	s18 =	sld [smem:$0x7CE];
	[sflag:s14] =	ssyncadd.s32 $0xFFFF8000  }
0x204: {  	[hbm4b:s4+s3] =	stream.linear.scatter [tilespmem:s17], [sflag:$0x1], $0x8000, $0x38;
	[tilespmem:$0x10410] =	vst v63  }
0x205: {  	s17 =	sld [smem:$0x7CF]  }
0x206: {  	[hbm4b:s5+s3] =	stream.linear.scatter [tilespmem:s18], [sflag:$0x1], $0x8000, $0x38;
	[tilespmem:$0x10410] =	vst v63  }
0x207: {  	s18 =	sld [smem:$0x7D0]  }
0x208: {  	[hbm4b:s6+s3] =	stream.linear.scatter [tilespmem:s17], [sflag:$0x1], $0x8000, $0x38;
	[tilespmem:$0x10410] =	vst v63  }
0x209: {  	s17 =	sld [smem:$0x7D1]  }
0x20a: {  	[hbm4b:s7+s3] =	stream.linear.scatter [tilespmem:s18], [sflag:$0x1], $0x8000, $0x38;
	[tilespmem:$0x10410] =	vst v63  }
0x20b: {  	s18 =	sld [smem:$0x7D2]  }
0x20c: {  	[hbm4b:s8+s3] =	stream.linear.scatter [tilespmem:s17], [sflag:$0x1], $0x8000, $0x38;
	[tilespmem:$0x10410] =	vst v63  }
0x20d: {  	s17 =	sld [smem:$0x7D3]  }
0x20e: {  	[hbm4b:s9+s3] =	stream.linear.scatter [tilespmem:s18], [sflag:$0x1], $0x8000, $0x38;
	[tilespmem:$0x10410] =	vst v63  }
0x20f: {  	s18 =	sld [smem:$0x7D4]  }
0x210: {  	[hbm4b:s10+s3] =	stream.linear.scatter [tilespmem:s17], [sflag:$0x1], $0x8000, $0x38;
	[tilespmem:$0x10410] =	vst v63  }
0x211: {  	_ = 	snop  }
0x212: {  	[hbm4b:s11+s3] =	stream.linear.scatter [tilespmem:s18], [sflag:$0x1], $0x8000, $0x38;
	[tilespmem:$0x10410] =	vst v63  }
0x213: {  	_ =	swait.ge [sflag:s14], $0x8000  }
0x214: {  	[sflag:s14] =	ssyncset.done $0x0  }
0x215: {  	[sflag:s14] =	ssyncadd.s32 $0xFFFF8000  }
0x216: {  	_ =	swait.ge [sflag:s14], $0x8000  }
0x217: {  	[sflag:s14] =	ssyncset.done $0x0  }
0x218: {  	[sflag:s14] =	ssyncadd.s32 $0xFFFF8000  }
0x219: {  	_ =	swait.ge [sflag:s14], $0x8000  }
0x21a: {  	[sflag:s14] =	ssyncset.done $0x0  }
0x21b: {  	[sflag:s14] =	ssyncadd.s32 $0xFFFF8000  }
0x21c: {  	_ =	swait.ge [sflag:s14], $0x8000  }
0x21d: {  	[sflag:s14] =	ssyncset.done $0x0  }
0x21e: {  	[sflag:s14] =	ssyncadd.s32 $0xFFFF8000  }
0x21f: {  	_ =	swait.ge [sflag:s14], $0x8000  }
0x220: {  	[sflag:s14] =	ssyncset.done $0x0  }
0x221: {  	[sflag:s14] =	ssyncadd.s32 $0xFFFF8000  }
0x222: {  	_ =	swait.ge [sflag:s14], $0x8000  }
0x223: {  	[sflag:s14] =	ssyncset.done $0x0  }
0x224: {  	s15 =	sadd.s32 $0x1, s15;
	[sflag:s14] =	ssyncadd.s32 $0xFFFF8000  }
0x225: {  	p0 =	sne.s32 s15, s12;
	_ =	swait.ge [sflag:s14], $0x8000  }
.Ltmp1:
0x226: {  	[sflag:s14] =	ssyncset.done $0x0;
	(pc) =	sbr.rel @p0 .LBB2_1-.Ltmp1, $4  }
0x227: {  	[sflag:s14] =	ssyncadd.s32 $0xFFFF8000  }
0x228: {  	_ =	swait.ge [sflag:s14], $0x8000  }
0x229: {  	[sflag:s14] =	ssyncset.done $0x0  }
0x22a: {  	[sflag:s14] =	ssyncadd.s32 $0xFFFF8000  }
0x22b: {  	_ =	sfence.sel $0x180000  }
0x22c: {  	[bflag:$0x0] =	sbarrier.arrive $0xFFFF  }
0x22d: {  	_ =	strace $0x90000047  }
0x22e: {  	s0 =	stileid.u32;
	[bflag:$0x2] =	sbarrier.arrive $0xFFFF  }
0x22f: {  	p0 =	sne.s32 s0, $0x0;
	s0 =	rddreg [dreg:$0x2]  }
0x230: {  	s0 =	sadd.s32 @!p0 $0x100000, s0  }
0x231: {  	[sflag:s0] =	ssyncadd.tile.s32 @!p0 $0x1;
	_ =	shalt  }
.Lfunc_end2:
_tile_overlayer_lowered:
.L_overlay_start_2:
0x232: {  	(tag) =	ssettag $0x2  }
0x233: {  	s0 =	rddreg [dreg:$0x0];
	s2 =	stileid.u32  }
0x234: {  	s1 =	rddreg [dreg:$0x1];
	p0 =	sne.s32 s2, $0x0  }
0x235: {  	s3 =	rddreg [dreg:$0x2];
	[bflag:$0x3] =	sbarrier.arrive $0xFFFF;
	s2 =	simm.s32 @!p0 $0x1C02  }
0x236: {  	[timem:s3], [sflag:s2] =	dma.local @!p0 [hbm:s0], s1  }
0x237: {  	s0 =	simm.s32 @!p0 $0x2  }
0x238: {  	_ =	swait.ge @!p0 [sflag:s0], s1  }
0x239: {  	s1 =	ssub.s32 @!p0 $0x0, s1;
	[sflag:s0] =	ssyncset.done @!p0 $0x0  }
0x23a: {  	[sflag:s0] =	ssyncadd.s32 @!p0 s1  }
0x23b: {  	[bflag:$0x3] =	sbarrier.arrive $0xFFFF  }
0x23c: {  	_ =	shalt  }

// kernel: sparse-core-data-format-call.1.cloned.1.call-start
scs
called_computation.1_lowered:
.L_overlay_start_0:
0x0: {  	s2 =	sld [smem:$0x3FD9]  }
0x1: {  	s3 =	sld [smem:$0x3FFE];
	_ =	sdelay $0x1  }
0x2: {  	s1 =	srdreg.scid  }
0x3: {  	s0 =	sand.u32 $0x1, s1  }
0x4: {  	s18 =	sshll.u32 s0, $0xA;
	s2 =	sadd.s32 s3, s2  }
0x5: {  	s2 =	sadd.s32 s2, s18  }
0x6: {  	[smem:$0x3FC7] =	sst s2  }
0x7: {  	_ = 	snop  }
0x8: {  	s2 =	sld [smem:$0x3FD0];
	(tm) =	ssettm $0x1  }
0x9: {  	s19 =	sld [smem:$0x3FFB];
	_ =	sdelay $0x3  }
0xa: {  	_ =	strace s19  }
0xb: {  	s3 =	sld [smem:$0x3FFC];
	_ =	sdelay $0x3  }
0xc: {  	_ =	strace s3  }
0xd: {  	s3 =	sld [smem:$0x3FFD];
	_ =	sdelay $0x3  }
0xe: {  	_ =	strace s3  }
0xf: {  	_ =	strace $0x8FFFFFFF  }
0x10: {  	s20 =	sld [smem:$0x3FDB];
	_ =	sdelay $0x1  }
0x11: {  	s4 =	simm.s32 $_scs_section_size  }
0x12: {  	s5 =	simm.s32 $_size__tile_overlayer_lowered;
	s6 =	simm.s32 $_tile_overlayer_lowered  }
0x13: {  	s23 =	simm.s32 $0x1BFF;
	s22 =	sshll.u32 s6, $0x1;
	s3 =	sadd.s32 s4, s20  }
0x14: {  	s7 =	simm.s32 $0x0;
	s21 =	sshll.u32 s5, $0x1;
	s5 =	sadd.s32 s22, s3  }
0x15: {  	[timem:s7], [sflag:s23] =	dma.local [hbm:s5], s21  }
0x16: {  	_ =	swait.ge [sflag:s23], s21  }
0x17: {  	s4 =	ssub.s32 $0x0, s21;
	[sflag:s23] =	ssyncset.done $0x0  }
0x18: {  	[sflag:s23] =	ssyncadd.s32 s4;
	_ =	sdelay $0x1  }
0x19: {  	s24 =	simm.s32 $0x1B8B  }
0x1a: {  	_ =	swait.ge [sflag:s24], $0x1  }
0x1b: {  	[sflag:s24] =	ssyncset.done $0x0  }
0x1c: {  	s26 =	simm.s32 $0x1B8E;
	s25 =	sld [smem:$0x3FFE];
	[sflag:s24] =	ssyncadd.s32 $0xFFFFFFFF  }
0x1d: {  	s27 =	simm.s32 $execute0_lowered;
	[smem:$0x3FD2] =	sst s26  }
0x1e: {  	s5 =	sshll.u32 s27, $0x1;
	_ =	strace $0x80000049;
	[dreg:$0x1] =	wrdreg $0xFFFFFFFF  }
0x1f: {  	s28 =	simm.s32 $_size_execute0_lowered;
	s3 =	sadd.s32 s3, s5;
	[dreg:$0x0] =	wrdreg $0x0  }
0x20: {  	s5 =	sshll.u32 s28, $0x1;
	[dreg:$0x2] =	wrdreg s3  }
0x21: {  	[dreg:$0x3] =	wrdreg s5  }
0x22: {  	[dreg:$0x4] =	wrdreg $0xC0  }
0x23: {  	_ =	task [dreg:s7], $0x5FFFF  }
0x24: {  	[dreg:$0x1] =	wrdreg $0xFFFFFFFF  }
0x25: {  	[dreg:$0x0] =	wrdreg $0x60  }
0x26: {  	[dreg:$0x2] =	wrdreg s2  }
0x27: {  	[dreg:$0x3] =	wrdreg s25  }
0x28: {  	[dreg:$0x4] =	wrdreg $0x9  }
0x29: {  	_ =	task.clear_ibuf [dreg:s7], $0x5FFFF;
	_ =	strace $0x90000049  }
0x2a: {  	s29 =	simm.s32 $0x9;
	_ =	strace $0x8000004B  }
0x2b: {  	_ =	swait.ge [sflag:s29], $0x1  }
0x2c: {  	[sflag:s29] =	ssyncadd.s32 $0xFFFFFFFF  }
0x2d: {  	_ =	strace $0x9000004B  }
0x2e: {  	_ =	sfence  }
0x2f: {  	s30 =	sld [smem:$0x0];
	_ =	sdelay $0x2  }
0x30: {  	s31 =	sshll.u32 s1, $0xD;
	s1 =	sshrl.u32 s1, $0x2  }
0x31: {  	s3 =	sand.u32 $0x4000, s31;
	s1 =	sadd.s32 s1, s30  }
0x32: {  	s0 =	sor.u32 s3, s0;
	s1 =	sshll.u32 s1, $0x11  }
0x33: {  	s0 =	sor.u32 s1, s0  }
0x34: {  	s0 =	sadd.s32 $0x8F2B, s0  }
0x35: {  	[sflag:s0] =	ssyncadd.remote.s32 $0x1  }
0x36: {  	_ =	sfence.sel $0xFFFF  }
0x37: {  	[dreg:$0x0] =	wrdreg $0xFFFFFFFF;
	(pc) =	sbr.abs _section_cstart, $3  }
0x38: {  	[dreg:$0x1] =	wrdreg $0xFFFFFFFF  }
0x39: {  	_ =	task.clear_ibuf [dreg:s7], $0x2FFFF;
	_ =	strace $0x9FFFFFFF  }
0x3a: {  	(tm) =	ssettm $0x7FFFFFFF  }
0x3b: {  	_ =	shalt  }
tec
execute0_lowered:
.L_overlay_start_1:
0x0: {  	(tag) =	ssettag $0x1  }
0x1: {  	s2 =	rddreg [dreg:$0x0]  }
0x2: {  	s7 =	rddreg [dreg:$0x1];
	s1 =	stileid.u32  }
0x3: {  	s4 =	srdreg.scid;
	s0 =	rddreg [dreg:$0x2];
	_ =	strace $0x8000004A  }
0x4: {  	s9 =	simm.s32 $0x1;
	s31 =	simm.s32 $0x2;
	s14 =	simm.s32 $0x0  }
0x5: {  	s13 =	simm.s32 $0x0;
	s3 =	sshll.u32 s1, $0x7;
	s4 =	sshll.u32 s4, $0x7  }
0x6: {  	s12 =	simm.s32 $0x0;
	s4 =	sand.u32 $0x80, s4;
	s5 =	ssub.s32 $0x800, s3  }
0x7: {  	s6 =	sshrl.u32 s5, $0xB;
	s5 =	sand.u32 $0x780, s5;
	s8 =	ssub.s32 $0x8000, s4  }
0x8: {  	p0 =	sne.s32 s5, $0x0;
	s30 =	sshrl.u32 s8, $0x7;
	s8 =	sshrl.u32 s8, $0x8  }
.Ltmp0:
0x9: {  	s9 =	simm.s32 @!p0 $0x0;
	s10 =	sand.u32 $0x1, s30;
	(pc) =	sbr.rel .LBB1_1-.Ltmp0, $4  }
0xa: {  	s5 =	simm.s32 $0x1;
	s6 =	sadd.s32 s9, s6;
	s8 =	sadd.s32 s8, s10  }
0xb: {  	s7 =	sadd.s32 $0xC00, s7;
	[sflag:s5] =	ssyncpa.u1 $0x0;
	s6 =	smul.u32 s6, s8  }
0xc: {  	s11 =	smov.u32 s3;
	p0 =	por $0x0, $0x0;
	[sflag:s31] =	ssyncpa.u1 $0x0  }
0xd: {  	s9 =	simm.s32 $0x4000;
	s10 =	smov.u32 s4;
	s8 =	sadd.s32 $0x1, s6  }
.LBB1_4:
0xe: {  	v5 =	vld [tilespmem:s17+$0xFFFFFFD0]  }
0xf: {  	[tilespmem:s18+$0x2040 ss:$0x81] =	vst.msk $0xffff, v1;
	v58 =	vld [tilespmem:s17+$0xFFFFFFE0]  }
0x10: {  	[tilespmem:s18+$0x2850 ss:$0x81] =	vst.msk $0xffff, v2;
	v59 =	vld [tilespmem:s17+$0xFFFFFFF0]  }
0x11: {  	s19 =	sshra.s32 s19, $0x2;
	[tilespmem:s18+$0x3060 ss:$0x81] =	vst.msk $0xffff, v3;
	v60 =	vld [tilespmem:s17+$0x0]  }
0x12: {  	[tilespmem:s18+$0x0 ss:$0x81] =	vst.msk $0xffff, v0;
	v61 =	vld [tilespmem:s17+$0x10];
	s16 =	sadd.s32 s19, s16  }
0x13: {  	s26 =	sshll.u32 s14, $0xB;
	v62 =	vld [tilespmem:s17+$0x20];
	[tilespmem:s16+$0x3870 ss:$0x81] =	vst.msk $0xffff, v4  }
0x14: {  	s27 =	sand.u32 $0x78, s13;
	s20 =	sshll.u32 s13, $0x3;
	v63 =	vld [tilespmem:s17+$0xFFFFFFC0];
	s29 =	sshll.u32 s14, $0x7;
	[tilespmem:s16+$0x810 ss:$0x81] =	vst.msk $0xffff, v5  }
0x15: {  	s18 =	sand.u32 $0x3FFC000, s26;
	s28 =	sand.u32 $0x3FFFC00, s20;
	s20 =	sand.u32 $0x400, s20;
	[tilespmem:s16+$0x1020 ss:$0x81] =	vst.msk $0xffff, v58  }
0x16: {  	s14 =	sand.u32 $0x380, s29;
	s17 =	sadd.s32 s28, s18;
	s30 =	sor.u32 s27, s20;
	[tilespmem:s16+$0x1830 ss:$0x81] =	vst.msk $0xffff, v59  }
0x17: {  	s17 =	sand.u32 $0x3FFF800, s17;
	s14 =	sor.u32 s14, s30;
	[tilespmem:s16+$0x2040 ss:$0x81] =	vst.msk $0xffff, v60  }
0x18: {  	s31 =	sand.u32 $0x7, s13;
	s14 =	sor.u32 s17, s14;
	[tilespmem:s16+$0x2850 ss:$0x81] =	vst.msk $0xffff, v61  }
0x19: {  	s13 =	sshll.u32 s31, $0x12;
	[tilespmem:s16+$0x3060 ss:$0x81] =	vst.msk $0xffff, v62;
	s14 =	sshrl.u32 s14, $0x3  }
0x1a: {  	s13 =	sor.u32 $0x400, s13;
	[tilespmem:s16+$0x0 ss:$0x81] =	vst.msk $0xffff, v63;
	s14 =	sadd.s32 s7, s14  }
0x1b: {  	[hbm4b:s14+s13] =	stream.strided.scatter [tilespmem:s15], [sflag:$0x2], $0x4000, s9, s13, $0x20;
	[tilespmem:$0x10100] =	vst v63  }
.LBB1_5:
0x1c: {  	s15 =	sadd.s32 $0x100, s10  }
0x1d: {  	s13 =	sadd.s32 $0x800, s11;
	s17 =	smov.u32 s11;
	p2 =	sgt.s32 s15, $0x7FFF  }
0x1e: {  	s17 =	smov.u32 @p2 s13  }
0x1f: {  	s15 =	smov.u32 @p2 s4;
	p2 =	sgt.s32 s17, $0x7FF  }
0x20: {  	s17 =	smov.u32 @p2 s3;
	p2 =	sne.s32 s12, s8  }
.Ltmp1:
0x21: {  	p1 =	slt.u32 s12, $0x2;
	(pc) =	sbr.rel @!p2 .LBB1_6-.Ltmp1, $4  }
0x22: {  	s16 =	simm.s32 @!p1 $0x2  }
0x23: {  	s14 =	smov.u32 s10;
	p0 =	por !p0, !p0;
	_ =	swait.ge @!p1 [sflag:s16], $0x4000  }
0x24: {  	s13 =	smov.u32 s11;
	[sflag:s16] =	ssyncset.done @!p1 $0x0;
	s10 =	smov.u32 s15  }
0x25: {  	s12 =	sadd.s32 $0x1, s12;
	[sflag:s16] =	ssyncadd.s32 @!p1 $0xFFFFC000;
	s11 =	smov.u32 s17  }
.LBB1_1:
0x26: {  	p1 =	sge.u32 s12, s6;
	s31 =	sadd.s32 $0xFFFFFFFF, s12  }
0x27: {  	s15 =	sand.u32 @!p1 $0x78, s10;
	s16 =	sshll.u32 @!p1 s11, $0xF;
	s17 =	sshll.u32 @!p1 s11, $0x7  }
0x28: {  	s18 =	sshll.u32 @!p1 s10, $0x3;
	s16 =	sand.u32 @!p1 $0x3FC0000, s16;
	s17 =	sand.u32 @!p1 $0x380, s17  }
0x29: {  	s16 =	sadd.s32 @!p1 s16, s18;
	s18 =	sand.u32 @!p1 $0x7C00, s18;
	s15 =	sor.u32 @!p1 s17, s15  }
0x2a: {  	s17 =	sxor.u32 @!p1 $0xFFFFFFFF, s12;
	s16 =	sand.u32 @!p1 $0x3FF8000, s16;
	s15 =	sor.u32 @!p1 s18, s15  }
0x2b: {  	s17 =	sshll.u32 @!p1 s17, $0xE;
	s15 =	sor.u32 @!p1 s16, s15;
	s16 =	sand.u32 @!p1 $0x7, s10  }
0x2c: {  	s18 =	simm.s32 @!p1 $0x40000;
	s15 =	sshrl.u32 @!p1 s15, $0x3;
	s16 =	sshll.u32 @!p1 s16, $0x12  }
0x2d: {  	s17 =	sand.u32 @!p1 $0x4000, s17;
	s15 =	sadd.s32 @!p1 s2, s15;
	s16 =	sor.u32 @!p1 $0x400, s16  }
0x2e: {  	[tilespmem:s17], [sflag:$0x1] =	stream.strided.gather @!p1 [hbm4b:s15+s16], $0x4000, s18, s16, $0x38;
	[tilespmem:$0x10100] =	vst v63  }
0x2f: {  	p1 =	sge.u32 s31, s6  }
.Ltmp2:
0x30: {  	_ = 	snop;
	(pc) =	sbr.rel @p1 .LBB1_5-.Ltmp2, $1  }
0x31: {  	_ =	sdelay $0x3  }
0x32: {  	s15 =	simm.s32 $0x1  }
0x33: {  	_ =	swait.ge [sflag:s5], $0x4000;
	s15 =	simm.s32 @!p0 $0x0  }
0x34: {  	[sflag:s5] =	ssyncset.done $0x0;
	s16 =	sshll.u32 s15, $0xE  }
0x35: {  	[sflag:s5] =	ssyncadd.s32 $0xFFFFC000;
	s17 =	sor.u32 $0x40, s16  }
0x36: {  	s15 =	smul.u32 $0x10200, s15;
	v0 =	vld [tilespmem:s17+$0x30]  }
0x37: {  	v3 =	vld [tilespmem:s17+$0xFFFFFFD0]  }
0x38: {  	s15 =	sshrl.u32 s15, $0x2;
	v4 =	vld [tilespmem:s17+$0xFFFFFFE0]  }
0x39: {  	v5 =	vld [tilespmem:s17+$0xFFFFFFF0];
	s16 =	sor.u32 $0x8000, s15  }
0x3a: {  	s31 =	sand.u32 $0x1, s12;
	v1 =	vld [tilespmem:s17+$0x0];
	s18 =	sadd.s32 $0x0, s16  }
0x3b: {  	v2 =	vld [tilespmem:s17+$0x10];
	s15 =	smul.u32 $0x10200, s31;
	[tilespmem:s18+$0x3870 ss:$0x81] =	vst.msk $0xffff, v0  }
0x3c: {  	[tilespmem:s18+$0x810 ss:$0x81] =	vst.msk $0xffff, v3;
	v3 =	vld [tilespmem:s17+$0x20]  }
0x3d: {  	s15 =	sshrl.u32 s15, $0x2;
	v0 =	vld [tilespmem:s17+$0xFFFFFFC0];
	[tilespmem:s18+$0x1020 ss:$0x81] =	vst.msk $0xffff, v4;
	s17 =	sadd.s32 $0x80, s17  }
0x3e: {  	s19 =	simm.s32 $0x4;
	s20 =	simm.s32 $0x8;
	s15 =	sor.u32 $0x8000, s15;
	[tilespmem:s18+$0x1830 ss:$0x81] =	vst.msk $0xffff, v5;
	v4 =	vld [tilespmem:s17+$0x30]  }
.LBB1_3:
0x3f: {  	p1 =	sne.s32 s20, $0x1FC;
	v5 =	vld [tilespmem:s17+$0xFFFFFFD0];
	[tilespmem:s18+$0x2040 ss:$0x81] =	vst.msk $0xffff, v1  }
0x40: {  	v6 =	vld [tilespmem:s17+$0xFFFFFFE0];
	[tilespmem:s18+$0x2850 ss:$0x81] =	vst.msk $0xffff, v2  }
0x41: {  	s21 =	sshra.s32 s19, $0x2;
	s19 =	smov.u32 s20;
	v7 =	vld [tilespmem:s17+$0xFFFFFFF0];
	[tilespmem:s18+$0x3060 ss:$0x81] =	vst.msk $0xffff, v3  }
.Ltmp3:
0x42: {  	v1 =	vld [tilespmem:s17+$0x0];
	[tilespmem:s18+$0x0 ss:$0x81] =	vst.msk $0xffff, v0;
	s18 =	sadd.s32 s21, s16;
	(pc) =	sbr.rel @p1 .LBB1_3-.Ltmp3, $4  }
0x43: {  	v2 =	vld [tilespmem:s17+$0x10];
	[tilespmem:s18+$0x3870 ss:$0x81] =	vst.msk $0xffff, v4  }
0x44: {  	[tilespmem:s18+$0x810 ss:$0x81] =	vst.msk $0xffff, v5;
	v3 =	vld [tilespmem:s17+$0x20]  }
0x45: {  	v0 =	vld [tilespmem:s17+$0xFFFFFFC0];
	[tilespmem:s18+$0x1020 ss:$0x81] =	vst.msk $0xffff, v6;
	s17 =	sadd.s32 $0x80, s17  }
0x46: {  	s20 =	sadd.s32 $0x4, s20;
	v4 =	vld [tilespmem:s17+$0x30];
	[tilespmem:s18+$0x1830 ss:$0x81] =	vst.msk $0xffff, v7  }
.Ltmp4:
0x47: {  	_ = 	snop;
	(pc) =	sbr.rel .LBB1_4-.Ltmp4, $1  }
0x48: {  	_ =	sdelay $0x3  }
.LBB1_6:
0x49: {  	_ =	sfence.sel $0x180000  }
0x4a: {  	s2 =	simm.s32 $0x1;
	[bflag:$0x0] =	sbarrier.arrive $0xFFFF  }
0x4b: {  	s31 =	simm.s32 $0x2;
	[sflag:s2] =	ssyncpa.u1 $0x1  }
0x4c: {  	[sflag:s31] =	ssyncpa.u1 $0x1  }
0x4d: {  	p0 =	sne.s32 s1, $0x0;
	_ =	strace $0x9000004A  }
0x4e: {  	s0 =	sadd.s32 @!p0 $0x100000, s0;
	[bflag:$0x2] =	sbarrier.arrive $0xFFFF  }
0x4f: {  	[sflag:s0] =	ssyncadd.tile.s32 @!p0 $0x1;
	_ =	shalt  }
.Lfunc_end1:
_tile_overlayer_lowered:
.L_overlay_start_2:
0x50: {  	(tag) =	ssettag $0x2  }
0x51: {  	s0 =	rddreg [dreg:$0x0];
	s2 =	stileid.u32  }
0x52: {  	s1 =	rddreg [dreg:$0x1];
	p0 =	sne.s32 s2, $0x0  }
0x53: {  	s3 =	rddreg [dreg:$0x2];
	[bflag:$0x3] =	sbarrier.arrive $0xFFFF;
	s2 =	simm.s32 @!p0 $0x1C01  }
0x54: {  	[timem:s3], [sflag:s2] =	dma.local @!p0 [hbm:s0], s1  }
0x55: {  	s0 =	simm.s32 @!p0 $0x1  }
0x56: {  	_ =	swait.ge @!p0 [sflag:s0], s1  }
0x57: {  	s1 =	ssub.s32 @!p0 $0x0, s1;
	[sflag:s0] =	ssyncset.done @!p0 $0x0  }
0x58: {  	[sflag:s0] =	ssyncadd.s32 @!p0 s1  }
0x59: {  	[bflag:$0x3] =	sbarrier.arrive $0xFFFF  }
0x5a: {  	_ =	shalt  }

// kernel: sparse-core-data-format-call.cloned.1.call-start
scs
called_computation_lowered:
.L_overlay_start_0:
0x0: {  	s2 =	sld [smem:$0x3FD9]  }
0x1: {  	s3 =	sld [smem:$0x3FFE];
	_ =	sdelay $0x1  }
0x2: {  	s1 =	srdreg.scid  }
0x3: {  	s0 =	sand.u32 $0x1, s1  }
0x4: {  	s18 =	sshll.u32 s0, $0xA;
	s2 =	sadd.s32 s3, s2  }
0x5: {  	s2 =	sadd.s32 s2, s18  }
0x6: {  	[smem:$0x3FC7] =	sst s2  }
0x7: {  	_ = 	snop  }
0x8: {  	s2 =	sld [smem:$0x3FD0];
	(tm) =	ssettm $0x1  }
0x9: {  	s19 =	sld [smem:$0x3FFB];
	_ =	sdelay $0x3  }
0xa: {  	_ =	strace s19  }
0xb: {  	s3 =	sld [smem:$0x3FFC];
	_ =	sdelay $0x3  }
0xc: {  	_ =	strace s3  }
0xd: {  	s3 =	sld [smem:$0x3FFD];
	_ =	sdelay $0x3  }
0xe: {  	_ =	strace s3  }
0xf: {  	_ =	strace $0x8FFFFFFF  }
0x10: {  	s20 =	sld [smem:$0x3FDB];
	_ =	sdelay $0x1  }
0x11: {  	s4 =	simm.s32 $_scs_section_size  }
0x12: {  	s5 =	simm.s32 $_size__tile_overlayer_lowered;
	s6 =	simm.s32 $_tile_overlayer_lowered  }
0x13: {  	s23 =	simm.s32 $0x1BFF;
	s22 =	sshll.u32 s6, $0x1;
	s3 =	sadd.s32 s4, s20  }
0x14: {  	s7 =	simm.s32 $0x0;
	s21 =	sshll.u32 s5, $0x1;
	s5 =	sadd.s32 s22, s3  }
0x15: {  	[timem:s7], [sflag:s23] =	dma.local [hbm:s5], s21  }
0x16: {  	_ =	swait.ge [sflag:s23], s21  }
0x17: {  	s4 =	ssub.s32 $0x0, s21;
	[sflag:s23] =	ssyncset.done $0x0  }
0x18: {  	[sflag:s23] =	ssyncadd.s32 s4;
	_ =	sdelay $0x1  }
0x19: {  	s24 =	simm.s32 $0x1B8B  }
0x1a: {  	_ =	swait.ge [sflag:s24], $0x1  }
0x1b: {  	[sflag:s24] =	ssyncset.done $0x0  }
0x1c: {  	s26 =	simm.s32 $0x1B8E;
	s25 =	sld [smem:$0x3FFE];
	[sflag:s24] =	ssyncadd.s32 $0xFFFFFFFF  }
0x1d: {  	s27 =	simm.s32 $execute0_lowered;
	[smem:$0x3FD2] =	sst s26  }
0x1e: {  	s5 =	sshll.u32 s27, $0x1;
	_ =	strace $0x8000004C;
	[dreg:$0x1] =	wrdreg $0xFFFFFFFF  }
0x1f: {  	s28 =	simm.s32 $_size_execute0_lowered;
	s3 =	sadd.s32 s3, s5;
	[dreg:$0x0] =	wrdreg $0x0  }
0x20: {  	s5 =	sshll.u32 s28, $0x1;
	[dreg:$0x2] =	wrdreg s3  }
0x21: {  	[dreg:$0x3] =	wrdreg s5  }
0x22: {  	[dreg:$0x4] =	wrdreg $0xC0  }
0x23: {  	_ =	task [dreg:s7], $0x5FFFF  }
0x24: {  	[dreg:$0x1] =	wrdreg $0xFFFFFFFF  }
0x25: {  	[dreg:$0x0] =	wrdreg $0x60  }
0x26: {  	[dreg:$0x2] =	wrdreg s25  }
0x27: {  	[dreg:$0x3] =	wrdreg s2  }
0x28: {  	[dreg:$0x4] =	wrdreg $0x9  }
0x29: {  	_ =	task.clear_ibuf [dreg:s7], $0x5FFFF;
	_ =	strace $0x9000004C  }
0x2a: {  	s29 =	simm.s32 $0x9;
	_ =	strace $0x8000004E  }
0x2b: {  	_ =	swait.ge [sflag:s29], $0x1  }
0x2c: {  	[sflag:s29] =	ssyncadd.s32 $0xFFFFFFFF  }
0x2d: {  	_ =	strace $0x9000004E  }
0x2e: {  	_ =	sfence  }
0x2f: {  	s30 =	sld [smem:$0x0];
	_ =	sdelay $0x2  }
0x30: {  	s31 =	sshll.u32 s1, $0xD;
	s1 =	sshrl.u32 s1, $0x2  }
0x31: {  	s3 =	sand.u32 $0x4000, s31;
	s1 =	sadd.s32 s1, s30  }
0x32: {  	s0 =	sor.u32 s3, s0;
	s1 =	sshll.u32 s1, $0x11  }
0x33: {  	s0 =	sor.u32 s1, s0  }
0x34: {  	s0 =	sadd.s32 $0x8F2B, s0  }
0x35: {  	[sflag:s0] =	ssyncadd.remote.s32 $0x1  }
0x36: {  	_ =	sfence.sel $0xFFFF  }
0x37: {  	[dreg:$0x0] =	wrdreg $0xFFFFFFFF;
	(pc) =	sbr.abs _section_cstart, $3  }
0x38: {  	[dreg:$0x1] =	wrdreg $0xFFFFFFFF  }
0x39: {  	_ =	task.clear_ibuf [dreg:s7], $0x2FFFF;
	_ =	strace $0x9FFFFFFF  }
0x3a: {  	(tm) =	ssettm $0x7FFFFFFF  }
0x3b: {  	_ =	shalt  }
tec
execute0_lowered:
.L_overlay_start_1:
0x0: {  	(tag) =	ssettag $0x1  }
0x1: {  	s0 =	stileid.u32  }
0x2: {  	s2 =	srdreg.scid;
	s5 =	rddreg [dreg:$0x0]  }
0x3: {  	s6 =	simm.s32 $0x1;
	s31 =	simm.s32 $0x2;
	s14 =	simm.s32 $0x0  }
0x4: {  	s9 =	simm.s32 $0x8000;
	s16 =	simm.s32 $0x0;
	s1 =	sshll.u32 s0, $0x7  }
0x5: {  	s15 =	simm.s32 $0x0;
	s10 =	simm.s32 $0x0;
	s3 =	ssub.s32 $0x800, s1  }
0x6: {  	s13 =	simm.s32 $0x0;
	s2 =	sand.u32 $0x1, s2;
	s4 =	sand.u32 $0x780, s3  }
0x7: {  	s5 =	sadd.s32 $0xC00, s5;
	s7 =	ssub.s32 $0x10, s2;
	p0 =	sne.s32 s4, $0x0  }
0x8: {  	s3 =	sshrl.u32 s3, $0xB;
	s8 =	sshrl.u32 s7, $0x1;
	s6 =	simm.s32 @!p0 $0x0  }
.Ltmp0:
0x9: {  	s7 =	ssub.s32 s7, s8;
	s6 =	sadd.s32 s6, s3;
	(pc) =	sbr.rel .LBB1_1-.Ltmp0, $4  }
0xa: {  	s11 =	smov.u32 s2;
	s4 =	rddreg [dreg:$0x1];
	s7 =	smul.u32 s6, s7  }
0xb: {  	s3 =	rddreg [dreg:$0x2];
	_ =	strace $0x8000004D;
	s6 =	simm.s32 $0x1  }
0xc: {  	s12 =	smov.u32 s1;
	[sflag:s6] =	ssyncpa.u1 $0x0;
	s7 =	sshll.u32 s7, $0x4  }
0xd: {  	p0 =	por $0x0, $0x0;
	[sflag:s31] =	ssyncpa.u1 $0x0;
	s8 =	sor.u32 $0x1, s7  }
.LBB1_4:
0xe: {  	v5 =	vld [tilespmem:s19+$0xFFFFFFD0];
	[tilespmem:s20+$0x2040 ss:$0x81] =	vst.msk $0xffff, v1  }
0xf: {  	v58 =	vld [tilespmem:s19+$0xFFFFFFE0];
	[tilespmem:s20+$0x2850 ss:$0x81] =	vst.msk $0xffff, v2  }
0x10: {  	s21 =	sshra.s32 s21, $0x2;
	v59 =	vld [tilespmem:s19+$0xFFFFFFF0];
	[tilespmem:s20+$0x3060 ss:$0x81] =	vst.msk $0xffff, v3  }
0x11: {  	v60 =	vld [tilespmem:s19+$0x0];
	[tilespmem:s20+$0x0 ss:$0x81] =	vst.msk $0xffff, v0;
	s18 =	sadd.s32 s21, s18  }
0x12: {  	v61 =	vld [tilespmem:s19+$0x10];
	s26 =	sshll.u32 s16, $0xB;
	[tilespmem:s18+$0x3870 ss:$0x81] =	vst.msk $0xffff, v4  }
0x13: {  	v62 =	vld [tilespmem:s19+$0x20];
	s27 =	sand.u32 $0x78, s15;
	s22 =	sshll.u32 s15, $0x3;
	s29 =	sshll.u32 s16, $0x7;
	[tilespmem:s18+$0x810 ss:$0x81] =	vst.msk $0xffff, v5  }
0x14: {  	v63 =	vld [tilespmem:s19+$0xFFFFFFC0];
	s14 =	sshll.u32 s14, $0xC;
	s20 =	sand.u32 $0x4000, s26;
	s28 =	sand.u32 $0x7C00, s22;
	[tilespmem:s18+$0x1020 ss:$0x81] =	vst.msk $0xffff, v58  }
0x15: {  	s31 =	sand.u32 $0x7, s15;
	s22 =	sand.u32 $0x400, s22;
	s19 =	sadd.s32 s28, s20;
	[tilespmem:s18+$0x1830 ss:$0x81] =	vst.msk $0xffff, v59  }
0x16: {  	s16 =	sand.u32 $0x380, s29;
	s30 =	sor.u32 s27, s22;
	s19 =	sshrl.u32 s19, $0x3;
	[tilespmem:s18+$0x2040 ss:$0x81] =	vst.msk $0xffff, v60  }
0x17: {  	s14 =	sadd.s32 s4, s14;
	s16 =	sor.u32 s16, s30;
	s19 =	sand.u32 $0xF00, s19;
	[tilespmem:s18+$0x2850 ss:$0x81] =	vst.msk $0xffff, v61  }
0x18: {  	s15 =	sshll.u32 s31, $0x12;
	s16 =	sshrl.u32 s16, $0x3;
	[tilespmem:s18+$0x3060 ss:$0x81] =	vst.msk $0xffff, v62;
	s14 =	sadd.s32 s19, s14  }
0x19: {  	s15 =	sor.u32 $0x80, s15;
	[tilespmem:s18+$0x0 ss:$0x81] =	vst.msk $0xffff, v63;
	s14 =	sadd.s32 s16, s14  }
0x1a: {  	[hbm4b:s14+s15] =	stream.strided.scatter [tilespmem:s17], [sflag:$0x2], $0x4000, s9, s15, $0x20;
	[tilespmem:$0x10100] =	vst v63  }
.LBB1_5:
0x1b: {  	s17 =	sadd.s32 $0x80, s10  }
0x1c: {  	s14 =	sadd.s32 $0x2, s11;
	s18 =	smov.u32 s11;
	p2 =	sgt.s32 s17, $0x7FF  }
0x1d: {  	s18 =	smov.u32 @p2 s14  }
0x1e: {  	s20 =	smov.u32 s12;
	s14 =	sadd.s32 $0x800, s12;
	p3 =	sgt.s32 s18, $0xF  }
0x1f: {  	s20 =	smov.u32 @p3 s14  }
0x20: {  	s17 =	simm.s32 @p2 $0x0;
	p2 =	sgt.s32 s20, $0x7FF  }
0x21: {  	p1 =	slt.u32 s13, $0x2;
	s20 =	smov.u32 @p2 s1;
	p2 =	sne.s32 s13, s8  }
.Ltmp1:
0x22: {  	s19 =	simm.s32 @!p1 $0x2;
	(pc) =	sbr.rel @!p2 .LBB1_6-.Ltmp1, $4  }
0x23: {  	s16 =	smov.u32 s11;
	s15 =	smov.u32 s12;
	_ =	swait.ge @!p1 [sflag:s19], $0x4000  }
0x24: {  	p0 =	por !p0, !p0;
	[sflag:s19] =	ssyncset.done @!p1 $0x0;
	s18 =	smov.u32 @p3 s2  }
0x25: {  	s14 =	smov.u32 s10;
	[sflag:s19] =	ssyncadd.s32 @!p1 $0xFFFFC000;
	s10 =	smov.u32 s17  }
0x26: {  	s11 =	smov.u32 s18;
	s13 =	sadd.s32 $0x1, s13;
	s12 =	smov.u32 s20  }
.LBB1_1:
0x27: {  	p1 =	sge.u32 s13, s7;
	s31 =	sadd.s32 $0xFFFFFFFF, s13  }
0x28: {  	s17 =	sxor.u32 @!p1 $0xFFFFFFFF, s13;
	s18 =	sand.u32 @!p1 $0x78, s10;
	s19 =	sshll.u32 @!p1 s11, $0xB  }
0x29: {  	s20 =	sshll.u32 @!p1 s11, $0x7;
	s21 =	sshll.u32 @!p1 s10, $0x3;
	s17 =	sshll.u32 @!p1 s17, $0xE  }
0x2a: {  	s19 =	sand.u32 @!p1 $0x4000, s19;
	s20 =	sand.u32 @!p1 $0x380, s20;
	s17 =	sand.u32 @!p1 $0x4000, s17  }
0x2b: {  	s19 =	sadd.s32 @!p1 s19, s21;
	s21 =	sand.u32 @!p1 $0x400, s21;
	s18 =	sor.u32 @!p1 s20, s18  }
0x2c: {  	s20 =	sshll.u32 @!p1 s12, $0xC;
	s18 =	sor.u32 @!p1 s21, s18;
	s19 =	sshrl.u32 @!p1 s19, $0x3  }
0x2d: {  	s20 =	sadd.s32 @!p1 s5, s20;
	s21 =	sand.u32 @!p1 $0x7, s10;
	s19 =	sand.u32 @!p1 $0xF00, s19  }
0x2e: {  	s18 =	sshrl.u32 @!p1 s18, $0x3;
	s19 =	sadd.s32 @!p1 s19, s20;
	s20 =	sshll.u32 @!p1 s21, $0x12  }
0x2f: {  	s18 =	sadd.s32 @!p1 s18, s19;
	s19 =	sor.u32 @!p1 $0x80, s20;
	s20 =	simm.s32 @!p1 $0x8000  }
0x30: {  	[tilespmem:s17], [sflag:$0x1] =	stream.strided.gather @!p1 [hbm4b:s18+s19], $0x4000, s20, s19, $0x38;
	[tilespmem:$0x10100] =	vst v63  }
0x31: {  	p1 =	sge.u32 s31, s7  }
.Ltmp2:
0x32: {  	_ = 	snop;
	(pc) =	sbr.rel @p1 .LBB1_5-.Ltmp2, $1  }
0x33: {  	_ =	sdelay $0x3  }
0x34: {  	s17 =	simm.s32 $0x1  }
0x35: {  	_ =	swait.ge [sflag:s6], $0x4000;
	s17 =	simm.s32 @!p0 $0x0  }
0x36: {  	[sflag:s6] =	ssyncset.done $0x0;
	s18 =	sshll.u32 s17, $0xE  }
0x37: {  	[sflag:s6] =	ssyncadd.s32 $0xFFFFC000;
	s19 =	sor.u32 $0x40, s18  }
0x38: {  	s17 =	smul.u32 $0x10200, s17;
	v0 =	vld [tilespmem:s19+$0x30]  }
0x39: {  	v3 =	vld [tilespmem:s19+$0xFFFFFFD0]  }
0x3a: {  	s17 =	sshrl.u32 s17, $0x2;
	v4 =	vld [tilespmem:s19+$0xFFFFFFE0]  }
0x3b: {  	v5 =	vld [tilespmem:s19+$0xFFFFFFF0];
	s18 =	sor.u32 $0x8000, s17  }
0x3c: {  	s31 =	sand.u32 $0x1, s13;
	v1 =	vld [tilespmem:s19+$0x0];
	s20 =	sadd.s32 $0x0, s18  }
0x3d: {  	v2 =	vld [tilespmem:s19+$0x10];
	s17 =	smul.u32 $0x10200, s31;
	[tilespmem:s20+$0x3870 ss:$0x81] =	vst.msk $0xffff, v0  }
0x3e: {  	[tilespmem:s20+$0x810 ss:$0x81] =	vst.msk $0xffff, v3;
	v3 =	vld [tilespmem:s19+$0x20]  }
0x3f: {  	s17 =	sshrl.u32 s17, $0x2;
	v0 =	vld [tilespmem:s19+$0xFFFFFFC0];
	[tilespmem:s20+$0x1020 ss:$0x81] =	vst.msk $0xffff, v4;
	s19 =	sadd.s32 $0x80, s19  }
0x40: {  	s21 =	simm.s32 $0x4;
	s22 =	simm.s32 $0x8;
	s17 =	sor.u32 $0x8000, s17;
	[tilespmem:s20+$0x1830 ss:$0x81] =	vst.msk $0xffff, v5;
	v4 =	vld [tilespmem:s19+$0x30]  }
.LBB1_3:
0x41: {  	p1 =	sne.s32 s22, $0x1FC;
	v5 =	vld [tilespmem:s19+$0xFFFFFFD0];
	[tilespmem:s20+$0x2040 ss:$0x81] =	vst.msk $0xffff, v1  }
0x42: {  	v6 =	vld [tilespmem:s19+$0xFFFFFFE0];
	[tilespmem:s20+$0x2850 ss:$0x81] =	vst.msk $0xffff, v2  }
0x43: {  	s23 =	sshra.s32 s21, $0x2;
	s21 =	smov.u32 s22;
	v7 =	vld [tilespmem:s19+$0xFFFFFFF0];
	[tilespmem:s20+$0x3060 ss:$0x81] =	vst.msk $0xffff, v3  }
.Ltmp3:
0x44: {  	v1 =	vld [tilespmem:s19+$0x0];
	[tilespmem:s20+$0x0 ss:$0x81] =	vst.msk $0xffff, v0;
	s20 =	sadd.s32 s23, s18;
	(pc) =	sbr.rel @p1 .LBB1_3-.Ltmp3, $4  }
0x45: {  	v2 =	vld [tilespmem:s19+$0x10];
	[tilespmem:s20+$0x3870 ss:$0x81] =	vst.msk $0xffff, v4  }
0x46: {  	[tilespmem:s20+$0x810 ss:$0x81] =	vst.msk $0xffff, v5;
	v3 =	vld [tilespmem:s19+$0x20]  }
0x47: {  	v0 =	vld [tilespmem:s19+$0xFFFFFFC0];
	[tilespmem:s20+$0x1020 ss:$0x81] =	vst.msk $0xffff, v6;
	s19 =	sadd.s32 $0x80, s19  }
0x48: {  	s22 =	sadd.s32 $0x4, s22;
	v4 =	vld [tilespmem:s19+$0x30];
	[tilespmem:s20+$0x1830 ss:$0x81] =	vst.msk $0xffff, v7  }
.Ltmp4:
0x49: {  	_ = 	snop;
	(pc) =	sbr.rel .LBB1_4-.Ltmp4, $1  }
0x4a: {  	_ =	sdelay $0x3  }
.LBB1_6:
0x4b: {  	_ =	sfence.sel $0x180000  }
0x4c: {  	s1 =	simm.s32 $0x1;
	[bflag:$0x0] =	sbarrier.arrive $0xFFFF  }
0x4d: {  	s31 =	simm.s32 $0x2;
	[sflag:s1] =	ssyncpa.u1 $0x1  }
0x4e: {  	[sflag:s31] =	ssyncpa.u1 $0x1  }
0x4f: {  	p0 =	sne.s32 s0, $0x0;
	_ =	strace $0x9000004D  }
0x50: {  	s0 =	sadd.s32 @!p0 $0x100000, s3;
	[bflag:$0x2] =	sbarrier.arrive $0xFFFF  }
0x51: {  	[sflag:s0] =	ssyncadd.tile.s32 @!p0 $0x1;
	_ =	shalt  }
.Lfunc_end1:
_tile_overlayer_lowered:
.L_overlay_start_2:
0x52: {  	(tag) =	ssettag $0x2  }
0x53: {  	s0 =	rddreg [dreg:$0x0];
	s2 =	stileid.u32  }
0x54: {  	s1 =	rddreg [dreg:$0x1];
	p0 =	sne.s32 s2, $0x0  }
0x55: {  	s3 =	rddreg [dreg:$0x2];
	[bflag:$0x3] =	sbarrier.arrive $0xFFFF;
	s2 =	simm.s32 @!p0 $0x1C01  }
0x56: {  	[timem:s3], [sflag:s2] =	dma.local @!p0 [hbm:s0], s1  }
0x57: {  	s0 =	simm.s32 @!p0 $0x1  }
0x58: {  	_ =	swait.ge @!p0 [sflag:s0], s1  }
0x59: {  	s1 =	ssub.s32 @!p0 $0x0, s1;
	[sflag:s0] =	ssyncset.done @!p0 $0x0  }
0x5a: {  	[sflag:s0] =	ssyncadd.s32 @!p0 s1  }
0x5b: {  	[bflag:$0x3] =	sbarrier.arrive $0xFFFF  }
0x5c: {  	_ =	shalt  }

</sc_bundles>
